<compile_context>
chip_gen: v7x
topology: tpu7x:2x2x1
jax: 0.10.2.dev20260603
libtpu: 0.0.44.dev20260713+nightly
codegen_flags: <defaults>
</compile_context>

<pallas_src>
import dataclasses
import functools

import jax
import jax.numpy as jnp
from jax import lax
from jax.experimental import pallas as pl
from jax.experimental.pallas import tpu as pltpu
from jax.experimental.pallas import tpu_sc as plsc

RADIUS2 = 0.2 * 0.2
NSAMPLE = 64
L = 16
NC = 2
NS = 16


def _ball_query_sc(xt, qt, B, N, M):
    CHUNKS = N // L
    SENTINEL = N + 1
    UNROLL = 16
    QG = 8
    BUFCAP = NSAMPLE + L
    NG = M // QG

    mesh = plsc.VectorSubcoreMesh(core_axis_name="c", subcore_axis_name="s")
    cp = pltpu.CompilerParams()
    if "needs_layout_passes" in pltpu.CompilerParams.__dataclass_fields__:
        cp = dataclasses.replace(cp, needs_layout_passes=False)

    @functools.partial(
        pl.kernel,
        out_type=jax.ShapeDtypeStruct((B * M * NSAMPLE,), jnp.int32),
        mesh=mesh,
        compiler_params=cp,
        scratch_types=[
            pltpu.VMEM((N,), jnp.float32),
            pltpu.VMEM((N,), jnp.float32),
            pltpu.VMEM((N,), jnp.float32),
            pltpu.VMEM((M + L,), jnp.float32),
            pltpu.VMEM((M + L,), jnp.float32),
            pltpu.VMEM((M + L,), jnp.float32),
            pltpu.VMEM((N,), jnp.float32),
            pltpu.VMEM((QG * BUFCAP,), jnp.int32),
            pltpu.VMEM((QG * NSAMPLE,), jnp.int32),
            pltpu.SMEM((1,), jnp.int32),
            pltpu.SemaphoreType.DMA,
        ],
    )
    def kern(
        xt_hbm, qt_hbm, out_hbm, xv, yv, zv, qxv, qyv, qzv, sv, buf, oacc, ctr,
        osem
    ):
        cid = lax.axis_index("c")
        sid = lax.axis_index("s")
        half = sid // 8
        b = cid * 2 + half
        owner = half * 8

        xbase = b * 3 * N
        pltpu.sync_copy(xt_hbm.at[pl.ds(xbase, N)], xv)
        pltpu.sync_copy(xt_hbm.at[pl.ds(xbase + N, N)], yv)
        pltpu.sync_copy(xt_hbm.at[pl.ds(xbase + 2 * N, N)], zv)
        qbase = b * 3 * M
        pltpu.sync_copy(qt_hbm.at[pl.ds(qbase, M)], qxv.at[pl.ds(0, M)])
        pltpu.sync_copy(qt_hbm.at[pl.ds(qbase + M, M)], qyv.at[pl.ds(0, M)])
        pltpu.sync_copy(qt_hbm.at[pl.ds(qbase + 2 * M, M)], qzv.at[pl.ds(0, M)])

        @pl.when(sid % 8 == 0)
        def _():
            ctr[0] = jnp.int32(0)

        plsc.subcore_barrier()

        iota = lax.iota(jnp.int32, L)
        sentv = jnp.full((L,), SENTINEL, jnp.int32)
        onesv = jnp.full((L,), 1, jnp.int32)
        r2v = jnp.full((L,), RADIUS2, jnp.float32)

        @pl.loop(0, N, step=L)
        def _(o):
            xc = xv[pl.ds(o, L)]
            yc = yv[pl.ds(o, L)]
            zc = zv[pl.ds(o, L)]
            sv[pl.ds(o, L)] = xc * xc + yc * yc + zc * zc

        capv = [
            jnp.full((L,), i * BUFCAP + NSAMPLE - 1, jnp.int32)
            for i in range(QG)
        ]
        done_total = jnp.int32(sum(i * BUFCAP + NSAMPLE - 1 for i in range(QG)))

        def process_group(g, started):
            q0 = g * QG
            qxs = [jnp.full((L,), qxv[pl.ds(q0 + i, L)][0]) for i in range(QG)]
            qys = [jnp.full((L,), qyv[pl.ds(q0 + i, L)][0]) for i in range(QG)]
            qzs = [jnp.full((L,), qzv[pl.ds(q0 + i, L)][0]) for i in range(QG)]
            q2xs = [q + q for q in qxs]
            q2ys = [q + q for q in qys]
            q2zs = [q + q for q in qzs]
            rhs = [
                r2v - qxs[i] * qxs[i] - qys[i] * qys[i] - qzs[i] * qzs[i]
                for i in range(QG)
            ]
            for i in range(QG):
                buf[pl.ds(i * BUFCAP, L)] = sentv

            def cond(carry):
                base = carry[0]
                tot = carry[1]
                for c in carry[2:]:
                    tot = tot + c
                return jnp.logical_and(base < N, tot[0] < done_total)

            def body(carry):
                base = carry[0]
                ccs = list(carry[1:])
                for u in range(UNROLL):
                    xc = xv[pl.ds(base, L)]
                    yc = yv[pl.ds(base, L)]
                    zc = zv[pl.ds(base, L)]
                    sc = sv[pl.ds(base, L)]
                    idx = base + iota
                    for i in range(QG):
                        t = sc - q2xs[i] * xc
                        t = t - q2ys[i] * yc
                        t = t - q2zs[i] * zc
                        m = t < rhs[i]
                        pos = ccs[i] + plsc.cumsum(onesv, mask=m)
                        plsc.store_scatter(buf, [pos], idx, mask=m)
                        ccs[i] = jnp.minimum(
                            ccs[i] + plsc.all_reduce_population_count(m),
                            capv[i],
                        )
                    base = base + jnp.int32(L)
                return (base, *ccs)

            carry = lax.while_loop(
                cond,
                body,
                (jnp.int32(0),)
                + tuple(
                    jnp.full((L,), i * BUFCAP - 1, jnp.int32)
                    for i in range(QG)
                ),
            )
            @pl.when(started > 0)
            def _():
                pltpu.make_async_copy(
                    oacc, out_hbm.at[pl.ds(0, QG * NSAMPLE)], osem
                ).wait()

            for i in range(QG):
                cnt = carry[1 + i][0] - jnp.int32(i * BUFCAP - 1)
                padv = jnp.full((L,), buf[pl.ds(i * BUFCAP, L)][0])
                for k in range(NSAMPLE // L):
                    v = buf[pl.ds(i * BUFCAP + k * L, L)]
                    valid = (k * L + iota) < cnt
                    oacc[pl.ds(i * NSAMPLE + k * L, L)] = jnp.where(
                        valid, v, padv
                    )
            pltpu.async_copy(
                oacc,
                out_hbm.at[pl.ds((b * M + q0) * NSAMPLE, QG * NSAMPLE)],
                osem,
            )

        def steal_cond(carry):
            return carry[0] < NG

        def steal_body(carry):
            g, started = carry
            process_group(g, started)
            return (
                plsc.fetch_and_add(ctr, 1, subcore_id=owner),
                jnp.int32(1),
            )

        _, started = lax.while_loop(
            steal_cond,
            steal_body,
            (plsc.fetch_and_add(ctr, 1, subcore_id=owner), jnp.int32(0)),
        )

        @pl.when(started > 0)
        def _():
            pltpu.make_async_copy(
                oacc, out_hbm.at[pl.ds(0, QG * NSAMPLE)], osem
            ).wait()

    return kern(xt, qt)


@jax.jit
def kernel(xyz, new_xyz):
    B, M, _ = new_xyz.shape
    N = xyz.shape[1]
    xt = jnp.transpose(xyz, (0, 2, 1)).reshape(-1)
    qt = jnp.transpose(new_xyz, (0, 2, 1)).reshape(-1)
    out = _ball_query_sc(xt, qt, B, N, M)
    return out.reshape(B, M, NSAMPLE)

# --- scband reference (transcript-rebuilt; emitter-appended) ---
"""Pipeline reference for scband-ball-query-16346645529138 (READ-ONLY COPY).

The authoritative reference and input builder live on the scoring server;
editing this copy changes nothing except your own understanding.
"""

import jax, jax.numpy as jnp
import numpy as np

RADIUS = 0.2
NSAMPLE = 64


def setup_inputs(seed: int = 0) -> dict:
    key = jax.random.key(seed)
    k1, k2 = jax.random.split(key)
    xyz = jax.random.uniform(k1, (4, 8192, 3), dtype=jnp.float32)
    new_xyz = jax.random.uniform(k2, (4, 1024, 3), dtype=jnp.float32)
    return {"xyz": xyz, "new_xyz": new_xyz}


def reference(xyz, new_xyz):
    b, m, _ = new_xyz.shape
    n = xyz.shape[1]
    radius2 = RADIUS * RADIUS
    diff = new_xyz[:, :, None, :] - xyz[:, None, :, :]
    dist2 = jnp.sum(diff ** 2, axis=3)
    mask = dist2 < radius2
    arange_n = jnp.broadcast_to(jnp.arange(n, dtype=jnp.int32)[None, None, :], (b, m, n))
    sentinel = jnp.full_like(arange_n, n + 1)
    arange_n_masked = jnp.where(mask, arange_n, sentinel)
    sorted_indices = jnp.sort(arange_n_masked, axis=2)
    first_nsample = sorted_indices[:, :, :NSAMPLE]
    invalid_mask = first_nsample == (n + 1)
    first_valid = jnp.broadcast_to(first_nsample[:, :, 0:1], first_nsample.shape)
    out = jnp.where(invalid_mask, first_valid, first_nsample)
    return out.astype(jnp.int32)

if __name__ == "__main__":
    import jax
    _d = setup_inputs()
    print(jax.jit(kernel)(*tuple(_d.values())))

</pallas_src>

<mosaic_0001>
#map = affine_map<(d0, d1) -> (0)>
module attributes {stable_mosaic.version = 14 : i64} {
  func.func @kern(%arg0: i32, %arg1: i32, %arg2: memref<98304xf32, #tpu.memory_space<hbm>>, %arg3: memref<12288xf32, #tpu.memory_space<hbm>>, %arg4: memref<262144xi32, #tpu.memory_space<hbm>>, %arg5: memref<8192xf32, #tpu.memory_space<vmem>>, %arg6: memref<8192xf32, #tpu.memory_space<vmem>>, %arg7: memref<8192xf32, #tpu.memory_space<vmem>>, %arg8: memref<1040xf32, #tpu.memory_space<vmem>>, %arg9: memref<1040xf32, #tpu.memory_space<vmem>>, %arg10: memref<1040xf32, #tpu.memory_space<vmem>>, %arg11: memref<8192xf32, #tpu.memory_space<vmem>>, %arg12: memref<640xi32, #tpu.memory_space<vmem>>, %arg13: memref<512xi32, #tpu.memory_space<vmem>>, %arg14: memref<1xi32, #tpu.memory_space<smem>>, %arg15: memref<!tpu.dma_semaphore, #tpu.memory_space<semaphore_mem>>) attributes {dimension_semantics = [#tpu.dimension_semantics<core_parallel>, #tpu.dimension_semantics<subcore_parallel>], iteration_bounds = array<i64: 2, 16>, scalar_prefetch = 0 : i64, scratch_operands = 11 : i64, tpu.core_type = #tpu.core_type<sc_vector_subcore>, window_params = [{transform_indices = #map}, {transform_indices = #map}, {transform_indices = #map}]} {
    %jit3A = arith.constant 8 : i32
    %div3A = arith.divsi %arg1, %jit3A : i32
    %sign3A = arith.constant 0 : i32
    %sign3A_0 = arith.cmpi sgt, %arg1, %sign3A : i32
    %sign3A_1 = arith.extui %sign3A_0 : i1 to i32
    %sign3A_2 = arith.constant 0 : i32
    %sign3A_3 = arith.cmpi slt, %arg1, %sign3A_2 : i32
    %sign3A_4 = arith.extui %sign3A_3 : i1 to i32
    %sign3A_5 = arith.subi %sign3A_1, %sign3A_4 : i32
    %sign3A_6 = arith.constant 0 : i32
    %sign3A_7 = arith.cmpi sgt, %jit3A, %sign3A_6 : i32
    %sign3A_8 = arith.extui %sign3A_7 : i1 to i32
    %sign3A_9 = arith.constant 0 : i32
    %sign3A_10 = arith.cmpi slt, %jit3A, %sign3A_9 : i32
    %sign3A_11 = arith.extui %sign3A_10 : i1 to i32
    %sign3A_12 = arith.subi %sign3A_8, %sign3A_11 : i32
    %ne3A = arith.cmpi ne, %sign3A_5, %sign3A_12 : i32
    %rem3A = arith.remsi %arg1, %jit3A : i32
    %ne3A_13 = arith.constant 0 : i32
    %ne3A_14 = arith.cmpi ne, %rem3A, %ne3A_13 : i32
    %and3A = arith.andi %ne3A, %ne3A_14 : i1
    %sub3A = arith.constant 1 : i32
    %sub3A_15 = arith.subi %div3A, %sub3A : i32
    %select_n3A = arith.select %and3A, %sub3A_15, %div3A : i32
    %mul3A = arith.constant 2 : i32
    %mul3A_16 = arith.muli %arg0, %mul3A : i32
    %add3A = arith.addi %mul3A_16, %select_n3A : i32
    %mul3A_17 = arith.constant 8 : i32
    %mul3A_18 = arith.muli %select_n3A, %mul3A_17 : i32
    %mul3A_19 = arith.constant 3 : i32
    %mul3A_20 = arith.muli %add3A, %mul3A_19 : i32
    %mul3A_21 = arith.constant 8192 : i32
    %mul3A_22 = arith.muli %mul3A_20, %mul3A_21 : i32
    "tpu.region"() ({
      %run_scoped3A = tpu.sem_alloc : memref<!tpu.dma_semaphore, #tpu.memory_space<semaphore_mem>>
      %dma_start3A = tpu.memref_slice %arg2[%mul3A_22] : memref<98304xf32, #tpu.memory_space<hbm>> -> memref<8192xf32, #tpu.memory_space<hbm>>
      %dma_start3A_85 = tpu.memref_slice %arg2[%mul3A_22] : memref<98304xf32, #tpu.memory_space<hbm>> -> memref<8192xf32, #tpu.memory_space<hbm>>
      tpu.enqueue_dma source(%dma_start3A_85 : memref<8192xf32, #tpu.memory_space<hbm>>) target(%arg5 : memref<8192xf32, #tpu.memory_space<vmem>>) target_semaphore(%run_scoped3A : memref<!tpu.dma_semaphore, #tpu.memory_space<semaphore_mem>>)
      %dma_wait3A = tpu.memref_slice %arg2[%mul3A_22] : memref<98304xf32, #tpu.memory_space<hbm>> -> memref<8192xf32, #tpu.memory_space<hbm>>
      %dma_wait3A_86 = tpu.memref_slice %arg2[%mul3A_22] : memref<98304xf32, #tpu.memory_space<hbm>> -> memref<8192xf32, #tpu.memory_space<hbm>>
      tpu.wait_dma2 semaphore(%run_scoped3A : memref<!tpu.dma_semaphore, #tpu.memory_space<semaphore_mem>>) src(%dma_wait3A_86 : memref<8192xf32, #tpu.memory_space<hbm>>) dst(%arg5 : memref<8192xf32, #tpu.memory_space<vmem>>)
      tpu.yield
    }) : () -> ()
    %add3A_23 = arith.constant 8192 : i32
    %add3A_24 = arith.addi %mul3A_22, %add3A_23 : i32
    "tpu.region"() ({
      %run_scoped3A = tpu.sem_alloc : memref<!tpu.dma_semaphore, #tpu.memory_space<semaphore_mem>>
      %dma_start3A = tpu.memref_slice %arg2[%add3A_24] : memref<98304xf32, #tpu.memory_space<hbm>> -> memref<8192xf32, #tpu.memory_space<hbm>>
      %dma_start3A_85 = tpu.memref_slice %arg2[%add3A_24] : memref<98304xf32, #tpu.memory_space<hbm>> -> memref<8192xf32, #tpu.memory_space<hbm>>
      tpu.enqueue_dma source(%dma_start3A_85 : memref<8192xf32, #tpu.memory_space<hbm>>) target(%arg6 : memref<8192xf32, #tpu.memory_space<vmem>>) target_semaphore(%run_scoped3A : memref<!tpu.dma_semaphore, #tpu.memory_space<semaphore_mem>>)
      %dma_wait3A = tpu.memref_slice %arg2[%add3A_24] : memref<98304xf32, #tpu.memory_space<hbm>> -> memref<8192xf32, #tpu.memory_space<hbm>>
      %dma_wait3A_86 = tpu.memref_slice %arg2[%add3A_24] : memref<98304xf32, #tpu.memory_space<hbm>> -> memref<8192xf32, #tpu.memory_space<hbm>>
      tpu.wait_dma2 semaphore(%run_scoped3A : memref<!tpu.dma_semaphore, #tpu.memory_space<semaphore_mem>>) src(%dma_wait3A_86 : memref<8192xf32, #tpu.memory_space<hbm>>) dst(%arg6 : memref<8192xf32, #tpu.memory_space<vmem>>)
      tpu.yield
    }) : () -> ()
    %add3A_25 = arith.constant 16384 : i32
    %add3A_26 = arith.addi %mul3A_22, %add3A_25 : i32
    "tpu.region"() ({
      %run_scoped3A = tpu.sem_alloc : memref<!tpu.dma_semaphore, #tpu.memory_space<semaphore_mem>>
      %dma_start3A = tpu.memref_slice %arg2[%add3A_26] : memref<98304xf32, #tpu.memory_space<hbm>> -> memref<8192xf32, #tpu.memory_space<hbm>>
      %dma_start3A_85 = tpu.memref_slice %arg2[%add3A_26] : memref<98304xf32, #tpu.memory_space<hbm>> -> memref<8192xf32, #tpu.memory_space<hbm>>
      tpu.enqueue_dma source(%dma_start3A_85 : memref<8192xf32, #tpu.memory_space<hbm>>) target(%arg7 : memref<8192xf32, #tpu.memory_space<vmem>>) target_semaphore(%run_scoped3A : memref<!tpu.dma_semaphore, #tpu.memory_space<semaphore_mem>>)
      %dma_wait3A = tpu.memref_slice %arg2[%add3A_26] : memref<98304xf32, #tpu.memory_space<hbm>> -> memref<8192xf32, #tpu.memory_space<hbm>>
      %dma_wait3A_86 = tpu.memref_slice %arg2[%add3A_26] : memref<98304xf32, #tpu.memory_space<hbm>> -> memref<8192xf32, #tpu.memory_space<hbm>>
      tpu.wait_dma2 semaphore(%run_scoped3A : memref<!tpu.dma_semaphore, #tpu.memory_space<semaphore_mem>>) src(%dma_wait3A_86 : memref<8192xf32, #tpu.memory_space<hbm>>) dst(%arg7 : memref<8192xf32, #tpu.memory_space<vmem>>)
      tpu.yield
    }) : () -> ()
    %mul3A_27 = arith.constant 3 : i32
    %mul3A_28 = arith.muli %add3A, %mul3A_27 : i32
    %mul3A_29 = arith.constant 1024 : i32
    %mul3A_30 = arith.muli %mul3A_28, %mul3A_29 : i32
    "tpu.region"() ({
      %run_scoped3A = tpu.sem_alloc : memref<!tpu.dma_semaphore, #tpu.memory_space<semaphore_mem>>
      %dma_start3A = arith.constant 0 : i32
      %dma_start3A_85 = tpu.memref_slice %arg8[%dma_start3A] : memref<1040xf32, #tpu.memory_space<vmem>> -> memref<1024xf32, #tpu.memory_space<vmem>>
      %dma_start3A_86 = tpu.memref_slice %arg3[%mul3A_30] : memref<12288xf32, #tpu.memory_space<hbm>> -> memref<1024xf32, #tpu.memory_space<hbm>>
      %dma_start3A_87 = arith.constant 0 : i32
      %dma_start3A_88 = tpu.memref_slice %arg8[%dma_start3A_87] : memref<1040xf32, #tpu.memory_space<vmem>> -> memref<1024xf32, #tpu.memory_space<vmem>>
      %dma_start3A_89 = tpu.memref_slice %arg3[%mul3A_30] : memref<12288xf32, #tpu.memory_space<hbm>> -> memref<1024xf32, #tpu.memory_space<hbm>>
      tpu.enqueue_dma source(%dma_start3A_89 : memref<1024xf32, #tpu.memory_space<hbm>>) target(%dma_start3A_88 : memref<1024xf32, #tpu.memory_space<vmem>>) target_semaphore(%run_scoped3A : memref<!tpu.dma_semaphore, #tpu.memory_space<semaphore_mem>>)
      %dma_wait3A = arith.constant 0 : i32
      %dma_wait3A_90 = tpu.memref_slice %arg8[%dma_wait3A] : memref<1040xf32, #tpu.memory_space<vmem>> -> memref<1024xf32, #tpu.memory_space<vmem>>
      %dma_wait3A_91 = tpu.memref_slice %arg3[%mul3A_30] : memref<12288xf32, #tpu.memory_space<hbm>> -> memref<1024xf32, #tpu.memory_space<hbm>>
      %dma_wait3A_92 = arith.constant 0 : i32
      %dma_wait3A_93 = tpu.memref_slice %arg8[%dma_wait3A_92] : memref<1040xf32, #tpu.memory_space<vmem>> -> memref<1024xf32, #tpu.memory_space<vmem>>
      %dma_wait3A_94 = tpu.memref_slice %arg3[%mul3A_30] : memref<12288xf32, #tpu.memory_space<hbm>> -> memref<1024xf32, #tpu.memory_space<hbm>>
      tpu.wait_dma2 semaphore(%run_scoped3A : memref<!tpu.dma_semaphore, #tpu.memory_space<semaphore_mem>>) src(%dma_wait3A_94 : memref<1024xf32, #tpu.memory_space<hbm>>) dst(%dma_wait3A_93 : memref<1024xf32, #tpu.memory_space<vmem>>)
      tpu.yield
    }) : () -> ()
    %add3A_31 = arith.constant 1024 : i32
    %add3A_32 = arith.addi %mul3A_30, %add3A_31 : i32
    "tpu.region"() ({
      %run_scoped3A = tpu.sem_alloc : memref<!tpu.dma_semaphore, #tpu.memory_space<semaphore_mem>>
      %dma_start3A = arith.constant 0 : i32
      %dma_start3A_85 = tpu.memref_slice %arg9[%dma_start3A] : memref<1040xf32, #tpu.memory_space<vmem>> -> memref<1024xf32, #tpu.memory_space<vmem>>
      %dma_start3A_86 = tpu.memref_slice %arg3[%add3A_32] : memref<12288xf32, #tpu.memory_space<hbm>> -> memref<1024xf32, #tpu.memory_space<hbm>>
      %dma_start3A_87 = arith.constant 0 : i32
      %dma_start3A_88 = tpu.memref_slice %arg9[%dma_start3A_87] : memref<1040xf32, #tpu.memory_space<vmem>> -> memref<1024xf32, #tpu.memory_space<vmem>>
      %dma_start3A_89 = tpu.memref_slice %arg3[%add3A_32] : memref<12288xf32, #tpu.memory_space<hbm>> -> memref<1024xf32, #tpu.memory_space<hbm>>
      tpu.enqueue_dma source(%dma_start3A_89 : memref<1024xf32, #tpu.memory_space<hbm>>) target(%dma_start3A_88 : memref<1024xf32, #tpu.memory_space<vmem>>) target_semaphore(%run_scoped3A : memref<!tpu.dma_semaphore, #tpu.memory_space<semaphore_mem>>)
      %dma_wait3A = arith.constant 0 : i32
      %dma_wait3A_90 = tpu.memref_slice %arg9[%dma_wait3A] : memref<1040xf32, #tpu.memory_space<vmem>> -> memref<1024xf32, #tpu.memory_space<vmem>>
      %dma_wait3A_91 = tpu.memref_slice %arg3[%add3A_32] : memref<12288xf32, #tpu.memory_space<hbm>> -> memref<1024xf32, #tpu.memory_space<hbm>>
      %dma_wait3A_92 = arith.constant 0 : i32
      %dma_wait3A_93 = tpu.memref_slice %arg9[%dma_wait3A_92] : memref<1040xf32, #tpu.memory_space<vmem>> -> memref<1024xf32, #tpu.memory_space<vmem>>
      %dma_wait3A_94 = tpu.memref_slice %arg3[%add3A_32] : memref<12288xf32, #tpu.memory_space<hbm>> -> memref<1024xf32, #tpu.memory_space<hbm>>
      tpu.wait_dma2 semaphore(%run_scoped3A : memref<!tpu.dma_semaphore, #tpu.memory_space<semaphore_mem>>) src(%dma_wait3A_94 : memref<1024xf32, #tpu.memory_space<hbm>>) dst(%dma_wait3A_93 : memref<1024xf32, #tpu.memory_space<vmem>>)
      tpu.yield
    }) : () -> ()
    %add3A_33 = arith.constant 2048 : i32
    %add3A_34 = arith.addi %mul3A_30, %add3A_33 : i32
    "tpu.region"() ({
      %run_scoped3A = tpu.sem_alloc : memref<!tpu.dma_semaphore, #tpu.memory_space<semaphore_mem>>
      %dma_start3A = arith.constant 0 : i32
      %dma_start3A_85 = tpu.memref_slice %arg10[%dma_start3A] : memref<1040xf32, #tpu.memory_space<vmem>> -> memref<1024xf32, #tpu.memory_space<vmem>>
      %dma_start3A_86 = tpu.memref_slice %arg3[%add3A_34] : memref<12288xf32, #tpu.memory_space<hbm>> -> memref<1024xf32, #tpu.memory_space<hbm>>
      %dma_start3A_87 = arith.constant 0 : i32
      %dma_start3A_88 = tpu.memref_slice %arg10[%dma_start3A_87] : memref<1040xf32, #tpu.memory_space<vmem>> -> memref<1024xf32, #tpu.memory_space<vmem>>
      %dma_start3A_89 = tpu.memref_slice %arg3[%add3A_34] : memref<12288xf32, #tpu.memory_space<hbm>> -> memref<1024xf32, #tpu.memory_space<hbm>>
      tpu.enqueue_dma source(%dma_start3A_89 : memref<1024xf32, #tpu.memory_space<hbm>>) target(%dma_start3A_88 : memref<1024xf32, #tpu.memory_space<vmem>>) target_semaphore(%run_scoped3A : memref<!tpu.dma_semaphore, #tpu.memory_space<semaphore_mem>>)
      %dma_wait3A = arith.constant 0 : i32
      %dma_wait3A_90 = tpu.memref_slice %arg10[%dma_wait3A] : memref<1040xf32, #tpu.memory_space<vmem>> -> memref<1024xf32, #tpu.memory_space<vmem>>
      %dma_wait3A_91 = tpu.memref_slice %arg3[%add3A_34] : memref<12288xf32, #tpu.memory_space<hbm>> -> memref<1024xf32, #tpu.memory_space<hbm>>
      %dma_wait3A_92 = arith.constant 0 : i32
      %dma_wait3A_93 = tpu.memref_slice %arg10[%dma_wait3A_92] : memref<1040xf32, #tpu.memory_space<vmem>> -> memref<1024xf32, #tpu.memory_space<vmem>>
      %dma_wait3A_94 = tpu.memref_slice %arg3[%add3A_34] : memref<12288xf32, #tpu.memory_space<hbm>> -> memref<1024xf32, #tpu.memory_space<hbm>>
      tpu.wait_dma2 semaphore(%run_scoped3A : memref<!tpu.dma_semaphore, #tpu.memory_space<semaphore_mem>>) src(%dma_wait3A_94 : memref<1024xf32, #tpu.memory_space<hbm>>) dst(%dma_wait3A_93 : memref<1024xf32, #tpu.memory_space<vmem>>)
      tpu.yield
    }) : () -> ()
    %jit3A_35 = arith.constant 8 : i32
    %eq3A = arith.constant 0 : i32
    %eq3A_36 = arith.cmpi eq, %jit3A_35, %eq3A : i32
    %jit3A_37 = arith.constant 1 : i32
    %select_n3A_38 = arith.select %eq3A_36, %jit3A_37, %jit3A_35 : i32
    %rem3A_39 = arith.remsi %arg1, %select_n3A_38 : i32
    %ne3A_40 = arith.constant 0 : i32
    %ne3A_41 = arith.cmpi ne, %rem3A_39, %ne3A_40 : i32
    %lt3A = arith.constant 0 : i32
    %lt3A_42 = arith.cmpi slt, %rem3A_39, %lt3A : i32
    %lt3A_43 = arith.constant 0 : i32
    %lt3A_44 = arith.cmpi slt, %select_n3A_38, %lt3A_43 : i32
    %ne3A_45 = arith.xori %lt3A_42, %lt3A_44 : i1
    %and3A_46 = arith.andi %ne3A_45, %ne3A_41 : i1
    %add3A_47 = arith.addi %rem3A_39, %select_n3A_38 : i32
    %select_n3A_48 = arith.select %and3A_46, %add3A_47, %rem3A_39 : i32
    %eq3A_49 = arith.constant 0 : i32
    %eq3A_50 = arith.cmpi eq, %select_n3A_48, %eq3A_49 : i32
    %convert_element_type3A = arith.extui %eq3A_50 : i1 to i32
    %cond3A = arith.constant 0 : i32
    %cond3A_51 = arith.cmpi ne, %convert_element_type3A, %cond3A : i32
    scf.if %cond3A_51 {
      %swap3A = arith.constant 0 : i32
      %swap3A_85 = arith.constant 0 : i32
      %swap3A_86 = arith.index_cast %swap3A_85 : i32 to index
      %swap3A_87 = memref.load %arg14[%swap3A_86] : memref<1xi32, #tpu.memory_space<smem>>
      memref.store %swap3A, %arg14[%swap3A_86] : memref<1xi32, #tpu.memory_space<smem>>
    } else {
    }
    %barrier3A = arith.constant 0 : index
    tpu.barrier barrier_id(%barrier3A)
    %iota3A = tpu.iota {dimensions = array<i32: 0>} : vector<16xi32>
    %broadcast_in_dim3A = arith.constant 8193 : i32
    %broadcast_in_dim3A_52 = vector.broadcast %broadcast_in_dim3A : i32 to vector<16xi32>
    %broadcast_in_dim3A_53 = arith.constant 1 : i32
    %broadcast_in_dim3A_54 = vector.broadcast %broadcast_in_dim3A_53 : i32 to vector<16xi32>
    %broadcast_in_dim3A_55 = arith.constant 4.000000e-02 : f32
    %broadcast_in_dim3A_56 = vector.broadcast %broadcast_in_dim3A_55 : f32 to vector<16xf32>
    %scan3A = arith.constant 0 : i32
    %scan3A_57 = arith.constant 512 : i32
    %scan3A_58 = arith.addi %scan3A, %scan3A_57 : i32
    %scan3A_59 = arith.constant 1 : i32
    scf.for %scan3A_85 = %scan3A to %scan3A_58 step %scan3A_59  : i32 {
      %mul3A_86 = arith.constant 16 : i32
      %mul3A_87 = arith.muli %scan3A_85, %mul3A_86 : i32
      %add3A_88 = arith.constant 0 : i32
      %add3A_89 = arith.addi %add3A_88, %mul3A_87 : i32
      %get3A = arith.index_cast %add3A_89 : i32 to index
      %get3A_90 = tpu.vector_load %arg5[%get3A] {strides = array<i32>} : memref<8192xf32, #tpu.memory_space<vmem>>, vector<16xf32>,
      %get3A_91 = arith.index_cast %add3A_89 : i32 to index
      %get3A_92 = tpu.vector_load %arg6[%get3A_91] {strides = array<i32>} : memref<8192xf32, #tpu.memory_space<vmem>>, vector<16xf32>,
      %get3A_93 = arith.index_cast %add3A_89 : i32 to index
      %get3A_94 = tpu.vector_load %arg7[%get3A_93] {strides = array<i32>} : memref<8192xf32, #tpu.memory_space<vmem>>, vector<16xf32>,
      %mul3A_95 = arith.mulf %get3A_90, %get3A_90 : vector<16xf32>
      %mul3A_96 = arith.mulf %get3A_92, %get3A_92 : vector<16xf32>
      %add3A_97 = arith.addf %mul3A_95, %mul3A_96 : vector<16xf32>
      %mul3A_98 = arith.mulf %get3A_94, %get3A_94 : vector<16xf32>
      %add3A_99 = arith.addf %add3A_97, %mul3A_98 : vector<16xf32>
      %swap3A = arith.index_cast %add3A_89 : i32 to index
      %swap3A_100 = tpu.vector_load %arg11[%swap3A] {strides = array<i32>} : memref<8192xf32, #tpu.memory_space<vmem>>, vector<16xf32>,
      tpu.vector_store %arg11[%swap3A], %add3A_99 {strides = array<i32>} : memref<8192xf32, #tpu.memory_space<vmem>>, vector<16xf32>,
    }
    %scan3A_60 = arith.constant 512 : i32
    %broadcast_in_dim3A_61 = arith.constant 63 : i32
    %broadcast_in_dim3A_62 = vector.broadcast %broadcast_in_dim3A_61 : i32 to vector<16xi32>
    %broadcast_in_dim3A_63 = arith.constant 143 : i32
    %broadcast_in_dim3A_64 = vector.broadcast %broadcast_in_dim3A_63 : i32 to vector<16xi32>
    %broadcast_in_dim3A_65 = arith.constant 223 : i32
    %broadcast_in_dim3A_66 = vector.broadcast %broadcast_in_dim3A_65 : i32 to vector<16xi32>
    %broadcast_in_dim3A_67 = arith.constant 303 : i32
    %broadcast_in_dim3A_68 = vector.broadcast %broadcast_in_dim3A_67 : i32 to vector<16xi32>
    %broadcast_in_dim3A_69 = arith.constant 383 : i32
    %broadcast_in_dim3A_70 = vector.broadcast %broadcast_in_dim3A_69 : i32 to vector<16xi32>
    %broadcast_in_dim3A_71 = arith.constant 463 : i32
    %broadcast_in_dim3A_72 = vector.broadcast %broadcast_in_dim3A_71 : i32 to vector<16xi32>
    %broadcast_in_dim3A_73 = arith.constant 543 : i32
    %broadcast_in_dim3A_74 = vector.broadcast %broadcast_in_dim3A_73 : i32 to vector<16xi32>
    %broadcast_in_dim3A_75 = arith.constant 623 : i32
    %broadcast_in_dim3A_76 = vector.broadcast %broadcast_in_dim3A_75 : i32 to vector<16xi32>
    %sc_fetch_and_add3A = arith.constant 1 : i32
    %sc_fetch_and_add3A_77 = arith.constant 0 : i32
    %sc_fetch_and_add3A_78 = tpu.fetch_and_add_sync %arg14[%sc_fetch_and_add3A_77], %sc_fetch_and_add3A, %mul3A_18 : memref<1xi32, #tpu.memory_space<smem>>, i32 -> i32
    %while3A = arith.constant 2744 : i32
    %while3A_79 = arith.constant 0 : i32
    %while3A_80:2 = scf.while (%while3A_85 = %sc_fetch_and_add3A_78, %while3A_86 = %while3A_79) : (i32, i32) -> (i32, i32) {
      %lt3A_87 = arith.constant 128 : i32
      %lt3A_88 = arith.cmpi slt, %while3A_85, %lt3A_87 : i32
      scf.condition(%lt3A_88) %while3A_85, %while3A_86 : i32, i32
    } do {
    ^bb0(%while3A_85: i32, %while3A_86: i32):
      %mul3A_87 = arith.constant 8 : i32
      %mul3A_88 = arith.muli %while3A_85, %mul3A_87 : i32
      %add3A_89 = arith.constant 0 : i32
      %add3A_90 = arith.addi %mul3A_88, %add3A_89 : i32
      %get3A = arith.index_cast %add3A_90 : i32 to index
      %get3A_91 = tpu.vector_load %arg8[%get3A] {strides = array<i32>} : memref<1040xf32, #tpu.memory_space<vmem>>, vector<16xf32>,
      %slice3A = vector.extract_strided_slice %get3A_91 {offsets = [0], sizes = [1], strides = [1]} : vector<16xf32> to vector<1xf32>
      %squeeze3A = vector.extract %slice3A[0] : f32 from vector<1xf32>
      %broadcast_in_dim3A_92 = vector.broadcast %squeeze3A : f32 to vector<16xf32>
      %add3A_93 = arith.constant 1 : i32
      %add3A_94 = arith.addi %mul3A_88, %add3A_93 : i32
      %get3A_95 = arith.index_cast %add3A_94 : i32 to index
      %get3A_96 = tpu.vector_load %arg8[%get3A_95] {strides = array<i32>} : memref<1040xf32, #tpu.memory_space<vmem>>, vector<16xf32>,
      %slice3A_97 = vector.extract_strided_slice %get3A_96 {offsets = [0], sizes = [1], strides = [1]} : vector<16xf32> to vector<1xf32>
      %squeeze3A_98 = vector.extract %slice3A_97[0] : f32 from vector<1xf32>
      %broadcast_in_dim3A_99 = vector.broadcast %squeeze3A_98 : f32 to vector<16xf32>
      %add3A_100 = arith.constant 2 : i32
      %add3A_101 = arith.addi %mul3A_88, %add3A_100 : i32
      %get3A_102 = arith.index_cast %add3A_101 : i32 to index
      %get3A_103 = tpu.vector_load %arg8[%get3A_102] {strides = array<i32>} : memref<1040xf32, #tpu.memory_space<vmem>>, vector<16xf32>,
      %slice3A_104 = vector.extract_strided_slice %get3A_103 {offsets = [0], sizes = [1], strides = [1]} : vector<16xf32> to vector<1xf32>
      %squeeze3A_105 = vector.extract %slice3A_104[0] : f32 from vector<1xf32>
      %broadcast_in_dim3A_106 = vector.broadcast %squeeze3A_105 : f32 to vector<16xf32>
      %add3A_107 = arith.constant 3 : i32
      %add3A_108 = arith.addi %mul3A_88, %add3A_107 : i32
      %get3A_109 = arith.index_cast %add3A_108 : i32 to index
      %get3A_110 = tpu.vector_load %arg8[%get3A_109] {strides = array<i32>} : memref<1040xf32, #tpu.memory_space<vmem>>, vector<16xf32>,
      %slice3A_111 = vector.extract_strided_slice %get3A_110 {offsets = [0], sizes = [1], strides = [1]} : vector<16xf32> to vector<1xf32>
      %squeeze3A_112 = vector.extract %slice3A_111[0] : f32 from vector<1xf32>
      %broadcast_in_dim3A_113 = vector.broadcast %squeeze3A_112 : f32 to vector<16xf32>
      %add3A_114 = arith.constant 4 : i32
      %add3A_115 = arith.addi %mul3A_88, %add3A_114 : i32
      %get3A_116 = arith.index_cast %add3A_115 : i32 to index
      %get3A_117 = tpu.vector_load %arg8[%get3A_116] {strides = array<i32>} : memref<1040xf32, #tpu.memory_space<vmem>>, vector<16xf32>,
      %slice3A_118 = vector.extract_strided_slice %get3A_117 {offsets = [0], sizes = [1], strides = [1]} : vector<16xf32> to vector<1xf32>
      %squeeze3A_119 = vector.extract %slice3A_118[0] : f32 from vector<1xf32>
      %broadcast_in_dim3A_120 = vector.broadcast %squeeze3A_119 : f32 to vector<16xf32>
      %add3A_121 = arith.constant 5 : i32
      %add3A_122 = arith.addi %mul3A_88, %add3A_121 : i32
      %get3A_123 = arith.index_cast %add3A_122 : i32 to index
      %get3A_124 = tpu.vector_load %arg8[%get3A_123] {strides = array<i32>} : memref<1040xf32, #tpu.memory_space<vmem>>, vector<16xf32>,
      %slice3A_125 = vector.extract_strided_slice %get3A_124 {offsets = [0], sizes = [1], strides = [1]} : vector<16xf32> to vector<1xf32>
      %squeeze3A_126 = vector.extract %slice3A_125[0] : f32 from vector<1xf32>
      %broadcast_in_dim3A_127 = vector.broadcast %squeeze3A_126 : f32 to vector<16xf32>
      %add3A_128 = arith.constant 6 : i32
      %add3A_129 = arith.addi %mul3A_88, %add3A_128 : i32
      %get3A_130 = arith.index_cast %add3A_129 : i32 to index
      %get3A_131 = tpu.vector_load %arg8[%get3A_130] {strides = array<i32>} : memref<1040xf32, #tpu.memory_space<vmem>>, vector<16xf32>,
      %slice3A_132 = vector.extract_strided_slice %get3A_131 {offsets = [0], sizes = [1], strides = [1]} : vector<16xf32> to vector<1xf32>
      %squeeze3A_133 = vector.extract %slice3A_132[0] : f32 from vector<1xf32>
      %broadcast_in_dim3A_134 = vector.broadcast %squeeze3A_133 : f32 to vector<16xf32>
      %add3A_135 = arith.constant 7 : i32
      %add3A_136 = arith.addi %mul3A_88, %add3A_135 : i32
      %get3A_137 = arith.index_cast %add3A_136 : i32 to index
      %get3A_138 = tpu.vector_load %arg8[%get3A_137] {strides = array<i32>} : memref<1040xf32, #tpu.memory_space<vmem>>, vector<16xf32>,
      %slice3A_139 = vector.extract_strided_slice %get3A_138 {offsets = [0], sizes = [1], strides = [1]} : vector<16xf32> to vector<1xf32>
      %squeeze3A_140 = vector.extract %slice3A_139[0] : f32 from vector<1xf32>
      %broadcast_in_dim3A_141 = vector.broadcast %squeeze3A_140 : f32 to vector<16xf32>
      %add3A_142 = arith.constant 0 : i32
      %add3A_143 = arith.addi %mul3A_88, %add3A_142 : i32
      %get3A_144 = arith.index_cast %add3A_143 : i32 to index
      %get3A_145 = tpu.vector_load %arg9[%get3A_144] {strides = array<i32>} : memref<1040xf32, #tpu.memory_space<vmem>>, vector<16xf32>,
      %slice3A_146 = vector.extract_strided_slice %get3A_145 {offsets = [0], sizes = [1], strides = [1]} : vector<16xf32> to vector<1xf32>
      %squeeze3A_147 = vector.extract %slice3A_146[0] : f32 from vector<1xf32>
      %broadcast_in_dim3A_148 = vector.broadcast %squeeze3A_147 : f32 to vector<16xf32>
      %add3A_149 = arith.constant 1 : i32
      %add3A_150 = arith.addi %mul3A_88, %add3A_149 : i32
      %get3A_151 = arith.index_cast %add3A_150 : i32 to index
      %get3A_152 = tpu.vector_load %arg9[%get3A_151] {strides = array<i32>} : memref<1040xf32, #tpu.memory_space<vmem>>, vector<16xf32>,
      %slice3A_153 = vector.extract_strided_slice %get3A_152 {offsets = [0], sizes = [1], strides = [1]} : vector<16xf32> to vector<1xf32>
      %squeeze3A_154 = vector.extract %slice3A_153[0] : f32 from vector<1xf32>
      %broadcast_in_dim3A_155 = vector.broadcast %squeeze3A_154 : f32 to vector<16xf32>
      %add3A_156 = arith.constant 2 : i32
      %add3A_157 = arith.addi %mul3A_88, %add3A_156 : i32
      %get3A_158 = arith.index_cast %add3A_157 : i32 to index
      %get3A_159 = tpu.vector_load %arg9[%get3A_158] {strides = array<i32>} : memref<1040xf32, #tpu.memory_space<vmem>>, vector<16xf32>,
      %slice3A_160 = vector.extract_strided_slice %get3A_159 {offsets = [0], sizes = [1], strides = [1]} : vector<16xf32> to vector<1xf32>
      %squeeze3A_161 = vector.extract %slice3A_160[0] : f32 from vector<1xf32>
      %broadcast_in_dim3A_162 = vector.broadcast %squeeze3A_161 : f32 to vector<16xf32>
      %add3A_163 = arith.constant 3 : i32
      %add3A_164 = arith.addi %mul3A_88, %add3A_163 : i32
      %get3A_165 = arith.index_cast %add3A_164 : i32 to index
      %get3A_166 = tpu.vector_load %arg9[%get3A_165] {strides = array<i32>} : memref<1040xf32, #tpu.memory_space<vmem>>, vector<16xf32>,
      %slice3A_167 = vector.extract_strided_slice %get3A_166 {offsets = [0], sizes = [1], strides = [1]} : vector<16xf32> to vector<1xf32>
      %squeeze3A_168 = vector.extract %slice3A_167[0] : f32 from vector<1xf32>
      %broadcast_in_dim3A_169 = vector.broadcast %squeeze3A_168 : f32 to vector<16xf32>
      %add3A_170 = arith.constant 4 : i32
      %add3A_171 = arith.addi %mul3A_88, %add3A_170 : i32
      %get3A_172 = arith.index_cast %add3A_171 : i32 to index
      %get3A_173 = tpu.vector_load %arg9[%get3A_172] {strides = array<i32>} : memref<1040xf32, #tpu.memory_space<vmem>>, vector<16xf32>,
      %slice3A_174 = vector.extract_strided_slice %get3A_173 {offsets = [0], sizes = [1], strides = [1]} : vector<16xf32> to vector<1xf32>
      %squeeze3A_175 = vector.extract %slice3A_174[0] : f32 from vector<1xf32>
      %broadcast_in_dim3A_176 = vector.broadcast %squeeze3A_175 : f32 to vector<16xf32>
      %add3A_177 = arith.constant 5 : i32
      %add3A_178 = arith.addi %mul3A_88, %add3A_177 : i32
      %get3A_179 = arith.index_cast %add3A_178 : i32 to index
      %get3A_180 = tpu.vector_load %arg9[%get3A_179] {strides = array<i32>} : memref<1040xf32, #tpu.memory_space<vmem>>, vector<16xf32>,
      %slice3A_181 = vector.extract_strided_slice %get3A_180 {offsets = [0], sizes = [1], strides = [1]} : vector<16xf32> to vector<1xf32>
      %squeeze3A_182 = vector.extract %slice3A_181[0] : f32 from vector<1xf32>
      %broadcast_in_dim3A_183 = vector.broadcast %squeeze3A_182 : f32 to vector<16xf32>
      %add3A_184 = arith.constant 6 : i32
      %add3A_185 = arith.addi %mul3A_88, %add3A_184 : i32
      %get3A_186 = arith.index_cast %add3A_185 : i32 to index
      %get3A_187 = tpu.vector_load %arg9[%get3A_186] {strides = array<i32>} : memref<1040xf32, #tpu.memory_space<vmem>>, vector<16xf32>,
      %slice3A_188 = vector.extract_strided_slice %get3A_187 {offsets = [0], sizes = [1], strides = [1]} : vector<16xf32> to vector<1xf32>
      %squeeze3A_189 = vector.extract %slice3A_188[0] : f32 from vector<1xf32>
      %broadcast_in_dim3A_190 = vector.broadcast %squeeze3A_189 : f32 to vector<16xf32>
      %add3A_191 = arith.constant 7 : i32
      %add3A_192 = arith.addi %mul3A_88, %add3A_191 : i32
      %get3A_193 = arith.index_cast %add3A_192 : i32 to index
      %get3A_194 = tpu.vector_load %arg9[%get3A_193] {strides = array<i32>} : memref<1040xf32, #tpu.memory_space<vmem>>, vector<16xf32>,
      %slice3A_195 = vector.extract_strided_slice %get3A_194 {offsets = [0], sizes = [1], strides = [1]} : vector<16xf32> to vector<1xf32>
      %squeeze3A_196 = vector.extract %slice3A_195[0] : f32 from vector<1xf32>
      %broadcast_in_dim3A_197 = vector.broadcast %squeeze3A_196 : f32 to vector<16xf32>
      %add3A_198 = arith.constant 0 : i32
      %add3A_199 = arith.addi %mul3A_88, %add3A_198 : i32
      %get3A_200 = arith.index_cast %add3A_199 : i32 to index
      %get3A_201 = tpu.vector_load %arg10[%get3A_200] {strides = array<i32>} : memref<1040xf32, #tpu.memory_space<vmem>>, vector<16xf32>,
      %slice3A_202 = vector.extract_strided_slice %get3A_201 {offsets = [0], sizes = [1], strides = [1]} : vector<16xf32> to vector<1xf32>
      %squeeze3A_203 = vector.extract %slice3A_202[0] : f32 from vector<1xf32>
      %broadcast_in_dim3A_204 = vector.broadcast %squeeze3A_203 : f32 to vector<16xf32>
      %add3A_205 = arith.constant 1 : i32
      %add3A_206 = arith.addi %mul3A_88, %add3A_205 : i32
      %get3A_207 = arith.index_cast %add3A_206 : i32 to index
      %get3A_208 = tpu.vector_load %arg10[%get3A_207] {strides = array<i32>} : memref<1040xf32, #tpu.memory_space<vmem>>, vector<16xf32>,
      %slice3A_209 = vector.extract_strided_slice %get3A_208 {offsets = [0], sizes = [1], strides = [1]} : vector<16xf32> to vector<1xf32>
      %squeeze3A_210 = vector.extract %slice3A_209[0] : f32 from vector<1xf32>
      %broadcast_in_dim3A_211 = vector.broadcast %squeeze3A_210 : f32 to vector<16xf32>
      %add3A_212 = arith.constant 2 : i32
      %add3A_213 = arith.addi %mul3A_88, %add3A_212 : i32
      %get3A_214 = arith.index_cast %add3A_213 : i32 to index
      %get3A_215 = tpu.vector_load %arg10[%get3A_214] {strides = array<i32>} : memref<1040xf32, #tpu.memory_space<vmem>>, vector<16xf32>,
      %slice3A_216 = vector.extract_strided_slice %get3A_215 {offsets = [0], sizes = [1], strides = [1]} : vector<16xf32> to vector<1xf32>
      %squeeze3A_217 = vector.extract %slice3A_216[0] : f32 from vector<1xf32>
      %broadcast_in_dim3A_218 = vector.broadcast %squeeze3A_217 : f32 to vector<16xf32>
      %add3A_219 = arith.constant 3 : i32
      %add3A_220 = arith.addi %mul3A_88, %add3A_219 : i32
      %get3A_221 = arith.index_cast %add3A_220 : i32 to index
      %get3A_222 = tpu.vector_load %arg10[%get3A_221] {strides = array<i32>} : memref<1040xf32, #tpu.memory_space<vmem>>, vector<16xf32>,
      %slice3A_223 = vector.extract_strided_slice %get3A_222 {offsets = [0], sizes = [1], strides = [1]} : vector<16xf32> to vector<1xf32>
      %squeeze3A_224 = vector.extract %slice3A_223[0] : f32 from vector<1xf32>
      %broadcast_in_dim3A_225 = vector.broadcast %squeeze3A_224 : f32 to vector<16xf32>
      %add3A_226 = arith.constant 4 : i32
      %add3A_227 = arith.addi %mul3A_88, %add3A_226 : i32
      %get3A_228 = arith.index_cast %add3A_227 : i32 to index
      %get3A_229 = tpu.vector_load %arg10[%get3A_228] {strides = array<i32>} : memref<1040xf32, #tpu.memory_space<vmem>>, vector<16xf32>,
      %slice3A_230 = vector.extract_strided_slice %get3A_229 {offsets = [0], sizes = [1], strides = [1]} : vector<16xf32> to vector<1xf32>
      %squeeze3A_231 = vector.extract %slice3A_230[0] : f32 from vector<1xf32>
      %broadcast_in_dim3A_232 = vector.broadcast %squeeze3A_231 : f32 to vector<16xf32>
      %add3A_233 = arith.constant 5 : i32
      %add3A_234 = arith.addi %mul3A_88, %add3A_233 : i32
      %get3A_235 = arith.index_cast %add3A_234 : i32 to index
      %get3A_236 = tpu.vector_load %arg10[%get3A_235] {strides = array<i32>} : memref<1040xf32, #tpu.memory_space<vmem>>, vector<16xf32>,
      %slice3A_237 = vector.extract_strided_slice %get3A_236 {offsets = [0], sizes = [1], strides = [1]} : vector<16xf32> to vector<1xf32>
      %squeeze3A_238 = vector.extract %slice3A_237[0] : f32 from vector<1xf32>
      %broadcast_in_dim3A_239 = vector.broadcast %squeeze3A_238 : f32 to vector<16xf32>
      %add3A_240 = arith.constant 6 : i32
      %add3A_241 = arith.addi %mul3A_88, %add3A_240 : i32
      %get3A_242 = arith.index_cast %add3A_241 : i32 to index
      %get3A_243 = tpu.vector_load %arg10[%get3A_242] {strides = array<i32>} : memref<1040xf32, #tpu.memory_space<vmem>>, vector<16xf32>,
      %slice3A_244 = vector.extract_strided_slice %get3A_243 {offsets = [0], sizes = [1], strides = [1]} : vector<16xf32> to vector<1xf32>
      %squeeze3A_245 = vector.extract %slice3A_244[0] : f32 from vector<1xf32>
      %broadcast_in_dim3A_246 = vector.broadcast %squeeze3A_245 : f32 to vector<16xf32>
      %add3A_247 = arith.constant 7 : i32
      %add3A_248 = arith.addi %mul3A_88, %add3A_247 : i32
      %get3A_249 = arith.index_cast %add3A_248 : i32 to index
      %get3A_250 = tpu.vector_load %arg10[%get3A_249] {strides = array<i32>} : memref<1040xf32, #tpu.memory_space<vmem>>, vector<16xf32>,
      %slice3A_251 = vector.extract_strided_slice %get3A_250 {offsets = [0], sizes = [1], strides = [1]} : vector<16xf32> to vector<1xf32>
      %squeeze3A_252 = vector.extract %slice3A_251[0] : f32 from vector<1xf32>
      %broadcast_in_dim3A_253 = vector.broadcast %squeeze3A_252 : f32 to vector<16xf32>
      %add3A_254 = arith.addf %broadcast_in_dim3A_92, %broadcast_in_dim3A_92 : vector<16xf32>
      %add3A_255 = arith.addf %broadcast_in_dim3A_99, %broadcast_in_dim3A_99 : vector<16xf32>
      %add3A_256 = arith.addf %broadcast_in_dim3A_106, %broadcast_in_dim3A_106 : vector<16xf32>
      %add3A_257 = arith.addf %broadcast_in_dim3A_113, %broadcast_in_dim3A_113 : vector<16xf32>
      %add3A_258 = arith.addf %broadcast_in_dim3A_120, %broadcast_in_dim3A_120 : vector<16xf32>
      %add3A_259 = arith.addf %broadcast_in_dim3A_127, %broadcast_in_dim3A_127 : vector<16xf32>
      %add3A_260 = arith.addf %broadcast_in_dim3A_134, %broadcast_in_dim3A_134 : vector<16xf32>
      %add3A_261 = arith.addf %broadcast_in_dim3A_141, %broadcast_in_dim3A_141 : vector<16xf32>
      %add3A_262 = arith.addf %broadcast_in_dim3A_148, %broadcast_in_dim3A_148 : vector<16xf32>
      %add3A_263 = arith.addf %broadcast_in_dim3A_155, %broadcast_in_dim3A_155 : vector<16xf32>
      %add3A_264 = arith.addf %broadcast_in_dim3A_162, %broadcast_in_dim3A_162 : vector<16xf32>
      %add3A_265 = arith.addf %broadcast_in_dim3A_169, %broadcast_in_dim3A_169 : vector<16xf32>
      %add3A_266 = arith.addf %broadcast_in_dim3A_176, %broadcast_in_dim3A_176 : vector<16xf32>
      %add3A_267 = arith.addf %broadcast_in_dim3A_183, %broadcast_in_dim3A_183 : vector<16xf32>
      %add3A_268 = arith.addf %broadcast_in_dim3A_190, %broadcast_in_dim3A_190 : vector<16xf32>
      %add3A_269 = arith.addf %broadcast_in_dim3A_197, %broadcast_in_dim3A_197 : vector<16xf32>
      %add3A_270 = arith.addf %broadcast_in_dim3A_204, %broadcast_in_dim3A_204 : vector<16xf32>
      %add3A_271 = arith.addf %broadcast_in_dim3A_211, %broadcast_in_dim3A_211 : vector<16xf32>
      %add3A_272 = arith.addf %broadcast_in_dim3A_218, %broadcast_in_dim3A_218 : vector<16xf32>
      %add3A_273 = arith.addf %broadcast_in_dim3A_225, %broadcast_in_dim3A_225 : vector<16xf32>
      %add3A_274 = arith.addf %broadcast_in_dim3A_232, %broadcast_in_dim3A_232 : vector<16xf32>
      %add3A_275 = arith.addf %broadcast_in_dim3A_239, %broadcast_in_dim3A_239 : vector<16xf32>
      %add3A_276 = arith.addf %broadcast_in_dim3A_246, %broadcast_in_dim3A_246 : vector<16xf32>
      %add3A_277 = arith.addf %broadcast_in_dim3A_253, %broadcast_in_dim3A_253 : vector<16xf32>
      %mul3A_278 = arith.mulf %broadcast_in_dim3A_92, %broadcast_in_dim3A_92 : vector<16xf32>
      %sub3A_279 = arith.subf %broadcast_in_dim3A_56, %mul3A_278 : vector<16xf32>
      %mul3A_280 = arith.mulf %broadcast_in_dim3A_148, %broadcast_in_dim3A_148 : vector<16xf32>
      %sub3A_281 = arith.subf %sub3A_279, %mul3A_280 : vector<16xf32>
      %mul3A_282 = arith.mulf %broadcast_in_dim3A_204, %broadcast_in_dim3A_204 : vector<16xf32>
      %sub3A_283 = arith.subf %sub3A_281, %mul3A_282 : vector<16xf32>
      %mul3A_284 = arith.mulf %broadcast_in_dim3A_99, %broadcast_in_dim3A_99 : vector<16xf32>
      %sub3A_285 = arith.subf %broadcast_in_dim3A_56, %mul3A_284 : vector<16xf32>
      %mul3A_286 = arith.mulf %broadcast_in_dim3A_155, %broadcast_in_dim3A_155 : vector<16xf32>
      %sub3A_287 = arith.subf %sub3A_285, %mul3A_286 : vector<16xf32>
      %mul3A_288 = arith.mulf %broadcast_in_dim3A_211, %broadcast_in_dim3A_211 : vector<16xf32>
      %sub3A_289 = arith.subf %sub3A_287, %mul3A_288 : vector<16xf32>
      %mul3A_290 = arith.mulf %broadcast_in_dim3A_106, %broadcast_in_dim3A_106 : vector<16xf32>
      %sub3A_291 = arith.subf %broadcast_in_dim3A_56, %mul3A_290 : vector<16xf32>
      %mul3A_292 = arith.mulf %broadcast_in_dim3A_162, %broadcast_in_dim3A_162 : vector<16xf32>
      %sub3A_293 = arith.subf %sub3A_291, %mul3A_292 : vector<16xf32>
      %mul3A_294 = arith.mulf %broadcast_in_dim3A_218, %broadcast_in_dim3A_218 : vector<16xf32>
      %sub3A_295 = arith.subf %sub3A_293, %mul3A_294 : vector<16xf32>
      %mul3A_296 = arith.mulf %broadcast_in_dim3A_113, %broadcast_in_dim3A_113 : vector<16xf32>
      %sub3A_297 = arith.subf %broadcast_in_dim3A_56, %mul3A_296 : vector<16xf32>
      %mul3A_298 = arith.mulf %broadcast_in_dim3A_169, %broadcast_in_dim3A_169 : vector<16xf32>
      %sub3A_299 = arith.subf %sub3A_297, %mul3A_298 : vector<16xf32>
      %mul3A_300 = arith.mulf %broadcast_in_dim3A_225, %broadcast_in_dim3A_225 : vector<16xf32>
      %sub3A_301 = arith.subf %sub3A_299, %mul3A_300 : vector<16xf32>
      %mul3A_302 = arith.mulf %broadcast_in_dim3A_120, %broadcast_in_dim3A_120 : vector<16xf32>
      %sub3A_303 = arith.subf %broadcast_in_dim3A_56, %mul3A_302 : vector<16xf32>
      %mul3A_304 = arith.mulf %broadcast_in_dim3A_176, %broadcast_in_dim3A_176 : vector<16xf32>
      %sub3A_305 = arith.subf %sub3A_303, %mul3A_304 : vector<16xf32>
      %mul3A_306 = arith.mulf %broadcast_in_dim3A_232, %broadcast_in_dim3A_232 : vector<16xf32>
      %sub3A_307 = arith.subf %sub3A_305, %mul3A_306 : vector<16xf32>
      %mul3A_308 = arith.mulf %broadcast_in_dim3A_127, %broadcast_in_dim3A_127 : vector<16xf32>
      %sub3A_309 = arith.subf %broadcast_in_dim3A_56, %mul3A_308 : vector<16xf32>
      %mul3A_310 = arith.mulf %broadcast_in_dim3A_183, %broadcast_in_dim3A_183 : vector<16xf32>
      %sub3A_311 = arith.subf %sub3A_309, %mul3A_310 : vector<16xf32>
      %mul3A_312 = arith.mulf %broadcast_in_dim3A_239, %broadcast_in_dim3A_239 : vector<16xf32>
      %sub3A_313 = arith.subf %sub3A_311, %mul3A_312 : vector<16xf32>
      %mul3A_314 = arith.mulf %broadcast_in_dim3A_134, %broadcast_in_dim3A_134 : vector<16xf32>
      %sub3A_315 = arith.subf %broadcast_in_dim3A_56, %mul3A_314 : vector<16xf32>
      %mul3A_316 = arith.mulf %broadcast_in_dim3A_190, %broadcast_in_dim3A_190 : vector<16xf32>
      %sub3A_317 = arith.subf %sub3A_315, %mul3A_316 : vector<16xf32>
      %mul3A_318 = arith.mulf %broadcast_in_dim3A_246, %broadcast_in_dim3A_246 : vector<16xf32>
      %sub3A_319 = arith.subf %sub3A_317, %mul3A_318 : vector<16xf32>
      %mul3A_320 = arith.mulf %broadcast_in_dim3A_141, %broadcast_in_dim3A_141 : vector<16xf32>
      %sub3A_321 = arith.subf %broadcast_in_dim3A_56, %mul3A_320 : vector<16xf32>
      %mul3A_322 = arith.mulf %broadcast_in_dim3A_197, %broadcast_in_dim3A_197 : vector<16xf32>
      %sub3A_323 = arith.subf %sub3A_321, %mul3A_322 : vector<16xf32>
      %mul3A_324 = arith.mulf %broadcast_in_dim3A_253, %broadcast_in_dim3A_253 : vector<16xf32>
      %sub3A_325 = arith.subf %sub3A_323, %mul3A_324 : vector<16xf32>
      %swap3A = arith.constant 0 : index
      %swap3A_326 = tpu.vector_load %arg12[%swap3A] {strides = array<i32>} : memref<640xi32, #tpu.memory_space<vmem>>, vector<16xi32>,
      tpu.vector_store %arg12[%swap3A], %broadcast_in_dim3A_52 {strides = array<i32>} : memref<640xi32, #tpu.memory_space<vmem>>, vector<16xi32>,
      %swap3A_327 = arith.constant 80 : index
      %swap3A_328 = tpu.vector_load %arg12[%swap3A_327] {strides = array<i32>} : memref<640xi32, #tpu.memory_space<vmem>>, vector<16xi32>,
      tpu.vector_store %arg12[%swap3A_327], %broadcast_in_dim3A_52 {strides = array<i32>} : memref<640xi32, #tpu.memory_space<vmem>>, vector<16xi32>,
      %swap3A_329 = arith.constant 160 : index
      %swap3A_330 = tpu.vector_load %arg12[%swap3A_329] {strides = array<i32>} : memref<640xi32, #tpu.memory_space<vmem>>, vector<16xi32>,
      tpu.vector_store %arg12[%swap3A_329], %broadcast_in_dim3A_52 {strides = array<i32>} : memref<640xi32, #tpu.memory_space<vmem>>, vector<16xi32>,
      %swap3A_331 = arith.constant 240 : index
      %swap3A_332 = tpu.vector_load %arg12[%swap3A_331] {strides = array<i32>} : memref<640xi32, #tpu.memory_space<vmem>>, vector<16xi32>,
      tpu.vector_store %arg12[%swap3A_331], %broadcast_in_dim3A_52 {strides = array<i32>} : memref<640xi32, #tpu.memory_space<vmem>>, vector<16xi32>,
      %swap3A_333 = arith.constant 320 : index
      %swap3A_334 = tpu.vector_load %arg12[%swap3A_333] {strides = array<i32>} : memref<640xi32, #tpu.memory_space<vmem>>, vector<16xi32>,
      tpu.vector_store %arg12[%swap3A_333], %broadcast_in_dim3A_52 {strides = array<i32>} : memref<640xi32, #tpu.memory_space<vmem>>, vector<16xi32>,
      %swap3A_335 = arith.constant 400 : index
      %swap3A_336 = tpu.vector_load %arg12[%swap3A_335] {strides = array<i32>} : memref<640xi32, #tpu.memory_space<vmem>>, vector<16xi32>,
      tpu.vector_store %arg12[%swap3A_335], %broadcast_in_dim3A_52 {strides = array<i32>} : memref<640xi32, #tpu.memory_space<vmem>>, vector<16xi32>,
      %swap3A_337 = arith.constant 480 : index
      %swap3A_338 = tpu.vector_load %arg12[%swap3A_337] {strides = array<i32>} : memref<640xi32, #tpu.memory_space<vmem>>, vector<16xi32>,
      tpu.vector_store %arg12[%swap3A_337], %broadcast_in_dim3A_52 {strides = array<i32>} : memref<640xi32, #tpu.memory_space<vmem>>, vector<16xi32>,
      %swap3A_339 = arith.constant 560 : index
      %swap3A_340 = tpu.vector_load %arg12[%swap3A_339] {strides = array<i32>} : memref<640xi32, #tpu.memory_space<vmem>>, vector<16xi32>,
      tpu.vector_store %arg12[%swap3A_339], %broadcast_in_dim3A_52 {strides = array<i32>} : memref<640xi32, #tpu.memory_space<vmem>>, vector<16xi32>,
      %broadcast_in_dim3A_341 = arith.constant -1 : i32
      %broadcast_in_dim3A_342 = vector.broadcast %broadcast_in_dim3A_341 : i32 to vector<16xi32>
      %broadcast_in_dim3A_343 = arith.constant 79 : i32
      %broadcast_in_dim3A_344 = vector.broadcast %broadcast_in_dim3A_343 : i32 to vector<16xi32>
      %broadcast_in_dim3A_345 = arith.constant 159 : i32
      %broadcast_in_dim3A_346 = vector.broadcast %broadcast_in_dim3A_345 : i32 to vector<16xi32>
      %broadcast_in_dim3A_347 = arith.constant 239 : i32
      %broadcast_in_dim3A_348 = vector.broadcast %broadcast_in_dim3A_347 : i32 to vector<16xi32>
      %broadcast_in_dim3A_349 = arith.constant 319 : i32
      %broadcast_in_dim3A_350 = vector.broadcast %broadcast_in_dim3A_349 : i32 to vector<16xi32>
      %broadcast_in_dim3A_351 = arith.constant 399 : i32
      %broadcast_in_dim3A_352 = vector.broadcast %broadcast_in_dim3A_351 : i32 to vector<16xi32>
      %broadcast_in_dim3A_353 = arith.constant 479 : i32
      %broadcast_in_dim3A_354 = vector.broadcast %broadcast_in_dim3A_353 : i32 to vector<16xi32>
      %broadcast_in_dim3A_355 = arith.constant 559 : i32
      %broadcast_in_dim3A_356 = vector.broadcast %broadcast_in_dim3A_355 : i32 to vector<16xi32>
      %while3A_357 = arith.constant 0 : i32
      %while3A_358:9 = scf.while (%while3A_766 = %while3A_357, %while3A_767 = %broadcast_in_dim3A_342, %while3A_768 = %broadcast_in_dim3A_344, %while3A_769 = %broadcast_in_dim3A_346, %while3A_770 = %broadcast_in_dim3A_348, %while3A_771 = %broadcast_in_dim3A_350, %while3A_772 = %broadcast_in_dim3A_352, %while3A_773 = %broadcast_in_dim3A_354, %while3A_774 = %broadcast_in_dim3A_356) : (i32, vector<16xi32>, vector<16xi32>, vector<16xi32>, vector<16xi32>, vector<16xi32>, vector<16xi32>, vector<16xi32>, vector<16xi32>) -> (i32, vector<16xi32>, vector<16xi32>, vector<16xi32>, vector<16xi32>, vector<16xi32>, vector<16xi32>, vector<16xi32>, vector<16xi32>) {
        %add3A_775 = arith.addi %while3A_767, %while3A_768 : vector<16xi32>
        %add3A_776 = arith.addi %add3A_775, %while3A_769 : vector<16xi32>
        %add3A_777 = arith.addi %add3A_776, %while3A_770 : vector<16xi32>
        %add3A_778 = arith.addi %add3A_777, %while3A_771 : vector<16xi32>
        %add3A_779 = arith.addi %add3A_778, %while3A_772 : vector<16xi32>
        %add3A_780 = arith.addi %add3A_779, %while3A_773 : vector<16xi32>
        %add3A_781 = arith.addi %add3A_780, %while3A_774 : vector<16xi32>
        %lt3A_782 = arith.constant 8192 : i32
        %lt3A_783 = arith.cmpi slt, %while3A_766, %lt3A_782 : i32
        %slice3A_784 = vector.extract_strided_slice %add3A_781 {offsets = [0], sizes = [1], strides = [1]} : vector<16xi32> to vector<1xi32>
        %squeeze3A_785 = vector.extract %slice3A_784[0] : i32 from vector<1xi32>
        %lt3A_786 = arith.cmpi slt, %squeeze3A_785, %while3A : i32
        %and3A_787 = arith.andi %lt3A_783, %lt3A_786 : i1
        scf.condition(%and3A_787) %while3A_766, %while3A_767, %while3A_768, %while3A_769, %while3A_770, %while3A_771, %while3A_772, %while3A_773, %while3A_774 : i32, vector<16xi32>, vector<16xi32>, vector<16xi32>, vector<16xi32>, vector<16xi32>, vector<16xi32>, vector<16xi32>, vector<16xi32>
      } do {
      ^bb0(%while3A_766: i32, %while3A_767: vector<16xi32>, %while3A_768: vector<16xi32>, %while3A_769: vector<16xi32>, %while3A_770: vector<16xi32>, %while3A_771: vector<16xi32>, %while3A_772: vector<16xi32>, %while3A_773: vector<16xi32>, %while3A_774: vector<16xi32>):
        %get3A_775 = arith.index_cast %while3A_766 : i32 to index
        %get3A_776 = tpu.vector_load %arg5[%get3A_775] {strides = array<i32>} : memref<8192xf32, #tpu.memory_space<vmem>>, vector<16xf32>,
        %get3A_777 = arith.index_cast %while3A_766 : i32 to index
        %get3A_778 = tpu.vector_load %arg6[%get3A_777] {strides = array<i32>} : memref<8192xf32, #tpu.memory_space<vmem>>, vector<16xf32>,
        %get3A_779 = arith.index_cast %while3A_766 : i32 to index
        %get3A_780 = tpu.vector_load %arg7[%get3A_779] {strides = array<i32>} : memref<8192xf32, #tpu.memory_space<vmem>>, vector<16xf32>,
        %get3A_781 = arith.index_cast %while3A_766 : i32 to index
        %get3A_782 = tpu.vector_load %arg11[%get3A_781] {strides = array<i32>} : memref<8192xf32, #tpu.memory_space<vmem>>, vector<16xf32>,
        %add3A_783 = vector.broadcast %while3A_766 : i32 to vector<16xi32>
        %add3A_784 = arith.addi %add3A_783, %iota3A : vector<16xi32>
        %mul3A_785 = arith.mulf %add3A_254, %get3A_776 : vector<16xf32>
        %sub3A_786 = arith.subf %get3A_782, %mul3A_785 : vector<16xf32>
        %mul3A_787 = arith.mulf %add3A_262, %get3A_778 : vector<16xf32>
        %sub3A_788 = arith.subf %sub3A_786, %mul3A_787 : vector<16xf32>
        %mul3A_789 = arith.mulf %add3A_270, %get3A_780 : vector<16xf32>
        %sub3A_790 = arith.subf %sub3A_788, %mul3A_789 : vector<16xf32>
        %lt3A_791 = arith.cmpf olt, %sub3A_790, %sub3A_283 : vector<16xf32>
        %masked_cumsum3A = tpu.scan <sum>, %broadcast_in_dim3A_54 masked %lt3A_791 : vector<16xi32>, vector<16xi1> -> vector<16xi32>
        %add3A_792 = arith.addi %while3A_767, %masked_cumsum3A : vector<16xi32>
        tpu.vector_store_idx %arg12[%add3A_792], %add3A_784 masked %lt3A_791 : memref<640xi32, #tpu.memory_space<vmem>>[vector<16xi32>], vector<16xi32>, vector<16xi1>
        %all_reduce_population_count3A = tpu.all_reduce %lt3A_791 {dim = 0 : i64, kind = #tpu.reduction_kind<sum>} : vector<16xi1> -> vector<16xi32>
        %add3A_793 = arith.addi %while3A_767, %all_reduce_population_count3A : vector<16xi32>
        %min3A = arith.minsi %add3A_793, %broadcast_in_dim3A_62 : vector<16xi32>
        %mul3A_794 = arith.mulf %add3A_255, %get3A_776 : vector<16xf32>
        %sub3A_795 = arith.subf %get3A_782, %mul3A_794 : vector<16xf32>
        %mul3A_796 = arith.mulf %add3A_263, %get3A_778 : vector<16xf32>
        %sub3A_797 = arith.subf %sub3A_795, %mul3A_796 : vector<16xf32>
        %mul3A_798 = arith.mulf %add3A_271, %get3A_780 : vector<16xf32>
        %sub3A_799 = arith.subf %sub3A_797, %mul3A_798 : vector<16xf32>
        %lt3A_800 = arith.cmpf olt, %sub3A_799, %sub3A_289 : vector<16xf32>
        %masked_cumsum3A_801 = tpu.scan <sum>, %broadcast_in_dim3A_54 masked %lt3A_800 : vector<16xi32>, vector<16xi1> -> vector<16xi32>
        %add3A_802 = arith.addi %while3A_768, %masked_cumsum3A_801 : vector<16xi32>
        tpu.vector_store_idx %arg12[%add3A_802], %add3A_784 masked %lt3A_800 : memref<640xi32, #tpu.memory_space<vmem>>[vector<16xi32>], vector<16xi32>, vector<16xi1>
        %all_reduce_population_count3A_803 = tpu.all_reduce %lt3A_800 {dim = 0 : i64, kind = #tpu.reduction_kind<sum>} : vector<16xi1> -> vector<16xi32>
        %add3A_804 = arith.addi %while3A_768, %all_reduce_population_count3A_803 : vector<16xi32>
        %min3A_805 = arith.minsi %add3A_804, %broadcast_in_dim3A_64 : vector<16xi32>
        %mul3A_806 = arith.mulf %add3A_256, %get3A_776 : vector<16xf32>
        %sub3A_807 = arith.subf %get3A_782, %mul3A_806 : vector<16xf32>
        %mul3A_808 = arith.mulf %add3A_264, %get3A_778 : vector<16xf32>
        %sub3A_809 = arith.subf %sub3A_807, %mul3A_808 : vector<16xf32>
        %mul3A_810 = arith.mulf %add3A_272, %get3A_780 : vector<16xf32>
        %sub3A_811 = arith.subf %sub3A_809, %mul3A_810 : vector<16xf32>
        %lt3A_812 = arith.cmpf olt, %sub3A_811, %sub3A_295 : vector<16xf32>
        %masked_cumsum3A_813 = tpu.scan <sum>, %broadcast_in_dim3A_54 masked %lt3A_812 : vector<16xi32>, vector<16xi1> -> vector<16xi32>
        %add3A_814 = arith.addi %while3A_769, %masked_cumsum3A_813 : vector<16xi32>
        tpu.vector_store_idx %arg12[%add3A_814], %add3A_784 masked %lt3A_812 : memref<640xi32, #tpu.memory_space<vmem>>[vector<16xi32>], vector<16xi32>, vector<16xi1>
        %all_reduce_population_count3A_815 = tpu.all_reduce %lt3A_812 {dim = 0 : i64, kind = #tpu.reduction_kind<sum>} : vector<16xi1> -> vector<16xi32>
        %add3A_816 = arith.addi %while3A_769, %all_reduce_population_count3A_815 : vector<16xi32>
        %min3A_817 = arith.minsi %add3A_816, %broadcast_in_dim3A_66 : vector<16xi32>
        %mul3A_818 = arith.mulf %add3A_257, %get3A_776 : vector<16xf32>
        %sub3A_819 = arith.subf %get3A_782, %mul3A_818 : vector<16xf32>
        %mul3A_820 = arith.mulf %add3A_265, %get3A_778 : vector<16xf32>
        %sub3A_821 = arith.subf %sub3A_819, %mul3A_820 : vector<16xf32>
        %mul3A_822 = arith.mulf %add3A_273, %get3A_780 : vector<16xf32>
        %sub3A_823 = arith.subf %sub3A_821, %mul3A_822 : vector<16xf32>
        %lt3A_824 = arith.cmpf olt, %sub3A_823, %sub3A_301 : vector<16xf32>
        %masked_cumsum3A_825 = tpu.scan <sum>, %broadcast_in_dim3A_54 masked %lt3A_824 : vector<16xi32>, vector<16xi1> -> vector<16xi32>
        %add3A_826 = arith.addi %while3A_770, %masked_cumsum3A_825 : vector<16xi32>
        tpu.vector_store_idx %arg12[%add3A_826], %add3A_784 masked %lt3A_824 : memref<640xi32, #tpu.memory_space<vmem>>[vector<16xi32>], vector<16xi32>, vector<16xi1>
        %all_reduce_population_count3A_827 = tpu.all_reduce %lt3A_824 {dim = 0 : i64, kind = #tpu.reduction_kind<sum>} : vector<16xi1> -> vector<16xi32>
        %add3A_828 = arith.addi %while3A_770, %all_reduce_population_count3A_827 : vector<16xi32>
        %min3A_829 = arith.minsi %add3A_828, %broadcast_in_dim3A_68 : vector<16xi32>
        %mul3A_830 = arith.mulf %add3A_258, %get3A_776 : vector<16xf32>
        %sub3A_831 = arith.subf %get3A_782, %mul3A_830 : vector<16xf32>
        %mul3A_832 = arith.mulf %add3A_266, %get3A_778 : vector<16xf32>
        %sub3A_833 = arith.subf %sub3A_831, %mul3A_832 : vector<16xf32>
        %mul3A_834 = arith.mulf %add3A_274, %get3A_780 : vector<16xf32>
        %sub3A_835 = arith.subf %sub3A_833, %mul3A_834 : vector<16xf32>
        %lt3A_836 = arith.cmpf olt, %sub3A_835, %sub3A_307 : vector<16xf32>
        %masked_cumsum3A_837 = tpu.scan <sum>, %broadcast_in_dim3A_54 masked %lt3A_836 : vector<16xi32>, vector<16xi1> -> vector<16xi32>
        %add3A_838 = arith.addi %while3A_771, %masked_cumsum3A_837 : vector<16xi32>
        tpu.vector_store_idx %arg12[%add3A_838], %add3A_784 masked %lt3A_836 : memref<640xi32, #tpu.memory_space<vmem>>[vector<16xi32>], vector<16xi32>, vector<16xi1>
        %all_reduce_population_count3A_839 = tpu.all_reduce %lt3A_836 {dim = 0 : i64, kind = #tpu.reduction_kind<sum>} : vector<16xi1> -> vector<16xi32>
        %add3A_840 = arith.addi %while3A_771, %all_reduce_population_count3A_839 : vector<16xi32>
        %min3A_841 = arith.minsi %add3A_840, %broadcast_in_dim3A_70 : vector<16xi32>
        %mul3A_842 = arith.mulf %add3A_259, %get3A_776 : vector<16xf32>
        %sub3A_843 = arith.subf %get3A_782, %mul3A_842 : vector<16xf32>
        %mul3A_844 = arith.mulf %add3A_267, %get3A_778 : vector<16xf32>
        %sub3A_845 = arith.subf %sub3A_843, %mul3A_844 : vector<16xf32>
        %mul3A_846 = arith.mulf %add3A_275, %get3A_780 : vector<16xf32>
        %sub3A_847 = arith.subf %sub3A_845, %mul3A_846 : vector<16xf32>
        %lt3A_848 = arith.cmpf olt, %sub3A_847, %sub3A_313 : vector<16xf32>
        %masked_cumsum3A_849 = tpu.scan <sum>, %broadcast_in_dim3A_54 masked %lt3A_848 : vector<16xi32>, vector<16xi1> -> vector<16xi32>
        %add3A_850 = arith.addi %while3A_772, %masked_cumsum3A_849 : vector<16xi32>
        tpu.vector_store_idx %arg12[%add3A_850], %add3A_784 masked %lt3A_848 : memref<640xi32, #tpu.memory_space<vmem>>[vector<16xi32>], vector<16xi32>, vector<16xi1>
        %all_reduce_population_count3A_851 = tpu.all_reduce %lt3A_848 {dim = 0 : i64, kind = #tpu.reduction_kind<sum>} : vector<16xi1> -> vector<16xi32>
        %add3A_852 = arith.addi %while3A_772, %all_reduce_population_count3A_851 : vector<16xi32>
        %min3A_853 = arith.minsi %add3A_852, %broadcast_in_dim3A_72 : vector<16xi32>
        %mul3A_854 = arith.mulf %add3A_260, %get3A_776 : vector<16xf32>
        %sub3A_855 = arith.subf %get3A_782, %mul3A_854 : vector<16xf32>
        %mul3A_856 = arith.mulf %add3A_268, %get3A_778 : vector<16xf32>
        %sub3A_857 = arith.subf %sub3A_855, %mul3A_856 : vector<16xf32>
        %mul3A_858 = arith.mulf %add3A_276, %get3A_780 : vector<16xf32>
        %sub3A_859 = arith.subf %sub3A_857, %mul3A_858 : vector<16xf32>
        %lt3A_860 = arith.cmpf olt, %sub3A_859, %sub3A_319 : vector<16xf32>
        %masked_cumsum3A_861 = tpu.scan <sum>, %broadcast_in_dim3A_54 masked %lt3A_860 : vector<16xi32>, vector<16xi1> -> vector<16xi32>
        %add3A_862 = arith.addi %while3A_773, %masked_cumsum3A_861 : vector<16xi32>
        tpu.vector_store_idx %arg12[%add3A_862], %add3A_784 masked %lt3A_860 : memref<640xi32, #tpu.memory_space<vmem>>[vector<16xi32>], vector<16xi32>, vector<16xi1>
        %all_reduce_population_count3A_863 = tpu.all_reduce %lt3A_860 {dim = 0 : i64, kind = #tpu.reduction_kind<sum>} : vector<16xi1> -> vector<16xi32>
        %add3A_864 = arith.addi %while3A_773, %all_reduce_population_count3A_863 : vector<16xi32>
        %min3A_865 = arith.minsi %add3A_864, %broadcast_in_dim3A_74 : vector<16xi32>
        %mul3A_866 = arith.mulf %add3A_261, %get3A_776 : vector<16xf32>
        %sub3A_867 = arith.subf %get3A_782, %mul3A_866 : vector<16xf32>
        %mul3A_868 = arith.mulf %add3A_269, %get3A_778 : vector<16xf32>
        %sub3A_869 = arith.subf %sub3A_867, %mul3A_868 : vector<16xf32>
        %mul3A_870 = arith.mulf %add3A_277, %get3A_780 : vector<16xf32>
        %sub3A_871 = arith.subf %sub3A_869, %mul3A_870 : vector<16xf32>
        %lt3A_872 = arith.cmpf olt, %sub3A_871, %sub3A_325 : vector<16xf32>
        %masked_cumsum3A_873 = tpu.scan <sum>, %broadcast_in_dim3A_54 masked %lt3A_872 : vector<16xi32>, vector<16xi1> -> vector<16xi32>
        %add3A_874 = arith.addi %while3A_774, %masked_cumsum3A_873 : vector<16xi32>
        tpu.vector_store_idx %arg12[%add3A_874], %add3A_784 masked %lt3A_872 : memref<640xi32, #tpu.memory_space<vmem>>[vector<16xi32>], vector<16xi32>, vector<16xi1>
        %all_reduce_population_count3A_875 = tpu.all_reduce %lt3A_872 {dim = 0 : i64, kind = #tpu.reduction_kind<sum>} : vector<16xi1> -> vector<16xi32>
        %add3A_876 = arith.addi %while3A_774, %all_reduce_population_count3A_875 : vector<16xi32>
        %min3A_877 = arith.minsi %add3A_876, %broadcast_in_dim3A_76 : vector<16xi32>
        %add3A_878 = arith.constant 16 : i32
        %add3A_879 = arith.addi %while3A_766, %add3A_878 : i32
        %get3A_880 = arith.index_cast %add3A_879 : i32 to index
        %get3A_881 = tpu.vector_load %arg5[%get3A_880] {strides = array<i32>} : memref<8192xf32, #tpu.memory_space<vmem>>, vector<16xf32>,
        %get3A_882 = arith.index_cast %add3A_879 : i32 to index
        %get3A_883 = tpu.vector_load %arg6[%get3A_882] {strides = array<i32>} : memref<8192xf32, #tpu.memory_space<vmem>>, vector<16xf32>,
        %get3A_884 = arith.index_cast %add3A_879 : i32 to index
        %get3A_885 = tpu.vector_load %arg7[%get3A_884] {strides = array<i32>} : memref<8192xf32, #tpu.memory_space<vmem>>, vector<16xf32>,
        %get3A_886 = arith.index_cast %add3A_879 : i32 to index
        %get3A_887 = tpu.vector_load %arg11[%get3A_886] {strides = array<i32>} : memref<8192xf32, #tpu.memory_space<vmem>>, vector<16xf32>,
        %add3A_888 = vector.broadcast %add3A_879 : i32 to vector<16xi32>
        %add3A_889 = arith.addi %add3A_888, %iota3A : vector<16xi32>
        %mul3A_890 = arith.mulf %add3A_254, %get3A_881 : vector<16xf32>
        %sub3A_891 = arith.subf %get3A_887, %mul3A_890 : vector<16xf32>
        %mul3A_892 = arith.mulf %add3A_262, %get3A_883 : vector<16xf32>
        %sub3A_893 = arith.subf %sub3A_891, %mul3A_892 : vector<16xf32>
        %mul3A_894 = arith.mulf %add3A_270, %get3A_885 : vector<16xf32>
        %sub3A_895 = arith.subf %sub3A_893, %mul3A_894 : vector<16xf32>
        %lt3A_896 = arith.cmpf olt, %sub3A_895, %sub3A_283 : vector<16xf32>
        %masked_cumsum3A_897 = tpu.scan <sum>, %broadcast_in_dim3A_54 masked %lt3A_896 : vector<16xi32>, vector<16xi1> -> vector<16xi32>
        %add3A_898 = arith.addi %min3A, %masked_cumsum3A_897 : vector<16xi32>
        tpu.vector_store_idx %arg12[%add3A_898], %add3A_889 masked %lt3A_896 : memref<640xi32, #tpu.memory_space<vmem>>[vector<16xi32>], vector<16xi32>, vector<16xi1>
        %all_reduce_population_count3A_899 = tpu.all_reduce %lt3A_896 {dim = 0 : i64, kind = #tpu.reduction_kind<sum>} : vector<16xi1> -> vector<16xi32>
        %add3A_900 = arith.addi %min3A, %all_reduce_population_count3A_899 : vector<16xi32>
        %min3A_901 = arith.minsi %add3A_900, %broadcast_in_dim3A_62 : vector<16xi32>
        %mul3A_902 = arith.mulf %add3A_255, %get3A_881 : vector<16xf32>
        %sub3A_903 = arith.subf %get3A_887, %mul3A_902 : vector<16xf32>
        %mul3A_904 = arith.mulf %add3A_263, %get3A_883 : vector<16xf32>
        %sub3A_905 = arith.subf %sub3A_903, %mul3A_904 : vector<16xf32>
        %mul3A_906 = arith.mulf %add3A_271, %get3A_885 : vector<16xf32>
        %sub3A_907 = arith.subf %sub3A_905, %mul3A_906 : vector<16xf32>
        %lt3A_908 = arith.cmpf olt, %sub3A_907, %sub3A_289 : vector<16xf32>
        %masked_cumsum3A_909 = tpu.scan <sum>, %broadcast_in_dim3A_54 masked %lt3A_908 : vector<16xi32>, vector<16xi1> -> vector<16xi32>
        %add3A_910 = arith.addi %min3A_805, %masked_cumsum3A_909 : vector<16xi32>
        tpu.vector_store_idx %arg12[%add3A_910], %add3A_889 masked %lt3A_908 : memref<640xi32, #tpu.memory_space<vmem>>[vector<16xi32>], vector<16xi32>, vector<16xi1>
        %all_reduce_population_count3A_911 = tpu.all_reduce %lt3A_908 {dim = 0 : i64, kind = #tpu.reduction_kind<sum>} : vector<16xi1> -> vector<16xi32>
        %add3A_912 = arith.addi %min3A_805, %all_reduce_population_count3A_911 : vector<16xi32>
        %min3A_913 = arith.minsi %add3A_912, %broadcast_in_dim3A_64 : vector<16xi32>
        %mul3A_914 = arith.mulf %add3A_256, %get3A_881 : vector<16xf32>
        %sub3A_915 = arith.subf %get3A_887, %mul3A_914 : vector<16xf32>
        %mul3A_916 = arith.mulf %add3A_264, %get3A_883 : vector<16xf32>
        %sub3A_917 = arith.subf %sub3A_915, %mul3A_916 : vector<16xf32>
        %mul3A_918 = arith.mulf %add3A_272, %get3A_885 : vector<16xf32>
        %sub3A_919 = arith.subf %sub3A_917, %mul3A_918 : vector<16xf32>
        %lt3A_920 = arith.cmpf olt, %sub3A_919, %sub3A_295 : vector<16xf32>
        %masked_cumsum3A_921 = tpu.scan <sum>, %broadcast_in_dim3A_54 masked %lt3A_920 : vector<16xi32>, vector<16xi1> -> vector<16xi32>
        %add3A_922 = arith.addi %min3A_817, %masked_cumsum3A_921 : vector<16xi32>
        tpu.vector_store_idx %arg12[%add3A_922], %add3A_889 masked %lt3A_920 : memref<640xi32, #tpu.memory_space<vmem>>[vector<16xi32>], vector<16xi32>, vector<16xi1>
        %all_reduce_population_count3A_923 = tpu.all_reduce %lt3A_920 {dim = 0 : i64, kind = #tpu.reduction_kind<sum>} : vector<16xi1> -> vector<16xi32>
        %add3A_924 = arith.addi %min3A_817, %all_reduce_population_count3A_923 : vector<16xi32>
        %min3A_925 = arith.minsi %add3A_924, %broadcast_in_dim3A_66 : vector<16xi32>
        %mul3A_926 = arith.mulf %add3A_257, %get3A_881 : vector<16xf32>
        %sub3A_927 = arith.subf %get3A_887, %mul3A_926 : vector<16xf32>
        %mul3A_928 = arith.mulf %add3A_265, %get3A_883 : vector<16xf32>
        %sub3A_929 = arith.subf %sub3A_927, %mul3A_928 : vector<16xf32>
        %mul3A_930 = arith.mulf %add3A_273, %get3A_885 : vector<16xf32>
        %sub3A_931 = arith.subf %sub3A_929, %mul3A_930 : vector<16xf32>
        %lt3A_932 = arith.cmpf olt, %sub3A_931, %sub3A_301 : vector<16xf32>
        %masked_cumsum3A_933 = tpu.scan <sum>, %broadcast_in_dim3A_54 masked %lt3A_932 : vector<16xi32>, vector<16xi1> -> vector<16xi32>
        %add3A_934 = arith.addi %min3A_829, %masked_cumsum3A_933 : vector<16xi32>
        tpu.vector_store_idx %arg12[%add3A_934], %add3A_889 masked %lt3A_932 : memref<640xi32, #tpu.memory_space<vmem>>[vector<16xi32>], vector<16xi32>, vector<16xi1>
        %all_reduce_population_count3A_935 = tpu.all_reduce %lt3A_932 {dim = 0 : i64, kind = #tpu.reduction_kind<sum>} : vector<16xi1> -> vector<16xi32>
        %add3A_936 = arith.addi %min3A_829, %all_reduce_population_count3A_935 : vector<16xi32>
        %min3A_937 = arith.minsi %add3A_936, %broadcast_in_dim3A_68 : vector<16xi32>
        %mul3A_938 = arith.mulf %add3A_258, %get3A_881 : vector<16xf32>
        %sub3A_939 = arith.subf %get3A_887, %mul3A_938 : vector<16xf32>
        %mul3A_940 = arith.mulf %add3A_266, %get3A_883 : vector<16xf32>
        %sub3A_941 = arith.subf %sub3A_939, %mul3A_940 : vector<16xf32>
        %mul3A_942 = arith.mulf %add3A_274, %get3A_885 : vector<16xf32>
        %sub3A_943 = arith.subf %sub3A_941, %mul3A_942 : vector<16xf32>
        %lt3A_944 = arith.cmpf olt, %sub3A_943, %sub3A_307 : vector<16xf32>
        %masked_cumsum3A_945 = tpu.scan <sum>, %broadcast_in_dim3A_54 masked %lt3A_944 : vector<16xi32>, vector<16xi1> -> vector<16xi32>
        %add3A_946 = arith.addi %min3A_841, %masked_cumsum3A_945 : vector<16xi32>
        tpu.vector_store_idx %arg12[%add3A_946], %add3A_889 masked %lt3A_944 : memref<640xi32, #tpu.memory_space<vmem>>[vector<16xi32>], vector<16xi32>, vector<16xi1>
        %all_reduce_population_count3A_947 = tpu.all_reduce %lt3A_944 {dim = 0 : i64, kind = #tpu.reduction_kind<sum>} : vector<16xi1> -> vector<16xi32>
        %add3A_948 = arith.addi %min3A_841, %all_reduce_population_count3A_947 : vector<16xi32>
        %min3A_949 = arith.minsi %add3A_948, %broadcast_in_dim3A_70 : vector<16xi32>
        %mul3A_950 = arith.mulf %add3A_259, %get3A_881 : vector<16xf32>
        %sub3A_951 = arith.subf %get3A_887, %mul3A_950 : vector<16xf32>
        %mul3A_952 = arith.mulf %add3A_267, %get3A_883 : vector<16xf32>
        %sub3A_953 = arith.subf %sub3A_951, %mul3A_952 : vector<16xf32>
        %mul3A_954 = arith.mulf %add3A_275, %get3A_885 : vector<16xf32>
        %sub3A_955 = arith.subf %sub3A_953, %mul3A_954 : vector<16xf32>
        %lt3A_956 = arith.cmpf olt, %sub3A_955, %sub3A_313 : vector<16xf32>
        %masked_cumsum3A_957 = tpu.scan <sum>, %broadcast_in_dim3A_54 masked %lt3A_956 : vector<16xi32>, vector<16xi1> -> vector<16xi32>
        %add3A_958 = arith.addi %min3A_853, %masked_cumsum3A_957 : vector<16xi32>
        tpu.vector_store_idx %arg12[%add3A_958], %add3A_889 masked %lt3A_956 : memref<640xi32, #tpu.memory_space<vmem>>[vector<16xi32>], vector<16xi32>, vector<16xi1>
        %all_reduce_population_count3A_959 = tpu.all_reduce %lt3A_956 {dim = 0 : i64, kind = #tpu.reduction_kind<sum>} : vector<16xi1> -> vector<16xi32>
        %add3A_960 = arith.addi %min3A_853, %all_reduce_population_count3A_959 : vector<16xi32>
        %min3A_961 = arith.minsi %add3A_960, %broadcast_in_dim3A_72 : vector<16xi32>
        %mul3A_962 = arith.mulf %add3A_260, %get3A_881 : vector<16xf32>
        %sub3A_963 = arith.subf %get3A_887, %mul3A_962 : vector<16xf32>
        %mul3A_964 = arith.mulf %add3A_268, %get3A_883 : vector<16xf32>
        %sub3A_965 = arith.subf %sub3A_963, %mul3A_964 : vector<16xf32>
        %mul3A_966 = arith.mulf %add3A_276, %get3A_885 : vector<16xf32>
        %sub3A_967 = arith.subf %sub3A_965, %mul3A_966 : vector<16xf32>
        %lt3A_968 = arith.cmpf olt, %sub3A_967, %sub3A_319 : vector<16xf32>
        %masked_cumsum3A_969 = tpu.scan <sum>, %broadcast_in_dim3A_54 masked %lt3A_968 : vector<16xi32>, vector<16xi1> -> vector<16xi32>
        %add3A_970 = arith.addi %min3A_865, %masked_cumsum3A_969 : vector<16xi32>
        tpu.vector_store_idx %arg12[%add3A_970], %add3A_889 masked %lt3A_968 : memref<640xi32, #tpu.memory_space<vmem>>[vector<16xi32>], vector<16xi32>, vector<16xi1>
        %all_reduce_population_count3A_971 = tpu.all_reduce %lt3A_968 {dim = 0 : i64, kind = #tpu.reduction_kind<sum>} : vector<16xi1> -> vector<16xi32>
        %add3A_972 = arith.addi %min3A_865, %all_reduce_population_count3A_971 : vector<16xi32>
        %min3A_973 = arith.minsi %add3A_972, %broadcast_in_dim3A_74 : vector<16xi32>
        %mul3A_974 = arith.mulf %add3A_261, %get3A_881 : vector<16xf32>
        %sub3A_975 = arith.subf %get3A_887, %mul3A_974 : vector<16xf32>
        %mul3A_976 = arith.mulf %add3A_269, %get3A_883 : vector<16xf32>
        %sub3A_977 = arith.subf %sub3A_975, %mul3A_976 : vector<16xf32>
        %mul3A_978 = arith.mulf %add3A_277, %get3A_885 : vector<16xf32>
        %sub3A_979 = arith.subf %sub3A_977, %mul3A_978 : vector<16xf32>
        %lt3A_980 = arith.cmpf olt, %sub3A_979, %sub3A_325 : vector<16xf32>
        %masked_cumsum3A_981 = tpu.scan <sum>, %broadcast_in_dim3A_54 masked %lt3A_980 : vector<16xi32>, vector<16xi1> -> vector<16xi32>
        %add3A_982 = arith.addi %min3A_877, %masked_cumsum3A_981 : vector<16xi32>
        tpu.vector_store_idx %arg12[%add3A_982], %add3A_889 masked %lt3A_980 : memref<640xi32, #tpu.memory_space<vmem>>[vector<16xi32>], vector<16xi32>, vector<16xi1>
        %all_reduce_population_count3A_983 = tpu.all_reduce %lt3A_980 {dim = 0 : i64, kind = #tpu.reduction_kind<sum>} : vector<16xi1> -> vector<16xi32>
        %add3A_984 = arith.addi %min3A_877, %all_reduce_population_count3A_983 : vector<16xi32>
        %min3A_985 = arith.minsi %add3A_984, %broadcast_in_dim3A_76 : vector<16xi32>
        %add3A_986 = arith.constant 16 : i32
        %add3A_987 = arith.addi %add3A_879, %add3A_986 : i32
        %get3A_988 = arith.index_cast %add3A_987 : i32 to index
        %get3A_989 = tpu.vector_load %arg5[%get3A_988] {strides = array<i32>} : memref<8192xf32, #tpu.memory_space<vmem>>, vector<16xf32>,
        %get3A_990 = arith.index_cast %add3A_987 : i32 to index
        %get3A_991 = tpu.vector_load %arg6[%get3A_990] {strides = array<i32>} : memref<8192xf32, #tpu.memory_space<vmem>>, vector<16xf32>,
        %get3A_992 = arith.index_cast %add3A_987 : i32 to index
        %get3A_993 = tpu.vector_load %arg7[%get3A_992] {strides = array<i32>} : memref<8192xf32, #tpu.memory_space<vmem>>, vector<16xf32>,
        %get3A_994 = arith.index_cast %add3A_987 : i32 to index
        %get3A_995 = tpu.vector_load %arg11[%get3A_994] {strides = array<i32>} : memref<8192xf32, #tpu.memory_space<vmem>>, vector<16xf32>,
        %add3A_996 = vector.broadcast %add3A_987 : i32 to vector<16xi32>
        %add3A_997 = arith.addi %add3A_996, %iota3A : vector<16xi32>
        %mul3A_998 = arith.mulf %add3A_254, %get3A_989 : vector<16xf32>
        %sub3A_999 = arith.subf %get3A_995, %mul3A_998 : vector<16xf32>
        %mul3A_1000 = arith.mulf %add3A_262, %get3A_991 : vector<16xf32>
        %sub3A_1001 = arith.subf %sub3A_999, %mul3A_1000 : vector<16xf32>
        %mul3A_1002 = arith.mulf %add3A_270, %get3A_993 : vector<16xf32>
        %sub3A_1003 = arith.subf %sub3A_1001, %mul3A_1002 : vector<16xf32>
        %lt3A_1004 = arith.cmpf olt, %sub3A_1003, %sub3A_283 : vector<16xf32>
        %masked_cumsum3A_1005 = tpu.scan <sum>, %broadcast_in_dim3A_54 masked %lt3A_1004 : vector<16xi32>, vector<16xi1> -> vector<16xi32>
        %add3A_1006 = arith.addi %min3A_901, %masked_cumsum3A_1005 : vector<16xi32>
        tpu.vector_store_idx %arg12[%add3A_1006], %add3A_997 masked %lt3A_1004 : memref<640xi32, #tpu.memory_space<vmem>>[vector<16xi32>], vector<16xi32>, vector<16xi1>
        %all_reduce_population_count3A_1007 = tpu.all_reduce %lt3A_1004 {dim = 0 : i64, kind = #tpu.reduction_kind<sum>} : vector<16xi1> -> vector<16xi32>
        %add3A_1008 = arith.addi %min3A_901, %all_reduce_population_count3A_1007 : vector<16xi32>
        %min3A_1009 = arith.minsi %add3A_1008, %broadcast_in_dim3A_62 : vector<16xi32>
        %mul3A_1010 = arith.mulf %add3A_255, %get3A_989 : vector<16xf32>
        %sub3A_1011 = arith.subf %get3A_995, %mul3A_1010 : vector<16xf32>
        %mul3A_1012 = arith.mulf %add3A_263, %get3A_991 : vector<16xf32>
        %sub3A_1013 = arith.subf %sub3A_1011, %mul3A_1012 : vector<16xf32>
        %mul3A_1014 = arith.mulf %add3A_271, %get3A_993 : vector<16xf32>
        %sub3A_1015 = arith.subf %sub3A_1013, %mul3A_1014 : vector<16xf32>
        %lt3A_1016 = arith.cmpf olt, %sub3A_1015, %sub3A_289 : vector<16xf32>
        %masked_cumsum3A_1017 = tpu.scan <sum>, %broadcast_in_dim3A_54 masked %lt3A_1016 : vector<16xi32>, vector<16xi1> -> vector<16xi32>
        %add3A_1018 = arith.addi %min3A_913, %masked_cumsum3A_1017 : vector<16xi32>
        tpu.vector_store_idx %arg12[%add3A_1018], %add3A_997 masked %lt3A_1016 : memref<640xi32, #tpu.memory_space<vmem>>[vector<16xi32>], vector<16xi32>, vector<16xi1>
        %all_reduce_population_count3A_1019 = tpu.all_reduce %lt3A_1016 {dim = 0 : i64, kind = #tpu.reduction_kind<sum>} : vector<16xi1> -> vector<16xi32>
        %add3A_1020 = arith.addi %min3A_913, %all_reduce_population_count3A_1019 : vector<16xi32>
        %min3A_1021 = arith.minsi %add3A_1020, %broadcast_in_dim3A_64 : vector<16xi32>
        %mul3A_1022 = arith.mulf %add3A_256, %get3A_989 : vector<16xf32>
        %sub3A_1023 = arith.subf %get3A_995, %mul3A_1022 : vector<16xf32>
        %mul3A_1024 = arith.mulf %add3A_264, %get3A_991 : vector<16xf32>
        %sub3A_1025 = arith.subf %sub3A_1023, %mul3A_1024 : vector<16xf32>
        %mul3A_1026 = arith.mulf %add3A_272, %get3A_993 : vector<16xf32>
        %sub3A_1027 = arith.subf %sub3A_1025, %mul3A_1026 : vector<16xf32>
        %lt3A_1028 = arith.cmpf olt, %sub3A_1027, %sub3A_295 : vector<16xf32>
        %masked_cumsum3A_1029 = tpu.scan <sum>, %broadcast_in_dim3A_54 masked %lt3A_1028 : vector<16xi32>, vector<16xi1> -> vector<16xi32>
        %add3A_1030 = arith.addi %min3A_925, %masked_cumsum3A_1029 : vector<16xi32>
        tpu.vector_store_idx %arg12[%add3A_1030], %add3A_997 masked %lt3A_1028 : memref<640xi32, #tpu.memory_space<vmem>>[vector<16xi32>], vector<16xi32>, vector<16xi1>
        %all_reduce_population_count3A_1031 = tpu.all_reduce %lt3A_1028 {dim = 0 : i64, kind = #tpu.reduction_kind<sum>} : vector<16xi1> -> vector<16xi32>
        %add3A_1032 = arith.addi %min3A_925, %all_reduce_population_count3A_1031 : vector<16xi32>
        %min3A_1033 = arith.minsi %add3A_1032, %broadcast_in_dim3A_66 : vector<16xi32>
        %mul3A_1034 = arith.mulf %add3A_257, %get3A_989 : vector<16xf32>
        %sub3A_1035 = arith.subf %get3A_995, %mul3A_1034 : vector<16xf32>
        %mul3A_1036 = arith.mulf %add3A_265, %get3A_991 : vector<16xf32>
        %sub3A_1037 = arith.subf %sub3A_1035, %mul3A_1036 : vector<16xf32>
        %mul3A_1038 = arith.mulf %add3A_273, %get3A_993 : vector<16xf32>
        %sub3A_1039 = arith.subf %sub3A_1037, %mul3A_1038 : vector<16xf32>
        %lt3A_1040 = arith.cmpf olt, %sub3A_1039, %sub3A_301 : vector<16xf32>
        %masked_cumsum3A_1041 = tpu.scan <sum>, %broadcast_in_dim3A_54 masked %lt3A_1040 : vector<16xi32>, vector<16xi1> -> vector<16xi32>
        %add3A_1042 = arith.addi %min3A_937, %masked_cumsum3A_1041 : vector<16xi32>
        tpu.vector_store_idx %arg12[%add3A_1042], %add3A_997 masked %lt3A_1040 : memref<640xi32, #tpu.memory_space<vmem>>[vector<16xi32>], vector<16xi32>, vector<16xi1>
        %all_reduce_population_count3A_1043 = tpu.all_reduce %lt3A_1040 {dim = 0 : i64, kind = #tpu.reduction_kind<sum>} : vector<16xi1> -> vector<16xi32>
        %add3A_1044 = arith.addi %min3A_937, %all_reduce_population_count3A_1043 : vector<16xi32>
        %min3A_1045 = arith.minsi %add3A_1044, %broadcast_in_dim3A_68 : vector<16xi32>
        %mul3A_1046 = arith.mulf %add3A_258, %get3A_989 : vector<16xf32>
        %sub3A_1047 = arith.subf %get3A_995, %mul3A_1046 : vector<16xf32>
        %mul3A_1048 = arith.mulf %add3A_266, %get3A_991 : vector<16xf32>
        %sub3A_1049 = arith.subf %sub3A_1047, %mul3A_1048 : vector<16xf32>
        %mul3A_1050 = arith.mulf %add3A_274, %get3A_993 : vector<16xf32>
        %sub3A_1051 = arith.subf %sub3A_1049, %mul3A_1050 : vector<16xf32>
        %lt3A_1052 = arith.cmpf olt, %sub3A_1051, %sub3A_307 : vector<16xf32>
        %masked_cumsum3A_1053 = tpu.scan <sum>, %broadcast_in_dim3A_54 masked %lt3A_1052 : vector<16xi32>, vector<16xi1> -> vector<16xi32>
        %add3A_1054 = arith.addi %min3A_949, %masked_cumsum3A_1053 : vector<16xi32>
        tpu.vector_store_idx %arg12[%add3A_1054], %add3A_997 masked %lt3A_1052 : memref<640xi32, #tpu.memory_space<vmem>>[vector<16xi32>], vector<16xi32>, vector<16xi1>
        %all_reduce_population_count3A_1055 = tpu.all_reduce %lt3A_1052 {dim = 0 : i64, kind = #tpu.reduction_kind<sum>} : vector<16xi1> -> vector<16xi32>
        %add3A_1056 = arith.addi %min3A_949, %all_reduce_population_count3A_1055 : vector<16xi32>
        %min3A_1057 = arith.minsi %add3A_1056, %broadcast_in_dim3A_70 : vector<16xi32>
        %mul3A_1058 = arith.mulf %add3A_259, %get3A_989 : vector<16xf32>
        %sub3A_1059 = arith.subf %get3A_995, %mul3A_1058 : vector<16xf32>
        %mul3A_1060 = arith.mulf %add3A_267, %get3A_991 : vector<16xf32>
        %sub3A_1061 = arith.subf %sub3A_1059, %mul3A_1060 : vector<16xf32>
        %mul3A_1062 = arith.mulf %add3A_275, %get3A_993 : vector<16xf32>
        %sub3A_1063 = arith.subf %sub3A_1061, %mul3A_1062 : vector<16xf32>
        %lt3A_1064 = arith.cmpf olt, %sub3A_1063, %sub3A_313 : vector<16xf32>
        %masked_cumsum3A_1065 = tpu.scan <sum>, %broadcast_in_dim3A_54 masked %lt3A_1064 : vector<16xi32>, vector<16xi1> -> vector<16xi32>
        %add3A_1066 = arith.addi %min3A_961, %masked_cumsum3A_1065 : vector<16xi32>
        tpu.vector_store_idx %arg12[%add3A_1066], %add3A_997 masked %lt3A_1064 : memref<640xi32, #tpu.memory_space<vmem>>[vector<16xi32>], vector<16xi32>, vector<16xi1>
        %all_reduce_population_count3A_1067 = tpu.all_reduce %lt3A_1064 {dim = 0 : i64, kind = #tpu.reduction_kind<sum>} : vector<16xi1> -> vector<16xi32>
        %add3A_1068 = arith.addi %min3A_961, %all_reduce_population_count3A_1067 : vector<16xi32>
        %min3A_1069 = arith.minsi %add3A_1068, %broadcast_in_dim3A_72 : vector<16xi32>
        %mul3A_1070 = arith.mulf %add3A_260, %get3A_989 : vector<16xf32>
        %sub3A_1071 = arith.subf %get3A_995, %mul3A_1070 : vector<16xf32>
        %mul3A_1072 = arith.mulf %add3A_268, %get3A_991 : vector<16xf32>
        %sub3A_1073 = arith.subf %sub3A_1071, %mul3A_1072 : vector<16xf32>
        %mul3A_1074 = arith.mulf %add3A_276, %get3A_993 : vector<16xf32>
        %sub3A_1075 = arith.subf %sub3A_1073, %mul3A_1074 : vector<16xf32>
        %lt3A_1076 = arith.cmpf olt, %sub3A_1075, %sub3A_319 : vector<16xf32>
        %masked_cumsum3A_1077 = tpu.scan <sum>, %broadcast_in_dim3A_54 masked %lt3A_1076 : vector<16xi32>, vector<16xi1> -> vector<16xi32>
        %add3A_1078 = arith.addi %min3A_973, %masked_cumsum3A_1077 : vector<16xi32>
        tpu.vector_store_idx %arg12[%add3A_1078], %add3A_997 masked %lt3A_1076 : memref<640xi32, #tpu.memory_space<vmem>>[vector<16xi32>], vector<16xi32>, vector<16xi1>
        %all_reduce_population_count3A_1079 = tpu.all_reduce %lt3A_1076 {dim = 0 : i64, kind = #tpu.reduction_kind<sum>} : vector<16xi1> -> vector<16xi32>
        %add3A_1080 = arith.addi %min3A_973, %all_reduce_population_count3A_1079 : vector<16xi32>
        %min3A_1081 = arith.minsi %add3A_1080, %broadcast_in_dim3A_74 : vector<16xi32>
        %mul3A_1082 = arith.mulf %add3A_261, %get3A_989 : vector<16xf32>
        %sub3A_1083 = arith.subf %get3A_995, %mul3A_1082 : vector<16xf32>
        %mul3A_1084 = arith.mulf %add3A_269, %get3A_991 : vector<16xf32>
        %sub3A_1085 = arith.subf %sub3A_1083, %mul3A_1084 : vector<16xf32>
        %mul3A_1086 = arith.mulf %add3A_277, %get3A_993 : vector<16xf32>
        %sub3A_1087 = arith.subf %sub3A_1085, %mul3A_1086 : vector<16xf32>
        %lt3A_1088 = arith.cmpf olt, %sub3A_1087, %sub3A_325 : vector<16xf32>
        %masked_cumsum3A_1089 = tpu.scan <sum>, %broadcast_in_dim3A_54 masked %lt3A_1088 : vector<16xi32>, vector<16xi1> -> vector<16xi32>
        %add3A_1090 = arith.addi %min3A_985, %masked_cumsum3A_1089 : vector<16xi32>
        tpu.vector_store_idx %arg12[%add3A_1090], %add3A_997 masked %lt3A_1088 : memref<640xi32, #tpu.memory_space<vmem>>[vector<16xi32>], vector<16xi32>, vector<16xi1>
        %all_reduce_population_count3A_1091 = tpu.all_reduce %lt3A_1088 {dim = 0 : i64, kind = #tpu.reduction_kind<sum>} : vector<16xi1> -> vector<16xi32>
        %add3A_1092 = arith.addi %min3A_985, %all_reduce_population_count3A_1091 : vector<16xi32>
        %min3A_1093 = arith.minsi %add3A_1092, %broadcast_in_dim3A_76 : vector<16xi32>
        %add3A_1094 = arith.constant 16 : i32
        %add3A_1095 = arith.addi %add3A_987, %add3A_1094 : i32
        %get3A_1096 = arith.index_cast %add3A_1095 : i32 to index
        %get3A_1097 = tpu.vector_load %arg5[%get3A_1096] {strides = array<i32>} : memref<8192xf32, #tpu.memory_space<vmem>>, vector<16xf32>,
        %get3A_1098 = arith.index_cast %add3A_1095 : i32 to index
        %get3A_1099 = tpu.vector_load %arg6[%get3A_1098] {strides = array<i32>} : memref<8192xf32, #tpu.memory_space<vmem>>, vector<16xf32>,
        %get3A_1100 = arith.index_cast %add3A_1095 : i32 to index
        %get3A_1101 = tpu.vector_load %arg7[%get3A_1100] {strides = array<i32>} : memref<8192xf32, #tpu.memory_space<vmem>>, vector<16xf32>,
        %get3A_1102 = arith.index_cast %add3A_1095 : i32 to index
        %get3A_1103 = tpu.vector_load %arg11[%get3A_1102] {strides = array<i32>} : memref<8192xf32, #tpu.memory_space<vmem>>, vector<16xf32>,
        %add3A_1104 = vector.broadcast %add3A_1095 : i32 to vector<16xi32>
        %add3A_1105 = arith.addi %add3A_1104, %iota3A : vector<16xi32>
        %mul3A_1106 = arith.mulf %add3A_254, %get3A_1097 : vector<16xf32>
        %sub3A_1107 = arith.subf %get3A_1103, %mul3A_1106 : vector<16xf32>
        %mul3A_1108 = arith.mulf %add3A_262, %get3A_1099 : vector<16xf32>
        %sub3A_1109 = arith.subf %sub3A_1107, %mul3A_1108 : vector<16xf32>
        %mul3A_1110 = arith.mulf %add3A_270, %get3A_1101 : vector<16xf32>
        %sub3A_1111 = arith.subf %sub3A_1109, %mul3A_1110 : vector<16xf32>
        %lt3A_1112 = arith.cmpf olt, %sub3A_1111, %sub3A_283 : vector<16xf32>
        %masked_cumsum3A_1113 = tpu.scan <sum>, %broadcast_in_dim3A_54 masked %lt3A_1112 : vector<16xi32>, vector<16xi1> -> vector<16xi32>
        %add3A_1114 = arith.addi %min3A_1009, %masked_cumsum3A_1113 : vector<16xi32>
        tpu.vector_store_idx %arg12[%add3A_1114], %add3A_1105 masked %lt3A_1112 : memref<640xi32, #tpu.memory_space<vmem>>[vector<16xi32>], vector<16xi32>, vector<16xi1>
        %all_reduce_population_count3A_1115 = tpu.all_reduce %lt3A_1112 {dim = 0 : i64, kind = #tpu.reduction_kind<sum>} : vector<16xi1> -> vector<16xi32>
        %add3A_1116 = arith.addi %min3A_1009, %all_reduce_population_count3A_1115 : vector<16xi32>
        %min3A_1117 = arith.minsi %add3A_1116, %broadcast_in_dim3A_62 : vector<16xi32>
        %mul3A_1118 = arith.mulf %add3A_255, %get3A_1097 : vector<16xf32>
        %sub3A_1119 = arith.subf %get3A_1103, %mul3A_1118 : vector<16xf32>
        %mul3A_1120 = arith.mulf %add3A_263, %get3A_1099 : vector<16xf32>
        %sub3A_1121 = arith.subf %sub3A_1119, %mul3A_1120 : vector<16xf32>
        %mul3A_1122 = arith.mulf %add3A_271, %get3A_1101 : vector<16xf32>
        %sub3A_1123 = arith.subf %sub3A_1121, %mul3A_1122 : vector<16xf32>
        %lt3A_1124 = arith.cmpf olt, %sub3A_1123, %sub3A_289 : vector<16xf32>
        %masked_cumsum3A_1125 = tpu.scan <sum>, %broadcast_in_dim3A_54 masked %lt3A_1124 : vector<16xi32>, vector<16xi1> -> vector<16xi32>
        %add3A_1126 = arith.addi %min3A_1021, %masked_cumsum3A_1125 : vector<16xi32>
        tpu.vector_store_idx %arg12[%add3A_1126], %add3A_1105 masked %lt3A_1124 : memref<640xi32, #tpu.memory_space<vmem>>[vector<16xi32>], vector<16xi32>, vector<16xi1>
        %all_reduce_population_count3A_1127 = tpu.all_reduce %lt3A_1124 {dim = 0 : i64, kind = #tpu.reduction_kind<sum>} : vector<16xi1> -> vector<16xi32>
        %add3A_1128 = arith.addi %min3A_1021, %all_reduce_population_count3A_1127 : vector<16xi32>
        %min3A_1129 = arith.minsi %add3A_1128, %broadcast_in_dim3A_64 : vector<16xi32>
        %mul3A_1130 = arith.mulf %add3A_256, %get3A_1097 : vector<16xf32>
        %sub3A_1131 = arith.subf %get3A_1103, %mul3A_1130 : vector<16xf32>
        %mul3A_1132 = arith.mulf %add3A_264, %get3A_1099 : vector<16xf32>
        %sub3A_1133 = arith.subf %sub3A_1131, %mul3A_1132 : vector<16xf32>
        %mul3A_1134 = arith.mulf %add3A_272, %get3A_1101 : vector<16xf32>
        %sub3A_1135 = arith.subf %sub3A_1133, %mul3A_1134 : vector<16xf32>
        %lt3A_1136 = arith.cmpf olt, %sub3A_1135, %sub3A_295 : vector<16xf32>
        %masked_cumsum3A_1137 = tpu.scan <sum>, %broadcast_in_dim3A_54 masked %lt3A_1136 : vector<16xi32>, vector<16xi1> -> vector<16xi32>
        %add3A_1138 = arith.addi %min3A_1033, %masked_cumsum3A_1137 : vector<16xi32>
        tpu.vector_store_idx %arg12[%add3A_1138], %add3A_1105 masked %lt3A_1136 : memref<640xi32, #tpu.memory_space<vmem>>[vector<16xi32>], vector<16xi32>, vector<16xi1>
        %all_reduce_population_count3A_1139 = tpu.all_reduce %lt3A_1136 {dim = 0 : i64, kind = #tpu.reduction_kind<sum>} : vector<16xi1> -> vector<16xi32>
        %add3A_1140 = arith.addi %min3A_1033, %all_reduce_population_count3A_1139 : vector<16xi32>
        %min3A_1141 = arith.minsi %add3A_1140, %broadcast_in_dim3A_66 : vector<16xi32>
        %mul3A_1142 = arith.mulf %add3A_257, %get3A_1097 : vector<16xf32>
        %sub3A_1143 = arith.subf %get3A_1103, %mul3A_1142 : vector<16xf32>
        %mul3A_1144 = arith.mulf %add3A_265, %get3A_1099 : vector<16xf32>
        %sub3A_1145 = arith.subf %sub3A_1143, %mul3A_1144 : vector<16xf32>
        %mul3A_1146 = arith.mulf %add3A_273, %get3A_1101 : vector<16xf32>
        %sub3A_1147 = arith.subf %sub3A_1145, %mul3A_1146 : vector<16xf32>
        %lt3A_1148 = arith.cmpf olt, %sub3A_1147, %sub3A_301 : vector<16xf32>
        %masked_cumsum3A_1149 = tpu.scan <sum>, %broadcast_in_dim3A_54 masked %lt3A_1148 : vector<16xi32>, vector<16xi1> -> vector<16xi32>
        %add3A_1150 = arith.addi %min3A_1045, %masked_cumsum3A_1149 : vector<16xi32>
        tpu.vector_store_idx %arg12[%add3A_1150], %add3A_1105 masked %lt3A_1148 : memref<640xi32, #tpu.memory_space<vmem>>[vector<16xi32>], vector<16xi32>, vector<16xi1>
        %all_reduce_population_count3A_1151 = tpu.all_reduce %lt3A_1148 {dim = 0 : i64, kind = #tpu.reduction_kind<sum>} : vector<16xi1> -> vector<16xi32>
        %add3A_1152 = arith.addi %min3A_1045, %all_reduce_population_count3A_1151 : vector<16xi32>
        %min3A_1153 = arith.minsi %add3A_1152, %broadcast_in_dim3A_68 : vector<16xi32>
        %mul3A_1154 = arith.mulf %add3A_258, %get3A_1097 : vector<16xf32>
        %sub3A_1155 = arith.subf %get3A_1103, %mul3A_1154 : vector<16xf32>
        %mul3A_1156 = arith.mulf %add3A_266, %get3A_1099 : vector<16xf32>
        %sub3A_1157 = arith.subf %sub3A_1155, %mul3A_1156 : vector<16xf32>
        %mul3A_1158 = arith.mulf %add3A_274, %get3A_1101 : vector<16xf32>
        %sub3A_1159 = arith.subf %sub3A_1157, %mul3A_1158 : vector<16xf32>
        %lt3A_1160 = arith.cmpf olt, %sub3A_1159, %sub3A_307 : vector<16xf32>
        %masked_cumsum3A_1161 = tpu.scan <sum>, %broadcast_in_dim3A_54 masked %lt3A_1160 : vector<16xi32>, vector<16xi1> -> vector<16xi32>
        %add3A_1162 = arith.addi %min3A_1057, %masked_cumsum3A_1161 : vector<16xi32>
        tpu.vector_store_idx %arg12[%add3A_1162], %add3A_1105 masked %lt3A_1160 : memref<640xi32, #tpu.memory_space<vmem>>[vector<16xi32>], vector<16xi32>, vector<16xi1>
        %all_reduce_population_count3A_1163 = tpu.all_reduce %lt3A_1160 {dim = 0 : i64, kind = #tpu.reduction_kind<sum>} : vector<16xi1> -> vector<16xi32>
        %add3A_1164 = arith.addi %min3A_1057, %all_reduce_population_count3A_1163 : vector<16xi32>
        %min3A_1165 = arith.minsi %add3A_1164, %broadcast_in_dim3A_70 : vector<16xi32>
        %mul3A_1166 = arith.mulf %add3A_259, %get3A_1097 : vector<16xf32>
        %sub3A_1167 = arith.subf %get3A_1103, %mul3A_1166 : vector<16xf32>
        %mul3A_1168 = arith.mulf %add3A_267, %get3A_1099 : vector<16xf32>
        %sub3A_1169 = arith.subf %sub3A_1167, %mul3A_1168 : vector<16xf32>
        %mul3A_1170 = arith.mulf %add3A_275, %get3A_1101 : vector<16xf32>
        %sub3A_1171 = arith.subf %sub3A_1169, %mul3A_1170 : vector<16xf32>
        %lt3A_1172 = arith.cmpf olt, %sub3A_1171, %sub3A_313 : vector<16xf32>
        %masked_cumsum3A_1173 = tpu.scan <sum>, %broadcast_in_dim3A_54 masked %lt3A_1172 : vector<16xi32>, vector<16xi1> -> vector<16xi32>
        %add3A_1174 = arith.addi %min3A_1069, %masked_cumsum3A_1173 : vector<16xi32>
        tpu.vector_store_idx %arg12[%add3A_1174], %add3A_1105 masked %lt3A_1172 : memref<640xi32, #tpu.memory_space<vmem>>[vector<16xi32>], vector<16xi32>, vector<16xi1>
        %all_reduce_population_count3A_1175 = tpu.all_reduce %lt3A_1172 {dim = 0 : i64, kind = #tpu.reduction_kind<sum>} : vector<16xi1> -> vector<16xi32>
        %add3A_1176 = arith.addi %min3A_1069, %all_reduce_population_count3A_1175 : vector<16xi32>
        %min3A_1177 = arith.minsi %add3A_1176, %broadcast_in_dim3A_72 : vector<16xi32>
        %mul3A_1178 = arith.mulf %add3A_260, %get3A_1097 : vector<16xf32>
        %sub3A_1179 = arith.subf %get3A_1103, %mul3A_1178 : vector<16xf32>
        %mul3A_1180 = arith.mulf %add3A_268, %get3A_1099 : vector<16xf32>
        %sub3A_1181 = arith.subf %sub3A_1179, %mul3A_1180 : vector<16xf32>
        %mul3A_1182 = arith.mulf %add3A_276, %get3A_1101 : vector<16xf32>
        %sub3A_1183 = arith.subf %sub3A_1181, %mul3A_1182 : vector<16xf32>
        %lt3A_1184 = arith.cmpf olt, %sub3A_1183, %sub3A_319 : vector<16xf32>
        %masked_cumsum3A_1185 = tpu.scan <sum>, %broadcast_in_dim3A_54 masked %lt3A_1184 : vector<16xi32>, vector<16xi1> -> vector<16xi32>
        %add3A_1186 = arith.addi %min3A_1081, %masked_cumsum3A_1185 : vector<16xi32>
        tpu.vector_store_idx %arg12[%add3A_1186], %add3A_1105 masked %lt3A_1184 : memref<640xi32, #tpu.memory_space<vmem>>[vector<16xi32>], vector<16xi32>, vector<16xi1>
        %all_reduce_population_count3A_1187 = tpu.all_reduce %lt3A_1184 {dim = 0 : i64, kind = #tpu.reduction_kind<sum>} : vector<16xi1> -> vector<16xi32>
        %add3A_1188 = arith.addi %min3A_1081, %all_reduce_population_count3A_1187 : vector<16xi32>
        %min3A_1189 = arith.minsi %add3A_1188, %broadcast_in_dim3A_74 : vector<16xi32>
        %mul3A_1190 = arith.mulf %add3A_261, %get3A_1097 : vector<16xf32>
        %sub3A_1191 = arith.subf %get3A_1103, %mul3A_1190 : vector<16xf32>
        %mul3A_1192 = arith.mulf %add3A_269, %get3A_1099 : vector<16xf32>
        %sub3A_1193 = arith.subf %sub3A_1191, %mul3A_1192 : vector<16xf32>
        %mul3A_1194 = arith.mulf %add3A_277, %get3A_1101 : vector<16xf32>
        %sub3A_1195 = arith.subf %sub3A_1193, %mul3A_1194 : vector<16xf32>
        %lt3A_1196 = arith.cmpf olt, %sub3A_1195, %sub3A_325 : vector<16xf32>
        %masked_cumsum3A_1197 = tpu.scan <sum>, %broadcast_in_dim3A_54 masked %lt3A_1196 : vector<16xi32>, vector<16xi1> -> vector<16xi32>
        %add3A_1198 = arith.addi %min3A_1093, %masked_cumsum3A_1197 : vector<16xi32>
        tpu.vector_store_idx %arg12[%add3A_1198], %add3A_1105 masked %lt3A_1196 : memref<640xi32, #tpu.memory_space<vmem>>[vector<16xi32>], vector<16xi32>, vector<16xi1>
        %all_reduce_population_count3A_1199 = tpu.all_reduce %lt3A_1196 {dim = 0 : i64, kind = #tpu.reduction_kind<sum>} : vector<16xi1> -> vector<16xi32>
        %add3A_1200 = arith.addi %min3A_1093, %all_reduce_population_count3A_1199 : vector<16xi32>
        %min3A_1201 = arith.minsi %add3A_1200, %broadcast_in_dim3A_76 : vector<16xi32>
        %add3A_1202 = arith.constant 16 : i32
        %add3A_1203 = arith.addi %add3A_1095, %add3A_1202 : i32
        %get3A_1204 = arith.index_cast %add3A_1203 : i32 to index
        %get3A_1205 = tpu.vector_load %arg5[%get3A_1204] {strides = array<i32>} : memref<8192xf32, #tpu.memory_space<vmem>>, vector<16xf32>,
        %get3A_1206 = arith.index_cast %add3A_1203 : i32 to index
        %get3A_1207 = tpu.vector_load %arg6[%get3A_1206] {strides = array<i32>} : memref<8192xf32, #tpu.memory_space<vmem>>, vector<16xf32>,
        %get3A_1208 = arith.index_cast %add3A_1203 : i32 to index
        %get3A_1209 = tpu.vector_load %arg7[%get3A_1208] {strides = array<i32>} : memref<8192xf32, #tpu.memory_space<vmem>>, vector<16xf32>,
        %get3A_1210 = arith.index_cast %add3A_1203 : i32 to index
        %get3A_1211 = tpu.vector_load %arg11[%get3A_1210] {strides = array<i32>} : memref<8192xf32, #tpu.memory_space<vmem>>, vector<16xf32>,
        %add3A_1212 = vector.broadcast %add3A_1203 : i32 to vector<16xi32>
        %add3A_1213 = arith.addi %add3A_1212, %iota3A : vector<16xi32>
        %mul3A_1214 = arith.mulf %add3A_254, %get3A_1205 : vector<16xf32>
        %sub3A_1215 = arith.subf %get3A_1211, %mul3A_1214 : vector<16xf32>
        %mul3A_1216 = arith.mulf %add3A_262, %get3A_1207 : vector<16xf32>
        %sub3A_1217 = arith.subf %sub3A_1215, %mul3A_1216 : vector<16xf32>
        %mul3A_1218 = arith.mulf %add3A_270, %get3A_1209 : vector<16xf32>
        %sub3A_1219 = arith.subf %sub3A_1217, %mul3A_1218 : vector<16xf32>
        %lt3A_1220 = arith.cmpf olt, %sub3A_1219, %sub3A_283 : vector<16xf32>
        %masked_cumsum3A_1221 = tpu.scan <sum>, %broadcast_in_dim3A_54 masked %lt3A_1220 : vector<16xi32>, vector<16xi1> -> vector<16xi32>
        %add3A_1222 = arith.addi %min3A_1117, %masked_cumsum3A_1221 : vector<16xi32>
        tpu.vector_store_idx %arg12[%add3A_1222], %add3A_1213 masked %lt3A_1220 : memref<640xi32, #tpu.memory_space<vmem>>[vector<16xi32>], vector<16xi32>, vector<16xi1>
        %all_reduce_population_count3A_1223 = tpu.all_reduce %lt3A_1220 {dim = 0 : i64, kind = #tpu.reduction_kind<sum>} : vector<16xi1> -> vector<16xi32>
        %add3A_1224 = arith.addi %min3A_1117, %all_reduce_population_count3A_1223 : vector<16xi32>
        %min3A_1225 = arith.minsi %add3A_1224, %broadcast_in_dim3A_62 : vector<16xi32>
        %mul3A_1226 = arith.mulf %add3A_255, %get3A_1205 : vector<16xf32>
        %sub3A_1227 = arith.subf %get3A_1211, %mul3A_1226 : vector<16xf32>
        %mul3A_1228 = arith.mulf %add3A_263, %get3A_1207 : vector<16xf32>
        %sub3A_1229 = arith.subf %sub3A_1227, %mul3A_1228 : vector<16xf32>
        %mul3A_1230 = arith.mulf %add3A_271, %get3A_1209 : vector<16xf32>
        %sub3A_1231 = arith.subf %sub3A_1229, %mul3A_1230 : vector<16xf32>
        %lt3A_1232 = arith.cmpf olt, %sub3A_1231, %sub3A_289 : vector<16xf32>
        %masked_cumsum3A_1233 = tpu.scan <sum>, %broadcast_in_dim3A_54 masked %lt3A_1232 : vector<16xi32>, vector<16xi1> -> vector<16xi32>
        %add3A_1234 = arith.addi %min3A_1129, %masked_cumsum3A_1233 : vector<16xi32>
        tpu.vector_store_idx %arg12[%add3A_1234], %add3A_1213 masked %lt3A_1232 : memref<640xi32, #tpu.memory_space<vmem>>[vector<16xi32>], vector<16xi32>, vector<16xi1>
        %all_reduce_population_count3A_1235 = tpu.all_reduce %lt3A_1232 {dim = 0 : i64, kind = #tpu.reduction_kind<sum>} : vector<16xi1> -> vector<16xi32>
        %add3A_1236 = arith.addi %min3A_1129, %all_reduce_population_count3A_1235 : vector<16xi32>
        %min3A_1237 = arith.minsi %add3A_1236, %broadcast_in_dim3A_64 : vector<16xi32>
        %mul3A_1238 = arith.mulf %add3A_256, %get3A_1205 : vector<16xf32>
        %sub3A_1239 = arith.subf %get3A_1211, %mul3A_1238 : vector<16xf32>
        %mul3A_1240 = arith.mulf %add3A_264, %get3A_1207 : vector<16xf32>
        %sub3A_1241 = arith.subf %sub3A_1239, %mul3A_1240 : vector<16xf32>
        %mul3A_1242 = arith.mulf %add3A_272, %get3A_1209 : vector<16xf32>
        %sub3A_1243 = arith.subf %sub3A_1241, %mul3A_1242 : vector<16xf32>
        %lt3A_1244 = arith.cmpf olt, %sub3A_1243, %sub3A_295 : vector<16xf32>
        %masked_cumsum3A_1245 = tpu.scan <sum>, %broadcast_in_dim3A_54 masked %lt3A_1244 : vector<16xi32>, vector<16xi1> -> vector<16xi32>
        %add3A_1246 = arith.addi %min3A_1141, %masked_cumsum3A_1245 : vector<16xi32>
        tpu.vector_store_idx %arg12[%add3A_1246], %add3A_1213 masked %lt3A_1244 : memref<640xi32, #tpu.memory_space<vmem>>[vector<16xi32>], vector<16xi32>, vector<16xi1>
        %all_reduce_population_count3A_1247 = tpu.all_reduce %lt3A_1244 {dim = 0 : i64, kind = #tpu.reduction_kind<sum>} : vector<16xi1> -> vector<16xi32>
        %add3A_1248 = arith.addi %min3A_1141, %all_reduce_population_count3A_1247 : vector<16xi32>
        %min3A_1249 = arith.minsi %add3A_1248, %broadcast_in_dim3A_66 : vector<16xi32>
        %mul3A_1250 = arith.mulf %add3A_257, %get3A_1205 : vector<16xf32>
        %sub3A_1251 = arith.subf %get3A_1211, %mul3A_1250 : vector<16xf32>
        %mul3A_1252 = arith.mulf %add3A_265, %get3A_1207 : vector<16xf32>
        %sub3A_1253 = arith.subf %sub3A_1251, %mul3A_1252 : vector<16xf32>
        %mul3A_1254 = arith.mulf %add3A_273, %get3A_1209 : vector<16xf32>
        %sub3A_1255 = arith.subf %sub3A_1253, %mul3A_1254 : vector<16xf32>
        %lt3A_1256 = arith.cmpf olt, %sub3A_1255, %sub3A_301 : vector<16xf32>
        %masked_cumsum3A_1257 = tpu.scan <sum>, %broadcast_in_dim3A_54 masked %lt3A_1256 : vector<16xi32>, vector<16xi1> -> vector<16xi32>
        %add3A_1258 = arith.addi %min3A_1153, %masked_cumsum3A_1257 : vector<16xi32>
        tpu.vector_store_idx %arg12[%add3A_1258], %add3A_1213 masked %lt3A_1256 : memref<640xi32, #tpu.memory_space<vmem>>[vector<16xi32>], vector<16xi32>, vector<16xi1>
        %all_reduce_population_count3A_1259 = tpu.all_reduce %lt3A_1256 {dim = 0 : i64, kind = #tpu.reduction_kind<sum>} : vector<16xi1> -> vector<16xi32>
        %add3A_1260 = arith.addi %min3A_1153, %all_reduce_population_count3A_1259 : vector<16xi32>
        %min3A_1261 = arith.minsi %add3A_1260, %broadcast_in_dim3A_68 : vector<16xi32>
        %mul3A_1262 = arith.mulf %add3A_258, %get3A_1205 : vector<16xf32>
        %sub3A_1263 = arith.subf %get3A_1211, %mul3A_1262 : vector<16xf32>
        %mul3A_1264 = arith.mulf %add3A_266, %get3A_1207 : vector<16xf32>
        %sub3A_1265 = arith.subf %sub3A_1263, %mul3A_1264 : vector<16xf32>
        %mul3A_1266 = arith.mulf %add3A_274, %get3A_1209 : vector<16xf32>
        %sub3A_1267 = arith.subf %sub3A_1265, %mul3A_1266 : vector<16xf32>
        %lt3A_1268 = arith.cmpf olt, %sub3A_1267, %sub3A_307 : vector<16xf32>
        %masked_cumsum3A_1269 = tpu.scan <sum>, %broadcast_in_dim3A_54 masked %lt3A_1268 : vector<16xi32>, vector<16xi1> -> vector<16xi32>
        %add3A_1270 = arith.addi %min3A_1165, %masked_cumsum3A_1269 : vector<16xi32>
        tpu.vector_store_idx %arg12[%add3A_1270], %add3A_1213 masked %lt3A_1268 : memref<640xi32, #tpu.memory_space<vmem>>[vector<16xi32>], vector<16xi32>, vector<16xi1>
        %all_reduce_population_count3A_1271 = tpu.all_reduce %lt3A_1268 {dim = 0 : i64, kind = #tpu.reduction_kind<sum>} : vector<16xi1> -> vector<16xi32>
        %add3A_1272 = arith.addi %min3A_1165, %all_reduce_population_count3A_1271 : vector<16xi32>
        %min3A_1273 = arith.minsi %add3A_1272, %broadcast_in_dim3A_70 : vector<16xi32>
        %mul3A_1274 = arith.mulf %add3A_259, %get3A_1205 : vector<16xf32>
        %sub3A_1275 = arith.subf %get3A_1211, %mul3A_1274 : vector<16xf32>
        %mul3A_1276 = arith.mulf %add3A_267, %get3A_1207 : vector<16xf32>
        %sub3A_1277 = arith.subf %sub3A_1275, %mul3A_1276 : vector<16xf32>
        %mul3A_1278 = arith.mulf %add3A_275, %get3A_1209 : vector<16xf32>
        %sub3A_1279 = arith.subf %sub3A_1277, %mul3A_1278 : vector<16xf32>
        %lt3A_1280 = arith.cmpf olt, %sub3A_1279, %sub3A_313 : vector<16xf32>
        %masked_cumsum3A_1281 = tpu.scan <sum>, %broadcast_in_dim3A_54 masked %lt3A_1280 : vector<16xi32>, vector<16xi1> -> vector<16xi32>
        %add3A_1282 = arith.addi %min3A_1177, %masked_cumsum3A_1281 : vector<16xi32>
        tpu.vector_store_idx %arg12[%add3A_1282], %add3A_1213 masked %lt3A_1280 : memref<640xi32, #tpu.memory_space<vmem>>[vector<16xi32>], vector<16xi32>, vector<16xi1>
        %all_reduce_population_count3A_1283 = tpu.all_reduce %lt3A_1280 {dim = 0 : i64, kind = #tpu.reduction_kind<sum>} : vector<16xi1> -> vector<16xi32>
        %add3A_1284 = arith.addi %min3A_1177, %all_reduce_population_count3A_1283 : vector<16xi32>
        %min3A_1285 = arith.minsi %add3A_1284, %broadcast_in_dim3A_72 : vector<16xi32>
        %mul3A_1286 = arith.mulf %add3A_260, %get3A_1205 : vector<16xf32>
        %sub3A_1287 = arith.subf %get3A_1211, %mul3A_1286 : vector<16xf32>
        %mul3A_1288 = arith.mulf %add3A_268, %get3A_1207 : vector<16xf32>
        %sub3A_1289 = arith.subf %sub3A_1287, %mul3A_1288 : vector<16xf32>
        %mul3A_1290 = arith.mulf %add3A_276, %get3A_1209 : vector<16xf32>
        %sub3A_1291 = arith.subf %sub3A_1289, %mul3A_1290 : vector<16xf32>
        %lt3A_1292 = arith.cmpf olt, %sub3A_1291, %sub3A_319 : vector<16xf32>
        %masked_cumsum3A_1293 = tpu.scan <sum>, %broadcast_in_dim3A_54 masked %lt3A_1292 : vector<16xi32>, vector<16xi1> -> vector<16xi32>
        %add3A_1294 = arith.addi %min3A_1189, %masked_cumsum3A_1293 : vector<16xi32>
        tpu.vector_store_idx %arg12[%add3A_1294], %add3A_1213 masked %lt3A_1292 : memref<640xi32, #tpu.memory_space<vmem>>[vector<16xi32>], vector<16xi32>, vector<16xi1>
        %all_reduce_population_count3A_1295 = tpu.all_reduce %lt3A_1292 {dim = 0 : i64, kind = #tpu.reduction_kind<sum>} : vector<16xi1> -> vector<16xi32>
        %add3A_1296 = arith.addi %min3A_1189, %all_reduce_population_count3A_1295 : vector<16xi32>
        %min3A_1297 = arith.minsi %add3A_1296, %broadcast_in_dim3A_74 : vector<16xi32>
        %mul3A_1298 = arith.mulf %add3A_261, %get3A_1205 : vector<16xf32>
        %sub3A_1299 = arith.subf %get3A_1211, %mul3A_1298 : vector<16xf32>
        %mul3A_1300 = arith.mulf %add3A_269, %get3A_1207 : vector<16xf32>
        %sub3A_1301 = arith.subf %sub3A_1299, %mul3A_1300 : vector<16xf32>
        %mul3A_1302 = arith.mulf %add3A_277, %get3A_1209 : vector<16xf32>
        %sub3A_1303 = arith.subf %sub3A_1301, %mul3A_1302 : vector<16xf32>
        %lt3A_1304 = arith.cmpf olt, %sub3A_1303, %sub3A_325 : vector<16xf32>
        %masked_cumsum3A_1305 = tpu.scan <sum>, %broadcast_in_dim3A_54 masked %lt3A_1304 : vector<16xi32>, vector<16xi1> -> vector<16xi32>
        %add3A_1306 = arith.addi %min3A_1201, %masked_cumsum3A_1305 : vector<16xi32>
        tpu.vector_store_idx %arg12[%add3A_1306], %add3A_1213 masked %lt3A_1304 : memref<640xi32, #tpu.memory_space<vmem>>[vector<16xi32>], vector<16xi32>, vector<16xi1>
        %all_reduce_population_count3A_1307 = tpu.all_reduce %lt3A_1304 {dim = 0 : i64, kind = #tpu.reduction_kind<sum>} : vector<16xi1> -> vector<16xi32>
        %add3A_1308 = arith.addi %min3A_1201, %all_reduce_population_count3A_1307 : vector<16xi32>
        %min3A_1309 = arith.minsi %add3A_1308, %broadcast_in_dim3A_76 : vector<16xi32>
        %add3A_1310 = arith.constant 16 : i32
        %add3A_1311 = arith.addi %add3A_1203, %add3A_1310 : i32
        %get3A_1312 = arith.index_cast %add3A_1311 : i32 to index
        %get3A_1313 = tpu.vector_load %arg5[%get3A_1312] {strides = array<i32>} : memref<8192xf32, #tpu.memory_space<vmem>>, vector<16xf32>,
        %get3A_1314 = arith.index_cast %add3A_1311 : i32 to index
        %get3A_1315 = tpu.vector_load %arg6[%get3A_1314] {strides = array<i32>} : memref<8192xf32, #tpu.memory_space<vmem>>, vector<16xf32>,
        %get3A_1316 = arith.index_cast %add3A_1311 : i32 to index
        %get3A_1317 = tpu.vector_load %arg7[%get3A_1316] {strides = array<i32>} : memref<8192xf32, #tpu.memory_space<vmem>>, vector<16xf32>,
        %get3A_1318 = arith.index_cast %add3A_1311 : i32 to index
        %get3A_1319 = tpu.vector_load %arg11[%get3A_1318] {strides = array<i32>} : memref<8192xf32, #tpu.memory_space<vmem>>, vector<16xf32>,
        %add3A_1320 = vector.broadcast %add3A_1311 : i32 to vector<16xi32>
        %add3A_1321 = arith.addi %add3A_1320, %iota3A : vector<16xi32>
        %mul3A_1322 = arith.mulf %add3A_254, %get3A_1313 : vector<16xf32>
        %sub3A_1323 = arith.subf %get3A_1319, %mul3A_1322 : vector<16xf32>
        %mul3A_1324 = arith.mulf %add3A_262, %get3A_1315 : vector<16xf32>
        %sub3A_1325 = arith.subf %sub3A_1323, %mul3A_1324 : vector<16xf32>
        %mul3A_1326 = arith.mulf %add3A_270, %get3A_1317 : vector<16xf32>
        %sub3A_1327 = arith.subf %sub3A_1325, %mul3A_1326 : vector<16xf32>
        %lt3A_1328 = arith.cmpf olt, %sub3A_1327, %sub3A_283 : vector<16xf32>
        %masked_cumsum3A_1329 = tpu.scan <sum>, %broadcast_in_dim3A_54 masked %lt3A_1328 : vector<16xi32>, vector<16xi1> -> vector<16xi32>
        %add3A_1330 = arith.addi %min3A_1225, %masked_cumsum3A_1329 : vector<16xi32>
        tpu.vector_store_idx %arg12[%add3A_1330], %add3A_1321 masked %lt3A_1328 : memref<640xi32, #tpu.memory_space<vmem>>[vector<16xi32>], vector<16xi32>, vector<16xi1>
        %all_reduce_population_count3A_1331 = tpu.all_reduce %lt3A_1328 {dim = 0 : i64, kind = #tpu.reduction_kind<sum>} : vector<16xi1> -> vector<16xi32>
        %add3A_1332 = arith.addi %min3A_1225, %all_reduce_population_count3A_1331 : vector<16xi32>
        %min3A_1333 = arith.minsi %add3A_1332, %broadcast_in_dim3A_62 : vector<16xi32>
        %mul3A_1334 = arith.mulf %add3A_255, %get3A_1313 : vector<16xf32>
        %sub3A_1335 = arith.subf %get3A_1319, %mul3A_1334 : vector<16xf32>
        %mul3A_1336 = arith.mulf %add3A_263, %get3A_1315 : vector<16xf32>
        %sub3A_1337 = arith.subf %sub3A_1335, %mul3A_1336 : vector<16xf32>
        %mul3A_1338 = arith.mulf %add3A_271, %get3A_1317 : vector<16xf32>
        %sub3A_1339 = arith.subf %sub3A_1337, %mul3A_1338 : vector<16xf32>
        %lt3A_1340 = arith.cmpf olt, %sub3A_1339, %sub3A_289 : vector<16xf32>
        %masked_cumsum3A_1341 = tpu.scan <sum>, %broadcast_in_dim3A_54 masked %lt3A_1340 : vector<16xi32>, vector<16xi1> -> vector<16xi32>
        %add3A_1342 = arith.addi %min3A_1237, %masked_cumsum3A_1341 : vector<16xi32>
        tpu.vector_store_idx %arg12[%add3A_1342], %add3A_1321 masked %lt3A_1340 : memref<640xi32, #tpu.memory_space<vmem>>[vector<16xi32>], vector<16xi32>, vector<16xi1>
        %all_reduce_population_count3A_1343 = tpu.all_reduce %lt3A_1340 {dim = 0 : i64, kind = #tpu.reduction_kind<sum>} : vector<16xi1> -> vector<16xi32>
        %add3A_1344 = arith.addi %min3A_1237, %all_reduce_population_count3A_1343 : vector<16xi32>
        %min3A_1345 = arith.minsi %add3A_1344, %broadcast_in_dim3A_64 : vector<16xi32>
        %mul3A_1346 = arith.mulf %add3A_256, %get3A_1313 : vector<16xf32>
        %sub3A_1347 = arith.subf %get3A_1319, %mul3A_1346 : vector<16xf32>
        %mul3A_1348 = arith.mulf %add3A_264, %get3A_1315 : vector<16xf32>
        %sub3A_1349 = arith.subf %sub3A_1347, %mul3A_1348 : vector<16xf32>
        %mul3A_1350 = arith.mulf %add3A_272, %get3A_1317 : vector<16xf32>
        %sub3A_1351 = arith.subf %sub3A_1349, %mul3A_1350 : vector<16xf32>
        %lt3A_1352 = arith.cmpf olt, %sub3A_1351, %sub3A_295 : vector<16xf32>
        %masked_cumsum3A_1353 = tpu.scan <sum>, %broadcast_in_dim3A_54 masked %lt3A_1352 : vector<16xi32>, vector<16xi1> -> vector<16xi32>
        %add3A_1354 = arith.addi %min3A_1249, %masked_cumsum3A_1353 : vector<16xi32>
        tpu.vector_store_idx %arg12[%add3A_1354], %add3A_1321 masked %lt3A_1352 : memref<640xi32, #tpu.memory_space<vmem>>[vector<16xi32>], vector<16xi32>, vector<16xi1>
        %all_reduce_population_count3A_1355 = tpu.all_reduce %lt3A_1352 {dim = 0 : i64, kind = #tpu.reduction_kind<sum>} : vector<16xi1> -> vector<16xi32>
        %add3A_1356 = arith.addi %min3A_1249, %all_reduce_population_count3A_1355 : vector<16xi32>
        %min3A_1357 = arith.minsi %add3A_1356, %broadcast_in_dim3A_66 : vector<16xi32>
        %mul3A_1358 = arith.mulf %add3A_257, %get3A_1313 : vector<16xf32>
        %sub3A_1359 = arith.subf %get3A_1319, %mul3A_1358 : vector<16xf32>
        %mul3A_1360 = arith.mulf %add3A_265, %get3A_1315 : vector<16xf32>
        %sub3A_1361 = arith.subf %sub3A_1359, %mul3A_1360 : vector<16xf32>
        %mul3A_1362 = arith.mulf %add3A_273, %get3A_1317 : vector<16xf32>
        %sub3A_1363 = arith.subf %sub3A_1361, %mul3A_1362 : vector<16xf32>
        %lt3A_1364 = arith.cmpf olt, %sub3A_1363, %sub3A_301 : vector<16xf32>
        %masked_cumsum3A_1365 = tpu.scan <sum>, %broadcast_in_dim3A_54 masked %lt3A_1364 : vector<16xi32>, vector<16xi1> -> vector<16xi32>
        %add3A_1366 = arith.addi %min3A_1261, %masked_cumsum3A_1365 : vector<16xi32>
        tpu.vector_store_idx %arg12[%add3A_1366], %add3A_1321 masked %lt3A_1364 : memref<640xi32, #tpu.memory_space<vmem>>[vector<16xi32>], vector<16xi32>, vector<16xi1>
        %all_reduce_population_count3A_1367 = tpu.all_reduce %lt3A_1364 {dim = 0 : i64, kind = #tpu.reduction_kind<sum>} : vector<16xi1> -> vector<16xi32>
        %add3A_1368 = arith.addi %min3A_1261, %all_reduce_population_count3A_1367 : vector<16xi32>
        %min3A_1369 = arith.minsi %add3A_1368, %broadcast_in_dim3A_68 : vector<16xi32>
        %mul3A_1370 = arith.mulf %add3A_258, %get3A_1313 : vector<16xf32>
        %sub3A_1371 = arith.subf %get3A_1319, %mul3A_1370 : vector<16xf32>
        %mul3A_1372 = arith.mulf %add3A_266, %get3A_1315 : vector<16xf32>
        %sub3A_1373 = arith.subf %sub3A_1371, %mul3A_1372 : vector<16xf32>
        %mul3A_1374 = arith.mulf %add3A_274, %get3A_1317 : vector<16xf32>
        %sub3A_1375 = arith.subf %sub3A_1373, %mul3A_1374 : vector<16xf32>
        %lt3A_1376 = arith.cmpf olt, %sub3A_1375, %sub3A_307 : vector<16xf32>
        %masked_cumsum3A_1377 = tpu.scan <sum>, %broadcast_in_dim3A_54 masked %lt3A_1376 : vector<16xi32>, vector<16xi1> -> vector<16xi32>
        %add3A_1378 = arith.addi %min3A_1273, %masked_cumsum3A_1377 : vector<16xi32>
        tpu.vector_store_idx %arg12[%add3A_1378], %add3A_1321 masked %lt3A_1376 : memref<640xi32, #tpu.memory_space<vmem>>[vector<16xi32>], vector<16xi32>, vector<16xi1>
        %all_reduce_population_count3A_1379 = tpu.all_reduce %lt3A_1376 {dim = 0 : i64, kind = #tpu.reduction_kind<sum>} : vector<16xi1> -> vector<16xi32>
        %add3A_1380 = arith.addi %min3A_1273, %all_reduce_population_count3A_1379 : vector<16xi32>
        %min3A_1381 = arith.minsi %add3A_1380, %broadcast_in_dim3A_70 : vector<16xi32>
        %mul3A_1382 = arith.mulf %add3A_259, %get3A_1313 : vector<16xf32>
        %sub3A_1383 = arith.subf %get3A_1319, %mul3A_1382 : vector<16xf32>
        %mul3A_1384 = arith.mulf %add3A_267, %get3A_1315 : vector<16xf32>
        %sub3A_1385 = arith.subf %sub3A_1383, %mul3A_1384 : vector<16xf32>
        %mul3A_1386 = arith.mulf %add3A_275, %get3A_1317 : vector<16xf32>
        %sub3A_1387 = arith.subf %sub3A_1385, %mul3A_1386 : vector<16xf32>
        %lt3A_1388 = arith.cmpf olt, %sub3A_1387, %sub3A_313 : vector<16xf32>
        %masked_cumsum3A_1389 = tpu.scan <sum>, %broadcast_in_dim3A_54 masked %lt3A_1388 : vector<16xi32>, vector<16xi1> -> vector<16xi32>
        %add3A_1390 = arith.addi %min3A_1285, %masked_cumsum3A_1389 : vector<16xi32>
        tpu.vector_store_idx %arg12[%add3A_1390], %add3A_1321 masked %lt3A_1388 : memref<640xi32, #tpu.memory_space<vmem>>[vector<16xi32>], vector<16xi32>, vector<16xi1>
        %all_reduce_population_count3A_1391 = tpu.all_reduce %lt3A_1388 {dim = 0 : i64, kind = #tpu.reduction_kind<sum>} : vector<16xi1> -> vector<16xi32>
        %add3A_1392 = arith.addi %min3A_1285, %all_reduce_population_count3A_1391 : vector<16xi32>
        %min3A_1393 = arith.minsi %add3A_1392, %broadcast_in_dim3A_72 : vector<16xi32>
        %mul3A_1394 = arith.mulf %add3A_260, %get3A_1313 : vector<16xf32>
        %sub3A_1395 = arith.subf %get3A_1319, %mul3A_1394 : vector<16xf32>
        %mul3A_1396 = arith.mulf %add3A_268, %get3A_1315 : vector<16xf32>
        %sub3A_1397 = arith.subf %sub3A_1395, %mul3A_1396 : vector<16xf32>
        %mul3A_1398 = arith.mulf %add3A_276, %get3A_1317 : vector<16xf32>
        %sub3A_1399 = arith.subf %sub3A_1397, %mul3A_1398 : vector<16xf32>
        %lt3A_1400 = arith.cmpf olt, %sub3A_1399, %sub3A_319 : vector<16xf32>
        %masked_cumsum3A_1401 = tpu.scan <sum>, %broadcast_in_dim3A_54 masked %lt3A_1400 : vector<16xi32>, vector<16xi1> -> vector<16xi32>
        %add3A_1402 = arith.addi %min3A_1297, %masked_cumsum3A_1401 : vector<16xi32>
        tpu.vector_store_idx %arg12[%add3A_1402], %add3A_1321 masked %lt3A_1400 : memref<640xi32, #tpu.memory_space<vmem>>[vector<16xi32>], vector<16xi32>, vector<16xi1>
        %all_reduce_population_count3A_1403 = tpu.all_reduce %lt3A_1400 {dim = 0 : i64, kind = #tpu.reduction_kind<sum>} : vector<16xi1> -> vector<16xi32>
        %add3A_1404 = arith.addi %min3A_1297, %all_reduce_population_count3A_1403 : vector<16xi32>
        %min3A_1405 = arith.minsi %add3A_1404, %broadcast_in_dim3A_74 : vector<16xi32>
        %mul3A_1406 = arith.mulf %add3A_261, %get3A_1313 : vector<16xf32>
        %sub3A_1407 = arith.subf %get3A_1319, %mul3A_1406 : vector<16xf32>
        %mul3A_1408 = arith.mulf %add3A_269, %get3A_1315 : vector<16xf32>
        %sub3A_1409 = arith.subf %sub3A_1407, %mul3A_1408 : vector<16xf32>
        %mul3A_1410 = arith.mulf %add3A_277, %get3A_1317 : vector<16xf32>
        %sub3A_1411 = arith.subf %sub3A_1409, %mul3A_1410 : vector<16xf32>
        %lt3A_1412 = arith.cmpf olt, %sub3A_1411, %sub3A_325 : vector<16xf32>
        %masked_cumsum3A_1413 = tpu.scan <sum>, %broadcast_in_dim3A_54 masked %lt3A_1412 : vector<16xi32>, vector<16xi1> -> vector<16xi32>
        %add3A_1414 = arith.addi %min3A_1309, %masked_cumsum3A_1413 : vector<16xi32>
        tpu.vector_store_idx %arg12[%add3A_1414], %add3A_1321 masked %lt3A_1412 : memref<640xi32, #tpu.memory_space<vmem>>[vector<16xi32>], vector<16xi32>, vector<16xi1>
        %all_reduce_population_count3A_1415 = tpu.all_reduce %lt3A_1412 {dim = 0 : i64, kind = #tpu.reduction_kind<sum>} : vector<16xi1> -> vector<16xi32>
        %add3A_1416 = arith.addi %min3A_1309, %all_reduce_population_count3A_1415 : vector<16xi32>
        %min3A_1417 = arith.minsi %add3A_1416, %broadcast_in_dim3A_76 : vector<16xi32>
        %add3A_1418 = arith.constant 16 : i32
        %add3A_1419 = arith.addi %add3A_1311, %add3A_1418 : i32
        %get3A_1420 = arith.index_cast %add3A_1419 : i32 to index
        %get3A_1421 = tpu.vector_load %arg5[%get3A_1420] {strides = array<i32>} : memref<8192xf32, #tpu.memory_space<vmem>>, vector<16xf32>,
        %get3A_1422 = arith.index_cast %add3A_1419 : i32 to index
        %get3A_1423 = tpu.vector_load %arg6[%get3A_1422] {strides = array<i32>} : memref<8192xf32, #tpu.memory_space<vmem>>, vector<16xf32>,
        %get3A_1424 = arith.index_cast %add3A_1419 : i32 to index
        %get3A_1425 = tpu.vector_load %arg7[%get3A_1424] {strides = array<i32>} : memref<8192xf32, #tpu.memory_space<vmem>>, vector<16xf32>,
        %get3A_1426 = arith.index_cast %add3A_1419 : i32 to index
        %get3A_1427 = tpu.vector_load %arg11[%get3A_1426] {strides = array<i32>} : memref<8192xf32, #tpu.memory_space<vmem>>, vector<16xf32>,
        %add3A_1428 = vector.broadcast %add3A_1419 : i32 to vector<16xi32>
        %add3A_1429 = arith.addi %add3A_1428, %iota3A : vector<16xi32>
        %mul3A_1430 = arith.mulf %add3A_254, %get3A_1421 : vector<16xf32>
        %sub3A_1431 = arith.subf %get3A_1427, %mul3A_1430 : vector<16xf32>
        %mul3A_1432 = arith.mulf %add3A_262, %get3A_1423 : vector<16xf32>
        %sub3A_1433 = arith.subf %sub3A_1431, %mul3A_1432 : vector<16xf32>
        %mul3A_1434 = arith.mulf %add3A_270, %get3A_1425 : vector<16xf32>
        %sub3A_1435 = arith.subf %sub3A_1433, %mul3A_1434 : vector<16xf32>
        %lt3A_1436 = arith.cmpf olt, %sub3A_1435, %sub3A_283 : vector<16xf32>
        %masked_cumsum3A_1437 = tpu.scan <sum>, %broadcast_in_dim3A_54 masked %lt3A_1436 : vector<16xi32>, vector<16xi1> -> vector<16xi32>
        %add3A_1438 = arith.addi %min3A_1333, %masked_cumsum3A_1437 : vector<16xi32>
        tpu.vector_store_idx %arg12[%add3A_1438], %add3A_1429 masked %lt3A_1436 : memref<640xi32, #tpu.memory_space<vmem>>[vector<16xi32>], vector<16xi32>, vector<16xi1>
        %all_reduce_population_count3A_1439 = tpu.all_reduce %lt3A_1436 {dim = 0 : i64, kind = #tpu.reduction_kind<sum>} : vector<16xi1> -> vector<16xi32>
        %add3A_1440 = arith.addi %min3A_1333, %all_reduce_population_count3A_1439 : vector<16xi32>
        %min3A_1441 = arith.minsi %add3A_1440, %broadcast_in_dim3A_62 : vector<16xi32>
        %mul3A_1442 = arith.mulf %add3A_255, %get3A_1421 : vector<16xf32>
        %sub3A_1443 = arith.subf %get3A_1427, %mul3A_1442 : vector<16xf32>
        %mul3A_1444 = arith.mulf %add3A_263, %get3A_1423 : vector<16xf32>
        %sub3A_1445 = arith.subf %sub3A_1443, %mul3A_1444 : vector<16xf32>
        %mul3A_1446 = arith.mulf %add3A_271, %get3A_1425 : vector<16xf32>
        %sub3A_1447 = arith.subf %sub3A_1445, %mul3A_1446 : vector<16xf32>
        %lt3A_1448 = arith.cmpf olt, %sub3A_1447, %sub3A_289 : vector<16xf32>
        %masked_cumsum3A_1449 = tpu.scan <sum>, %broadcast_in_dim3A_54 masked %lt3A_1448 : vector<16xi32>, vector<16xi1> -> vector<16xi32>
        %add3A_1450 = arith.addi %min3A_1345, %masked_cumsum3A_1449 : vector<16xi32>
        tpu.vector_store_idx %arg12[%add3A_1450], %add3A_1429 masked %lt3A_1448 : memref<640xi32, #tpu.memory_space<vmem>>[vector<16xi32>], vector<16xi32>, vector<16xi1>
        %all_reduce_population_count3A_1451 = tpu.all_reduce %lt3A_1448 {dim = 0 : i64, kind = #tpu.reduction_kind<sum>} : vector<16xi1> -> vector<16xi32>
        %add3A_1452 = arith.addi %min3A_1345, %all_reduce_population_count3A_1451 : vector<16xi32>
        %min3A_1453 = arith.minsi %add3A_1452, %broadcast_in_dim3A_64 : vector<16xi32>
        %mul3A_1454 = arith.mulf %add3A_256, %get3A_1421 : vector<16xf32>
        %sub3A_1455 = arith.subf %get3A_1427, %mul3A_1454 : vector<16xf32>
        %mul3A_1456 = arith.mulf %add3A_264, %get3A_1423 : vector<16xf32>
        %sub3A_1457 = arith.subf %sub3A_1455, %mul3A_1456 : vector<16xf32>
        %mul3A_1458 = arith.mulf %add3A_272, %get3A_1425 : vector<16xf32>
        %sub3A_1459 = arith.subf %sub3A_1457, %mul3A_1458 : vector<16xf32>
        %lt3A_1460 = arith.cmpf olt, %sub3A_1459, %sub3A_295 : vector<16xf32>
        %masked_cumsum3A_1461 = tpu.scan <sum>, %broadcast_in_dim3A_54 masked %lt3A_1460 : vector<16xi32>, vector<16xi1> -> vector<16xi32>
        %add3A_1462 = arith.addi %min3A_1357, %masked_cumsum3A_1461 : vector<16xi32>
        tpu.vector_store_idx %arg12[%add3A_1462], %add3A_1429 masked %lt3A_1460 : memref<640xi32, #tpu.memory_space<vmem>>[vector<16xi32>], vector<16xi32>, vector<16xi1>
        %all_reduce_population_count3A_1463 = tpu.all_reduce %lt3A_1460 {dim = 0 : i64, kind = #tpu.reduction_kind<sum>} : vector<16xi1> -> vector<16xi32>
        %add3A_1464 = arith.addi %min3A_1357, %all_reduce_population_count3A_1463 : vector<16xi32>
        %min3A_1465 = arith.minsi %add3A_1464, %broadcast_in_dim3A_66 : vector<16xi32>
        %mul3A_1466 = arith.mulf %add3A_257, %get3A_1421 : vector<16xf32>
        %sub3A_1467 = arith.subf %get3A_1427, %mul3A_1466 : vector<16xf32>
        %mul3A_1468 = arith.mulf %add3A_265, %get3A_1423 : vector<16xf32>
        %sub3A_1469 = arith.subf %sub3A_1467, %mul3A_1468 : vector<16xf32>
        %mul3A_1470 = arith.mulf %add3A_273, %get3A_1425 : vector<16xf32>
        %sub3A_1471 = arith.subf %sub3A_1469, %mul3A_1470 : vector<16xf32>
        %lt3A_1472 = arith.cmpf olt, %sub3A_1471, %sub3A_301 : vector<16xf32>
        %masked_cumsum3A_1473 = tpu.scan <sum>, %broadcast_in_dim3A_54 masked %lt3A_1472 : vector<16xi32>, vector<16xi1> -> vector<16xi32>
        %add3A_1474 = arith.addi %min3A_1369, %masked_cumsum3A_1473 : vector<16xi32>
        tpu.vector_store_idx %arg12[%add3A_1474], %add3A_1429 masked %lt3A_1472 : memref<640xi32, #tpu.memory_space<vmem>>[vector<16xi32>], vector<16xi32>, vector<16xi1>
        %all_reduce_population_count3A_1475 = tpu.all_reduce %lt3A_1472 {dim = 0 : i64, kind = #tpu.reduction_kind<sum>} : vector<16xi1> -> vector<16xi32>
        %add3A_1476 = arith.addi %min3A_1369, %all_reduce_population_count3A_1475 : vector<16xi32>
        %min3A_1477 = arith.minsi %add3A_1476, %broadcast_in_dim3A_68 : vector<16xi32>
        %mul3A_1478 = arith.mulf %add3A_258, %get3A_1421 : vector<16xf32>
        %sub3A_1479 = arith.subf %get3A_1427, %mul3A_1478 : vector<16xf32>
        %mul3A_1480 = arith.mulf %add3A_266, %get3A_1423 : vector<16xf32>
        %sub3A_1481 = arith.subf %sub3A_1479, %mul3A_1480 : vector<16xf32>
        %mul3A_1482 = arith.mulf %add3A_274, %get3A_1425 : vector<16xf32>
        %sub3A_1483 = arith.subf %sub3A_1481, %mul3A_1482 : vector<16xf32>
        %lt3A_1484 = arith.cmpf olt, %sub3A_1483, %sub3A_307 : vector<16xf32>
        %masked_cumsum3A_1485 = tpu.scan <sum>, %broadcast_in_dim3A_54 masked %lt3A_1484 : vector<16xi32>, vector<16xi1> -> vector<16xi32>
        %add3A_1486 = arith.addi %min3A_1381, %masked_cumsum3A_1485 : vector<16xi32>
        tpu.vector_store_idx %arg12[%add3A_1486], %add3A_1429 masked %lt3A_1484 : memref<640xi32, #tpu.memory_space<vmem>>[vector<16xi32>], vector<16xi32>, vector<16xi1>
        %all_reduce_population_count3A_1487 = tpu.all_reduce %lt3A_1484 {dim = 0 : i64, kind = #tpu.reduction_kind<sum>} : vector<16xi1> -> vector<16xi32>
        %add3A_1488 = arith.addi %min3A_1381, %all_reduce_population_count3A_1487 : vector<16xi32>
        %min3A_1489 = arith.minsi %add3A_1488, %broadcast_in_dim3A_70 : vector<16xi32>
        %mul3A_1490 = arith.mulf %add3A_259, %get3A_1421 : vector<16xf32>
        %sub3A_1491 = arith.subf %get3A_1427, %mul3A_1490 : vector<16xf32>
        %mul3A_1492 = arith.mulf %add3A_267, %get3A_1423 : vector<16xf32>
        %sub3A_1493 = arith.subf %sub3A_1491, %mul3A_1492 : vector<16xf32>
        %mul3A_1494 = arith.mulf %add3A_275, %get3A_1425 : vector<16xf32>
        %sub3A_1495 = arith.subf %sub3A_1493, %mul3A_1494 : vector<16xf32>
        %lt3A_1496 = arith.cmpf olt, %sub3A_1495, %sub3A_313 : vector<16xf32>
        %masked_cumsum3A_1497 = tpu.scan <sum>, %broadcast_in_dim3A_54 masked %lt3A_1496 : vector<16xi32>, vector<16xi1> -> vector<16xi32>
        %add3A_1498 = arith.addi %min3A_1393, %masked_cumsum3A_1497 : vector<16xi32>
        tpu.vector_store_idx %arg12[%add3A_1498], %add3A_1429 masked %lt3A_1496 : memref<640xi32, #tpu.memory_space<vmem>>[vector<16xi32>], vector<16xi32>, vector<16xi1>
        %all_reduce_population_count3A_1499 = tpu.all_reduce %lt3A_1496 {dim = 0 : i64, kind = #tpu.reduction_kind<sum>} : vector<16xi1> -> vector<16xi32>
        %add3A_1500 = arith.addi %min3A_1393, %all_reduce_population_count3A_1499 : vector<16xi32>
        %min3A_1501 = arith.minsi %add3A_1500, %broadcast_in_dim3A_72 : vector<16xi32>
        %mul3A_1502 = arith.mulf %add3A_260, %get3A_1421 : vector<16xf32>
        %sub3A_1503 = arith.subf %get3A_1427, %mul3A_1502 : vector<16xf32>
        %mul3A_1504 = arith.mulf %add3A_268, %get3A_1423 : vector<16xf32>
        %sub3A_1505 = arith.subf %sub3A_1503, %mul3A_1504 : vector<16xf32>
        %mul3A_1506 = arith.mulf %add3A_276, %get3A_1425 : vector<16xf32>
        %sub3A_1507 = arith.subf %sub3A_1505, %mul3A_1506 : vector<16xf32>
        %lt3A_1508 = arith.cmpf olt, %sub3A_1507, %sub3A_319 : vector<16xf32>
        %masked_cumsum3A_1509 = tpu.scan <sum>, %broadcast_in_dim3A_54 masked %lt3A_1508 : vector<16xi32>, vector<16xi1> -> vector<16xi32>
        %add3A_1510 = arith.addi %min3A_1405, %masked_cumsum3A_1509 : vector<16xi32>
        tpu.vector_store_idx %arg12[%add3A_1510], %add3A_1429 masked %lt3A_1508 : memref<640xi32, #tpu.memory_space<vmem>>[vector<16xi32>], vector<16xi32>, vector<16xi1>
        %all_reduce_population_count3A_1511 = tpu.all_reduce %lt3A_1508 {dim = 0 : i64, kind = #tpu.reduction_kind<sum>} : vector<16xi1> -> vector<16xi32>
        %add3A_1512 = arith.addi %min3A_1405, %all_reduce_population_count3A_1511 : vector<16xi32>
        %min3A_1513 = arith.minsi %add3A_1512, %broadcast_in_dim3A_74 : vector<16xi32>
        %mul3A_1514 = arith.mulf %add3A_261, %get3A_1421 : vector<16xf32>
        %sub3A_1515 = arith.subf %get3A_1427, %mul3A_1514 : vector<16xf32>
        %mul3A_1516 = arith.mulf %add3A_269, %get3A_1423 : vector<16xf32>
        %sub3A_1517 = arith.subf %sub3A_1515, %mul3A_1516 : vector<16xf32>
        %mul3A_1518 = arith.mulf %add3A_277, %get3A_1425 : vector<16xf32>
        %sub3A_1519 = arith.subf %sub3A_1517, %mul3A_1518 : vector<16xf32>
        %lt3A_1520 = arith.cmpf olt, %sub3A_1519, %sub3A_325 : vector<16xf32>
        %masked_cumsum3A_1521 = tpu.scan <sum>, %broadcast_in_dim3A_54 masked %lt3A_1520 : vector<16xi32>, vector<16xi1> -> vector<16xi32>
        %add3A_1522 = arith.addi %min3A_1417, %masked_cumsum3A_1521 : vector<16xi32>
        tpu.vector_store_idx %arg12[%add3A_1522], %add3A_1429 masked %lt3A_1520 : memref<640xi32, #tpu.memory_space<vmem>>[vector<16xi32>], vector<16xi32>, vector<16xi1>
        %all_reduce_population_count3A_1523 = tpu.all_reduce %lt3A_1520 {dim = 0 : i64, kind = #tpu.reduction_kind<sum>} : vector<16xi1> -> vector<16xi32>
        %add3A_1524 = arith.addi %min3A_1417, %all_reduce_population_count3A_1523 : vector<16xi32>
        %min3A_1525 = arith.minsi %add3A_1524, %broadcast_in_dim3A_76 : vector<16xi32>
        %add3A_1526 = arith.constant 16 : i32
        %add3A_1527 = arith.addi %add3A_1419, %add3A_1526 : i32
        %get3A_1528 = arith.index_cast %add3A_1527 : i32 to index
        %get3A_1529 = tpu.vector_load %arg5[%get3A_1528] {strides = array<i32>} : memref<8192xf32, #tpu.memory_space<vmem>>, vector<16xf32>,
        %get3A_1530 = arith.index_cast %add3A_1527 : i32 to index
        %get3A_1531 = tpu.vector_load %arg6[%get3A_1530] {strides = array<i32>} : memref<8192xf32, #tpu.memory_space<vmem>>, vector<16xf32>,
        %get3A_1532 = arith.index_cast %add3A_1527 : i32 to index
        %get3A_1533 = tpu.vector_load %arg7[%get3A_1532] {strides = array<i32>} : memref<8192xf32, #tpu.memory_space<vmem>>, vector<16xf32>,
        %get3A_1534 = arith.index_cast %add3A_1527 : i32 to index
        %get3A_1535 = tpu.vector_load %arg11[%get3A_1534] {strides = array<i32>} : memref<8192xf32, #tpu.memory_space<vmem>>, vector<16xf32>,
        %add3A_1536 = vector.broadcast %add3A_1527 : i32 to vector<16xi32>
        %add3A_1537 = arith.addi %add3A_1536, %iota3A : vector<16xi32>
        %mul3A_1538 = arith.mulf %add3A_254, %get3A_1529 : vector<16xf32>
        %sub3A_1539 = arith.subf %get3A_1535, %mul3A_1538 : vector<16xf32>
        %mul3A_1540 = arith.mulf %add3A_262, %get3A_1531 : vector<16xf32>
        %sub3A_1541 = arith.subf %sub3A_1539, %mul3A_1540 : vector<16xf32>
        %mul3A_1542 = arith.mulf %add3A_270, %get3A_1533 : vector<16xf32>
        %sub3A_1543 = arith.subf %sub3A_1541, %mul3A_1542 : vector<16xf32>
        %lt3A_1544 = arith.cmpf olt, %sub3A_1543, %sub3A_283 : vector<16xf32>
        %masked_cumsum3A_1545 = tpu.scan <sum>, %broadcast_in_dim3A_54 masked %lt3A_1544 : vector<16xi32>, vector<16xi1> -> vector<16xi32>
        %add3A_1546 = arith.addi %min3A_1441, %masked_cumsum3A_1545 : vector<16xi32>
        tpu.vector_store_idx %arg12[%add3A_1546], %add3A_1537 masked %lt3A_1544 : memref<640xi32, #tpu.memory_space<vmem>>[vector<16xi32>], vector<16xi32>, vector<16xi1>
        %all_reduce_population_count3A_1547 = tpu.all_reduce %lt3A_1544 {dim = 0 : i64, kind = #tpu.reduction_kind<sum>} : vector<16xi1> -> vector<16xi32>
        %add3A_1548 = arith.addi %min3A_1441, %all_reduce_population_count3A_1547 : vector<16xi32>
        %min3A_1549 = arith.minsi %add3A_1548, %broadcast_in_dim3A_62 : vector<16xi32>
        %mul3A_1550 = arith.mulf %add3A_255, %get3A_1529 : vector<16xf32>
        %sub3A_1551 = arith.subf %get3A_1535, %mul3A_1550 : vector<16xf32>
        %mul3A_1552 = arith.mulf %add3A_263, %get3A_1531 : vector<16xf32>
        %sub3A_1553 = arith.subf %sub3A_1551, %mul3A_1552 : vector<16xf32>
        %mul3A_1554 = arith.mulf %add3A_271, %get3A_1533 : vector<16xf32>
        %sub3A_1555 = arith.subf %sub3A_1553, %mul3A_1554 : vector<16xf32>
        %lt3A_1556 = arith.cmpf olt, %sub3A_1555, %sub3A_289 : vector<16xf32>
        %masked_cumsum3A_1557 = tpu.scan <sum>, %broadcast_in_dim3A_54 masked %lt3A_1556 : vector<16xi32>, vector<16xi1> -> vector<16xi32>
        %add3A_1558 = arith.addi %min3A_1453, %masked_cumsum3A_1557 : vector<16xi32>
        tpu.vector_store_idx %arg12[%add3A_1558], %add3A_1537 masked %lt3A_1556 : memref<640xi32, #tpu.memory_space<vmem>>[vector<16xi32>], vector<16xi32>, vector<16xi1>
        %all_reduce_population_count3A_1559 = tpu.all_reduce %lt3A_1556 {dim = 0 : i64, kind = #tpu.reduction_kind<sum>} : vector<16xi1> -> vector<16xi32>
        %add3A_1560 = arith.addi %min3A_1453, %all_reduce_population_count3A_1559 : vector<16xi32>
        %min3A_1561 = arith.minsi %add3A_1560, %broadcast_in_dim3A_64 : vector<16xi32>
        %mul3A_1562 = arith.mulf %add3A_256, %get3A_1529 : vector<16xf32>
        %sub3A_1563 = arith.subf %get3A_1535, %mul3A_1562 : vector<16xf32>
        %mul3A_1564 = arith.mulf %add3A_264, %get3A_1531 : vector<16xf32>
        %sub3A_1565 = arith.subf %sub3A_1563, %mul3A_1564 : vector<16xf32>
        %mul3A_1566 = arith.mulf %add3A_272, %get3A_1533 : vector<16xf32>
        %sub3A_1567 = arith.subf %sub3A_1565, %mul3A_1566 : vector<16xf32>
        %lt3A_1568 = arith.cmpf olt, %sub3A_1567, %sub3A_295 : vector<16xf32>
        %masked_cumsum3A_1569 = tpu.scan <sum>, %broadcast_in_dim3A_54 masked %lt3A_1568 : vector<16xi32>, vector<16xi1> -> vector<16xi32>
        %add3A_1570 = arith.addi %min3A_1465, %masked_cumsum3A_1569 : vector<16xi32>
        tpu.vector_store_idx %arg12[%add3A_1570], %add3A_1537 masked %lt3A_1568 : memref<640xi32, #tpu.memory_space<vmem>>[vector<16xi32>], vector<16xi32>, vector<16xi1>
        %all_reduce_population_count3A_1571 = tpu.all_reduce %lt3A_1568 {dim = 0 : i64, kind = #tpu.reduction_kind<sum>} : vector<16xi1> -> vector<16xi32>
        %add3A_1572 = arith.addi %min3A_1465, %all_reduce_population_count3A_1571 : vector<16xi32>
        %min3A_1573 = arith.minsi %add3A_1572, %broadcast_in_dim3A_66 : vector<16xi32>
        %mul3A_1574 = arith.mulf %add3A_257, %get3A_1529 : vector<16xf32>
        %sub3A_1575 = arith.subf %get3A_1535, %mul3A_1574 : vector<16xf32>
        %mul3A_1576 = arith.mulf %add3A_265, %get3A_1531 : vector<16xf32>
        %sub3A_1577 = arith.subf %sub3A_1575, %mul3A_1576 : vector<16xf32>
        %mul3A_1578 = arith.mulf %add3A_273, %get3A_1533 : vector<16xf32>
        %sub3A_1579 = arith.subf %sub3A_1577, %mul3A_1578 : vector<16xf32>
        %lt3A_1580 = arith.cmpf olt, %sub3A_1579, %sub3A_301 : vector<16xf32>
        %masked_cumsum3A_1581 = tpu.scan <sum>, %broadcast_in_dim3A_54 masked %lt3A_1580 : vector<16xi32>, vector<16xi1> -> vector<16xi32>
        %add3A_1582 = arith.addi %min3A_1477, %masked_cumsum3A_1581 : vector<16xi32>
        tpu.vector_store_idx %arg12[%add3A_1582], %add3A_1537 masked %lt3A_1580 : memref<640xi32, #tpu.memory_space<vmem>>[vector<16xi32>], vector<16xi32>, vector<16xi1>
        %all_reduce_population_count3A_1583 = tpu.all_reduce %lt3A_1580 {dim = 0 : i64, kind = #tpu.reduction_kind<sum>} : vector<16xi1> -> vector<16xi32>
        %add3A_1584 = arith.addi %min3A_1477, %all_reduce_population_count3A_1583 : vector<16xi32>
        %min3A_1585 = arith.minsi %add3A_1584, %broadcast_in_dim3A_68 : vector<16xi32>
        %mul3A_1586 = arith.mulf %add3A_258, %get3A_1529 : vector<16xf32>
        %sub3A_1587 = arith.subf %get3A_1535, %mul3A_1586 : vector<16xf32>
        %mul3A_1588 = arith.mulf %add3A_266, %get3A_1531 : vector<16xf32>
        %sub3A_1589 = arith.subf %sub3A_1587, %mul3A_1588 : vector<16xf32>
        %mul3A_1590 = arith.mulf %add3A_274, %get3A_1533 : vector<16xf32>
        %sub3A_1591 = arith.subf %sub3A_1589, %mul3A_1590 : vector<16xf32>
        %lt3A_1592 = arith.cmpf olt, %sub3A_1591, %sub3A_307 : vector<16xf32>
        %masked_cumsum3A_1593 = tpu.scan <sum>, %broadcast_in_dim3A_54 masked %lt3A_1592 : vector<16xi32>, vector<16xi1> -> vector<16xi32>
        %add3A_1594 = arith.addi %min3A_1489, %masked_cumsum3A_1593 : vector<16xi32>
        tpu.vector_store_idx %arg12[%add3A_1594], %add3A_1537 masked %lt3A_1592 : memref<640xi32, #tpu.memory_space<vmem>>[vector<16xi32>], vector<16xi32>, vector<16xi1>
        %all_reduce_population_count3A_1595 = tpu.all_reduce %lt3A_1592 {dim = 0 : i64, kind = #tpu.reduction_kind<sum>} : vector<16xi1> -> vector<16xi32>
        %add3A_1596 = arith.addi %min3A_1489, %all_reduce_population_count3A_1595 : vector<16xi32>
        %min3A_1597 = arith.minsi %add3A_1596, %broadcast_in_dim3A_70 : vector<16xi32>
        %mul3A_1598 = arith.mulf %add3A_259, %get3A_1529 : vector<16xf32>
        %sub3A_1599 = arith.subf %get3A_1535, %mul3A_1598 : vector<16xf32>
        %mul3A_1600 = arith.mulf %add3A_267, %get3A_1531 : vector<16xf32>
        %sub3A_1601 = arith.subf %sub3A_1599, %mul3A_1600 : vector<16xf32>
        %mul3A_1602 = arith.mulf %add3A_275, %get3A_1533 : vector<16xf32>
        %sub3A_1603 = arith.subf %sub3A_1601, %mul3A_1602 : vector<16xf32>
        %lt3A_1604 = arith.cmpf olt, %sub3A_1603, %sub3A_313 : vector<16xf32>
        %masked_cumsum3A_1605 = tpu.scan <sum>, %broadcast_in_dim3A_54 masked %lt3A_1604 : vector<16xi32>, vector<16xi1> -> vector<16xi32>
        %add3A_1606 = arith.addi %min3A_1501, %masked_cumsum3A_1605 : vector<16xi32>
        tpu.vector_store_idx %arg12[%add3A_1606], %add3A_1537 masked %lt3A_1604 : memref<640xi32, #tpu.memory_space<vmem>>[vector<16xi32>], vector<16xi32>, vector<16xi1>
        %all_reduce_population_count3A_1607 = tpu.all_reduce %lt3A_1604 {dim = 0 : i64, kind = #tpu.reduction_kind<sum>} : vector<16xi1> -> vector<16xi32>
        %add3A_1608 = arith.addi %min3A_1501, %all_reduce_population_count3A_1607 : vector<16xi32>
        %min3A_1609 = arith.minsi %add3A_1608, %broadcast_in_dim3A_72 : vector<16xi32>
        %mul3A_1610 = arith.mulf %add3A_260, %get3A_1529 : vector<16xf32>
        %sub3A_1611 = arith.subf %get3A_1535, %mul3A_1610 : vector<16xf32>
        %mul3A_1612 = arith.mulf %add3A_268, %get3A_1531 : vector<16xf32>
        %sub3A_1613 = arith.subf %sub3A_1611, %mul3A_1612 : vector<16xf32>
        %mul3A_1614 = arith.mulf %add3A_276, %get3A_1533 : vector<16xf32>
        %sub3A_1615 = arith.subf %sub3A_1613, %mul3A_1614 : vector<16xf32>
        %lt3A_1616 = arith.cmpf olt, %sub3A_1615, %sub3A_319 : vector<16xf32>
        %masked_cumsum3A_1617 = tpu.scan <sum>, %broadcast_in_dim3A_54 masked %lt3A_1616 : vector<16xi32>, vector<16xi1> -> vector<16xi32>
        %add3A_1618 = arith.addi %min3A_1513, %masked_cumsum3A_1617 : vector<16xi32>
        tpu.vector_store_idx %arg12[%add3A_1618], %add3A_1537 masked %lt3A_1616 : memref<640xi32, #tpu.memory_space<vmem>>[vector<16xi32>], vector<16xi32>, vector<16xi1>
        %all_reduce_population_count3A_1619 = tpu.all_reduce %lt3A_1616 {dim = 0 : i64, kind = #tpu.reduction_kind<sum>} : vector<16xi1> -> vector<16xi32>
        %add3A_1620 = arith.addi %min3A_1513, %all_reduce_population_count3A_1619 : vector<16xi32>
        %min3A_1621 = arith.minsi %add3A_1620, %broadcast_in_dim3A_74 : vector<16xi32>
        %mul3A_1622 = arith.mulf %add3A_261, %get3A_1529 : vector<16xf32>
        %sub3A_1623 = arith.subf %get3A_1535, %mul3A_1622 : vector<16xf32>
        %mul3A_1624 = arith.mulf %add3A_269, %get3A_1531 : vector<16xf32>
        %sub3A_1625 = arith.subf %sub3A_1623, %mul3A_1624 : vector<16xf32>
        %mul3A_1626 = arith.mulf %add3A_277, %get3A_1533 : vector<16xf32>
        %sub3A_1627 = arith.subf %sub3A_1625, %mul3A_1626 : vector<16xf32>
        %lt3A_1628 = arith.cmpf olt, %sub3A_1627, %sub3A_325 : vector<16xf32>
        %masked_cumsum3A_1629 = tpu.scan <sum>, %broadcast_in_dim3A_54 masked %lt3A_1628 : vector<16xi32>, vector<16xi1> -> vector<16xi32>
        %add3A_1630 = arith.addi %min3A_1525, %masked_cumsum3A_1629 : vector<16xi32>
        tpu.vector_store_idx %arg12[%add3A_1630], %add3A_1537 masked %lt3A_1628 : memref<640xi32, #tpu.memory_space<vmem>>[vector<16xi32>], vector<16xi32>, vector<16xi1>
        %all_reduce_population_count3A_1631 = tpu.all_reduce %lt3A_1628 {dim = 0 : i64, kind = #tpu.reduction_kind<sum>} : vector<16xi1> -> vector<16xi32>
        %add3A_1632 = arith.addi %min3A_1525, %all_reduce_population_count3A_1631 : vector<16xi32>
        %min3A_1633 = arith.minsi %add3A_1632, %broadcast_in_dim3A_76 : vector<16xi32>
        %add3A_1634 = arith.constant 16 : i32
        %add3A_1635 = arith.addi %add3A_1527, %add3A_1634 : i32
        %get3A_1636 = arith.index_cast %add3A_1635 : i32 to index
        %get3A_1637 = tpu.vector_load %arg5[%get3A_1636] {strides = array<i32>} : memref<8192xf32, #tpu.memory_space<vmem>>, vector<16xf32>,
        %get3A_1638 = arith.index_cast %add3A_1635 : i32 to index
        %get3A_1639 = tpu.vector_load %arg6[%get3A_1638] {strides = array<i32>} : memref<8192xf32, #tpu.memory_space<vmem>>, vector<16xf32>,
        %get3A_1640 = arith.index_cast %add3A_1635 : i32 to index
        %get3A_1641 = tpu.vector_load %arg7[%get3A_1640] {strides = array<i32>} : memref<8192xf32, #tpu.memory_space<vmem>>, vector<16xf32>,
        %get3A_1642 = arith.index_cast %add3A_1635 : i32 to index
        %get3A_1643 = tpu.vector_load %arg11[%get3A_1642] {strides = array<i32>} : memref<8192xf32, #tpu.memory_space<vmem>>, vector<16xf32>,
        %add3A_1644 = vector.broadcast %add3A_1635 : i32 to vector<16xi32>
        %add3A_1645 = arith.addi %add3A_1644, %iota3A : vector<16xi32>
        %mul3A_1646 = arith.mulf %add3A_254, %get3A_1637 : vector<16xf32>
        %sub3A_1647 = arith.subf %get3A_1643, %mul3A_1646 : vector<16xf32>
        %mul3A_1648 = arith.mulf %add3A_262, %get3A_1639 : vector<16xf32>
        %sub3A_1649 = arith.subf %sub3A_1647, %mul3A_1648 : vector<16xf32>
        %mul3A_1650 = arith.mulf %add3A_270, %get3A_1641 : vector<16xf32>
        %sub3A_1651 = arith.subf %sub3A_1649, %mul3A_1650 : vector<16xf32>
        %lt3A_1652 = arith.cmpf olt, %sub3A_1651, %sub3A_283 : vector<16xf32>
        %masked_cumsum3A_1653 = tpu.scan <sum>, %broadcast_in_dim3A_54 masked %lt3A_1652 : vector<16xi32>, vector<16xi1> -> vector<16xi32>
        %add3A_1654 = arith.addi %min3A_1549, %masked_cumsum3A_1653 : vector<16xi32>
        tpu.vector_store_idx %arg12[%add3A_1654], %add3A_1645 masked %lt3A_1652 : memref<640xi32, #tpu.memory_space<vmem>>[vector<16xi32>], vector<16xi32>, vector<16xi1>
        %all_reduce_population_count3A_1655 = tpu.all_reduce %lt3A_1652 {dim = 0 : i64, kind = #tpu.reduction_kind<sum>} : vector<16xi1> -> vector<16xi32>
        %add3A_1656 = arith.addi %min3A_1549, %all_reduce_population_count3A_1655 : vector<16xi32>
        %min3A_1657 = arith.minsi %add3A_1656, %broadcast_in_dim3A_62 : vector<16xi32>
        %mul3A_1658 = arith.mulf %add3A_255, %get3A_1637 : vector<16xf32>
        %sub3A_1659 = arith.subf %get3A_1643, %mul3A_1658 : vector<16xf32>
        %mul3A_1660 = arith.mulf %add3A_263, %get3A_1639 : vector<16xf32>
        %sub3A_1661 = arith.subf %sub3A_1659, %mul3A_1660 : vector<16xf32>
        %mul3A_1662 = arith.mulf %add3A_271, %get3A_1641 : vector<16xf32>
        %sub3A_1663 = arith.subf %sub3A_1661, %mul3A_1662 : vector<16xf32>
        %lt3A_1664 = arith.cmpf olt, %sub3A_1663, %sub3A_289 : vector<16xf32>
        %masked_cumsum3A_1665 = tpu.scan <sum>, %broadcast_in_dim3A_54 masked %lt3A_1664 : vector<16xi32>, vector<16xi1> -> vector<16xi32>
        %add3A_1666 = arith.addi %min3A_1561, %masked_cumsum3A_1665 : vector<16xi32>
        tpu.vector_store_idx %arg12[%add3A_1666], %add3A_1645 masked %lt3A_1664 : memref<640xi32, #tpu.memory_space<vmem>>[vector<16xi32>], vector<16xi32>, vector<16xi1>
        %all_reduce_population_count3A_1667 = tpu.all_reduce %lt3A_1664 {dim = 0 : i64, kind = #tpu.reduction_kind<sum>} : vector<16xi1> -> vector<16xi32>
        %add3A_1668 = arith.addi %min3A_1561, %all_reduce_population_count3A_1667 : vector<16xi32>
        %min3A_1669 = arith.minsi %add3A_1668, %broadcast_in_dim3A_64 : vector<16xi32>
        %mul3A_1670 = arith.mulf %add3A_256, %get3A_1637 : vector<16xf32>
        %sub3A_1671 = arith.subf %get3A_1643, %mul3A_1670 : vector<16xf32>
        %mul3A_1672 = arith.mulf %add3A_264, %get3A_1639 : vector<16xf32>
        %sub3A_1673 = arith.subf %sub3A_1671, %mul3A_1672 : vector<16xf32>
        %mul3A_1674 = arith.mulf %add3A_272, %get3A_1641 : vector<16xf32>
        %sub3A_1675 = arith.subf %sub3A_1673, %mul3A_1674 : vector<16xf32>
        %lt3A_1676 = arith.cmpf olt, %sub3A_1675, %sub3A_295 : vector<16xf32>
        %masked_cumsum3A_1677 = tpu.scan <sum>, %broadcast_in_dim3A_54 masked %lt3A_1676 : vector<16xi32>, vector<16xi1> -> vector<16xi32>
        %add3A_1678 = arith.addi %min3A_1573, %masked_cumsum3A_1677 : vector<16xi32>
        tpu.vector_store_idx %arg12[%add3A_1678], %add3A_1645 masked %lt3A_1676 : memref<640xi32, #tpu.memory_space<vmem>>[vector<16xi32>], vector<16xi32>, vector<16xi1>
        %all_reduce_population_count3A_1679 = tpu.all_reduce %lt3A_1676 {dim = 0 : i64, kind = #tpu.reduction_kind<sum>} : vector<16xi1> -> vector<16xi32>
        %add3A_1680 = arith.addi %min3A_1573, %all_reduce_population_count3A_1679 : vector<16xi32>
        %min3A_1681 = arith.minsi %add3A_1680, %broadcast_in_dim3A_66 : vector<16xi32>
        %mul3A_1682 = arith.mulf %add3A_257, %get3A_1637 : vector<16xf32>
        %sub3A_1683 = arith.subf %get3A_1643, %mul3A_1682 : vector<16xf32>
        %mul3A_1684 = arith.mulf %add3A_265, %get3A_1639 : vector<16xf32>
        %sub3A_1685 = arith.subf %sub3A_1683, %mul3A_1684 : vector<16xf32>
        %mul3A_1686 = arith.mulf %add3A_273, %get3A_1641 : vector<16xf32>
        %sub3A_1687 = arith.subf %sub3A_1685, %mul3A_1686 : vector<16xf32>
        %lt3A_1688 = arith.cmpf olt, %sub3A_1687, %sub3A_301 : vector<16xf32>
        %masked_cumsum3A_1689 = tpu.scan <sum>, %broadcast_in_dim3A_54 masked %lt3A_1688 : vector<16xi32>, vector<16xi1> -> vector<16xi32>
        %add3A_1690 = arith.addi %min3A_1585, %masked_cumsum3A_1689 : vector<16xi32>
        tpu.vector_store_idx %arg12[%add3A_1690], %add3A_1645 masked %lt3A_1688 : memref<640xi32, #tpu.memory_space<vmem>>[vector<16xi32>], vector<16xi32>, vector<16xi1>
        %all_reduce_population_count3A_1691 = tpu.all_reduce %lt3A_1688 {dim = 0 : i64, kind = #tpu.reduction_kind<sum>} : vector<16xi1> -> vector<16xi32>
        %add3A_1692 = arith.addi %min3A_1585, %all_reduce_population_count3A_1691 : vector<16xi32>
        %min3A_1693 = arith.minsi %add3A_1692, %broadcast_in_dim3A_68 : vector<16xi32>
        %mul3A_1694 = arith.mulf %add3A_258, %get3A_1637 : vector<16xf32>
        %sub3A_1695 = arith.subf %get3A_1643, %mul3A_1694 : vector<16xf32>
        %mul3A_1696 = arith.mulf %add3A_266, %get3A_1639 : vector<16xf32>
        %sub3A_1697 = arith.subf %sub3A_1695, %mul3A_1696 : vector<16xf32>
        %mul3A_1698 = arith.mulf %add3A_274, %get3A_1641 : vector<16xf32>
        %sub3A_1699 = arith.subf %sub3A_1697, %mul3A_1698 : vector<16xf32>
        %lt3A_1700 = arith.cmpf olt, %sub3A_1699, %sub3A_307 : vector<16xf32>
        %masked_cumsum3A_1701 = tpu.scan <sum>, %broadcast_in_dim3A_54 masked %lt3A_1700 : vector<16xi32>, vector<16xi1> -> vector<16xi32>
        %add3A_1702 = arith.addi %min3A_1597, %masked_cumsum3A_1701 : vector<16xi32>
        tpu.vector_store_idx %arg12[%add3A_1702], %add3A_1645 masked %lt3A_1700 : memref<640xi32, #tpu.memory_space<vmem>>[vector<16xi32>], vector<16xi32>, vector<16xi1>
        %all_reduce_population_count3A_1703 = tpu.all_reduce %lt3A_1700 {dim = 0 : i64, kind = #tpu.reduction_kind<sum>} : vector<16xi1> -> vector<16xi32>
        %add3A_1704 = arith.addi %min3A_1597, %all_reduce_population_count3A_1703 : vector<16xi32>
        %min3A_1705 = arith.minsi %add3A_1704, %broadcast_in_dim3A_70 : vector<16xi32>
        %mul3A_1706 = arith.mulf %add3A_259, %get3A_1637 : vector<16xf32>
        %sub3A_1707 = arith.subf %get3A_1643, %mul3A_1706 : vector<16xf32>
        %mul3A_1708 = arith.mulf %add3A_267, %get3A_1639 : vector<16xf32>
        %sub3A_1709 = arith.subf %sub3A_1707, %mul3A_1708 : vector<16xf32>
        %mul3A_1710 = arith.mulf %add3A_275, %get3A_1641 : vector<16xf32>
        %sub3A_1711 = arith.subf %sub3A_1709, %mul3A_1710 : vector<16xf32>
        %lt3A_1712 = arith.cmpf olt, %sub3A_1711, %sub3A_313 : vector<16xf32>
        %masked_cumsum3A_1713 = tpu.scan <sum>, %broadcast_in_dim3A_54 masked %lt3A_1712 : vector<16xi32>, vector<16xi1> -> vector<16xi32>
        %add3A_1714 = arith.addi %min3A_1609, %masked_cumsum3A_1713 : vector<16xi32>
        tpu.vector_store_idx %arg12[%add3A_1714], %add3A_1645 masked %lt3A_1712 : memref<640xi32, #tpu.memory_space<vmem>>[vector<16xi32>], vector<16xi32>, vector<16xi1>
        %all_reduce_population_count3A_1715 = tpu.all_reduce %lt3A_1712 {dim = 0 : i64, kind = #tpu.reduction_kind<sum>} : vector<16xi1> -> vector<16xi32>
        %add3A_1716 = arith.addi %min3A_1609, %all_reduce_population_count3A_1715 : vector<16xi32>
        %min3A_1717 = arith.minsi %add3A_1716, %broadcast_in_dim3A_72 : vector<16xi32>
        %mul3A_1718 = arith.mulf %add3A_260, %get3A_1637 : vector<16xf32>
        %sub3A_1719 = arith.subf %get3A_1643, %mul3A_1718 : vector<16xf32>
        %mul3A_1720 = arith.mulf %add3A_268, %get3A_1639 : vector<16xf32>
        %sub3A_1721 = arith.subf %sub3A_1719, %mul3A_1720 : vector<16xf32>
        %mul3A_1722 = arith.mulf %add3A_276, %get3A_1641 : vector<16xf32>
        %sub3A_1723 = arith.subf %sub3A_1721, %mul3A_1722 : vector<16xf32>
        %lt3A_1724 = arith.cmpf olt, %sub3A_1723, %sub3A_319 : vector<16xf32>
        %masked_cumsum3A_1725 = tpu.scan <sum>, %broadcast_in_dim3A_54 masked %lt3A_1724 : vector<16xi32>, vector<16xi1> -> vector<16xi32>
        %add3A_1726 = arith.addi %min3A_1621, %masked_cumsum3A_1725 : vector<16xi32>
        tpu.vector_store_idx %arg12[%add3A_1726], %add3A_1645 masked %lt3A_1724 : memref<640xi32, #tpu.memory_space<vmem>>[vector<16xi32>], vector<16xi32>, vector<16xi1>
        %all_reduce_population_count3A_1727 = tpu.all_reduce %lt3A_1724 {dim = 0 : i64, kind = #tpu.reduction_kind<sum>} : vector<16xi1> -> vector<16xi32>
        %add3A_1728 = arith.addi %min3A_1621, %all_reduce_population_count3A_1727 : vector<16xi32>
        %min3A_1729 = arith.minsi %add3A_1728, %broadcast_in_dim3A_74 : vector<16xi32>
        %mul3A_1730 = arith.mulf %add3A_261, %get3A_1637 : vector<16xf32>
        %sub3A_1731 = arith.subf %get3A_1643, %mul3A_1730 : vector<16xf32>
        %mul3A_1732 = arith.mulf %add3A_269, %get3A_1639 : vector<16xf32>
        %sub3A_1733 = arith.subf %sub3A_1731, %mul3A_1732 : vector<16xf32>
        %mul3A_1734 = arith.mulf %add3A_277, %get3A_1641 : vector<16xf32>
        %sub3A_1735 = arith.subf %sub3A_1733, %mul3A_1734 : vector<16xf32>
        %lt3A_1736 = arith.cmpf olt, %sub3A_1735, %sub3A_325 : vector<16xf32>
        %masked_cumsum3A_1737 = tpu.scan <sum>, %broadcast_in_dim3A_54 masked %lt3A_1736 : vector<16xi32>, vector<16xi1> -> vector<16xi32>
        %add3A_1738 = arith.addi %min3A_1633, %masked_cumsum3A_1737 : vector<16xi32>
        tpu.vector_store_idx %arg12[%add3A_1738], %add3A_1645 masked %lt3A_1736 : memref<640xi32, #tpu.memory_space<vmem>>[vector<16xi32>], vector<16xi32>, vector<16xi1>
        %all_reduce_population_count3A_1739 = tpu.all_reduce %lt3A_1736 {dim = 0 : i64, kind = #tpu.reduction_kind<sum>} : vector<16xi1> -> vector<16xi32>
        %add3A_1740 = arith.addi %min3A_1633, %all_reduce_population_count3A_1739 : vector<16xi32>
        %min3A_1741 = arith.minsi %add3A_1740, %broadcast_in_dim3A_76 : vector<16xi32>
        %add3A_1742 = arith.constant 16 : i32
        %add3A_1743 = arith.addi %add3A_1635, %add3A_1742 : i32
        %get3A_1744 = arith.index_cast %add3A_1743 : i32 to index
        %get3A_1745 = tpu.vector_load %arg5[%get3A_1744] {strides = array<i32>} : memref<8192xf32, #tpu.memory_space<vmem>>, vector<16xf32>,
        %get3A_1746 = arith.index_cast %add3A_1743 : i32 to index
        %get3A_1747 = tpu.vector_load %arg6[%get3A_1746] {strides = array<i32>} : memref<8192xf32, #tpu.memory_space<vmem>>, vector<16xf32>,
        %get3A_1748 = arith.index_cast %add3A_1743 : i32 to index
        %get3A_1749 = tpu.vector_load %arg7[%get3A_1748] {strides = array<i32>} : memref<8192xf32, #tpu.memory_space<vmem>>, vector<16xf32>,
        %get3A_1750 = arith.index_cast %add3A_1743 : i32 to index
        %get3A_1751 = tpu.vector_load %arg11[%get3A_1750] {strides = array<i32>} : memref<8192xf32, #tpu.memory_space<vmem>>, vector<16xf32>,
        %add3A_1752 = vector.broadcast %add3A_1743 : i32 to vector<16xi32>
        %add3A_1753 = arith.addi %add3A_1752, %iota3A : vector<16xi32>
        %mul3A_1754 = arith.mulf %add3A_254, %get3A_1745 : vector<16xf32>
        %sub3A_1755 = arith.subf %get3A_1751, %mul3A_1754 : vector<16xf32>
        %mul3A_1756 = arith.mulf %add3A_262, %get3A_1747 : vector<16xf32>
        %sub3A_1757 = arith.subf %sub3A_1755, %mul3A_1756 : vector<16xf32>
        %mul3A_1758 = arith.mulf %add3A_270, %get3A_1749 : vector<16xf32>
        %sub3A_1759 = arith.subf %sub3A_1757, %mul3A_1758 : vector<16xf32>
        %lt3A_1760 = arith.cmpf olt, %sub3A_1759, %sub3A_283 : vector<16xf32>
        %masked_cumsum3A_1761 = tpu.scan <sum>, %broadcast_in_dim3A_54 masked %lt3A_1760 : vector<16xi32>, vector<16xi1> -> vector<16xi32>
        %add3A_1762 = arith.addi %min3A_1657, %masked_cumsum3A_1761 : vector<16xi32>
        tpu.vector_store_idx %arg12[%add3A_1762], %add3A_1753 masked %lt3A_1760 : memref<640xi32, #tpu.memory_space<vmem>>[vector<16xi32>], vector<16xi32>, vector<16xi1>
        %all_reduce_population_count3A_1763 = tpu.all_reduce %lt3A_1760 {dim = 0 : i64, kind = #tpu.reduction_kind<sum>} : vector<16xi1> -> vector<16xi32>
        %add3A_1764 = arith.addi %min3A_1657, %all_reduce_population_count3A_1763 : vector<16xi32>
        %min3A_1765 = arith.minsi %add3A_1764, %broadcast_in_dim3A_62 : vector<16xi32>
        %mul3A_1766 = arith.mulf %add3A_255, %get3A_1745 : vector<16xf32>
        %sub3A_1767 = arith.subf %get3A_1751, %mul3A_1766 : vector<16xf32>
        %mul3A_1768 = arith.mulf %add3A_263, %get3A_1747 : vector<16xf32>
        %sub3A_1769 = arith.subf %sub3A_1767, %mul3A_1768 : vector<16xf32>
        %mul3A_1770 = arith.mulf %add3A_271, %get3A_1749 : vector<16xf32>
        %sub3A_1771 = arith.subf %sub3A_1769, %mul3A_1770 : vector<16xf32>
        %lt3A_1772 = arith.cmpf olt, %sub3A_1771, %sub3A_289 : vector<16xf32>
        %masked_cumsum3A_1773 = tpu.scan <sum>, %broadcast_in_dim3A_54 masked %lt3A_1772 : vector<16xi32>, vector<16xi1> -> vector<16xi32>
        %add3A_1774 = arith.addi %min3A_1669, %masked_cumsum3A_1773 : vector<16xi32>
        tpu.vector_store_idx %arg12[%add3A_1774], %add3A_1753 masked %lt3A_1772 : memref<640xi32, #tpu.memory_space<vmem>>[vector<16xi32>], vector<16xi32>, vector<16xi1>
        %all_reduce_population_count3A_1775 = tpu.all_reduce %lt3A_1772 {dim = 0 : i64, kind = #tpu.reduction_kind<sum>} : vector<16xi1> -> vector<16xi32>
        %add3A_1776 = arith.addi %min3A_1669, %all_reduce_population_count3A_1775 : vector<16xi32>
        %min3A_1777 = arith.minsi %add3A_1776, %broadcast_in_dim3A_64 : vector<16xi32>
        %mul3A_1778 = arith.mulf %add3A_256, %get3A_1745 : vector<16xf32>
        %sub3A_1779 = arith.subf %get3A_1751, %mul3A_1778 : vector<16xf32>
        %mul3A_1780 = arith.mulf %add3A_264, %get3A_1747 : vector<16xf32>
        %sub3A_1781 = arith.subf %sub3A_1779, %mul3A_1780 : vector<16xf32>
        %mul3A_1782 = arith.mulf %add3A_272, %get3A_1749 : vector<16xf32>
        %sub3A_1783 = arith.subf %sub3A_1781, %mul3A_1782 : vector<16xf32>
        %lt3A_1784 = arith.cmpf olt, %sub3A_1783, %sub3A_295 : vector<16xf32>
        %masked_cumsum3A_1785 = tpu.scan <sum>, %broadcast_in_dim3A_54 masked %lt3A_1784 : vector<16xi32>, vector<16xi1> -> vector<16xi32>
        %add3A_1786 = arith.addi %min3A_1681, %masked_cumsum3A_1785 : vector<16xi32>
        tpu.vector_store_idx %arg12[%add3A_1786], %add3A_1753 masked %lt3A_1784 : memref<640xi32, #tpu.memory_space<vmem>>[vector<16xi32>], vector<16xi32>, vector<16xi1>
        %all_reduce_population_count3A_1787 = tpu.all_reduce %lt3A_1784 {dim = 0 : i64, kind = #tpu.reduction_kind<sum>} : vector<16xi1> -> vector<16xi32>
        %add3A_1788 = arith.addi %min3A_1681, %all_reduce_population_count3A_1787 : vector<16xi32>
        %min3A_1789 = arith.minsi %add3A_1788, %broadcast_in_dim3A_66 : vector<16xi32>
        %mul3A_1790 = arith.mulf %add3A_257, %get3A_1745 : vector<16xf32>
        %sub3A_1791 = arith.subf %get3A_1751, %mul3A_1790 : vector<16xf32>
        %mul3A_1792 = arith.mulf %add3A_265, %get3A_1747 : vector<16xf32>
        %sub3A_1793 = arith.subf %sub3A_1791, %mul3A_1792 : vector<16xf32>
        %mul3A_1794 = arith.mulf %add3A_273, %get3A_1749 : vector<16xf32>
        %sub3A_1795 = arith.subf %sub3A_1793, %mul3A_1794 : vector<16xf32>
        %lt3A_1796 = arith.cmpf olt, %sub3A_1795, %sub3A_301 : vector<16xf32>
        %masked_cumsum3A_1797 = tpu.scan <sum>, %broadcast_in_dim3A_54 masked %lt3A_1796 : vector<16xi32>, vector<16xi1> -> vector<16xi32>
        %add3A_1798 = arith.addi %min3A_1693, %masked_cumsum3A_1797 : vector<16xi32>
        tpu.vector_store_idx %arg12[%add3A_1798], %add3A_1753 masked %lt3A_1796 : memref<640xi32, #tpu.memory_space<vmem>>[vector<16xi32>], vector<16xi32>, vector<16xi1>
        %all_reduce_population_count3A_1799 = tpu.all_reduce %lt3A_1796 {dim = 0 : i64, kind = #tpu.reduction_kind<sum>} : vector<16xi1> -> vector<16xi32>
        %add3A_1800 = arith.addi %min3A_1693, %all_reduce_population_count3A_1799 : vector<16xi32>
        %min3A_1801 = arith.minsi %add3A_1800, %broadcast_in_dim3A_68 : vector<16xi32>
        %mul3A_1802 = arith.mulf %add3A_258, %get3A_1745 : vector<16xf32>
        %sub3A_1803 = arith.subf %get3A_1751, %mul3A_1802 : vector<16xf32>
        %mul3A_1804 = arith.mulf %add3A_266, %get3A_1747 : vector<16xf32>
        %sub3A_1805 = arith.subf %sub3A_1803, %mul3A_1804 : vector<16xf32>
        %mul3A_1806 = arith.mulf %add3A_274, %get3A_1749 : vector<16xf32>
        %sub3A_1807 = arith.subf %sub3A_1805, %mul3A_1806 : vector<16xf32>
        %lt3A_1808 = arith.cmpf olt, %sub3A_1807, %sub3A_307 : vector<16xf32>
        %masked_cumsum3A_1809 = tpu.scan <sum>, %broadcast_in_dim3A_54 masked %lt3A_1808 : vector<16xi32>, vector<16xi1> -> vector<16xi32>
        %add3A_1810 = arith.addi %min3A_1705, %masked_cumsum3A_1809 : vector<16xi32>
        tpu.vector_store_idx %arg12[%add3A_1810], %add3A_1753 masked %lt3A_1808 : memref<640xi32, #tpu.memory_space<vmem>>[vector<16xi32>], vector<16xi32>, vector<16xi1>
        %all_reduce_population_count3A_1811 = tpu.all_reduce %lt3A_1808 {dim = 0 : i64, kind = #tpu.reduction_kind<sum>} : vector<16xi1> -> vector<16xi32>
        %add3A_1812 = arith.addi %min3A_1705, %all_reduce_population_count3A_1811 : vector<16xi32>
        %min3A_1813 = arith.minsi %add3A_1812, %broadcast_in_dim3A_70 : vector<16xi32>
        %mul3A_1814 = arith.mulf %add3A_259, %get3A_1745 : vector<16xf32>
        %sub3A_1815 = arith.subf %get3A_1751, %mul3A_1814 : vector<16xf32>
        %mul3A_1816 = arith.mulf %add3A_267, %get3A_1747 : vector<16xf32>
        %sub3A_1817 = arith.subf %sub3A_1815, %mul3A_1816 : vector<16xf32>
        %mul3A_1818 = arith.mulf %add3A_275, %get3A_1749 : vector<16xf32>
        %sub3A_1819 = arith.subf %sub3A_1817, %mul3A_1818 : vector<16xf32>
        %lt3A_1820 = arith.cmpf olt, %sub3A_1819, %sub3A_313 : vector<16xf32>
        %masked_cumsum3A_1821 = tpu.scan <sum>, %broadcast_in_dim3A_54 masked %lt3A_1820 : vector<16xi32>, vector<16xi1> -> vector<16xi32>
        %add3A_1822 = arith.addi %min3A_1717, %masked_cumsum3A_1821 : vector<16xi32>
        tpu.vector_store_idx %arg12[%add3A_1822], %add3A_1753 masked %lt3A_1820 : memref<640xi32, #tpu.memory_space<vmem>>[vector<16xi32>], vector<16xi32>, vector<16xi1>
        %all_reduce_population_count3A_1823 = tpu.all_reduce %lt3A_1820 {dim = 0 : i64, kind = #tpu.reduction_kind<sum>} : vector<16xi1> -> vector<16xi32>
        %add3A_1824 = arith.addi %min3A_1717, %all_reduce_population_count3A_1823 : vector<16xi32>
        %min3A_1825 = arith.minsi %add3A_1824, %broadcast_in_dim3A_72 : vector<16xi32>
        %mul3A_1826 = arith.mulf %add3A_260, %get3A_1745 : vector<16xf32>
        %sub3A_1827 = arith.subf %get3A_1751, %mul3A_1826 : vector<16xf32>
        %mul3A_1828 = arith.mulf %add3A_268, %get3A_1747 : vector<16xf32>
        %sub3A_1829 = arith.subf %sub3A_1827, %mul3A_1828 : vector<16xf32>
        %mul3A_1830 = arith.mulf %add3A_276, %get3A_1749 : vector<16xf32>
        %sub3A_1831 = arith.subf %sub3A_1829, %mul3A_1830 : vector<16xf32>
        %lt3A_1832 = arith.cmpf olt, %sub3A_1831, %sub3A_319 : vector<16xf32>
        %masked_cumsum3A_1833 = tpu.scan <sum>, %broadcast_in_dim3A_54 masked %lt3A_1832 : vector<16xi32>, vector<16xi1> -> vector<16xi32>
        %add3A_1834 = arith.addi %min3A_1729, %masked_cumsum3A_1833 : vector<16xi32>
        tpu.vector_store_idx %arg12[%add3A_1834], %add3A_1753 masked %lt3A_1832 : memref<640xi32, #tpu.memory_space<vmem>>[vector<16xi32>], vector<16xi32>, vector<16xi1>
        %all_reduce_population_count3A_1835 = tpu.all_reduce %lt3A_1832 {dim = 0 : i64, kind = #tpu.reduction_kind<sum>} : vector<16xi1> -> vector<16xi32>
        %add3A_1836 = arith.addi %min3A_1729, %all_reduce_population_count3A_1835 : vector<16xi32>
        %min3A_1837 = arith.minsi %add3A_1836, %broadcast_in_dim3A_74 : vector<16xi32>
        %mul3A_1838 = arith.mulf %add3A_261, %get3A_1745 : vector<16xf32>
        %sub3A_1839 = arith.subf %get3A_1751, %mul3A_1838 : vector<16xf32>
        %mul3A_1840 = arith.mulf %add3A_269, %get3A_1747 : vector<16xf32>
        %sub3A_1841 = arith.subf %sub3A_1839, %mul3A_1840 : vector<16xf32>
        %mul3A_1842 = arith.mulf %add3A_277, %get3A_1749 : vector<16xf32>
        %sub3A_1843 = arith.subf %sub3A_1841, %mul3A_1842 : vector<16xf32>
        %lt3A_1844 = arith.cmpf olt, %sub3A_1843, %sub3A_325 : vector<16xf32>
        %masked_cumsum3A_1845 = tpu.scan <sum>, %broadcast_in_dim3A_54 masked %lt3A_1844 : vector<16xi32>, vector<16xi1> -> vector<16xi32>
        %add3A_1846 = arith.addi %min3A_1741, %masked_cumsum3A_1845 : vector<16xi32>
        tpu.vector_store_idx %arg12[%add3A_1846], %add3A_1753 masked %lt3A_1844 : memref<640xi32, #tpu.memory_space<vmem>>[vector<16xi32>], vector<16xi32>, vector<16xi1>
        %all_reduce_population_count3A_1847 = tpu.all_reduce %lt3A_1844 {dim = 0 : i64, kind = #tpu.reduction_kind<sum>} : vector<16xi1> -> vector<16xi32>
        %add3A_1848 = arith.addi %min3A_1741, %all_reduce_population_count3A_1847 : vector<16xi32>
        %min3A_1849 = arith.minsi %add3A_1848, %broadcast_in_dim3A_76 : vector<16xi32>
        %add3A_1850 = arith.constant 16 : i32
        %add3A_1851 = arith.addi %add3A_1743, %add3A_1850 : i32
        %get3A_1852 = arith.index_cast %add3A_1851 : i32 to index
        %get3A_1853 = tpu.vector_load %arg5[%get3A_1852] {strides = array<i32>} : memref<8192xf32, #tpu.memory_space<vmem>>, vector<16xf32>,
        %get3A_1854 = arith.index_cast %add3A_1851 : i32 to index
        %get3A_1855 = tpu.vector_load %arg6[%get3A_1854] {strides = array<i32>} : memref<8192xf32, #tpu.memory_space<vmem>>, vector<16xf32>,
        %get3A_1856 = arith.index_cast %add3A_1851 : i32 to index
        %get3A_1857 = tpu.vector_load %arg7[%get3A_1856] {strides = array<i32>} : memref<8192xf32, #tpu.memory_space<vmem>>, vector<16xf32>,
        %get3A_1858 = arith.index_cast %add3A_1851 : i32 to index
        %get3A_1859 = tpu.vector_load %arg11[%get3A_1858] {strides = array<i32>} : memref<8192xf32, #tpu.memory_space<vmem>>, vector<16xf32>,
        %add3A_1860 = vector.broadcast %add3A_1851 : i32 to vector<16xi32>
        %add3A_1861 = arith.addi %add3A_1860, %iota3A : vector<16xi32>
        %mul3A_1862 = arith.mulf %add3A_254, %get3A_1853 : vector<16xf32>
        %sub3A_1863 = arith.subf %get3A_1859, %mul3A_1862 : vector<16xf32>
        %mul3A_1864 = arith.mulf %add3A_262, %get3A_1855 : vector<16xf32>
        %sub3A_1865 = arith.subf %sub3A_1863, %mul3A_1864 : vector<16xf32>
        %mul3A_1866 = arith.mulf %add3A_270, %get3A_1857 : vector<16xf32>
        %sub3A_1867 = arith.subf %sub3A_1865, %mul3A_1866 : vector<16xf32>
        %lt3A_1868 = arith.cmpf olt, %sub3A_1867, %sub3A_283 : vector<16xf32>
        %masked_cumsum3A_1869 = tpu.scan <sum>, %broadcast_in_dim3A_54 masked %lt3A_1868 : vector<16xi32>, vector<16xi1> -> vector<16xi32>
        %add3A_1870 = arith.addi %min3A_1765, %masked_cumsum3A_1869 : vector<16xi32>
        tpu.vector_store_idx %arg12[%add3A_1870], %add3A_1861 masked %lt3A_1868 : memref<640xi32, #tpu.memory_space<vmem>>[vector<16xi32>], vector<16xi32>, vector<16xi1>
        %all_reduce_population_count3A_1871 = tpu.all_reduce %lt3A_1868 {dim = 0 : i64, kind = #tpu.reduction_kind<sum>} : vector<16xi1> -> vector<16xi32>
        %add3A_1872 = arith.addi %min3A_1765, %all_reduce_population_count3A_1871 : vector<16xi32>
        %min3A_1873 = arith.minsi %add3A_1872, %broadcast_in_dim3A_62 : vector<16xi32>
        %mul3A_1874 = arith.mulf %add3A_255, %get3A_1853 : vector<16xf32>
        %sub3A_1875 = arith.subf %get3A_1859, %mul3A_1874 : vector<16xf32>
        %mul3A_1876 = arith.mulf %add3A_263, %get3A_1855 : vector<16xf32>
        %sub3A_1877 = arith.subf %sub3A_1875, %mul3A_1876 : vector<16xf32>
        %mul3A_1878 = arith.mulf %add3A_271, %get3A_1857 : vector<16xf32>
        %sub3A_1879 = arith.subf %sub3A_1877, %mul3A_1878 : vector<16xf32>
        %lt3A_1880 = arith.cmpf olt, %sub3A_1879, %sub3A_289 : vector<16xf32>
        %masked_cumsum3A_1881 = tpu.scan <sum>, %broadcast_in_dim3A_54 masked %lt3A_1880 : vector<16xi32>, vector<16xi1> -> vector<16xi32>
        %add3A_1882 = arith.addi %min3A_1777, %masked_cumsum3A_1881 : vector<16xi32>
        tpu.vector_store_idx %arg12[%add3A_1882], %add3A_1861 masked %lt3A_1880 : memref<640xi32, #tpu.memory_space<vmem>>[vector<16xi32>], vector<16xi32>, vector<16xi1>
        %all_reduce_population_count3A_1883 = tpu.all_reduce %lt3A_1880 {dim = 0 : i64, kind = #tpu.reduction_kind<sum>} : vector<16xi1> -> vector<16xi32>
        %add3A_1884 = arith.addi %min3A_1777, %all_reduce_population_count3A_1883 : vector<16xi32>
        %min3A_1885 = arith.minsi %add3A_1884, %broadcast_in_dim3A_64 : vector<16xi32>
        %mul3A_1886 = arith.mulf %add3A_256, %get3A_1853 : vector<16xf32>
        %sub3A_1887 = arith.subf %get3A_1859, %mul3A_1886 : vector<16xf32>
        %mul3A_1888 = arith.mulf %add3A_264, %get3A_1855 : vector<16xf32>
        %sub3A_1889 = arith.subf %sub3A_1887, %mul3A_1888 : vector<16xf32>
        %mul3A_1890 = arith.mulf %add3A_272, %get3A_1857 : vector<16xf32>
        %sub3A_1891 = arith.subf %sub3A_1889, %mul3A_1890 : vector<16xf32>
        %lt3A_1892 = arith.cmpf olt, %sub3A_1891, %sub3A_295 : vector<16xf32>
        %masked_cumsum3A_1893 = tpu.scan <sum>, %broadcast_in_dim3A_54 masked %lt3A_1892 : vector<16xi32>, vector<16xi1> -> vector<16xi32>
        %add3A_1894 = arith.addi %min3A_1789, %masked_cumsum3A_1893 : vector<16xi32>
        tpu.vector_store_idx %arg12[%add3A_1894], %add3A_1861 masked %lt3A_1892 : memref<640xi32, #tpu.memory_space<vmem>>[vector<16xi32>], vector<16xi32>, vector<16xi1>
        %all_reduce_population_count3A_1895 = tpu.all_reduce %lt3A_1892 {dim = 0 : i64, kind = #tpu.reduction_kind<sum>} : vector<16xi1> -> vector<16xi32>
        %add3A_1896 = arith.addi %min3A_1789, %all_reduce_population_count3A_1895 : vector<16xi32>
        %min3A_1897 = arith.minsi %add3A_1896, %broadcast_in_dim3A_66 : vector<16xi32>
        %mul3A_1898 = arith.mulf %add3A_257, %get3A_1853 : vector<16xf32>
        %sub3A_1899 = arith.subf %get3A_1859, %mul3A_1898 : vector<16xf32>
        %mul3A_1900 = arith.mulf %add3A_265, %get3A_1855 : vector<16xf32>
        %sub3A_1901 = arith.subf %sub3A_1899, %mul3A_1900 : vector<16xf32>
        %mul3A_1902 = arith.mulf %add3A_273, %get3A_1857 : vector<16xf32>
        %sub3A_1903 = arith.subf %sub3A_1901, %mul3A_1902 : vector<16xf32>
        %lt3A_1904 = arith.cmpf olt, %sub3A_1903, %sub3A_301 : vector<16xf32>
        %masked_cumsum3A_1905 = tpu.scan <sum>, %broadcast_in_dim3A_54 masked %lt3A_1904 : vector<16xi32>, vector<16xi1> -> vector<16xi32>
        %add3A_1906 = arith.addi %min3A_1801, %masked_cumsum3A_1905 : vector<16xi32>
        tpu.vector_store_idx %arg12[%add3A_1906], %add3A_1861 masked %lt3A_1904 : memref<640xi32, #tpu.memory_space<vmem>>[vector<16xi32>], vector<16xi32>, vector<16xi1>
        %all_reduce_population_count3A_1907 = tpu.all_reduce %lt3A_1904 {dim = 0 : i64, kind = #tpu.reduction_kind<sum>} : vector<16xi1> -> vector<16xi32>
        %add3A_1908 = arith.addi %min3A_1801, %all_reduce_population_count3A_1907 : vector<16xi32>
        %min3A_1909 = arith.minsi %add3A_1908, %broadcast_in_dim3A_68 : vector<16xi32>
        %mul3A_1910 = arith.mulf %add3A_258, %get3A_1853 : vector<16xf32>
        %sub3A_1911 = arith.subf %get3A_1859, %mul3A_1910 : vector<16xf32>
        %mul3A_1912 = arith.mulf %add3A_266, %get3A_1855 : vector<16xf32>
        %sub3A_1913 = arith.subf %sub3A_1911, %mul3A_1912 : vector<16xf32>
        %mul3A_1914 = arith.mulf %add3A_274, %get3A_1857 : vector<16xf32>
        %sub3A_1915 = arith.subf %sub3A_1913, %mul3A_1914 : vector<16xf32>
        %lt3A_1916 = arith.cmpf olt, %sub3A_1915, %sub3A_307 : vector<16xf32>
        %masked_cumsum3A_1917 = tpu.scan <sum>, %broadcast_in_dim3A_54 masked %lt3A_1916 : vector<16xi32>, vector<16xi1> -> vector<16xi32>
        %add3A_1918 = arith.addi %min3A_1813, %masked_cumsum3A_1917 : vector<16xi32>
        tpu.vector_store_idx %arg12[%add3A_1918], %add3A_1861 masked %lt3A_1916 : memref<640xi32, #tpu.memory_space<vmem>>[vector<16xi32>], vector<16xi32>, vector<16xi1>
        %all_reduce_population_count3A_1919 = tpu.all_reduce %lt3A_1916 {dim = 0 : i64, kind = #tpu.reduction_kind<sum>} : vector<16xi1> -> vector<16xi32>
        %add3A_1920 = arith.addi %min3A_1813, %all_reduce_population_count3A_1919 : vector<16xi32>
        %min3A_1921 = arith.minsi %add3A_1920, %broadcast_in_dim3A_70 : vector<16xi32>
        %mul3A_1922 = arith.mulf %add3A_259, %get3A_1853 : vector<16xf32>
        %sub3A_1923 = arith.subf %get3A_1859, %mul3A_1922 : vector<16xf32>
        %mul3A_1924 = arith.mulf %add3A_267, %get3A_1855 : vector<16xf32>
        %sub3A_1925 = arith.subf %sub3A_1923, %mul3A_1924 : vector<16xf32>
        %mul3A_1926 = arith.mulf %add3A_275, %get3A_1857 : vector<16xf32>
        %sub3A_1927 = arith.subf %sub3A_1925, %mul3A_1926 : vector<16xf32>
        %lt3A_1928 = arith.cmpf olt, %sub3A_1927, %sub3A_313 : vector<16xf32>
        %masked_cumsum3A_1929 = tpu.scan <sum>, %broadcast_in_dim3A_54 masked %lt3A_1928 : vector<16xi32>, vector<16xi1> -> vector<16xi32>
        %add3A_1930 = arith.addi %min3A_1825, %masked_cumsum3A_1929 : vector<16xi32>
        tpu.vector_store_idx %arg12[%add3A_1930], %add3A_1861 masked %lt3A_1928 : memref<640xi32, #tpu.memory_space<vmem>>[vector<16xi32>], vector<16xi32>, vector<16xi1>
        %all_reduce_population_count3A_1931 = tpu.all_reduce %lt3A_1928 {dim = 0 : i64, kind = #tpu.reduction_kind<sum>} : vector<16xi1> -> vector<16xi32>
        %add3A_1932 = arith.addi %min3A_1825, %all_reduce_population_count3A_1931 : vector<16xi32>
        %min3A_1933 = arith.minsi %add3A_1932, %broadcast_in_dim3A_72 : vector<16xi32>
        %mul3A_1934 = arith.mulf %add3A_260, %get3A_1853 : vector<16xf32>
        %sub3A_1935 = arith.subf %get3A_1859, %mul3A_1934 : vector<16xf32>
        %mul3A_1936 = arith.mulf %add3A_268, %get3A_1855 : vector<16xf32>
        %sub3A_1937 = arith.subf %sub3A_1935, %mul3A_1936 : vector<16xf32>
        %mul3A_1938 = arith.mulf %add3A_276, %get3A_1857 : vector<16xf32>
        %sub3A_1939 = arith.subf %sub3A_1937, %mul3A_1938 : vector<16xf32>
        %lt3A_1940 = arith.cmpf olt, %sub3A_1939, %sub3A_319 : vector<16xf32>
        %masked_cumsum3A_1941 = tpu.scan <sum>, %broadcast_in_dim3A_54 masked %lt3A_1940 : vector<16xi32>, vector<16xi1> -> vector<16xi32>
        %add3A_1942 = arith.addi %min3A_1837, %masked_cumsum3A_1941 : vector<16xi32>
        tpu.vector_store_idx %arg12[%add3A_1942], %add3A_1861 masked %lt3A_1940 : memref<640xi32, #tpu.memory_space<vmem>>[vector<16xi32>], vector<16xi32>, vector<16xi1>
        %all_reduce_population_count3A_1943 = tpu.all_reduce %lt3A_1940 {dim = 0 : i64, kind = #tpu.reduction_kind<sum>} : vector<16xi1> -> vector<16xi32>
        %add3A_1944 = arith.addi %min3A_1837, %all_reduce_population_count3A_1943 : vector<16xi32>
        %min3A_1945 = arith.minsi %add3A_1944, %broadcast_in_dim3A_74 : vector<16xi32>
        %mul3A_1946 = arith.mulf %add3A_261, %get3A_1853 : vector<16xf32>
        %sub3A_1947 = arith.subf %get3A_1859, %mul3A_1946 : vector<16xf32>
        %mul3A_1948 = arith.mulf %add3A_269, %get3A_1855 : vector<16xf32>
        %sub3A_1949 = arith.subf %sub3A_1947, %mul3A_1948 : vector<16xf32>
        %mul3A_1950 = arith.mulf %add3A_277, %get3A_1857 : vector<16xf32>
        %sub3A_1951 = arith.subf %sub3A_1949, %mul3A_1950 : vector<16xf32>
        %lt3A_1952 = arith.cmpf olt, %sub3A_1951, %sub3A_325 : vector<16xf32>
        %masked_cumsum3A_1953 = tpu.scan <sum>, %broadcast_in_dim3A_54 masked %lt3A_1952 : vector<16xi32>, vector<16xi1> -> vector<16xi32>
        %add3A_1954 = arith.addi %min3A_1849, %masked_cumsum3A_1953 : vector<16xi32>
        tpu.vector_store_idx %arg12[%add3A_1954], %add3A_1861 masked %lt3A_1952 : memref<640xi32, #tpu.memory_space<vmem>>[vector<16xi32>], vector<16xi32>, vector<16xi1>
        %all_reduce_population_count3A_1955 = tpu.all_reduce %lt3A_1952 {dim = 0 : i64, kind = #tpu.reduction_kind<sum>} : vector<16xi1> -> vector<16xi32>
        %add3A_1956 = arith.addi %min3A_1849, %all_reduce_population_count3A_1955 : vector<16xi32>
        %min3A_1957 = arith.minsi %add3A_1956, %broadcast_in_dim3A_76 : vector<16xi32>
        %add3A_1958 = arith.constant 16 : i32
        %add3A_1959 = arith.addi %add3A_1851, %add3A_1958 : i32
        %get3A_1960 = arith.index_cast %add3A_1959 : i32 to index
        %get3A_1961 = tpu.vector_load %arg5[%get3A_1960] {strides = array<i32>} : memref<8192xf32, #tpu.memory_space<vmem>>, vector<16xf32>,
        %get3A_1962 = arith.index_cast %add3A_1959 : i32 to index
        %get3A_1963 = tpu.vector_load %arg6[%get3A_1962] {strides = array<i32>} : memref<8192xf32, #tpu.memory_space<vmem>>, vector<16xf32>,
        %get3A_1964 = arith.index_cast %add3A_1959 : i32 to index
        %get3A_1965 = tpu.vector_load %arg7[%get3A_1964] {strides = array<i32>} : memref<8192xf32, #tpu.memory_space<vmem>>, vector<16xf32>,
        %get3A_1966 = arith.index_cast %add3A_1959 : i32 to index
        %get3A_1967 = tpu.vector_load %arg11[%get3A_1966] {strides = array<i32>} : memref<8192xf32, #tpu.memory_space<vmem>>, vector<16xf32>,
        %add3A_1968 = vector.broadcast %add3A_1959 : i32 to vector<16xi32>
        %add3A_1969 = arith.addi %add3A_1968, %iota3A : vector<16xi32>
        %mul3A_1970 = arith.mulf %add3A_254, %get3A_1961 : vector<16xf32>
        %sub3A_1971 = arith.subf %get3A_1967, %mul3A_1970 : vector<16xf32>
        %mul3A_1972 = arith.mulf %add3A_262, %get3A_1963 : vector<16xf32>
        %sub3A_1973 = arith.subf %sub3A_1971, %mul3A_1972 : vector<16xf32>
        %mul3A_1974 = arith.mulf %add3A_270, %get3A_1965 : vector<16xf32>
        %sub3A_1975 = arith.subf %sub3A_1973, %mul3A_1974 : vector<16xf32>
        %lt3A_1976 = arith.cmpf olt, %sub3A_1975, %sub3A_283 : vector<16xf32>
        %masked_cumsum3A_1977 = tpu.scan <sum>, %broadcast_in_dim3A_54 masked %lt3A_1976 : vector<16xi32>, vector<16xi1> -> vector<16xi32>
        %add3A_1978 = arith.addi %min3A_1873, %masked_cumsum3A_1977 : vector<16xi32>
        tpu.vector_store_idx %arg12[%add3A_1978], %add3A_1969 masked %lt3A_1976 : memref<640xi32, #tpu.memory_space<vmem>>[vector<16xi32>], vector<16xi32>, vector<16xi1>
        %all_reduce_population_count3A_1979 = tpu.all_reduce %lt3A_1976 {dim = 0 : i64, kind = #tpu.reduction_kind<sum>} : vector<16xi1> -> vector<16xi32>
        %add3A_1980 = arith.addi %min3A_1873, %all_reduce_population_count3A_1979 : vector<16xi32>
        %min3A_1981 = arith.minsi %add3A_1980, %broadcast_in_dim3A_62 : vector<16xi32>
        %mul3A_1982 = arith.mulf %add3A_255, %get3A_1961 : vector<16xf32>
        %sub3A_1983 = arith.subf %get3A_1967, %mul3A_1982 : vector<16xf32>
        %mul3A_1984 = arith.mulf %add3A_263, %get3A_1963 : vector<16xf32>
        %sub3A_1985 = arith.subf %sub3A_1983, %mul3A_1984 : vector<16xf32>
        %mul3A_1986 = arith.mulf %add3A_271, %get3A_1965 : vector<16xf32>
        %sub3A_1987 = arith.subf %sub3A_1985, %mul3A_1986 : vector<16xf32>
        %lt3A_1988 = arith.cmpf olt, %sub3A_1987, %sub3A_289 : vector<16xf32>
        %masked_cumsum3A_1989 = tpu.scan <sum>, %broadcast_in_dim3A_54 masked %lt3A_1988 : vector<16xi32>, vector<16xi1> -> vector<16xi32>
        %add3A_1990 = arith.addi %min3A_1885, %masked_cumsum3A_1989 : vector<16xi32>
        tpu.vector_store_idx %arg12[%add3A_1990], %add3A_1969 masked %lt3A_1988 : memref<640xi32, #tpu.memory_space<vmem>>[vector<16xi32>], vector<16xi32>, vector<16xi1>
        %all_reduce_population_count3A_1991 = tpu.all_reduce %lt3A_1988 {dim = 0 : i64, kind = #tpu.reduction_kind<sum>} : vector<16xi1> -> vector<16xi32>
        %add3A_1992 = arith.addi %min3A_1885, %all_reduce_population_count3A_1991 : vector<16xi32>
        %min3A_1993 = arith.minsi %add3A_1992, %broadcast_in_dim3A_64 : vector<16xi32>
        %mul3A_1994 = arith.mulf %add3A_256, %get3A_1961 : vector<16xf32>
        %sub3A_1995 = arith.subf %get3A_1967, %mul3A_1994 : vector<16xf32>
        %mul3A_1996 = arith.mulf %add3A_264, %get3A_1963 : vector<16xf32>
        %sub3A_1997 = arith.subf %sub3A_1995, %mul3A_1996 : vector<16xf32>
        %mul3A_1998 = arith.mulf %add3A_272, %get3A_1965 : vector<16xf32>
        %sub3A_1999 = arith.subf %sub3A_1997, %mul3A_1998 : vector<16xf32>
        %lt3A_2000 = arith.cmpf olt, %sub3A_1999, %sub3A_295 : vector<16xf32>
        %masked_cumsum3A_2001 = tpu.scan <sum>, %broadcast_in_dim3A_54 masked %lt3A_2000 : vector<16xi32>, vector<16xi1> -> vector<16xi32>
        %add3A_2002 = arith.addi %min3A_1897, %masked_cumsum3A_2001 : vector<16xi32>
        tpu.vector_store_idx %arg12[%add3A_2002], %add3A_1969 masked %lt3A_2000 : memref<640xi32, #tpu.memory_space<vmem>>[vector<16xi32>], vector<16xi32>, vector<16xi1>
        %all_reduce_population_count3A_2003 = tpu.all_reduce %lt3A_2000 {dim = 0 : i64, kind = #tpu.reduction_kind<sum>} : vector<16xi1> -> vector<16xi32>
        %add3A_2004 = arith.addi %min3A_1897, %all_reduce_population_count3A_2003 : vector<16xi32>
        %min3A_2005 = arith.minsi %add3A_2004, %broadcast_in_dim3A_66 : vector<16xi32>
        %mul3A_2006 = arith.mulf %add3A_257, %get3A_1961 : vector<16xf32>
        %sub3A_2007 = arith.subf %get3A_1967, %mul3A_2006 : vector<16xf32>
        %mul3A_2008 = arith.mulf %add3A_265, %get3A_1963 : vector<16xf32>
        %sub3A_2009 = arith.subf %sub3A_2007, %mul3A_2008 : vector<16xf32>
        %mul3A_2010 = arith.mulf %add3A_273, %get3A_1965 : vector<16xf32>
        %sub3A_2011 = arith.subf %sub3A_2009, %mul3A_2010 : vector<16xf32>
        %lt3A_2012 = arith.cmpf olt, %sub3A_2011, %sub3A_301 : vector<16xf32>
        %masked_cumsum3A_2013 = tpu.scan <sum>, %broadcast_in_dim3A_54 masked %lt3A_2012 : vector<16xi32>, vector<16xi1> -> vector<16xi32>
        %add3A_2014 = arith.addi %min3A_1909, %masked_cumsum3A_2013 : vector<16xi32>
        tpu.vector_store_idx %arg12[%add3A_2014], %add3A_1969 masked %lt3A_2012 : memref<640xi32, #tpu.memory_space<vmem>>[vector<16xi32>], vector<16xi32>, vector<16xi1>
        %all_reduce_population_count3A_2015 = tpu.all_reduce %lt3A_2012 {dim = 0 : i64, kind = #tpu.reduction_kind<sum>} : vector<16xi1> -> vector<16xi32>
        %add3A_2016 = arith.addi %min3A_1909, %all_reduce_population_count3A_2015 : vector<16xi32>
        %min3A_2017 = arith.minsi %add3A_2016, %broadcast_in_dim3A_68 : vector<16xi32>
        %mul3A_2018 = arith.mulf %add3A_258, %get3A_1961 : vector<16xf32>
        %sub3A_2019 = arith.subf %get3A_1967, %mul3A_2018 : vector<16xf32>
        %mul3A_2020 = arith.mulf %add3A_266, %get3A_1963 : vector<16xf32>
        %sub3A_2021 = arith.subf %sub3A_2019, %mul3A_2020 : vector<16xf32>
        %mul3A_2022 = arith.mulf %add3A_274, %get3A_1965 : vector<16xf32>
        %sub3A_2023 = arith.subf %sub3A_2021, %mul3A_2022 : vector<16xf32>
        %lt3A_2024 = arith.cmpf olt, %sub3A_2023, %sub3A_307 : vector<16xf32>
        %masked_cumsum3A_2025 = tpu.scan <sum>, %broadcast_in_dim3A_54 masked %lt3A_2024 : vector<16xi32>, vector<16xi1> -> vector<16xi32>
        %add3A_2026 = arith.addi %min3A_1921, %masked_cumsum3A_2025 : vector<16xi32>
        tpu.vector_store_idx %arg12[%add3A_2026], %add3A_1969 masked %lt3A_2024 : memref<640xi32, #tpu.memory_space<vmem>>[vector<16xi32>], vector<16xi32>, vector<16xi1>
        %all_reduce_population_count3A_2027 = tpu.all_reduce %lt3A_2024 {dim = 0 : i64, kind = #tpu.reduction_kind<sum>} : vector<16xi1> -> vector<16xi32>
        %add3A_2028 = arith.addi %min3A_1921, %all_reduce_population_count3A_2027 : vector<16xi32>
        %min3A_2029 = arith.minsi %add3A_2028, %broadcast_in_dim3A_70 : vector<16xi32>
        %mul3A_2030 = arith.mulf %add3A_259, %get3A_1961 : vector<16xf32>
        %sub3A_2031 = arith.subf %get3A_1967, %mul3A_2030 : vector<16xf32>
        %mul3A_2032 = arith.mulf %add3A_267, %get3A_1963 : vector<16xf32>
        %sub3A_2033 = arith.subf %sub3A_2031, %mul3A_2032 : vector<16xf32>
        %mul3A_2034 = arith.mulf %add3A_275, %get3A_1965 : vector<16xf32>
        %sub3A_2035 = arith.subf %sub3A_2033, %mul3A_2034 : vector<16xf32>
        %lt3A_2036 = arith.cmpf olt, %sub3A_2035, %sub3A_313 : vector<16xf32>
        %masked_cumsum3A_2037 = tpu.scan <sum>, %broadcast_in_dim3A_54 masked %lt3A_2036 : vector<16xi32>, vector<16xi1> -> vector<16xi32>
        %add3A_2038 = arith.addi %min3A_1933, %masked_cumsum3A_2037 : vector<16xi32>
        tpu.vector_store_idx %arg12[%add3A_2038], %add3A_1969 masked %lt3A_2036 : memref<640xi32, #tpu.memory_space<vmem>>[vector<16xi32>], vector<16xi32>, vector<16xi1>
        %all_reduce_population_count3A_2039 = tpu.all_reduce %lt3A_2036 {dim = 0 : i64, kind = #tpu.reduction_kind<sum>} : vector<16xi1> -> vector<16xi32>
        %add3A_2040 = arith.addi %min3A_1933, %all_reduce_population_count3A_2039 : vector<16xi32>
        %min3A_2041 = arith.minsi %add3A_2040, %broadcast_in_dim3A_72 : vector<16xi32>
        %mul3A_2042 = arith.mulf %add3A_260, %get3A_1961 : vector<16xf32>
        %sub3A_2043 = arith.subf %get3A_1967, %mul3A_2042 : vector<16xf32>
        %mul3A_2044 = arith.mulf %add3A_268, %get3A_1963 : vector<16xf32>
        %sub3A_2045 = arith.subf %sub3A_2043, %mul3A_2044 : vector<16xf32>
        %mul3A_2046 = arith.mulf %add3A_276, %get3A_1965 : vector<16xf32>
        %sub3A_2047 = arith.subf %sub3A_2045, %mul3A_2046 : vector<16xf32>
        %lt3A_2048 = arith.cmpf olt, %sub3A_2047, %sub3A_319 : vector<16xf32>
        %masked_cumsum3A_2049 = tpu.scan <sum>, %broadcast_in_dim3A_54 masked %lt3A_2048 : vector<16xi32>, vector<16xi1> -> vector<16xi32>
        %add3A_2050 = arith.addi %min3A_1945, %masked_cumsum3A_2049 : vector<16xi32>
        tpu.vector_store_idx %arg12[%add3A_2050], %add3A_1969 masked %lt3A_2048 : memref<640xi32, #tpu.memory_space<vmem>>[vector<16xi32>], vector<16xi32>, vector<16xi1>
        %all_reduce_population_count3A_2051 = tpu.all_reduce %lt3A_2048 {dim = 0 : i64, kind = #tpu.reduction_kind<sum>} : vector<16xi1> -> vector<16xi32>
        %add3A_2052 = arith.addi %min3A_1945, %all_reduce_population_count3A_2051 : vector<16xi32>
        %min3A_2053 = arith.minsi %add3A_2052, %broadcast_in_dim3A_74 : vector<16xi32>
        %mul3A_2054 = arith.mulf %add3A_261, %get3A_1961 : vector<16xf32>
        %sub3A_2055 = arith.subf %get3A_1967, %mul3A_2054 : vector<16xf32>
        %mul3A_2056 = arith.mulf %add3A_269, %get3A_1963 : vector<16xf32>
        %sub3A_2057 = arith.subf %sub3A_2055, %mul3A_2056 : vector<16xf32>
        %mul3A_2058 = arith.mulf %add3A_277, %get3A_1965 : vector<16xf32>
        %sub3A_2059 = arith.subf %sub3A_2057, %mul3A_2058 : vector<16xf32>
        %lt3A_2060 = arith.cmpf olt, %sub3A_2059, %sub3A_325 : vector<16xf32>
        %masked_cumsum3A_2061 = tpu.scan <sum>, %broadcast_in_dim3A_54 masked %lt3A_2060 : vector<16xi32>, vector<16xi1> -> vector<16xi32>
        %add3A_2062 = arith.addi %min3A_1957, %masked_cumsum3A_2061 : vector<16xi32>
        tpu.vector_store_idx %arg12[%add3A_2062], %add3A_1969 masked %lt3A_2060 : memref<640xi32, #tpu.memory_space<vmem>>[vector<16xi32>], vector<16xi32>, vector<16xi1>
        %all_reduce_population_count3A_2063 = tpu.all_reduce %lt3A_2060 {dim = 0 : i64, kind = #tpu.reduction_kind<sum>} : vector<16xi1> -> vector<16xi32>
        %add3A_2064 = arith.addi %min3A_1957, %all_reduce_population_count3A_2063 : vector<16xi32>
        %min3A_2065 = arith.minsi %add3A_2064, %broadcast_in_dim3A_76 : vector<16xi32>
        %add3A_2066 = arith.constant 16 : i32
        %add3A_2067 = arith.addi %add3A_1959, %add3A_2066 : i32
        %get3A_2068 = arith.index_cast %add3A_2067 : i32 to index
        %get3A_2069 = tpu.vector_load %arg5[%get3A_2068] {strides = array<i32>} : memref<8192xf32, #tpu.memory_space<vmem>>, vector<16xf32>,
        %get3A_2070 = arith.index_cast %add3A_2067 : i32 to index
        %get3A_2071 = tpu.vector_load %arg6[%get3A_2070] {strides = array<i32>} : memref<8192xf32, #tpu.memory_space<vmem>>, vector<16xf32>,
        %get3A_2072 = arith.index_cast %add3A_2067 : i32 to index
        %get3A_2073 = tpu.vector_load %arg7[%get3A_2072] {strides = array<i32>} : memref<8192xf32, #tpu.memory_space<vmem>>, vector<16xf32>,
        %get3A_2074 = arith.index_cast %add3A_2067 : i32 to index
        %get3A_2075 = tpu.vector_load %arg11[%get3A_2074] {strides = array<i32>} : memref<8192xf32, #tpu.memory_space<vmem>>, vector<16xf32>,
        %add3A_2076 = vector.broadcast %add3A_2067 : i32 to vector<16xi32>
        %add3A_2077 = arith.addi %add3A_2076, %iota3A : vector<16xi32>
        %mul3A_2078 = arith.mulf %add3A_254, %get3A_2069 : vector<16xf32>
        %sub3A_2079 = arith.subf %get3A_2075, %mul3A_2078 : vector<16xf32>
        %mul3A_2080 = arith.mulf %add3A_262, %get3A_2071 : vector<16xf32>
        %sub3A_2081 = arith.subf %sub3A_2079, %mul3A_2080 : vector<16xf32>
        %mul3A_2082 = arith.mulf %add3A_270, %get3A_2073 : vector<16xf32>
        %sub3A_2083 = arith.subf %sub3A_2081, %mul3A_2082 : vector<16xf32>
        %lt3A_2084 = arith.cmpf olt, %sub3A_2083, %sub3A_283 : vector<16xf32>
        %masked_cumsum3A_2085 = tpu.scan <sum>, %broadcast_in_dim3A_54 masked %lt3A_2084 : vector<16xi32>, vector<16xi1> -> vector<16xi32>
        %add3A_2086 = arith.addi %min3A_1981, %masked_cumsum3A_2085 : vector<16xi32>
        tpu.vector_store_idx %arg12[%add3A_2086], %add3A_2077 masked %lt3A_2084 : memref<640xi32, #tpu.memory_space<vmem>>[vector<16xi32>], vector<16xi32>, vector<16xi1>
        %all_reduce_population_count3A_2087 = tpu.all_reduce %lt3A_2084 {dim = 0 : i64, kind = #tpu.reduction_kind<sum>} : vector<16xi1> -> vector<16xi32>
        %add3A_2088 = arith.addi %min3A_1981, %all_reduce_population_count3A_2087 : vector<16xi32>
        %min3A_2089 = arith.minsi %add3A_2088, %broadcast_in_dim3A_62 : vector<16xi32>
        %mul3A_2090 = arith.mulf %add3A_255, %get3A_2069 : vector<16xf32>
        %sub3A_2091 = arith.subf %get3A_2075, %mul3A_2090 : vector<16xf32>
        %mul3A_2092 = arith.mulf %add3A_263, %get3A_2071 : vector<16xf32>
        %sub3A_2093 = arith.subf %sub3A_2091, %mul3A_2092 : vector<16xf32>
        %mul3A_2094 = arith.mulf %add3A_271, %get3A_2073 : vector<16xf32>
        %sub3A_2095 = arith.subf %sub3A_2093, %mul3A_2094 : vector<16xf32>
        %lt3A_2096 = arith.cmpf olt, %sub3A_2095, %sub3A_289 : vector<16xf32>
        %masked_cumsum3A_2097 = tpu.scan <sum>, %broadcast_in_dim3A_54 masked %lt3A_2096 : vector<16xi32>, vector<16xi1> -> vector<16xi32>
        %add3A_2098 = arith.addi %min3A_1993, %masked_cumsum3A_2097 : vector<16xi32>
        tpu.vector_store_idx %arg12[%add3A_2098], %add3A_2077 masked %lt3A_2096 : memref<640xi32, #tpu.memory_space<vmem>>[vector<16xi32>], vector<16xi32>, vector<16xi1>
        %all_reduce_population_count3A_2099 = tpu.all_reduce %lt3A_2096 {dim = 0 : i64, kind = #tpu.reduction_kind<sum>} : vector<16xi1> -> vector<16xi32>
        %add3A_2100 = arith.addi %min3A_1993, %all_reduce_population_count3A_2099 : vector<16xi32>
        %min3A_2101 = arith.minsi %add3A_2100, %broadcast_in_dim3A_64 : vector<16xi32>
        %mul3A_2102 = arith.mulf %add3A_256, %get3A_2069 : vector<16xf32>
        %sub3A_2103 = arith.subf %get3A_2075, %mul3A_2102 : vector<16xf32>
        %mul3A_2104 = arith.mulf %add3A_264, %get3A_2071 : vector<16xf32>
        %sub3A_2105 = arith.subf %sub3A_2103, %mul3A_2104 : vector<16xf32>
        %mul3A_2106 = arith.mulf %add3A_272, %get3A_2073 : vector<16xf32>
        %sub3A_2107 = arith.subf %sub3A_2105, %mul3A_2106 : vector<16xf32>
        %lt3A_2108 = arith.cmpf olt, %sub3A_2107, %sub3A_295 : vector<16xf32>
        %masked_cumsum3A_2109 = tpu.scan <sum>, %broadcast_in_dim3A_54 masked %lt3A_2108 : vector<16xi32>, vector<16xi1> -> vector<16xi32>
        %add3A_2110 = arith.addi %min3A_2005, %masked_cumsum3A_2109 : vector<16xi32>
        tpu.vector_store_idx %arg12[%add3A_2110], %add3A_2077 masked %lt3A_2108 : memref<640xi32, #tpu.memory_space<vmem>>[vector<16xi32>], vector<16xi32>, vector<16xi1>
        %all_reduce_population_count3A_2111 = tpu.all_reduce %lt3A_2108 {dim = 0 : i64, kind = #tpu.reduction_kind<sum>} : vector<16xi1> -> vector<16xi32>
        %add3A_2112 = arith.addi %min3A_2005, %all_reduce_population_count3A_2111 : vector<16xi32>
        %min3A_2113 = arith.minsi %add3A_2112, %broadcast_in_dim3A_66 : vector<16xi32>
        %mul3A_2114 = arith.mulf %add3A_257, %get3A_2069 : vector<16xf32>
        %sub3A_2115 = arith.subf %get3A_2075, %mul3A_2114 : vector<16xf32>
        %mul3A_2116 = arith.mulf %add3A_265, %get3A_2071 : vector<16xf32>
        %sub3A_2117 = arith.subf %sub3A_2115, %mul3A_2116 : vector<16xf32>
        %mul3A_2118 = arith.mulf %add3A_273, %get3A_2073 : vector<16xf32>
        %sub3A_2119 = arith.subf %sub3A_2117, %mul3A_2118 : vector<16xf32>
        %lt3A_2120 = arith.cmpf olt, %sub3A_2119, %sub3A_301 : vector<16xf32>
        %masked_cumsum3A_2121 = tpu.scan <sum>, %broadcast_in_dim3A_54 masked %lt3A_2120 : vector<16xi32>, vector<16xi1> -> vector<16xi32>
        %add3A_2122 = arith.addi %min3A_2017, %masked_cumsum3A_2121 : vector<16xi32>
        tpu.vector_store_idx %arg12[%add3A_2122], %add3A_2077 masked %lt3A_2120 : memref<640xi32, #tpu.memory_space<vmem>>[vector<16xi32>], vector<16xi32>, vector<16xi1>
        %all_reduce_population_count3A_2123 = tpu.all_reduce %lt3A_2120 {dim = 0 : i64, kind = #tpu.reduction_kind<sum>} : vector<16xi1> -> vector<16xi32>
        %add3A_2124 = arith.addi %min3A_2017, %all_reduce_population_count3A_2123 : vector<16xi32>
        %min3A_2125 = arith.minsi %add3A_2124, %broadcast_in_dim3A_68 : vector<16xi32>
        %mul3A_2126 = arith.mulf %add3A_258, %get3A_2069 : vector<16xf32>
        %sub3A_2127 = arith.subf %get3A_2075, %mul3A_2126 : vector<16xf32>
        %mul3A_2128 = arith.mulf %add3A_266, %get3A_2071 : vector<16xf32>
        %sub3A_2129 = arith.subf %sub3A_2127, %mul3A_2128 : vector<16xf32>
        %mul3A_2130 = arith.mulf %add3A_274, %get3A_2073 : vector<16xf32>
        %sub3A_2131 = arith.subf %sub3A_2129, %mul3A_2130 : vector<16xf32>
        %lt3A_2132 = arith.cmpf olt, %sub3A_2131, %sub3A_307 : vector<16xf32>
        %masked_cumsum3A_2133 = tpu.scan <sum>, %broadcast_in_dim3A_54 masked %lt3A_2132 : vector<16xi32>, vector<16xi1> -> vector<16xi32>
        %add3A_2134 = arith.addi %min3A_2029, %masked_cumsum3A_2133 : vector<16xi32>
        tpu.vector_store_idx %arg12[%add3A_2134], %add3A_2077 masked %lt3A_2132 : memref<640xi32, #tpu.memory_space<vmem>>[vector<16xi32>], vector<16xi32>, vector<16xi1>
        %all_reduce_population_count3A_2135 = tpu.all_reduce %lt3A_2132 {dim = 0 : i64, kind = #tpu.reduction_kind<sum>} : vector<16xi1> -> vector<16xi32>
        %add3A_2136 = arith.addi %min3A_2029, %all_reduce_population_count3A_2135 : vector<16xi32>
        %min3A_2137 = arith.minsi %add3A_2136, %broadcast_in_dim3A_70 : vector<16xi32>
        %mul3A_2138 = arith.mulf %add3A_259, %get3A_2069 : vector<16xf32>
        %sub3A_2139 = arith.subf %get3A_2075, %mul3A_2138 : vector<16xf32>
        %mul3A_2140 = arith.mulf %add3A_267, %get3A_2071 : vector<16xf32>
        %sub3A_2141 = arith.subf %sub3A_2139, %mul3A_2140 : vector<16xf32>
        %mul3A_2142 = arith.mulf %add3A_275, %get3A_2073 : vector<16xf32>
        %sub3A_2143 = arith.subf %sub3A_2141, %mul3A_2142 : vector<16xf32>
        %lt3A_2144 = arith.cmpf olt, %sub3A_2143, %sub3A_313 : vector<16xf32>
        %masked_cumsum3A_2145 = tpu.scan <sum>, %broadcast_in_dim3A_54 masked %lt3A_2144 : vector<16xi32>, vector<16xi1> -> vector<16xi32>
        %add3A_2146 = arith.addi %min3A_2041, %masked_cumsum3A_2145 : vector<16xi32>
        tpu.vector_store_idx %arg12[%add3A_2146], %add3A_2077 masked %lt3A_2144 : memref<640xi32, #tpu.memory_space<vmem>>[vector<16xi32>], vector<16xi32>, vector<16xi1>
        %all_reduce_population_count3A_2147 = tpu.all_reduce %lt3A_2144 {dim = 0 : i64, kind = #tpu.reduction_kind<sum>} : vector<16xi1> -> vector<16xi32>
        %add3A_2148 = arith.addi %min3A_2041, %all_reduce_population_count3A_2147 : vector<16xi32>
        %min3A_2149 = arith.minsi %add3A_2148, %broadcast_in_dim3A_72 : vector<16xi32>
        %mul3A_2150 = arith.mulf %add3A_260, %get3A_2069 : vector<16xf32>
        %sub3A_2151 = arith.subf %get3A_2075, %mul3A_2150 : vector<16xf32>
        %mul3A_2152 = arith.mulf %add3A_268, %get3A_2071 : vector<16xf32>
        %sub3A_2153 = arith.subf %sub3A_2151, %mul3A_2152 : vector<16xf32>
        %mul3A_2154 = arith.mulf %add3A_276, %get3A_2073 : vector<16xf32>
        %sub3A_2155 = arith.subf %sub3A_2153, %mul3A_2154 : vector<16xf32>
        %lt3A_2156 = arith.cmpf olt, %sub3A_2155, %sub3A_319 : vector<16xf32>
        %masked_cumsum3A_2157 = tpu.scan <sum>, %broadcast_in_dim3A_54 masked %lt3A_2156 : vector<16xi32>, vector<16xi1> -> vector<16xi32>
        %add3A_2158 = arith.addi %min3A_2053, %masked_cumsum3A_2157 : vector<16xi32>
        tpu.vector_store_idx %arg12[%add3A_2158], %add3A_2077 masked %lt3A_2156 : memref<640xi32, #tpu.memory_space<vmem>>[vector<16xi32>], vector<16xi32>, vector<16xi1>
        %all_reduce_population_count3A_2159 = tpu.all_reduce %lt3A_2156 {dim = 0 : i64, kind = #tpu.reduction_kind<sum>} : vector<16xi1> -> vector<16xi32>
        %add3A_2160 = arith.addi %min3A_2053, %all_reduce_population_count3A_2159 : vector<16xi32>
        %min3A_2161 = arith.minsi %add3A_2160, %broadcast_in_dim3A_74 : vector<16xi32>
        %mul3A_2162 = arith.mulf %add3A_261, %get3A_2069 : vector<16xf32>
        %sub3A_2163 = arith.subf %get3A_2075, %mul3A_2162 : vector<16xf32>
        %mul3A_2164 = arith.mulf %add3A_269, %get3A_2071 : vector<16xf32>
        %sub3A_2165 = arith.subf %sub3A_2163, %mul3A_2164 : vector<16xf32>
        %mul3A_2166 = arith.mulf %add3A_277, %get3A_2073 : vector<16xf32>
        %sub3A_2167 = arith.subf %sub3A_2165, %mul3A_2166 : vector<16xf32>
        %lt3A_2168 = arith.cmpf olt, %sub3A_2167, %sub3A_325 : vector<16xf32>
        %masked_cumsum3A_2169 = tpu.scan <sum>, %broadcast_in_dim3A_54 masked %lt3A_2168 : vector<16xi32>, vector<16xi1> -> vector<16xi32>
        %add3A_2170 = arith.addi %min3A_2065, %masked_cumsum3A_2169 : vector<16xi32>
        tpu.vector_store_idx %arg12[%add3A_2170], %add3A_2077 masked %lt3A_2168 : memref<640xi32, #tpu.memory_space<vmem>>[vector<16xi32>], vector<16xi32>, vector<16xi1>
        %all_reduce_population_count3A_2171 = tpu.all_reduce %lt3A_2168 {dim = 0 : i64, kind = #tpu.reduction_kind<sum>} : vector<16xi1> -> vector<16xi32>
        %add3A_2172 = arith.addi %min3A_2065, %all_reduce_population_count3A_2171 : vector<16xi32>
        %min3A_2173 = arith.minsi %add3A_2172, %broadcast_in_dim3A_76 : vector<16xi32>
        %add3A_2174 = arith.constant 16 : i32
        %add3A_2175 = arith.addi %add3A_2067, %add3A_2174 : i32
        %get3A_2176 = arith.index_cast %add3A_2175 : i32 to index
        %get3A_2177 = tpu.vector_load %arg5[%get3A_2176] {strides = array<i32>} : memref<8192xf32, #tpu.memory_space<vmem>>, vector<16xf32>,
        %get3A_2178 = arith.index_cast %add3A_2175 : i32 to index
        %get3A_2179 = tpu.vector_load %arg6[%get3A_2178] {strides = array<i32>} : memref<8192xf32, #tpu.memory_space<vmem>>, vector<16xf32>,
        %get3A_2180 = arith.index_cast %add3A_2175 : i32 to index
        %get3A_2181 = tpu.vector_load %arg7[%get3A_2180] {strides = array<i32>} : memref<8192xf32, #tpu.memory_space<vmem>>, vector<16xf32>,
        %get3A_2182 = arith.index_cast %add3A_2175 : i32 to index
        %get3A_2183 = tpu.vector_load %arg11[%get3A_2182] {strides = array<i32>} : memref<8192xf32, #tpu.memory_space<vmem>>, vector<16xf32>,
        %add3A_2184 = vector.broadcast %add3A_2175 : i32 to vector<16xi32>
        %add3A_2185 = arith.addi %add3A_2184, %iota3A : vector<16xi32>
        %mul3A_2186 = arith.mulf %add3A_254, %get3A_2177 : vector<16xf32>
        %sub3A_2187 = arith.subf %get3A_2183, %mul3A_2186 : vector<16xf32>
        %mul3A_2188 = arith.mulf %add3A_262, %get3A_2179 : vector<16xf32>
        %sub3A_2189 = arith.subf %sub3A_2187, %mul3A_2188 : vector<16xf32>
        %mul3A_2190 = arith.mulf %add3A_270, %get3A_2181 : vector<16xf32>
        %sub3A_2191 = arith.subf %sub3A_2189, %mul3A_2190 : vector<16xf32>
        %lt3A_2192 = arith.cmpf olt, %sub3A_2191, %sub3A_283 : vector<16xf32>
        %masked_cumsum3A_2193 = tpu.scan <sum>, %broadcast_in_dim3A_54 masked %lt3A_2192 : vector<16xi32>, vector<16xi1> -> vector<16xi32>
        %add3A_2194 = arith.addi %min3A_2089, %masked_cumsum3A_2193 : vector<16xi32>
        tpu.vector_store_idx %arg12[%add3A_2194], %add3A_2185 masked %lt3A_2192 : memref<640xi32, #tpu.memory_space<vmem>>[vector<16xi32>], vector<16xi32>, vector<16xi1>
        %all_reduce_population_count3A_2195 = tpu.all_reduce %lt3A_2192 {dim = 0 : i64, kind = #tpu.reduction_kind<sum>} : vector<16xi1> -> vector<16xi32>
        %add3A_2196 = arith.addi %min3A_2089, %all_reduce_population_count3A_2195 : vector<16xi32>
        %min3A_2197 = arith.minsi %add3A_2196, %broadcast_in_dim3A_62 : vector<16xi32>
        %mul3A_2198 = arith.mulf %add3A_255, %get3A_2177 : vector<16xf32>
        %sub3A_2199 = arith.subf %get3A_2183, %mul3A_2198 : vector<16xf32>
        %mul3A_2200 = arith.mulf %add3A_263, %get3A_2179 : vector<16xf32>
        %sub3A_2201 = arith.subf %sub3A_2199, %mul3A_2200 : vector<16xf32>
        %mul3A_2202 = arith.mulf %add3A_271, %get3A_2181 : vector<16xf32>
        %sub3A_2203 = arith.subf %sub3A_2201, %mul3A_2202 : vector<16xf32>
        %lt3A_2204 = arith.cmpf olt, %sub3A_2203, %sub3A_289 : vector<16xf32>
        %masked_cumsum3A_2205 = tpu.scan <sum>, %broadcast_in_dim3A_54 masked %lt3A_2204 : vector<16xi32>, vector<16xi1> -> vector<16xi32>
        %add3A_2206 = arith.addi %min3A_2101, %masked_cumsum3A_2205 : vector<16xi32>
        tpu.vector_store_idx %arg12[%add3A_2206], %add3A_2185 masked %lt3A_2204 : memref<640xi32, #tpu.memory_space<vmem>>[vector<16xi32>], vector<16xi32>, vector<16xi1>
        %all_reduce_population_count3A_2207 = tpu.all_reduce %lt3A_2204 {dim = 0 : i64, kind = #tpu.reduction_kind<sum>} : vector<16xi1> -> vector<16xi32>
        %add3A_2208 = arith.addi %min3A_2101, %all_reduce_population_count3A_2207 : vector<16xi32>
        %min3A_2209 = arith.minsi %add3A_2208, %broadcast_in_dim3A_64 : vector<16xi32>
        %mul3A_2210 = arith.mulf %add3A_256, %get3A_2177 : vector<16xf32>
        %sub3A_2211 = arith.subf %get3A_2183, %mul3A_2210 : vector<16xf32>
        %mul3A_2212 = arith.mulf %add3A_264, %get3A_2179 : vector<16xf32>
        %sub3A_2213 = arith.subf %sub3A_2211, %mul3A_2212 : vector<16xf32>
        %mul3A_2214 = arith.mulf %add3A_272, %get3A_2181 : vector<16xf32>
        %sub3A_2215 = arith.subf %sub3A_2213, %mul3A_2214 : vector<16xf32>
        %lt3A_2216 = arith.cmpf olt, %sub3A_2215, %sub3A_295 : vector<16xf32>
        %masked_cumsum3A_2217 = tpu.scan <sum>, %broadcast_in_dim3A_54 masked %lt3A_2216 : vector<16xi32>, vector<16xi1> -> vector<16xi32>
        %add3A_2218 = arith.addi %min3A_2113, %masked_cumsum3A_2217 : vector<16xi32>
        tpu.vector_store_idx %arg12[%add3A_2218], %add3A_2185 masked %lt3A_2216 : memref<640xi32, #tpu.memory_space<vmem>>[vector<16xi32>], vector<16xi32>, vector<16xi1>
        %all_reduce_population_count3A_2219 = tpu.all_reduce %lt3A_2216 {dim = 0 : i64, kind = #tpu.reduction_kind<sum>} : vector<16xi1> -> vector<16xi32>
        %add3A_2220 = arith.addi %min3A_2113, %all_reduce_population_count3A_2219 : vector<16xi32>
        %min3A_2221 = arith.minsi %add3A_2220, %broadcast_in_dim3A_66 : vector<16xi32>
        %mul3A_2222 = arith.mulf %add3A_257, %get3A_2177 : vector<16xf32>
        %sub3A_2223 = arith.subf %get3A_2183, %mul3A_2222 : vector<16xf32>
        %mul3A_2224 = arith.mulf %add3A_265, %get3A_2179 : vector<16xf32>
        %sub3A_2225 = arith.subf %sub3A_2223, %mul3A_2224 : vector<16xf32>
        %mul3A_2226 = arith.mulf %add3A_273, %get3A_2181 : vector<16xf32>
        %sub3A_2227 = arith.subf %sub3A_2225, %mul3A_2226 : vector<16xf32>
        %lt3A_2228 = arith.cmpf olt, %sub3A_2227, %sub3A_301 : vector<16xf32>
        %masked_cumsum3A_2229 = tpu.scan <sum>, %broadcast_in_dim3A_54 masked %lt3A_2228 : vector<16xi32>, vector<16xi1> -> vector<16xi32>
        %add3A_2230 = arith.addi %min3A_2125, %masked_cumsum3A_2229 : vector<16xi32>
        tpu.vector_store_idx %arg12[%add3A_2230], %add3A_2185 masked %lt3A_2228 : memref<640xi32, #tpu.memory_space<vmem>>[vector<16xi32>], vector<16xi32>, vector<16xi1>
        %all_reduce_population_count3A_2231 = tpu.all_reduce %lt3A_2228 {dim = 0 : i64, kind = #tpu.reduction_kind<sum>} : vector<16xi1> -> vector<16xi32>
        %add3A_2232 = arith.addi %min3A_2125, %all_reduce_population_count3A_2231 : vector<16xi32>
        %min3A_2233 = arith.minsi %add3A_2232, %broadcast_in_dim3A_68 : vector<16xi32>
        %mul3A_2234 = arith.mulf %add3A_258, %get3A_2177 : vector<16xf32>
        %sub3A_2235 = arith.subf %get3A_2183, %mul3A_2234 : vector<16xf32>
        %mul3A_2236 = arith.mulf %add3A_266, %get3A_2179 : vector<16xf32>
        %sub3A_2237 = arith.subf %sub3A_2235, %mul3A_2236 : vector<16xf32>
        %mul3A_2238 = arith.mulf %add3A_274, %get3A_2181 : vector<16xf32>
        %sub3A_2239 = arith.subf %sub3A_2237, %mul3A_2238 : vector<16xf32>
        %lt3A_2240 = arith.cmpf olt, %sub3A_2239, %sub3A_307 : vector<16xf32>
        %masked_cumsum3A_2241 = tpu.scan <sum>, %broadcast_in_dim3A_54 masked %lt3A_2240 : vector<16xi32>, vector<16xi1> -> vector<16xi32>
        %add3A_2242 = arith.addi %min3A_2137, %masked_cumsum3A_2241 : vector<16xi32>
        tpu.vector_store_idx %arg12[%add3A_2242], %add3A_2185 masked %lt3A_2240 : memref<640xi32, #tpu.memory_space<vmem>>[vector<16xi32>], vector<16xi32>, vector<16xi1>
        %all_reduce_population_count3A_2243 = tpu.all_reduce %lt3A_2240 {dim = 0 : i64, kind = #tpu.reduction_kind<sum>} : vector<16xi1> -> vector<16xi32>
        %add3A_2244 = arith.addi %min3A_2137, %all_reduce_population_count3A_2243 : vector<16xi32>
        %min3A_2245 = arith.minsi %add3A_2244, %broadcast_in_dim3A_70 : vector<16xi32>
        %mul3A_2246 = arith.mulf %add3A_259, %get3A_2177 : vector<16xf32>
        %sub3A_2247 = arith.subf %get3A_2183, %mul3A_2246 : vector<16xf32>
        %mul3A_2248 = arith.mulf %add3A_267, %get3A_2179 : vector<16xf32>
        %sub3A_2249 = arith.subf %sub3A_2247, %mul3A_2248 : vector<16xf32>
        %mul3A_2250 = arith.mulf %add3A_275, %get3A_2181 : vector<16xf32>
        %sub3A_2251 = arith.subf %sub3A_2249, %mul3A_2250 : vector<16xf32>
        %lt3A_2252 = arith.cmpf olt, %sub3A_2251, %sub3A_313 : vector<16xf32>
        %masked_cumsum3A_2253 = tpu.scan <sum>, %broadcast_in_dim3A_54 masked %lt3A_2252 : vector<16xi32>, vector<16xi1> -> vector<16xi32>
        %add3A_2254 = arith.addi %min3A_2149, %masked_cumsum3A_2253 : vector<16xi32>
        tpu.vector_store_idx %arg12[%add3A_2254], %add3A_2185 masked %lt3A_2252 : memref<640xi32, #tpu.memory_space<vmem>>[vector<16xi32>], vector<16xi32>, vector<16xi1>
        %all_reduce_population_count3A_2255 = tpu.all_reduce %lt3A_2252 {dim = 0 : i64, kind = #tpu.reduction_kind<sum>} : vector<16xi1> -> vector<16xi32>
        %add3A_2256 = arith.addi %min3A_2149, %all_reduce_population_count3A_2255 : vector<16xi32>
        %min3A_2257 = arith.minsi %add3A_2256, %broadcast_in_dim3A_72 : vector<16xi32>
        %mul3A_2258 = arith.mulf %add3A_260, %get3A_2177 : vector<16xf32>
        %sub3A_2259 = arith.subf %get3A_2183, %mul3A_2258 : vector<16xf32>
        %mul3A_2260 = arith.mulf %add3A_268, %get3A_2179 : vector<16xf32>
        %sub3A_2261 = arith.subf %sub3A_2259, %mul3A_2260 : vector<16xf32>
        %mul3A_2262 = arith.mulf %add3A_276, %get3A_2181 : vector<16xf32>
        %sub3A_2263 = arith.subf %sub3A_2261, %mul3A_2262 : vector<16xf32>
        %lt3A_2264 = arith.cmpf olt, %sub3A_2263, %sub3A_319 : vector<16xf32>
        %masked_cumsum3A_2265 = tpu.scan <sum>, %broadcast_in_dim3A_54 masked %lt3A_2264 : vector<16xi32>, vector<16xi1> -> vector<16xi32>
        %add3A_2266 = arith.addi %min3A_2161, %masked_cumsum3A_2265 : vector<16xi32>
        tpu.vector_store_idx %arg12[%add3A_2266], %add3A_2185 masked %lt3A_2264 : memref<640xi32, #tpu.memory_space<vmem>>[vector<16xi32>], vector<16xi32>, vector<16xi1>
        %all_reduce_population_count3A_2267 = tpu.all_reduce %lt3A_2264 {dim = 0 : i64, kind = #tpu.reduction_kind<sum>} : vector<16xi1> -> vector<16xi32>
        %add3A_2268 = arith.addi %min3A_2161, %all_reduce_population_count3A_2267 : vector<16xi32>
        %min3A_2269 = arith.minsi %add3A_2268, %broadcast_in_dim3A_74 : vector<16xi32>
        %mul3A_2270 = arith.mulf %add3A_261, %get3A_2177 : vector<16xf32>
        %sub3A_2271 = arith.subf %get3A_2183, %mul3A_2270 : vector<16xf32>
        %mul3A_2272 = arith.mulf %add3A_269, %get3A_2179 : vector<16xf32>
        %sub3A_2273 = arith.subf %sub3A_2271, %mul3A_2272 : vector<16xf32>
        %mul3A_2274 = arith.mulf %add3A_277, %get3A_2181 : vector<16xf32>
        %sub3A_2275 = arith.subf %sub3A_2273, %mul3A_2274 : vector<16xf32>
        %lt3A_2276 = arith.cmpf olt, %sub3A_2275, %sub3A_325 : vector<16xf32>
        %masked_cumsum3A_2277 = tpu.scan <sum>, %broadcast_in_dim3A_54 masked %lt3A_2276 : vector<16xi32>, vector<16xi1> -> vector<16xi32>
        %add3A_2278 = arith.addi %min3A_2173, %masked_cumsum3A_2277 : vector<16xi32>
        tpu.vector_store_idx %arg12[%add3A_2278], %add3A_2185 masked %lt3A_2276 : memref<640xi32, #tpu.memory_space<vmem>>[vector<16xi32>], vector<16xi32>, vector<16xi1>
        %all_reduce_population_count3A_2279 = tpu.all_reduce %lt3A_2276 {dim = 0 : i64, kind = #tpu.reduction_kind<sum>} : vector<16xi1> -> vector<16xi32>
        %add3A_2280 = arith.addi %min3A_2173, %all_reduce_population_count3A_2279 : vector<16xi32>
        %min3A_2281 = arith.minsi %add3A_2280, %broadcast_in_dim3A_76 : vector<16xi32>
        %add3A_2282 = arith.constant 16 : i32
        %add3A_2283 = arith.addi %add3A_2175, %add3A_2282 : i32
        %get3A_2284 = arith.index_cast %add3A_2283 : i32 to index
        %get3A_2285 = tpu.vector_load %arg5[%get3A_2284] {strides = array<i32>} : memref<8192xf32, #tpu.memory_space<vmem>>, vector<16xf32>,
        %get3A_2286 = arith.index_cast %add3A_2283 : i32 to index
        %get3A_2287 = tpu.vector_load %arg6[%get3A_2286] {strides = array<i32>} : memref<8192xf32, #tpu.memory_space<vmem>>, vector<16xf32>,
        %get3A_2288 = arith.index_cast %add3A_2283 : i32 to index
        %get3A_2289 = tpu.vector_load %arg7[%get3A_2288] {strides = array<i32>} : memref<8192xf32, #tpu.memory_space<vmem>>, vector<16xf32>,
        %get3A_2290 = arith.index_cast %add3A_2283 : i32 to index
        %get3A_2291 = tpu.vector_load %arg11[%get3A_2290] {strides = array<i32>} : memref<8192xf32, #tpu.memory_space<vmem>>, vector<16xf32>,
        %add3A_2292 = vector.broadcast %add3A_2283 : i32 to vector<16xi32>
        %add3A_2293 = arith.addi %add3A_2292, %iota3A : vector<16xi32>
        %mul3A_2294 = arith.mulf %add3A_254, %get3A_2285 : vector<16xf32>
        %sub3A_2295 = arith.subf %get3A_2291, %mul3A_2294 : vector<16xf32>
        %mul3A_2296 = arith.mulf %add3A_262, %get3A_2287 : vector<16xf32>
        %sub3A_2297 = arith.subf %sub3A_2295, %mul3A_2296 : vector<16xf32>
        %mul3A_2298 = arith.mulf %add3A_270, %get3A_2289 : vector<16xf32>
        %sub3A_2299 = arith.subf %sub3A_2297, %mul3A_2298 : vector<16xf32>
        %lt3A_2300 = arith.cmpf olt, %sub3A_2299, %sub3A_283 : vector<16xf32>
        %masked_cumsum3A_2301 = tpu.scan <sum>, %broadcast_in_dim3A_54 masked %lt3A_2300 : vector<16xi32>, vector<16xi1> -> vector<16xi32>
        %add3A_2302 = arith.addi %min3A_2197, %masked_cumsum3A_2301 : vector<16xi32>
        tpu.vector_store_idx %arg12[%add3A_2302], %add3A_2293 masked %lt3A_2300 : memref<640xi32, #tpu.memory_space<vmem>>[vector<16xi32>], vector<16xi32>, vector<16xi1>
        %all_reduce_population_count3A_2303 = tpu.all_reduce %lt3A_2300 {dim = 0 : i64, kind = #tpu.reduction_kind<sum>} : vector<16xi1> -> vector<16xi32>
        %add3A_2304 = arith.addi %min3A_2197, %all_reduce_population_count3A_2303 : vector<16xi32>
        %min3A_2305 = arith.minsi %add3A_2304, %broadcast_in_dim3A_62 : vector<16xi32>
        %mul3A_2306 = arith.mulf %add3A_255, %get3A_2285 : vector<16xf32>
        %sub3A_2307 = arith.subf %get3A_2291, %mul3A_2306 : vector<16xf32>
        %mul3A_2308 = arith.mulf %add3A_263, %get3A_2287 : vector<16xf32>
        %sub3A_2309 = arith.subf %sub3A_2307, %mul3A_2308 : vector<16xf32>
        %mul3A_2310 = arith.mulf %add3A_271, %get3A_2289 : vector<16xf32>
        %sub3A_2311 = arith.subf %sub3A_2309, %mul3A_2310 : vector<16xf32>
        %lt3A_2312 = arith.cmpf olt, %sub3A_2311, %sub3A_289 : vector<16xf32>
        %masked_cumsum3A_2313 = tpu.scan <sum>, %broadcast_in_dim3A_54 masked %lt3A_2312 : vector<16xi32>, vector<16xi1> -> vector<16xi32>
        %add3A_2314 = arith.addi %min3A_2209, %masked_cumsum3A_2313 : vector<16xi32>
        tpu.vector_store_idx %arg12[%add3A_2314], %add3A_2293 masked %lt3A_2312 : memref<640xi32, #tpu.memory_space<vmem>>[vector<16xi32>], vector<16xi32>, vector<16xi1>
        %all_reduce_population_count3A_2315 = tpu.all_reduce %lt3A_2312 {dim = 0 : i64, kind = #tpu.reduction_kind<sum>} : vector<16xi1> -> vector<16xi32>
        %add3A_2316 = arith.addi %min3A_2209, %all_reduce_population_count3A_2315 : vector<16xi32>
        %min3A_2317 = arith.minsi %add3A_2316, %broadcast_in_dim3A_64 : vector<16xi32>
        %mul3A_2318 = arith.mulf %add3A_256, %get3A_2285 : vector<16xf32>
        %sub3A_2319 = arith.subf %get3A_2291, %mul3A_2318 : vector<16xf32>
        %mul3A_2320 = arith.mulf %add3A_264, %get3A_2287 : vector<16xf32>
        %sub3A_2321 = arith.subf %sub3A_2319, %mul3A_2320 : vector<16xf32>
        %mul3A_2322 = arith.mulf %add3A_272, %get3A_2289 : vector<16xf32>
        %sub3A_2323 = arith.subf %sub3A_2321, %mul3A_2322 : vector<16xf32>
        %lt3A_2324 = arith.cmpf olt, %sub3A_2323, %sub3A_295 : vector<16xf32>
        %masked_cumsum3A_2325 = tpu.scan <sum>, %broadcast_in_dim3A_54 masked %lt3A_2324 : vector<16xi32>, vector<16xi1> -> vector<16xi32>
        %add3A_2326 = arith.addi %min3A_2221, %masked_cumsum3A_2325 : vector<16xi32>
        tpu.vector_store_idx %arg12[%add3A_2326], %add3A_2293 masked %lt3A_2324 : memref<640xi32, #tpu.memory_space<vmem>>[vector<16xi32>], vector<16xi32>, vector<16xi1>
        %all_reduce_population_count3A_2327 = tpu.all_reduce %lt3A_2324 {dim = 0 : i64, kind = #tpu.reduction_kind<sum>} : vector<16xi1> -> vector<16xi32>
        %add3A_2328 = arith.addi %min3A_2221, %all_reduce_population_count3A_2327 : vector<16xi32>
        %min3A_2329 = arith.minsi %add3A_2328, %broadcast_in_dim3A_66 : vector<16xi32>
        %mul3A_2330 = arith.mulf %add3A_257, %get3A_2285 : vector<16xf32>
        %sub3A_2331 = arith.subf %get3A_2291, %mul3A_2330 : vector<16xf32>
        %mul3A_2332 = arith.mulf %add3A_265, %get3A_2287 : vector<16xf32>
        %sub3A_2333 = arith.subf %sub3A_2331, %mul3A_2332 : vector<16xf32>
        %mul3A_2334 = arith.mulf %add3A_273, %get3A_2289 : vector<16xf32>
        %sub3A_2335 = arith.subf %sub3A_2333, %mul3A_2334 : vector<16xf32>
        %lt3A_2336 = arith.cmpf olt, %sub3A_2335, %sub3A_301 : vector<16xf32>
        %masked_cumsum3A_2337 = tpu.scan <sum>, %broadcast_in_dim3A_54 masked %lt3A_2336 : vector<16xi32>, vector<16xi1> -> vector<16xi32>
        %add3A_2338 = arith.addi %min3A_2233, %masked_cumsum3A_2337 : vector<16xi32>
        tpu.vector_store_idx %arg12[%add3A_2338], %add3A_2293 masked %lt3A_2336 : memref<640xi32, #tpu.memory_space<vmem>>[vector<16xi32>], vector<16xi32>, vector<16xi1>
        %all_reduce_population_count3A_2339 = tpu.all_reduce %lt3A_2336 {dim = 0 : i64, kind = #tpu.reduction_kind<sum>} : vector<16xi1> -> vector<16xi32>
        %add3A_2340 = arith.addi %min3A_2233, %all_reduce_population_count3A_2339 : vector<16xi32>
        %min3A_2341 = arith.minsi %add3A_2340, %broadcast_in_dim3A_68 : vector<16xi32>
        %mul3A_2342 = arith.mulf %add3A_258, %get3A_2285 : vector<16xf32>
        %sub3A_2343 = arith.subf %get3A_2291, %mul3A_2342 : vector<16xf32>
        %mul3A_2344 = arith.mulf %add3A_266, %get3A_2287 : vector<16xf32>
        %sub3A_2345 = arith.subf %sub3A_2343, %mul3A_2344 : vector<16xf32>
        %mul3A_2346 = arith.mulf %add3A_274, %get3A_2289 : vector<16xf32>
        %sub3A_2347 = arith.subf %sub3A_2345, %mul3A_2346 : vector<16xf32>
        %lt3A_2348 = arith.cmpf olt, %sub3A_2347, %sub3A_307 : vector<16xf32>
        %masked_cumsum3A_2349 = tpu.scan <sum>, %broadcast_in_dim3A_54 masked %lt3A_2348 : vector<16xi32>, vector<16xi1> -> vector<16xi32>
        %add3A_2350 = arith.addi %min3A_2245, %masked_cumsum3A_2349 : vector<16xi32>
        tpu.vector_store_idx %arg12[%add3A_2350], %add3A_2293 masked %lt3A_2348 : memref<640xi32, #tpu.memory_space<vmem>>[vector<16xi32>], vector<16xi32>, vector<16xi1>
        %all_reduce_population_count3A_2351 = tpu.all_reduce %lt3A_2348 {dim = 0 : i64, kind = #tpu.reduction_kind<sum>} : vector<16xi1> -> vector<16xi32>
        %add3A_2352 = arith.addi %min3A_2245, %all_reduce_population_count3A_2351 : vector<16xi32>
        %min3A_2353 = arith.minsi %add3A_2352, %broadcast_in_dim3A_70 : vector<16xi32>
        %mul3A_2354 = arith.mulf %add3A_259, %get3A_2285 : vector<16xf32>
        %sub3A_2355 = arith.subf %get3A_2291, %mul3A_2354 : vector<16xf32>
        %mul3A_2356 = arith.mulf %add3A_267, %get3A_2287 : vector<16xf32>
        %sub3A_2357 = arith.subf %sub3A_2355, %mul3A_2356 : vector<16xf32>
        %mul3A_2358 = arith.mulf %add3A_275, %get3A_2289 : vector<16xf32>
        %sub3A_2359 = arith.subf %sub3A_2357, %mul3A_2358 : vector<16xf32>
        %lt3A_2360 = arith.cmpf olt, %sub3A_2359, %sub3A_313 : vector<16xf32>
        %masked_cumsum3A_2361 = tpu.scan <sum>, %broadcast_in_dim3A_54 masked %lt3A_2360 : vector<16xi32>, vector<16xi1> -> vector<16xi32>
        %add3A_2362 = arith.addi %min3A_2257, %masked_cumsum3A_2361 : vector<16xi32>
        tpu.vector_store_idx %arg12[%add3A_2362], %add3A_2293 masked %lt3A_2360 : memref<640xi32, #tpu.memory_space<vmem>>[vector<16xi32>], vector<16xi32>, vector<16xi1>
        %all_reduce_population_count3A_2363 = tpu.all_reduce %lt3A_2360 {dim = 0 : i64, kind = #tpu.reduction_kind<sum>} : vector<16xi1> -> vector<16xi32>
        %add3A_2364 = arith.addi %min3A_2257, %all_reduce_population_count3A_2363 : vector<16xi32>
        %min3A_2365 = arith.minsi %add3A_2364, %broadcast_in_dim3A_72 : vector<16xi32>
        %mul3A_2366 = arith.mulf %add3A_260, %get3A_2285 : vector<16xf32>
        %sub3A_2367 = arith.subf %get3A_2291, %mul3A_2366 : vector<16xf32>
        %mul3A_2368 = arith.mulf %add3A_268, %get3A_2287 : vector<16xf32>
        %sub3A_2369 = arith.subf %sub3A_2367, %mul3A_2368 : vector<16xf32>
        %mul3A_2370 = arith.mulf %add3A_276, %get3A_2289 : vector<16xf32>
        %sub3A_2371 = arith.subf %sub3A_2369, %mul3A_2370 : vector<16xf32>
        %lt3A_2372 = arith.cmpf olt, %sub3A_2371, %sub3A_319 : vector<16xf32>
        %masked_cumsum3A_2373 = tpu.scan <sum>, %broadcast_in_dim3A_54 masked %lt3A_2372 : vector<16xi32>, vector<16xi1> -> vector<16xi32>
        %add3A_2374 = arith.addi %min3A_2269, %masked_cumsum3A_2373 : vector<16xi32>
        tpu.vector_store_idx %arg12[%add3A_2374], %add3A_2293 masked %lt3A_2372 : memref<640xi32, #tpu.memory_space<vmem>>[vector<16xi32>], vector<16xi32>, vector<16xi1>
        %all_reduce_population_count3A_2375 = tpu.all_reduce %lt3A_2372 {dim = 0 : i64, kind = #tpu.reduction_kind<sum>} : vector<16xi1> -> vector<16xi32>
        %add3A_2376 = arith.addi %min3A_2269, %all_reduce_population_count3A_2375 : vector<16xi32>
        %min3A_2377 = arith.minsi %add3A_2376, %broadcast_in_dim3A_74 : vector<16xi32>
        %mul3A_2378 = arith.mulf %add3A_261, %get3A_2285 : vector<16xf32>
        %sub3A_2379 = arith.subf %get3A_2291, %mul3A_2378 : vector<16xf32>
        %mul3A_2380 = arith.mulf %add3A_269, %get3A_2287 : vector<16xf32>
        %sub3A_2381 = arith.subf %sub3A_2379, %mul3A_2380 : vector<16xf32>
        %mul3A_2382 = arith.mulf %add3A_277, %get3A_2289 : vector<16xf32>
        %sub3A_2383 = arith.subf %sub3A_2381, %mul3A_2382 : vector<16xf32>
        %lt3A_2384 = arith.cmpf olt, %sub3A_2383, %sub3A_325 : vector<16xf32>
        %masked_cumsum3A_2385 = tpu.scan <sum>, %broadcast_in_dim3A_54 masked %lt3A_2384 : vector<16xi32>, vector<16xi1> -> vector<16xi32>
        %add3A_2386 = arith.addi %min3A_2281, %masked_cumsum3A_2385 : vector<16xi32>
        tpu.vector_store_idx %arg12[%add3A_2386], %add3A_2293 masked %lt3A_2384 : memref<640xi32, #tpu.memory_space<vmem>>[vector<16xi32>], vector<16xi32>, vector<16xi1>
        %all_reduce_population_count3A_2387 = tpu.all_reduce %lt3A_2384 {dim = 0 : i64, kind = #tpu.reduction_kind<sum>} : vector<16xi1> -> vector<16xi32>
        %add3A_2388 = arith.addi %min3A_2281, %all_reduce_population_count3A_2387 : vector<16xi32>
        %min3A_2389 = arith.minsi %add3A_2388, %broadcast_in_dim3A_76 : vector<16xi32>
        %add3A_2390 = arith.constant 16 : i32
        %add3A_2391 = arith.addi %add3A_2283, %add3A_2390 : i32
        %get3A_2392 = arith.index_cast %add3A_2391 : i32 to index
        %get3A_2393 = tpu.vector_load %arg5[%get3A_2392] {strides = array<i32>} : memref<8192xf32, #tpu.memory_space<vmem>>, vector<16xf32>,
        %get3A_2394 = arith.index_cast %add3A_2391 : i32 to index
        %get3A_2395 = tpu.vector_load %arg6[%get3A_2394] {strides = array<i32>} : memref<8192xf32, #tpu.memory_space<vmem>>, vector<16xf32>,
        %get3A_2396 = arith.index_cast %add3A_2391 : i32 to index
        %get3A_2397 = tpu.vector_load %arg7[%get3A_2396] {strides = array<i32>} : memref<8192xf32, #tpu.memory_space<vmem>>, vector<16xf32>,
        %get3A_2398 = arith.index_cast %add3A_2391 : i32 to index
        %get3A_2399 = tpu.vector_load %arg11[%get3A_2398] {strides = array<i32>} : memref<8192xf32, #tpu.memory_space<vmem>>, vector<16xf32>,
        %add3A_2400 = vector.broadcast %add3A_2391 : i32 to vector<16xi32>
        %add3A_2401 = arith.addi %add3A_2400, %iota3A : vector<16xi32>
        %mul3A_2402 = arith.mulf %add3A_254, %get3A_2393 : vector<16xf32>
        %sub3A_2403 = arith.subf %get3A_2399, %mul3A_2402 : vector<16xf32>
        %mul3A_2404 = arith.mulf %add3A_262, %get3A_2395 : vector<16xf32>
        %sub3A_2405 = arith.subf %sub3A_2403, %mul3A_2404 : vector<16xf32>
        %mul3A_2406 = arith.mulf %add3A_270, %get3A_2397 : vector<16xf32>
        %sub3A_2407 = arith.subf %sub3A_2405, %mul3A_2406 : vector<16xf32>
        %lt3A_2408 = arith.cmpf olt, %sub3A_2407, %sub3A_283 : vector<16xf32>
        %masked_cumsum3A_2409 = tpu.scan <sum>, %broadcast_in_dim3A_54 masked %lt3A_2408 : vector<16xi32>, vector<16xi1> -> vector<16xi32>
        %add3A_2410 = arith.addi %min3A_2305, %masked_cumsum3A_2409 : vector<16xi32>
        tpu.vector_store_idx %arg12[%add3A_2410], %add3A_2401 masked %lt3A_2408 : memref<640xi32, #tpu.memory_space<vmem>>[vector<16xi32>], vector<16xi32>, vector<16xi1>
        %all_reduce_population_count3A_2411 = tpu.all_reduce %lt3A_2408 {dim = 0 : i64, kind = #tpu.reduction_kind<sum>} : vector<16xi1> -> vector<16xi32>
        %add3A_2412 = arith.addi %min3A_2305, %all_reduce_population_count3A_2411 : vector<16xi32>
        %min3A_2413 = arith.minsi %add3A_2412, %broadcast_in_dim3A_62 : vector<16xi32>
        %mul3A_2414 = arith.mulf %add3A_255, %get3A_2393 : vector<16xf32>
        %sub3A_2415 = arith.subf %get3A_2399, %mul3A_2414 : vector<16xf32>
        %mul3A_2416 = arith.mulf %add3A_263, %get3A_2395 : vector<16xf32>
        %sub3A_2417 = arith.subf %sub3A_2415, %mul3A_2416 : vector<16xf32>
        %mul3A_2418 = arith.mulf %add3A_271, %get3A_2397 : vector<16xf32>
        %sub3A_2419 = arith.subf %sub3A_2417, %mul3A_2418 : vector<16xf32>
        %lt3A_2420 = arith.cmpf olt, %sub3A_2419, %sub3A_289 : vector<16xf32>
        %masked_cumsum3A_2421 = tpu.scan <sum>, %broadcast_in_dim3A_54 masked %lt3A_2420 : vector<16xi32>, vector<16xi1> -> vector<16xi32>
        %add3A_2422 = arith.addi %min3A_2317, %masked_cumsum3A_2421 : vector<16xi32>
        tpu.vector_store_idx %arg12[%add3A_2422], %add3A_2401 masked %lt3A_2420 : memref<640xi32, #tpu.memory_space<vmem>>[vector<16xi32>], vector<16xi32>, vector<16xi1>
        %all_reduce_population_count3A_2423 = tpu.all_reduce %lt3A_2420 {dim = 0 : i64, kind = #tpu.reduction_kind<sum>} : vector<16xi1> -> vector<16xi32>
        %add3A_2424 = arith.addi %min3A_2317, %all_reduce_population_count3A_2423 : vector<16xi32>
        %min3A_2425 = arith.minsi %add3A_2424, %broadcast_in_dim3A_64 : vector<16xi32>
        %mul3A_2426 = arith.mulf %add3A_256, %get3A_2393 : vector<16xf32>
        %sub3A_2427 = arith.subf %get3A_2399, %mul3A_2426 : vector<16xf32>
        %mul3A_2428 = arith.mulf %add3A_264, %get3A_2395 : vector<16xf32>
        %sub3A_2429 = arith.subf %sub3A_2427, %mul3A_2428 : vector<16xf32>
        %mul3A_2430 = arith.mulf %add3A_272, %get3A_2397 : vector<16xf32>
        %sub3A_2431 = arith.subf %sub3A_2429, %mul3A_2430 : vector<16xf32>
        %lt3A_2432 = arith.cmpf olt, %sub3A_2431, %sub3A_295 : vector<16xf32>
        %masked_cumsum3A_2433 = tpu.scan <sum>, %broadcast_in_dim3A_54 masked %lt3A_2432 : vector<16xi32>, vector<16xi1> -> vector<16xi32>
        %add3A_2434 = arith.addi %min3A_2329, %masked_cumsum3A_2433 : vector<16xi32>
        tpu.vector_store_idx %arg12[%add3A_2434], %add3A_2401 masked %lt3A_2432 : memref<640xi32, #tpu.memory_space<vmem>>[vector<16xi32>], vector<16xi32>, vector<16xi1>
        %all_reduce_population_count3A_2435 = tpu.all_reduce %lt3A_2432 {dim = 0 : i64, kind = #tpu.reduction_kind<sum>} : vector<16xi1> -> vector<16xi32>
        %add3A_2436 = arith.addi %min3A_2329, %all_reduce_population_count3A_2435 : vector<16xi32>
        %min3A_2437 = arith.minsi %add3A_2436, %broadcast_in_dim3A_66 : vector<16xi32>
        %mul3A_2438 = arith.mulf %add3A_257, %get3A_2393 : vector<16xf32>
        %sub3A_2439 = arith.subf %get3A_2399, %mul3A_2438 : vector<16xf32>
        %mul3A_2440 = arith.mulf %add3A_265, %get3A_2395 : vector<16xf32>
        %sub3A_2441 = arith.subf %sub3A_2439, %mul3A_2440 : vector<16xf32>
        %mul3A_2442 = arith.mulf %add3A_273, %get3A_2397 : vector<16xf32>
        %sub3A_2443 = arith.subf %sub3A_2441, %mul3A_2442 : vector<16xf32>
        %lt3A_2444 = arith.cmpf olt, %sub3A_2443, %sub3A_301 : vector<16xf32>
        %masked_cumsum3A_2445 = tpu.scan <sum>, %broadcast_in_dim3A_54 masked %lt3A_2444 : vector<16xi32>, vector<16xi1> -> vector<16xi32>
        %add3A_2446 = arith.addi %min3A_2341, %masked_cumsum3A_2445 : vector<16xi32>
        tpu.vector_store_idx %arg12[%add3A_2446], %add3A_2401 masked %lt3A_2444 : memref<640xi32, #tpu.memory_space<vmem>>[vector<16xi32>], vector<16xi32>, vector<16xi1>
        %all_reduce_population_count3A_2447 = tpu.all_reduce %lt3A_2444 {dim = 0 : i64, kind = #tpu.reduction_kind<sum>} : vector<16xi1> -> vector<16xi32>
        %add3A_2448 = arith.addi %min3A_2341, %all_reduce_population_count3A_2447 : vector<16xi32>
        %min3A_2449 = arith.minsi %add3A_2448, %broadcast_in_dim3A_68 : vector<16xi32>
        %mul3A_2450 = arith.mulf %add3A_258, %get3A_2393 : vector<16xf32>
        %sub3A_2451 = arith.subf %get3A_2399, %mul3A_2450 : vector<16xf32>
        %mul3A_2452 = arith.mulf %add3A_266, %get3A_2395 : vector<16xf32>
        %sub3A_2453 = arith.subf %sub3A_2451, %mul3A_2452 : vector<16xf32>
        %mul3A_2454 = arith.mulf %add3A_274, %get3A_2397 : vector<16xf32>
        %sub3A_2455 = arith.subf %sub3A_2453, %mul3A_2454 : vector<16xf32>
        %lt3A_2456 = arith.cmpf olt, %sub3A_2455, %sub3A_307 : vector<16xf32>
        %masked_cumsum3A_2457 = tpu.scan <sum>, %broadcast_in_dim3A_54 masked %lt3A_2456 : vector<16xi32>, vector<16xi1> -> vector<16xi32>
        %add3A_2458 = arith.addi %min3A_2353, %masked_cumsum3A_2457 : vector<16xi32>
        tpu.vector_store_idx %arg12[%add3A_2458], %add3A_2401 masked %lt3A_2456 : memref<640xi32, #tpu.memory_space<vmem>>[vector<16xi32>], vector<16xi32>, vector<16xi1>
        %all_reduce_population_count3A_2459 = tpu.all_reduce %lt3A_2456 {dim = 0 : i64, kind = #tpu.reduction_kind<sum>} : vector<16xi1> -> vector<16xi32>
        %add3A_2460 = arith.addi %min3A_2353, %all_reduce_population_count3A_2459 : vector<16xi32>
        %min3A_2461 = arith.minsi %add3A_2460, %broadcast_in_dim3A_70 : vector<16xi32>
        %mul3A_2462 = arith.mulf %add3A_259, %get3A_2393 : vector<16xf32>
        %sub3A_2463 = arith.subf %get3A_2399, %mul3A_2462 : vector<16xf32>
        %mul3A_2464 = arith.mulf %add3A_267, %get3A_2395 : vector<16xf32>
        %sub3A_2465 = arith.subf %sub3A_2463, %mul3A_2464 : vector<16xf32>
        %mul3A_2466 = arith.mulf %add3A_275, %get3A_2397 : vector<16xf32>
        %sub3A_2467 = arith.subf %sub3A_2465, %mul3A_2466 : vector<16xf32>
        %lt3A_2468 = arith.cmpf olt, %sub3A_2467, %sub3A_313 : vector<16xf32>
        %masked_cumsum3A_2469 = tpu.scan <sum>, %broadcast_in_dim3A_54 masked %lt3A_2468 : vector<16xi32>, vector<16xi1> -> vector<16xi32>
        %add3A_2470 = arith.addi %min3A_2365, %masked_cumsum3A_2469 : vector<16xi32>
        tpu.vector_store_idx %arg12[%add3A_2470], %add3A_2401 masked %lt3A_2468 : memref<640xi32, #tpu.memory_space<vmem>>[vector<16xi32>], vector<16xi32>, vector<16xi1>
        %all_reduce_population_count3A_2471 = tpu.all_reduce %lt3A_2468 {dim = 0 : i64, kind = #tpu.reduction_kind<sum>} : vector<16xi1> -> vector<16xi32>
        %add3A_2472 = arith.addi %min3A_2365, %all_reduce_population_count3A_2471 : vector<16xi32>
        %min3A_2473 = arith.minsi %add3A_2472, %broadcast_in_dim3A_72 : vector<16xi32>
        %mul3A_2474 = arith.mulf %add3A_260, %get3A_2393 : vector<16xf32>
        %sub3A_2475 = arith.subf %get3A_2399, %mul3A_2474 : vector<16xf32>
        %mul3A_2476 = arith.mulf %add3A_268, %get3A_2395 : vector<16xf32>
        %sub3A_2477 = arith.subf %sub3A_2475, %mul3A_2476 : vector<16xf32>
        %mul3A_2478 = arith.mulf %add3A_276, %get3A_2397 : vector<16xf32>
        %sub3A_2479 = arith.subf %sub3A_2477, %mul3A_2478 : vector<16xf32>
        %lt3A_2480 = arith.cmpf olt, %sub3A_2479, %sub3A_319 : vector<16xf32>
        %masked_cumsum3A_2481 = tpu.scan <sum>, %broadcast_in_dim3A_54 masked %lt3A_2480 : vector<16xi32>, vector<16xi1> -> vector<16xi32>
        %add3A_2482 = arith.addi %min3A_2377, %masked_cumsum3A_2481 : vector<16xi32>
        tpu.vector_store_idx %arg12[%add3A_2482], %add3A_2401 masked %lt3A_2480 : memref<640xi32, #tpu.memory_space<vmem>>[vector<16xi32>], vector<16xi32>, vector<16xi1>
        %all_reduce_population_count3A_2483 = tpu.all_reduce %lt3A_2480 {dim = 0 : i64, kind = #tpu.reduction_kind<sum>} : vector<16xi1> -> vector<16xi32>
        %add3A_2484 = arith.addi %min3A_2377, %all_reduce_population_count3A_2483 : vector<16xi32>
        %min3A_2485 = arith.minsi %add3A_2484, %broadcast_in_dim3A_74 : vector<16xi32>
        %mul3A_2486 = arith.mulf %add3A_261, %get3A_2393 : vector<16xf32>
        %sub3A_2487 = arith.subf %get3A_2399, %mul3A_2486 : vector<16xf32>
        %mul3A_2488 = arith.mulf %add3A_269, %get3A_2395 : vector<16xf32>
        %sub3A_2489 = arith.subf %sub3A_2487, %mul3A_2488 : vector<16xf32>
        %mul3A_2490 = arith.mulf %add3A_277, %get3A_2397 : vector<16xf32>
        %sub3A_2491 = arith.subf %sub3A_2489, %mul3A_2490 : vector<16xf32>
        %lt3A_2492 = arith.cmpf olt, %sub3A_2491, %sub3A_325 : vector<16xf32>
        %masked_cumsum3A_2493 = tpu.scan <sum>, %broadcast_in_dim3A_54 masked %lt3A_2492 : vector<16xi32>, vector<16xi1> -> vector<16xi32>
        %add3A_2494 = arith.addi %min3A_2389, %masked_cumsum3A_2493 : vector<16xi32>
        tpu.vector_store_idx %arg12[%add3A_2494], %add3A_2401 masked %lt3A_2492 : memref<640xi32, #tpu.memory_space<vmem>>[vector<16xi32>], vector<16xi32>, vector<16xi1>
        %all_reduce_population_count3A_2495 = tpu.all_reduce %lt3A_2492 {dim = 0 : i64, kind = #tpu.reduction_kind<sum>} : vector<16xi1> -> vector<16xi32>
        %add3A_2496 = arith.addi %min3A_2389, %all_reduce_population_count3A_2495 : vector<16xi32>
        %min3A_2497 = arith.minsi %add3A_2496, %broadcast_in_dim3A_76 : vector<16xi32>
        %add3A_2498 = arith.constant 16 : i32
        %add3A_2499 = arith.addi %add3A_2391, %add3A_2498 : i32
        scf.yield %add3A_2499, %min3A_2413, %min3A_2425, %min3A_2437, %min3A_2449, %min3A_2461, %min3A_2473, %min3A_2485, %min3A_2497 : i32, vector<16xi32>, vector<16xi32>, vector<16xi32>, vector<16xi32>, vector<16xi32>, vector<16xi32>, vector<16xi32>, vector<16xi32>
      }
      %gt3A_359 = arith.constant 0 : i32
      %gt3A_360 = arith.cmpi sgt, %while3A_86, %gt3A_359 : i32
      %convert_element_type3A_361 = arith.extui %gt3A_360 : i1 to i32
      %cond3A_362 = arith.constant 0 : i32
      %cond3A_363 = arith.cmpi ne, %convert_element_type3A_361, %cond3A_362 : i32
      scf.if %cond3A_363 {
        %dma_wait3A = arith.constant 0 : i32
        %dma_wait3A_766 = tpu.memref_slice %arg4[%dma_wait3A] : memref<262144xi32, #tpu.memory_space<hbm>> -> memref<512xi32, #tpu.memory_space<hbm>>
        %dma_wait3A_767 = arith.constant 0 : i32
        %dma_wait3A_768 = tpu.memref_slice %arg4[%dma_wait3A_767] : memref<262144xi32, #tpu.memory_space<hbm>> -> memref<512xi32, #tpu.memory_space<hbm>>
        tpu.wait_dma2 semaphore(%arg15 : memref<!tpu.dma_semaphore, #tpu.memory_space<semaphore_mem>>) src(%arg13 : memref<512xi32, #tpu.memory_space<vmem>>) dst(%dma_wait3A_768 : memref<512xi32, #tpu.memory_space<hbm>>)
      } else {
      }
      %slice3A_364 = vector.extract_strided_slice %while3A_358#1 {offsets = [0], sizes = [1], strides = [1]} : vector<16xi32> to vector<1xi32>
      %squeeze3A_365 = vector.extract %slice3A_364[0] : i32 from vector<1xi32>
      %sub3A_366 = arith.constant -1 : i32
      %sub3A_367 = arith.subi %squeeze3A_365, %sub3A_366 : i32
      %get3A_368 = arith.constant 0 : index
      %get3A_369 = tpu.vector_load %arg12[%get3A_368] {strides = array<i32>} : memref<640xi32, #tpu.memory_space<vmem>>, vector<16xi32>,
      %slice3A_370 = vector.extract_strided_slice %get3A_369 {offsets = [0], sizes = [1], strides = [1]} : vector<16xi32> to vector<1xi32>
      %squeeze3A_371 = vector.extract %slice3A_370[0] : i32 from vector<1xi32>
      %broadcast_in_dim3A_372 = vector.broadcast %squeeze3A_371 : i32 to vector<16xi32>
      %get3A_373 = arith.constant 0 : index
      %get3A_374 = tpu.vector_load %arg12[%get3A_373] {strides = array<i32>} : memref<640xi32, #tpu.memory_space<vmem>>, vector<16xi32>,
      %add3A_375 = arith.constant 0 : i32
      %add3A_376 = vector.broadcast %add3A_375 : i32 to vector<16xi32>
      %add3A_377 = arith.addi %add3A_376, %iota3A : vector<16xi32>
      %lt3A_378 = vector.broadcast %sub3A_367 : i32 to vector<16xi32>
      %lt3A_379 = arith.cmpi slt, %add3A_377, %lt3A_378 : vector<16xi32>
      %select_n3A_380 = arith.select %lt3A_379, %get3A_374, %broadcast_in_dim3A_372 : vector<16xi1>, vector<16xi32>
      %swap3A_381 = arith.constant 0 : index
      %swap3A_382 = tpu.vector_load %arg13[%swap3A_381] {strides = array<i32>} : memref<512xi32, #tpu.memory_space<vmem>>, vector<16xi32>,
      tpu.vector_store %arg13[%swap3A_381], %select_n3A_380 {strides = array<i32>} : memref<512xi32, #tpu.memory_space<vmem>>, vector<16xi32>,
      %get3A_383 = arith.constant 16 : index
      %get3A_384 = tpu.vector_load %arg12[%get3A_383] {strides = array<i32>} : memref<640xi32, #tpu.memory_space<vmem>>, vector<16xi32>,
      %add3A_385 = arith.constant 16 : i32
      %add3A_386 = vector.broadcast %add3A_385 : i32 to vector<16xi32>
      %add3A_387 = arith.addi %add3A_386, %iota3A : vector<16xi32>
      %lt3A_388 = vector.broadcast %sub3A_367 : i32 to vector<16xi32>
      %lt3A_389 = arith.cmpi slt, %add3A_387, %lt3A_388 : vector<16xi32>
      %select_n3A_390 = arith.select %lt3A_389, %get3A_384, %broadcast_in_dim3A_372 : vector<16xi1>, vector<16xi32>
      %swap3A_391 = arith.constant 16 : index
      %swap3A_392 = tpu.vector_load %arg13[%swap3A_391] {strides = array<i32>} : memref<512xi32, #tpu.memory_space<vmem>>, vector<16xi32>,
      tpu.vector_store %arg13[%swap3A_391], %select_n3A_390 {strides = array<i32>} : memref<512xi32, #tpu.memory_space<vmem>>, vector<16xi32>,
      %get3A_393 = arith.constant 32 : index
      %get3A_394 = tpu.vector_load %arg12[%get3A_393] {strides = array<i32>} : memref<640xi32, #tpu.memory_space<vmem>>, vector<16xi32>,
      %add3A_395 = arith.constant 32 : i32
      %add3A_396 = vector.broadcast %add3A_395 : i32 to vector<16xi32>
      %add3A_397 = arith.addi %add3A_396, %iota3A : vector<16xi32>
      %lt3A_398 = vector.broadcast %sub3A_367 : i32 to vector<16xi32>
      %lt3A_399 = arith.cmpi slt, %add3A_397, %lt3A_398 : vector<16xi32>
      %select_n3A_400 = arith.select %lt3A_399, %get3A_394, %broadcast_in_dim3A_372 : vector<16xi1>, vector<16xi32>
      %swap3A_401 = arith.constant 32 : index
      %swap3A_402 = tpu.vector_load %arg13[%swap3A_401] {strides = array<i32>} : memref<512xi32, #tpu.memory_space<vmem>>, vector<16xi32>,
      tpu.vector_store %arg13[%swap3A_401], %select_n3A_400 {strides = array<i32>} : memref<512xi32, #tpu.memory_space<vmem>>, vector<16xi32>,
      %get3A_403 = arith.constant 48 : index
      %get3A_404 = tpu.vector_load %arg12[%get3A_403] {strides = array<i32>} : memref<640xi32, #tpu.memory_space<vmem>>, vector<16xi32>,
      %add3A_405 = arith.constant 48 : i32
      %add3A_406 = vector.broadcast %add3A_405 : i32 to vector<16xi32>
      %add3A_407 = arith.addi %add3A_406, %iota3A : vector<16xi32>
      %lt3A_408 = vector.broadcast %sub3A_367 : i32 to vector<16xi32>
      %lt3A_409 = arith.cmpi slt, %add3A_407, %lt3A_408 : vector<16xi32>
      %select_n3A_410 = arith.select %lt3A_409, %get3A_404, %broadcast_in_dim3A_372 : vector<16xi1>, vector<16xi32>
      %swap3A_411 = arith.constant 48 : index
      %swap3A_412 = tpu.vector_load %arg13[%swap3A_411] {strides = array<i32>} : memref<512xi32, #tpu.memory_space<vmem>>, vector<16xi32>,
      tpu.vector_store %arg13[%swap3A_411], %select_n3A_410 {strides = array<i32>} : memref<512xi32, #tpu.memory_space<vmem>>, vector<16xi32>,
      %slice3A_413 = vector.extract_strided_slice %while3A_358#2 {offsets = [0], sizes = [1], strides = [1]} : vector<16xi32> to vector<1xi32>
      %squeeze3A_414 = vector.extract %slice3A_413[0] : i32 from vector<1xi32>
      %sub3A_415 = arith.constant 79 : i32
      %sub3A_416 = arith.subi %squeeze3A_414, %sub3A_415 : i32
      %get3A_417 = arith.constant 80 : index
      %get3A_418 = tpu.vector_load %arg12[%get3A_417] {strides = array<i32>} : memref<640xi32, #tpu.memory_space<vmem>>, vector<16xi32>,
      %slice3A_419 = vector.extract_strided_slice %get3A_418 {offsets = [0], sizes = [1], strides = [1]} : vector<16xi32> to vector<1xi32>
      %squeeze3A_420 = vector.extract %slice3A_419[0] : i32 from vector<1xi32>
      %broadcast_in_dim3A_421 = vector.broadcast %squeeze3A_420 : i32 to vector<16xi32>
      %get3A_422 = arith.constant 80 : index
      %get3A_423 = tpu.vector_load %arg12[%get3A_422] {strides = array<i32>} : memref<640xi32, #tpu.memory_space<vmem>>, vector<16xi32>,
      %add3A_424 = arith.constant 0 : i32
      %add3A_425 = vector.broadcast %add3A_424 : i32 to vector<16xi32>
      %add3A_426 = arith.addi %add3A_425, %iota3A : vector<16xi32>
      %lt3A_427 = vector.broadcast %sub3A_416 : i32 to vector<16xi32>
      %lt3A_428 = arith.cmpi slt, %add3A_426, %lt3A_427 : vector<16xi32>
      %select_n3A_429 = arith.select %lt3A_428, %get3A_423, %broadcast_in_dim3A_421 : vector<16xi1>, vector<16xi32>
      %swap3A_430 = arith.constant 64 : index
      %swap3A_431 = tpu.vector_load %arg13[%swap3A_430] {strides = array<i32>} : memref<512xi32, #tpu.memory_space<vmem>>, vector<16xi32>,
      tpu.vector_store %arg13[%swap3A_430], %select_n3A_429 {strides = array<i32>} : memref<512xi32, #tpu.memory_space<vmem>>, vector<16xi32>,
      %get3A_432 = arith.constant 96 : index
      %get3A_433 = tpu.vector_load %arg12[%get3A_432] {strides = array<i32>} : memref<640xi32, #tpu.memory_space<vmem>>, vector<16xi32>,
      %add3A_434 = arith.constant 16 : i32
      %add3A_435 = vector.broadcast %add3A_434 : i32 to vector<16xi32>
      %add3A_436 = arith.addi %add3A_435, %iota3A : vector<16xi32>
      %lt3A_437 = vector.broadcast %sub3A_416 : i32 to vector<16xi32>
      %lt3A_438 = arith.cmpi slt, %add3A_436, %lt3A_437 : vector<16xi32>
      %select_n3A_439 = arith.select %lt3A_438, %get3A_433, %broadcast_in_dim3A_421 : vector<16xi1>, vector<16xi32>
      %swap3A_440 = arith.constant 80 : index
      %swap3A_441 = tpu.vector_load %arg13[%swap3A_440] {strides = array<i32>} : memref<512xi32, #tpu.memory_space<vmem>>, vector<16xi32>,
      tpu.vector_store %arg13[%swap3A_440], %select_n3A_439 {strides = array<i32>} : memref<512xi32, #tpu.memory_space<vmem>>, vector<16xi32>,
      %get3A_442 = arith.constant 112 : index
      %get3A_443 = tpu.vector_load %arg12[%get3A_442] {strides = array<i32>} : memref<640xi32, #tpu.memory_space<vmem>>, vector<16xi32>,
      %add3A_444 = arith.constant 32 : i32
      %add3A_445 = vector.broadcast %add3A_444 : i32 to vector<16xi32>
      %add3A_446 = arith.addi %add3A_445, %iota3A : vector<16xi32>
      %lt3A_447 = vector.broadcast %sub3A_416 : i32 to vector<16xi32>
      %lt3A_448 = arith.cmpi slt, %add3A_446, %lt3A_447 : vector<16xi32>
      %select_n3A_449 = arith.select %lt3A_448, %get3A_443, %broadcast_in_dim3A_421 : vector<16xi1>, vector<16xi32>
      %swap3A_450 = arith.constant 96 : index
      %swap3A_451 = tpu.vector_load %arg13[%swap3A_450] {strides = array<i32>} : memref<512xi32, #tpu.memory_space<vmem>>, vector<16xi32>,
      tpu.vector_store %arg13[%swap3A_450], %select_n3A_449 {strides = array<i32>} : memref<512xi32, #tpu.memory_space<vmem>>, vector<16xi32>,
      %get3A_452 = arith.constant 128 : index
      %get3A_453 = tpu.vector_load %arg12[%get3A_452] {strides = array<i32>} : memref<640xi32, #tpu.memory_space<vmem>>, vector<16xi32>,
      %add3A_454 = arith.constant 48 : i32
      %add3A_455 = vector.broadcast %add3A_454 : i32 to vector<16xi32>
      %add3A_456 = arith.addi %add3A_455, %iota3A : vector<16xi32>
      %lt3A_457 = vector.broadcast %sub3A_416 : i32 to vector<16xi32>
      %lt3A_458 = arith.cmpi slt, %add3A_456, %lt3A_457 : vector<16xi32>
      %select_n3A_459 = arith.select %lt3A_458, %get3A_453, %broadcast_in_dim3A_421 : vector<16xi1>, vector<16xi32>
      %swap3A_460 = arith.constant 112 : index
      %swap3A_461 = tpu.vector_load %arg13[%swap3A_460] {strides = array<i32>} : memref<512xi32, #tpu.memory_space<vmem>>, vector<16xi32>,
      tpu.vector_store %arg13[%swap3A_460], %select_n3A_459 {strides = array<i32>} : memref<512xi32, #tpu.memory_space<vmem>>, vector<16xi32>,
      %slice3A_462 = vector.extract_strided_slice %while3A_358#3 {offsets = [0], sizes = [1], strides = [1]} : vector<16xi32> to vector<1xi32>
      %squeeze3A_463 = vector.extract %slice3A_462[0] : i32 from vector<1xi32>
      %sub3A_464 = arith.constant 159 : i32
      %sub3A_465 = arith.subi %squeeze3A_463, %sub3A_464 : i32
      %get3A_466 = arith.constant 160 : index
      %get3A_467 = tpu.vector_load %arg12[%get3A_466] {strides = array<i32>} : memref<640xi32, #tpu.memory_space<vmem>>, vector<16xi32>,
      %slice3A_468 = vector.extract_strided_slice %get3A_467 {offsets = [0], sizes = [1], strides = [1]} : vector<16xi32> to vector<1xi32>
      %squeeze3A_469 = vector.extract %slice3A_468[0] : i32 from vector<1xi32>
      %broadcast_in_dim3A_470 = vector.broadcast %squeeze3A_469 : i32 to vector<16xi32>
      %get3A_471 = arith.constant 160 : index
      %get3A_472 = tpu.vector_load %arg12[%get3A_471] {strides = array<i32>} : memref<640xi32, #tpu.memory_space<vmem>>, vector<16xi32>,
      %add3A_473 = arith.constant 0 : i32
      %add3A_474 = vector.broadcast %add3A_473 : i32 to vector<16xi32>
      %add3A_475 = arith.addi %add3A_474, %iota3A : vector<16xi32>
      %lt3A_476 = vector.broadcast %sub3A_465 : i32 to vector<16xi32>
      %lt3A_477 = arith.cmpi slt, %add3A_475, %lt3A_476 : vector<16xi32>
      %select_n3A_478 = arith.select %lt3A_477, %get3A_472, %broadcast_in_dim3A_470 : vector<16xi1>, vector<16xi32>
      %swap3A_479 = arith.constant 128 : index
      %swap3A_480 = tpu.vector_load %arg13[%swap3A_479] {strides = array<i32>} : memref<512xi32, #tpu.memory_space<vmem>>, vector<16xi32>,
      tpu.vector_store %arg13[%swap3A_479], %select_n3A_478 {strides = array<i32>} : memref<512xi32, #tpu.memory_space<vmem>>, vector<16xi32>,
      %get3A_481 = arith.constant 176 : index
      %get3A_482 = tpu.vector_load %arg12[%get3A_481] {strides = array<i32>} : memref<640xi32, #tpu.memory_space<vmem>>, vector<16xi32>,
      %add3A_483 = arith.constant 16 : i32
      %add3A_484 = vector.broadcast %add3A_483 : i32 to vector<16xi32>
      %add3A_485 = arith.addi %add3A_484, %iota3A : vector<16xi32>
      %lt3A_486 = vector.broadcast %sub3A_465 : i32 to vector<16xi32>
      %lt3A_487 = arith.cmpi slt, %add3A_485, %lt3A_486 : vector<16xi32>
      %select_n3A_488 = arith.select %lt3A_487, %get3A_482, %broadcast_in_dim3A_470 : vector<16xi1>, vector<16xi32>
      %swap3A_489 = arith.constant 144 : index
      %swap3A_490 = tpu.vector_load %arg13[%swap3A_489] {strides = array<i32>} : memref<512xi32, #tpu.memory_space<vmem>>, vector<16xi32>,
      tpu.vector_store %arg13[%swap3A_489], %select_n3A_488 {strides = array<i32>} : memref<512xi32, #tpu.memory_space<vmem>>, vector<16xi32>,
      %get3A_491 = arith.constant 192 : index
      %get3A_492 = tpu.vector_load %arg12[%get3A_491] {strides = array<i32>} : memref<640xi32, #tpu.memory_space<vmem>>, vector<16xi32>,
      %add3A_493 = arith.constant 32 : i32
      %add3A_494 = vector.broadcast %add3A_493 : i32 to vector<16xi32>
      %add3A_495 = arith.addi %add3A_494, %iota3A : vector<16xi32>
      %lt3A_496 = vector.broadcast %sub3A_465 : i32 to vector<16xi32>
      %lt3A_497 = arith.cmpi slt, %add3A_495, %lt3A_496 : vector<16xi32>
      %select_n3A_498 = arith.select %lt3A_497, %get3A_492, %broadcast_in_dim3A_470 : vector<16xi1>, vector<16xi32>
      %swap3A_499 = arith.constant 160 : index
      %swap3A_500 = tpu.vector_load %arg13[%swap3A_499] {strides = array<i32>} : memref<512xi32, #tpu.memory_space<vmem>>, vector<16xi32>,
      tpu.vector_store %arg13[%swap3A_499], %select_n3A_498 {strides = array<i32>} : memref<512xi32, #tpu.memory_space<vmem>>, vector<16xi32>,
      %get3A_501 = arith.constant 208 : index
      %get3A_502 = tpu.vector_load %arg12[%get3A_501] {strides = array<i32>} : memref<640xi32, #tpu.memory_space<vmem>>, vector<16xi32>,
      %add3A_503 = arith.constant 48 : i32
      %add3A_504 = vector.broadcast %add3A_503 : i32 to vector<16xi32>
      %add3A_505 = arith.addi %add3A_504, %iota3A : vector<16xi32>
      %lt3A_506 = vector.broadcast %sub3A_465 : i32 to vector<16xi32>
      %lt3A_507 = arith.cmpi slt, %add3A_505, %lt3A_506 : vector<16xi32>
      %select_n3A_508 = arith.select %lt3A_507, %get3A_502, %broadcast_in_dim3A_470 : vector<16xi1>, vector<16xi32>
      %swap3A_509 = arith.constant 176 : index
      %swap3A_510 = tpu.vector_load %arg13[%swap3A_509] {strides = array<i32>} : memref<512xi32, #tpu.memory_space<vmem>>, vector<16xi32>,
      tpu.vector_store %arg13[%swap3A_509], %select_n3A_508 {strides = array<i32>} : memref<512xi32, #tpu.memory_space<vmem>>, vector<16xi32>,
      %slice3A_511 = vector.extract_strided_slice %while3A_358#4 {offsets = [0], sizes = [1], strides = [1]} : vector<16xi32> to vector<1xi32>
      %squeeze3A_512 = vector.extract %slice3A_511[0] : i32 from vector<1xi32>
      %sub3A_513 = arith.constant 239 : i32
      %sub3A_514 = arith.subi %squeeze3A_512, %sub3A_513 : i32
      %get3A_515 = arith.constant 240 : index
      %get3A_516 = tpu.vector_load %arg12[%get3A_515] {strides = array<i32>} : memref<640xi32, #tpu.memory_space<vmem>>, vector<16xi32>,
      %slice3A_517 = vector.extract_strided_slice %get3A_516 {offsets = [0], sizes = [1], strides = [1]} : vector<16xi32> to vector<1xi32>
      %squeeze3A_518 = vector.extract %slice3A_517[0] : i32 from vector<1xi32>
      %broadcast_in_dim3A_519 = vector.broadcast %squeeze3A_518 : i32 to vector<16xi32>
      %get3A_520 = arith.constant 240 : index
      %get3A_521 = tpu.vector_load %arg12[%get3A_520] {strides = array<i32>} : memref<640xi32, #tpu.memory_space<vmem>>, vector<16xi32>,
      %add3A_522 = arith.constant 0 : i32
      %add3A_523 = vector.broadcast %add3A_522 : i32 to vector<16xi32>
      %add3A_524 = arith.addi %add3A_523, %iota3A : vector<16xi32>
      %lt3A_525 = vector.broadcast %sub3A_514 : i32 to vector<16xi32>
      %lt3A_526 = arith.cmpi slt, %add3A_524, %lt3A_525 : vector<16xi32>
      %select_n3A_527 = arith.select %lt3A_526, %get3A_521, %broadcast_in_dim3A_519 : vector<16xi1>, vector<16xi32>
      %swap3A_528 = arith.constant 192 : index
      %swap3A_529 = tpu.vector_load %arg13[%swap3A_528] {strides = array<i32>} : memref<512xi32, #tpu.memory_space<vmem>>, vector<16xi32>,
      tpu.vector_store %arg13[%swap3A_528], %select_n3A_527 {strides = array<i32>} : memref<512xi32, #tpu.memory_space<vmem>>, vector<16xi32>,
      %get3A_530 = arith.constant 256 : index
      %get3A_531 = tpu.vector_load %arg12[%get3A_530] {strides = array<i32>} : memref<640xi32, #tpu.memory_space<vmem>>, vector<16xi32>,
      %add3A_532 = arith.constant 16 : i32
      %add3A_533 = vector.broadcast %add3A_532 : i32 to vector<16xi32>
      %add3A_534 = arith.addi %add3A_533, %iota3A : vector<16xi32>
      %lt3A_535 = vector.broadcast %sub3A_514 : i32 to vector<16xi32>
      %lt3A_536 = arith.cmpi slt, %add3A_534, %lt3A_535 : vector<16xi32>
      %select_n3A_537 = arith.select %lt3A_536, %get3A_531, %broadcast_in_dim3A_519 : vector<16xi1>, vector<16xi32>
      %swap3A_538 = arith.constant 208 : index
      %swap3A_539 = tpu.vector_load %arg13[%swap3A_538] {strides = array<i32>} : memref<512xi32, #tpu.memory_space<vmem>>, vector<16xi32>,
      tpu.vector_store %arg13[%swap3A_538], %select_n3A_537 {strides = array<i32>} : memref<512xi32, #tpu.memory_space<vmem>>, vector<16xi32>,
      %get3A_540 = arith.constant 272 : index
      %get3A_541 = tpu.vector_load %arg12[%get3A_540] {strides = array<i32>} : memref<640xi32, #tpu.memory_space<vmem>>, vector<16xi32>,
      %add3A_542 = arith.constant 32 : i32
      %add3A_543 = vector.broadcast %add3A_542 : i32 to vector<16xi32>
      %add3A_544 = arith.addi %add3A_543, %iota3A : vector<16xi32>
      %lt3A_545 = vector.broadcast %sub3A_514 : i32 to vector<16xi32>
      %lt3A_546 = arith.cmpi slt, %add3A_544, %lt3A_545 : vector<16xi32>
      %select_n3A_547 = arith.select %lt3A_546, %get3A_541, %broadcast_in_dim3A_519 : vector<16xi1>, vector<16xi32>
      %swap3A_548 = arith.constant 224 : index
      %swap3A_549 = tpu.vector_load %arg13[%swap3A_548] {strides = array<i32>} : memref<512xi32, #tpu.memory_space<vmem>>, vector<16xi32>,
      tpu.vector_store %arg13[%swap3A_548], %select_n3A_547 {strides = array<i32>} : memref<512xi32, #tpu.memory_space<vmem>>, vector<16xi32>,
      %get3A_550 = arith.constant 288 : index
      %get3A_551 = tpu.vector_load %arg12[%get3A_550] {strides = array<i32>} : memref<640xi32, #tpu.memory_space<vmem>>, vector<16xi32>,
      %add3A_552 = arith.constant 48 : i32
      %add3A_553 = vector.broadcast %add3A_552 : i32 to vector<16xi32>
      %add3A_554 = arith.addi %add3A_553, %iota3A : vector<16xi32>
      %lt3A_555 = vector.broadcast %sub3A_514 : i32 to vector<16xi32>
      %lt3A_556 = arith.cmpi slt, %add3A_554, %lt3A_555 : vector<16xi32>
      %select_n3A_557 = arith.select %lt3A_556, %get3A_551, %broadcast_in_dim3A_519 : vector<16xi1>, vector<16xi32>
      %swap3A_558 = arith.constant 240 : index
      %swap3A_559 = tpu.vector_load %arg13[%swap3A_558] {strides = array<i32>} : memref<512xi32, #tpu.memory_space<vmem>>, vector<16xi32>,
      tpu.vector_store %arg13[%swap3A_558], %select_n3A_557 {strides = array<i32>} : memref<512xi32, #tpu.memory_space<vmem>>, vector<16xi32>,
      %slice3A_560 = vector.extract_strided_slice %while3A_358#5 {offsets = [0], sizes = [1], strides = [1]} : vector<16xi32> to vector<1xi32>
      %squeeze3A_561 = vector.extract %slice3A_560[0] : i32 from vector<1xi32>
      %sub3A_562 = arith.constant 319 : i32
      %sub3A_563 = arith.subi %squeeze3A_561, %sub3A_562 : i32
      %get3A_564 = arith.constant 320 : index
      %get3A_565 = tpu.vector_load %arg12[%get3A_564] {strides = array<i32>} : memref<640xi32, #tpu.memory_space<vmem>>, vector<16xi32>,
      %slice3A_566 = vector.extract_strided_slice %get3A_565 {offsets = [0], sizes = [1], strides = [1]} : vector<16xi32> to vector<1xi32>
      %squeeze3A_567 = vector.extract %slice3A_566[0] : i32 from vector<1xi32>
      %broadcast_in_dim3A_568 = vector.broadcast %squeeze3A_567 : i32 to vector<16xi32>
      %get3A_569 = arith.constant 320 : index
      %get3A_570 = tpu.vector_load %arg12[%get3A_569] {strides = array<i32>} : memref<640xi32, #tpu.memory_space<vmem>>, vector<16xi32>,
      %add3A_571 = arith.constant 0 : i32
      %add3A_572 = vector.broadcast %add3A_571 : i32 to vector<16xi32>
      %add3A_573 = arith.addi %add3A_572, %iota3A : vector<16xi32>
      %lt3A_574 = vector.broadcast %sub3A_563 : i32 to vector<16xi32>
      %lt3A_575 = arith.cmpi slt, %add3A_573, %lt3A_574 : vector<16xi32>
      %select_n3A_576 = arith.select %lt3A_575, %get3A_570, %broadcast_in_dim3A_568 : vector<16xi1>, vector<16xi32>
      %swap3A_577 = arith.constant 256 : index
      %swap3A_578 = tpu.vector_load %arg13[%swap3A_577] {strides = array<i32>} : memref<512xi32, #tpu.memory_space<vmem>>, vector<16xi32>,
      tpu.vector_store %arg13[%swap3A_577], %select_n3A_576 {strides = array<i32>} : memref<512xi32, #tpu.memory_space<vmem>>, vector<16xi32>,
      %get3A_579 = arith.constant 336 : index
      %get3A_580 = tpu.vector_load %arg12[%get3A_579] {strides = array<i32>} : memref<640xi32, #tpu.memory_space<vmem>>, vector<16xi32>,
      %add3A_581 = arith.constant 16 : i32
      %add3A_582 = vector.broadcast %add3A_581 : i32 to vector<16xi32>
      %add3A_583 = arith.addi %add3A_582, %iota3A : vector<16xi32>
      %lt3A_584 = vector.broadcast %sub3A_563 : i32 to vector<16xi32>
      %lt3A_585 = arith.cmpi slt, %add3A_583, %lt3A_584 : vector<16xi32>
      %select_n3A_586 = arith.select %lt3A_585, %get3A_580, %broadcast_in_dim3A_568 : vector<16xi1>, vector<16xi32>
      %swap3A_587 = arith.constant 272 : index
      %swap3A_588 = tpu.vector_load %arg13[%swap3A_587] {strides = array<i32>} : memref<512xi32, #tpu.memory_space<vmem>>, vector<16xi32>,
      tpu.vector_store %arg13[%swap3A_587], %select_n3A_586 {strides = array<i32>} : memref<512xi32, #tpu.memory_space<vmem>>, vector<16xi32>,
      %get3A_589 = arith.constant 352 : index
      %get3A_590 = tpu.vector_load %arg12[%get3A_589] {strides = array<i32>} : memref<640xi32, #tpu.memory_space<vmem>>, vector<16xi32>,
      %add3A_591 = arith.constant 32 : i32
      %add3A_592 = vector.broadcast %add3A_591 : i32 to vector<16xi32>
      %add3A_593 = arith.addi %add3A_592, %iota3A : vector<16xi32>
      %lt3A_594 = vector.broadcast %sub3A_563 : i32 to vector<16xi32>
      %lt3A_595 = arith.cmpi slt, %add3A_593, %lt3A_594 : vector<16xi32>
      %select_n3A_596 = arith.select %lt3A_595, %get3A_590, %broadcast_in_dim3A_568 : vector<16xi1>, vector<16xi32>
      %swap3A_597 = arith.constant 288 : index
      %swap3A_598 = tpu.vector_load %arg13[%swap3A_597] {strides = array<i32>} : memref<512xi32, #tpu.memory_space<vmem>>, vector<16xi32>,
      tpu.vector_store %arg13[%swap3A_597], %select_n3A_596 {strides = array<i32>} : memref<512xi32, #tpu.memory_space<vmem>>, vector<16xi32>,
      %get3A_599 = arith.constant 368 : index
      %get3A_600 = tpu.vector_load %arg12[%get3A_599] {strides = array<i32>} : memref<640xi32, #tpu.memory_space<vmem>>, vector<16xi32>,
      %add3A_601 = arith.constant 48 : i32
      %add3A_602 = vector.broadcast %add3A_601 : i32 to vector<16xi32>
      %add3A_603 = arith.addi %add3A_602, %iota3A : vector<16xi32>
      %lt3A_604 = vector.broadcast %sub3A_563 : i32 to vector<16xi32>
      %lt3A_605 = arith.cmpi slt, %add3A_603, %lt3A_604 : vector<16xi32>
      %select_n3A_606 = arith.select %lt3A_605, %get3A_600, %broadcast_in_dim3A_568 : vector<16xi1>, vector<16xi32>
      %swap3A_607 = arith.constant 304 : index
      %swap3A_608 = tpu.vector_load %arg13[%swap3A_607] {strides = array<i32>} : memref<512xi32, #tpu.memory_space<vmem>>, vector<16xi32>,
      tpu.vector_store %arg13[%swap3A_607], %select_n3A_606 {strides = array<i32>} : memref<512xi32, #tpu.memory_space<vmem>>, vector<16xi32>,
      %slice3A_609 = vector.extract_strided_slice %while3A_358#6 {offsets = [0], sizes = [1], strides = [1]} : vector<16xi32> to vector<1xi32>
      %squeeze3A_610 = vector.extract %slice3A_609[0] : i32 from vector<1xi32>
      %sub3A_611 = arith.constant 399 : i32
      %sub3A_612 = arith.subi %squeeze3A_610, %sub3A_611 : i32
      %get3A_613 = arith.constant 400 : index
      %get3A_614 = tpu.vector_load %arg12[%get3A_613] {strides = array<i32>} : memref<640xi32, #tpu.memory_space<vmem>>, vector<16xi32>,
      %slice3A_615 = vector.extract_strided_slice %get3A_614 {offsets = [0], sizes = [1], strides = [1]} : vector<16xi32> to vector<1xi32>
      %squeeze3A_616 = vector.extract %slice3A_615[0] : i32 from vector<1xi32>
      %broadcast_in_dim3A_617 = vector.broadcast %squeeze3A_616 : i32 to vector<16xi32>
      %get3A_618 = arith.constant 400 : index
      %get3A_619 = tpu.vector_load %arg12[%get3A_618] {strides = array<i32>} : memref<640xi32, #tpu.memory_space<vmem>>, vector<16xi32>,
      %add3A_620 = arith.constant 0 : i32
      %add3A_621 = vector.broadcast %add3A_620 : i32 to vector<16xi32>
      %add3A_622 = arith.addi %add3A_621, %iota3A : vector<16xi32>
      %lt3A_623 = vector.broadcast %sub3A_612 : i32 to vector<16xi32>
      %lt3A_624 = arith.cmpi slt, %add3A_622, %lt3A_623 : vector<16xi32>
      %select_n3A_625 = arith.select %lt3A_624, %get3A_619, %broadcast_in_dim3A_617 : vector<16xi1>, vector<16xi32>
      %swap3A_626 = arith.constant 320 : index
      %swap3A_627 = tpu.vector_load %arg13[%swap3A_626] {strides = array<i32>} : memref<512xi32, #tpu.memory_space<vmem>>, vector<16xi32>,
      tpu.vector_store %arg13[%swap3A_626], %select_n3A_625 {strides = array<i32>} : memref<512xi32, #tpu.memory_space<vmem>>, vector<16xi32>,
      %get3A_628 = arith.constant 416 : index
      %get3A_629 = tpu.vector_load %arg12[%get3A_628] {strides = array<i32>} : memref<640xi32, #tpu.memory_space<vmem>>, vector<16xi32>,
      %add3A_630 = arith.constant 16 : i32
      %add3A_631 = vector.broadcast %add3A_630 : i32 to vector<16xi32>
      %add3A_632 = arith.addi %add3A_631, %iota3A : vector<16xi32>
      %lt3A_633 = vector.broadcast %sub3A_612 : i32 to vector<16xi32>
      %lt3A_634 = arith.cmpi slt, %add3A_632, %lt3A_633 : vector<16xi32>
      %select_n3A_635 = arith.select %lt3A_634, %get3A_629, %broadcast_in_dim3A_617 : vector<16xi1>, vector<16xi32>
      %swap3A_636 = arith.constant 336 : index
      %swap3A_637 = tpu.vector_load %arg13[%swap3A_636] {strides = array<i32>} : memref<512xi32, #tpu.memory_space<vmem>>, vector<16xi32>,
      tpu.vector_store %arg13[%swap3A_636], %select_n3A_635 {strides = array<i32>} : memref<512xi32, #tpu.memory_space<vmem>>, vector<16xi32>,
      %get3A_638 = arith.constant 432 : index
      %get3A_639 = tpu.vector_load %arg12[%get3A_638] {strides = array<i32>} : memref<640xi32, #tpu.memory_space<vmem>>, vector<16xi32>,
      %add3A_640 = arith.constant 32 : i32
      %add3A_641 = vector.broadcast %add3A_640 : i32 to vector<16xi32>
      %add3A_642 = arith.addi %add3A_641, %iota3A : vector<16xi32>
      %lt3A_643 = vector.broadcast %sub3A_612 : i32 to vector<16xi32>
      %lt3A_644 = arith.cmpi slt, %add3A_642, %lt3A_643 : vector<16xi32>
      %select_n3A_645 = arith.select %lt3A_644, %get3A_639, %broadcast_in_dim3A_617 : vector<16xi1>, vector<16xi32>
      %swap3A_646 = arith.constant 352 : index
      %swap3A_647 = tpu.vector_load %arg13[%swap3A_646] {strides = array<i32>} : memref<512xi32, #tpu.memory_space<vmem>>, vector<16xi32>,
      tpu.vector_store %arg13[%swap3A_646], %select_n3A_645 {strides = array<i32>} : memref<512xi32, #tpu.memory_space<vmem>>, vector<16xi32>,
      %get3A_648 = arith.constant 448 : index
      %get3A_649 = tpu.vector_load %arg12[%get3A_648] {strides = array<i32>} : memref<640xi32, #tpu.memory_space<vmem>>, vector<16xi32>,
      %add3A_650 = arith.constant 48 : i32
      %add3A_651 = vector.broadcast %add3A_650 : i32 to vector<16xi32>
      %add3A_652 = arith.addi %add3A_651, %iota3A : vector<16xi32>
      %lt3A_653 = vector.broadcast %sub3A_612 : i32 to vector<16xi32>
      %lt3A_654 = arith.cmpi slt, %add3A_652, %lt3A_653 : vector<16xi32>
      %select_n3A_655 = arith.select %lt3A_654, %get3A_649, %broadcast_in_dim3A_617 : vector<16xi1>, vector<16xi32>
      %swap3A_656 = arith.constant 368 : index
      %swap3A_657 = tpu.vector_load %arg13[%swap3A_656] {strides = array<i32>} : memref<512xi32, #tpu.memory_space<vmem>>, vector<16xi32>,
      tpu.vector_store %arg13[%swap3A_656], %select_n3A_655 {strides = array<i32>} : memref<512xi32, #tpu.memory_space<vmem>>, vector<16xi32>,
      %slice3A_658 = vector.extract_strided_slice %while3A_358#7 {offsets = [0], sizes = [1], strides = [1]} : vector<16xi32> to vector<1xi32>
      %squeeze3A_659 = vector.extract %slice3A_658[0] : i32 from vector<1xi32>
      %sub3A_660 = arith.constant 479 : i32
      %sub3A_661 = arith.subi %squeeze3A_659, %sub3A_660 : i32
      %get3A_662 = arith.constant 480 : index
      %get3A_663 = tpu.vector_load %arg12[%get3A_662] {strides = array<i32>} : memref<640xi32, #tpu.memory_space<vmem>>, vector<16xi32>,
      %slice3A_664 = vector.extract_strided_slice %get3A_663 {offsets = [0], sizes = [1], strides = [1]} : vector<16xi32> to vector<1xi32>
      %squeeze3A_665 = vector.extract %slice3A_664[0] : i32 from vector<1xi32>
      %broadcast_in_dim3A_666 = vector.broadcast %squeeze3A_665 : i32 to vector<16xi32>
      %get3A_667 = arith.constant 480 : index
      %get3A_668 = tpu.vector_load %arg12[%get3A_667] {strides = array<i32>} : memref<640xi32, #tpu.memory_space<vmem>>, vector<16xi32>,
      %add3A_669 = arith.constant 0 : i32
      %add3A_670 = vector.broadcast %add3A_669 : i32 to vector<16xi32>
      %add3A_671 = arith.addi %add3A_670, %iota3A : vector<16xi32>
      %lt3A_672 = vector.broadcast %sub3A_661 : i32 to vector<16xi32>
      %lt3A_673 = arith.cmpi slt, %add3A_671, %lt3A_672 : vector<16xi32>
      %select_n3A_674 = arith.select %lt3A_673, %get3A_668, %broadcast_in_dim3A_666 : vector<16xi1>, vector<16xi32>
      %swap3A_675 = arith.constant 384 : index
      %swap3A_676 = tpu.vector_load %arg13[%swap3A_675] {strides = array<i32>} : memref<512xi32, #tpu.memory_space<vmem>>, vector<16xi32>,
      tpu.vector_store %arg13[%swap3A_675], %select_n3A_674 {strides = array<i32>} : memref<512xi32, #tpu.memory_space<vmem>>, vector<16xi32>,
      %get3A_677 = arith.constant 496 : index
      %get3A_678 = tpu.vector_load %arg12[%get3A_677] {strides = array<i32>} : memref<640xi32, #tpu.memory_space<vmem>>, vector<16xi32>,
      %add3A_679 = arith.constant 16 : i32
      %add3A_680 = vector.broadcast %add3A_679 : i32 to vector<16xi32>
      %add3A_681 = arith.addi %add3A_680, %iota3A : vector<16xi32>
      %lt3A_682 = vector.broadcast %sub3A_661 : i32 to vector<16xi32>
      %lt3A_683 = arith.cmpi slt, %add3A_681, %lt3A_682 : vector<16xi32>
      %select_n3A_684 = arith.select %lt3A_683, %get3A_678, %broadcast_in_dim3A_666 : vector<16xi1>, vector<16xi32>
      %swap3A_685 = arith.constant 400 : index
      %swap3A_686 = tpu.vector_load %arg13[%swap3A_685] {strides = array<i32>} : memref<512xi32, #tpu.memory_space<vmem>>, vector<16xi32>,
      tpu.vector_store %arg13[%swap3A_685], %select_n3A_684 {strides = array<i32>} : memref<512xi32, #tpu.memory_space<vmem>>, vector<16xi32>,
      %get3A_687 = arith.constant 512 : index
      %get3A_688 = tpu.vector_load %arg12[%get3A_687] {strides = array<i32>} : memref<640xi32, #tpu.memory_space<vmem>>, vector<16xi32>,
      %add3A_689 = arith.constant 32 : i32
      %add3A_690 = vector.broadcast %add3A_689 : i32 to vector<16xi32>
      %add3A_691 = arith.addi %add3A_690, %iota3A : vector<16xi32>
      %lt3A_692 = vector.broadcast %sub3A_661 : i32 to vector<16xi32>
      %lt3A_693 = arith.cmpi slt, %add3A_691, %lt3A_692 : vector<16xi32>
      %select_n3A_694 = arith.select %lt3A_693, %get3A_688, %broadcast_in_dim3A_666 : vector<16xi1>, vector<16xi32>
      %swap3A_695 = arith.constant 416 : index
      %swap3A_696 = tpu.vector_load %arg13[%swap3A_695] {strides = array<i32>} : memref<512xi32, #tpu.memory_space<vmem>>, vector<16xi32>,
      tpu.vector_store %arg13[%swap3A_695], %select_n3A_694 {strides = array<i32>} : memref<512xi32, #tpu.memory_space<vmem>>, vector<16xi32>,
      %get3A_697 = arith.constant 528 : index
      %get3A_698 = tpu.vector_load %arg12[%get3A_697] {strides = array<i32>} : memref<640xi32, #tpu.memory_space<vmem>>, vector<16xi32>,
      %add3A_699 = arith.constant 48 : i32
      %add3A_700 = vector.broadcast %add3A_699 : i32 to vector<16xi32>
      %add3A_701 = arith.addi %add3A_700, %iota3A : vector<16xi32>
      %lt3A_702 = vector.broadcast %sub3A_661 : i32 to vector<16xi32>
      %lt3A_703 = arith.cmpi slt, %add3A_701, %lt3A_702 : vector<16xi32>
      %select_n3A_704 = arith.select %lt3A_703, %get3A_698, %broadcast_in_dim3A_666 : vector<16xi1>, vector<16xi32>
      %swap3A_705 = arith.constant 432 : index
      %swap3A_706 = tpu.vector_load %arg13[%swap3A_705] {strides = array<i32>} : memref<512xi32, #tpu.memory_space<vmem>>, vector<16xi32>,
      tpu.vector_store %arg13[%swap3A_705], %select_n3A_704 {strides = array<i32>} : memref<512xi32, #tpu.memory_space<vmem>>, vector<16xi32>,
      %slice3A_707 = vector.extract_strided_slice %while3A_358#8 {offsets = [0], sizes = [1], strides = [1]} : vector<16xi32> to vector<1xi32>
      %squeeze3A_708 = vector.extract %slice3A_707[0] : i32 from vector<1xi32>
      %sub3A_709 = arith.constant 559 : i32
      %sub3A_710 = arith.subi %squeeze3A_708, %sub3A_709 : i32
      %get3A_711 = arith.constant 560 : index
      %get3A_712 = tpu.vector_load %arg12[%get3A_711] {strides = array<i32>} : memref<640xi32, #tpu.memory_space<vmem>>, vector<16xi32>,
      %slice3A_713 = vector.extract_strided_slice %get3A_712 {offsets = [0], sizes = [1], strides = [1]} : vector<16xi32> to vector<1xi32>
      %squeeze3A_714 = vector.extract %slice3A_713[0] : i32 from vector<1xi32>
      %broadcast_in_dim3A_715 = vector.broadcast %squeeze3A_714 : i32 to vector<16xi32>
      %get3A_716 = arith.constant 560 : index
      %get3A_717 = tpu.vector_load %arg12[%get3A_716] {strides = array<i32>} : memref<640xi32, #tpu.memory_space<vmem>>, vector<16xi32>,
      %add3A_718 = arith.constant 0 : i32
      %add3A_719 = vector.broadcast %add3A_718 : i32 to vector<16xi32>
      %add3A_720 = arith.addi %add3A_719, %iota3A : vector<16xi32>
      %lt3A_721 = vector.broadcast %sub3A_710 : i32 to vector<16xi32>
      %lt3A_722 = arith.cmpi slt, %add3A_720, %lt3A_721 : vector<16xi32>
      %select_n3A_723 = arith.select %lt3A_722, %get3A_717, %broadcast_in_dim3A_715 : vector<16xi1>, vector<16xi32>
      %swap3A_724 = arith.constant 448 : index
      %swap3A_725 = tpu.vector_load %arg13[%swap3A_724] {strides = array<i32>} : memref<512xi32, #tpu.memory_space<vmem>>, vector<16xi32>,
      tpu.vector_store %arg13[%swap3A_724], %select_n3A_723 {strides = array<i32>} : memref<512xi32, #tpu.memory_space<vmem>>, vector<16xi32>,
      %get3A_726 = arith.constant 576 : index
      %get3A_727 = tpu.vector_load %arg12[%get3A_726] {strides = array<i32>} : memref<640xi32, #tpu.memory_space<vmem>>, vector<16xi32>,
      %add3A_728 = arith.constant 16 : i32
      %add3A_729 = vector.broadcast %add3A_728 : i32 to vector<16xi32>
      %add3A_730 = arith.addi %add3A_729, %iota3A : vector<16xi32>
      %lt3A_731 = vector.broadcast %sub3A_710 : i32 to vector<16xi32>
      %lt3A_732 = arith.cmpi slt, %add3A_730, %lt3A_731 : vector<16xi32>
      %select_n3A_733 = arith.select %lt3A_732, %get3A_727, %broadcast_in_dim3A_715 : vector<16xi1>, vector<16xi32>
      %swap3A_734 = arith.constant 464 : index
      %swap3A_735 = tpu.vector_load %arg13[%swap3A_734] {strides = array<i32>} : memref<512xi32, #tpu.memory_space<vmem>>, vector<16xi32>,
      tpu.vector_store %arg13[%swap3A_734], %select_n3A_733 {strides = array<i32>} : memref<512xi32, #tpu.memory_space<vmem>>, vector<16xi32>,
      %get3A_736 = arith.constant 592 : index
      %get3A_737 = tpu.vector_load %arg12[%get3A_736] {strides = array<i32>} : memref<640xi32, #tpu.memory_space<vmem>>, vector<16xi32>,
      %add3A_738 = arith.constant 32 : i32
      %add3A_739 = vector.broadcast %add3A_738 : i32 to vector<16xi32>
      %add3A_740 = arith.addi %add3A_739, %iota3A : vector<16xi32>
      %lt3A_741 = vector.broadcast %sub3A_710 : i32 to vector<16xi32>
      %lt3A_742 = arith.cmpi slt, %add3A_740, %lt3A_741 : vector<16xi32>
      %select_n3A_743 = arith.select %lt3A_742, %get3A_737, %broadcast_in_dim3A_715 : vector<16xi1>, vector<16xi32>
      %swap3A_744 = arith.constant 480 : index
      %swap3A_745 = tpu.vector_load %arg13[%swap3A_744] {strides = array<i32>} : memref<512xi32, #tpu.memory_space<vmem>>, vector<16xi32>,
      tpu.vector_store %arg13[%swap3A_744], %select_n3A_743 {strides = array<i32>} : memref<512xi32, #tpu.memory_space<vmem>>, vector<16xi32>,
      %get3A_746 = arith.constant 608 : index
      %get3A_747 = tpu.vector_load %arg12[%get3A_746] {strides = array<i32>} : memref<640xi32, #tpu.memory_space<vmem>>, vector<16xi32>,
      %add3A_748 = arith.constant 48 : i32
      %add3A_749 = vector.broadcast %add3A_748 : i32 to vector<16xi32>
      %add3A_750 = arith.addi %add3A_749, %iota3A : vector<16xi32>
      %lt3A_751 = vector.broadcast %sub3A_710 : i32 to vector<16xi32>
      %lt3A_752 = arith.cmpi slt, %add3A_750, %lt3A_751 : vector<16xi32>
      %select_n3A_753 = arith.select %lt3A_752, %get3A_747, %broadcast_in_dim3A_715 : vector<16xi1>, vector<16xi32>
      %swap3A_754 = arith.constant 496 : index
      %swap3A_755 = tpu.vector_load %arg13[%swap3A_754] {strides = array<i32>} : memref<512xi32, #tpu.memory_space<vmem>>, vector<16xi32>,
      tpu.vector_store %arg13[%swap3A_754], %select_n3A_753 {strides = array<i32>} : memref<512xi32, #tpu.memory_space<vmem>>, vector<16xi32>,
      %mul3A_756 = arith.constant 1024 : i32
      %mul3A_757 = arith.muli %add3A, %mul3A_756 : i32
      %add3A_758 = arith.addi %mul3A_757, %mul3A_88 : i32
      %mul3A_759 = arith.constant 64 : i32
      %mul3A_760 = arith.muli %add3A_758, %mul3A_759 : i32
      %dma_start3A = tpu.memref_slice %arg4[%mul3A_760] : memref<262144xi32, #tpu.memory_space<hbm>> -> memref<512xi32, #tpu.memory_space<hbm>>
      %dma_start3A_761 = tpu.memref_slice %arg4[%mul3A_760] : memref<262144xi32, #tpu.memory_space<hbm>> -> memref<512xi32, #tpu.memory_space<hbm>>
      tpu.enqueue_dma source(%arg13 : memref<512xi32, #tpu.memory_space<vmem>>) target(%dma_start3A_761 : memref<512xi32, #tpu.memory_space<hbm>>) target_semaphore(%arg15 : memref<!tpu.dma_semaphore, #tpu.memory_space<semaphore_mem>>)
      %sc_fetch_and_add3A_762 = arith.constant 1 : i32
      %sc_fetch_and_add3A_763 = arith.constant 0 : i32
      %sc_fetch_and_add3A_764 = tpu.fetch_and_add_sync %arg14[%sc_fetch_and_add3A_763], %sc_fetch_and_add3A_762, %mul3A_18 : memref<1xi32, #tpu.memory_space<smem>>, i32 -> i32
      %while3A_765 = arith.constant 1 : i32
      scf.yield %sc_fetch_and_add3A_764, %while3A_765 : i32, i32
    }
    %gt3A = arith.constant 0 : i32
    %gt3A_81 = arith.cmpi sgt, %while3A_80#1, %gt3A : i32
    %convert_element_type3A_82 = arith.extui %gt3A_81 : i1 to i32
    %cond3A_83 = arith.constant 0 : i32
    %cond3A_84 = arith.cmpi ne, %convert_element_type3A_82, %cond3A_83 : i32
    scf.if %cond3A_84 {
      %dma_wait3A = arith.constant 0 : i32
      %dma_wait3A_85 = tpu.memref_slice %arg4[%dma_wait3A] : memref<262144xi32, #tpu.memory_space<hbm>> -> memref<512xi32, #tpu.memory_space<hbm>>
      %dma_wait3A_86 = arith.constant 0 : i32
      %dma_wait3A_87 = tpu.memref_slice %arg4[%dma_wait3A_86] : memref<262144xi32, #tpu.memory_space<hbm>> -> memref<512xi32, #tpu.memory_space<hbm>>
      tpu.wait_dma2 semaphore(%arg15 : memref<!tpu.dma_semaphore, #tpu.memory_space<semaphore_mem>>) src(%arg13 : memref<512xi32, #tpu.memory_space<vmem>>) dst(%dma_wait3A_87 : memref<512xi32, #tpu.memory_space<hbm>>)
    } else {
    }
    return
  }
}

</mosaic_0001>

<sc_bundles>
// kernel: kernel.3.cloned.1.call-start
scs
__scs_entry_jumppad:
0x0: {  	(pc) =	sbr.rel $0x88, $3  }
0x1: {  	(tag) =	ssettag $0x0;
	lr =	simm.s32 $0x1  }
0x2: {  	[smem:$0x3F9F] =	sst lr;
	_ =	strace $0xD0000000  }
0x3: {  	_ = 	snop  }
0x4: {  	_ = 	snop  }
0x5: {  	_ = 	snop  }
0x6: {  	_ = 	snop  }
0x7: {  	_ = 	snop  }
__scs_overlays_trampoline_lowered:
0x8: {  	[smem:$0x3FAE] =	sst s0  }
0x9: {  	[smem:$0x3FAF] =	sst s1  }
0xa: {  	[smem:$0x3FB0] =	sst s2  }
0xb: {  	[smem:$0x3FB1] =	sst s3  }
0xc: {  	[smem:$0x3FB2] =	sst s4  }
0xd: {  	[smem:$0x3FB3] =	sst s5  }
0xe: {  	[smem:$0x3FB4] =	sst s6  }
0xf: {  	[smem:$0x3FB5] =	sst s7  }
0x10: {  	[smem:$0x3FB6] =	sst s8  }
0x11: {  	[smem:$0x3FB7] =	sst s9;
	s0 =	simm.s32 @!p0 $0x0  }
0x12: {  	s1 =	sld [smem:$0x3F9D];
	s0 =	simm.s32 @p0 $0x1  }
0x13: {  	[smem:$0x3FB8] =	sst s0;
	s0 =	simm.s32 @!p1 $0x0  }
0x14: {  	s2 =	sld [smem:$0x3F9C];
	s0 =	simm.s32 @p1 $0x1  }
0x15: {  	[smem:$0x3FB9] =	sst s0;
	s0 =	simm.s32 @!p2 $0x0  }
0x16: {  	s3 =	sld [smem:$0x3FDB];
	s0 =	simm.s32 @p2 $0x1  }
0x17: {  	s4 =	simm.s32 $0x1BF5;
	[smem:$0x3FBB] =	sst s0  }
0x18: {  	s0 =	sld [smem:$0x3F9E];
	_ =	swait.ge [sflag:s4], $0x0  }
0x19: {  	s7 =	sld [smem:$0x3F9F]  }
0x1a: {  	s8 =	sadd.s32 $0xFFFFE003, lr  }
0x1b: {  	s9 =	sadd.s32 $0xFFFFFEF7, lr;
	s5 =	simm.s32 $0xFFFFFFFF;
	p2 =	slt.u32 s8, $0xFFFFF086  }
0x1c: {  	p1 =	slt.u32 s9, $0xF7A;
	s5 =	simm.s32 @!p2 $0x0  }
0x1d: {  	s5 =	simm.s32 @p1 $0x1;
	p0 =	seq.s32 s7, s2  }
0x1e: {  	s7 =	smul.u32 @!p0 $0xF7A, s2;
	p2 =	seq.s32 @!p0 s5, $0x0  }
0x1f: {  	s9 =	smul.u32 $0xF7A, s1;
	s8 =	simm.s32 @!p0 $0x1BF5;
	p2 =	por !p2, p0  }
0x20: {  	[sflag:s8] =	ssyncset.s32 @!p0 $0xFFFFF086;
	s6 =	sadd.s32 @!p0 s3, s7;
	s7 =	simm.s32 @!p0 $0x108  }
0x21: {  	s3 =	sadd.s32 s3, s9;
	s6 =	sadd.s32 @!p0 $0x88, s6;
	s7 =	simm.s32 @p2 $0x1082  }
0x22: {  	[simem:s7], [sflag:s8] =	dma.local @!p0 [hbm:s6], $0xF7A  }
0x23: {  	s9 =	sor.u32 $0xD0000000, s2;
	s6 =	simm.s32 $0x108;
	_ =	swait.ge @!p0 [sflag:s8], $0x0  }
0x24: {  	s3 =	sadd.s32 $0x88, s3;
	s6 =	simm.s32 @!p1 $0x1082;
	[sflag:s4] =	ssyncset.s32 $0xFFFFF086  }
0x25: {  	[simem:s6], [sflag:s4] =	dma.local [hbm:s3], $0xF7A  }
0x26: {  	[smem:$0x3F9F] =	sst s1;
	(tag) =	ssettag s2;
	_ =	strace s9  }
0x27: {  	s1 =	sld [smem:$0x3FAF]  }
0x28: {  	s2 =	sld [smem:$0x3FB0]  }
0x29: {  	s4 =	sld [smem:$0x3FB2]  }
0x2a: {  	p0 =	seq.s32 s5, $0x0;
	s5 =	sld [smem:$0x3FB3]  }
0x2b: {  	s6 =	sld [smem:$0x3FB4]  }
0x2c: {  	s7 =	sld [smem:$0x3FB5]  }
0x2d: {  	s3 =	simm.s32 $0x108;
	s8 =	sld [smem:$0x3FB6]  }
0x2e: {  	s3 =	simm.s32 @!p0 $0x1082;
	s9 =	sld [smem:$0x3FB7]  }
0x2f: {  	lr =	sadd.s32 s0, s3;
	s0 =	sld [smem:$0x3FAE]  }
0x30: {  	s3 =	sld [smem:$0x3FB1]  }
0x31: {  	[smem:$0x3FBA] =	sst s10  }
0x32: {  	s10 =	sld [smem:$0x3FB8];
	_ =	sdelay $0x3  }
0x33: {  	p0 =	seq.s32 s10, $0x1;
	s10 =	sld [smem:$0x3FBA];
	_ =	sdelay $0x3  }
0x34: {  	[smem:$0x3FBA] =	sst s10  }
0x35: {  	s10 =	sld [smem:$0x3FB9];
	_ =	sdelay $0x3  }
0x36: {  	p1 =	seq.s32 s10, $0x1;
	s10 =	sld [smem:$0x3FBA];
	_ =	sdelay $0x3  }
0x37: {  	[smem:$0x3FBA] =	sst s10  }
0x38: {  	s10 =	sld [smem:$0x3FBB]  }
0x39: {  	_ = 	snop;
	(pc) =	sbr.ind lr, $3  }
0x3a: {  	_ = 	snop  }
0x3b: {  	_ = 	snop  }
0x3c: {  	p2 =	seq.s32 s10, $0x1;
	s10 =	sld [smem:$0x3FBA]  }
0x3d: {  	_ =	shalt  }
0x3e: {  	_ =	shalt  }
0x3f: {  	_ =	shalt  }
0x40: {  	_ =	shalt  }
0x41: {  	_ =	shalt  }
0x42: {  	_ =	shalt  }
0x43: {  	_ =	shalt  }
0x44: {  	_ =	shalt  }
0x45: {  	_ =	shalt  }
0x46: {  	_ =	shalt  }
0x47: {  	_ =	shalt  }
0x48: {  	_ =	shalt  }
0x49: {  	_ =	shalt  }
0x4a: {  	_ =	shalt  }
0x4b: {  	_ =	shalt  }
0x4c: {  	_ =	shalt  }
0x4d: {  	_ =	shalt  }
0x4e: {  	_ =	shalt  }
0x4f: {  	_ =	shalt  }
0x50: {  	_ =	shalt  }
0x51: {  	_ =	shalt  }
0x52: {  	_ =	shalt  }
0x53: {  	_ =	shalt  }
0x54: {  	_ =	shalt  }
0x55: {  	_ =	shalt  }
0x56: {  	_ =	shalt  }
0x57: {  	_ =	shalt  }
0x58: {  	_ =	shalt  }
0x59: {  	_ =	shalt  }
0x5a: {  	_ =	shalt  }
0x5b: {  	_ =	shalt  }
0x5c: {  	_ =	shalt  }
0x5d: {  	_ =	shalt  }
0x5e: {  	_ =	shalt  }
0x5f: {  	_ =	shalt  }
0x60: {  	_ =	shalt  }
0x61: {  	_ =	shalt  }
0x62: {  	_ =	shalt  }
0x63: {  	_ =	shalt  }
0x64: {  	_ =	shalt  }
0x65: {  	_ =	shalt  }
0x66: {  	_ =	shalt  }
0x67: {  	_ =	shalt  }
0x68: {  	_ =	shalt  }
0x69: {  	_ =	shalt  }
0x6a: {  	_ =	shalt  }
0x6b: {  	_ =	shalt  }
0x6c: {  	_ =	shalt  }
0x6d: {  	_ =	shalt  }
0x6e: {  	_ =	shalt  }
0x6f: {  	_ =	shalt  }
0x70: {  	_ =	shalt  }
0x71: {  	_ =	shalt  }
0x72: {  	_ =	shalt  }
0x73: {  	_ =	shalt  }
0x74: {  	_ =	shalt  }
0x75: {  	_ =	shalt  }
0x76: {  	_ =	shalt  }
0x77: {  	_ =	shalt  }
0x78: {  	_ =	shalt  }
0x79: {  	_ =	shalt  }
0x7a: {  	_ =	shalt  }
0x7b: {  	_ =	shalt  }
0x7c: {  	_ =	shalt  }
0x7d: {  	_ =	shalt  }
0x7e: {  	_ =	shalt  }
0x7f: {  	_ =	shalt  }
0x80: {  	_ =	shalt  }
0x81: {  	_ =	shalt  }
0x82: {  	_ =	shalt  }
0x83: {  	_ =	shalt  }
0x84: {  	_ =	shalt  }
0x85: {  	_ =	shalt  }
0x86: {  	_ =	shalt  }
0x87: {  	_ =	shalt  }
.Lfunc_end0:
.L_simem_size_0:
called_computation_lowered:
.L_overlay_start_0:
0x88: {  	s2 =	sld [smem:$0x3FD9]  }
0x89: {  	s3 =	sld [smem:$0x3FFE];
	_ =	sdelay $0x1  }
0x8a: {  	s1 =	srdreg.scid  }
0x8b: {  	s0 =	sand.u32 $0x1, s1  }
0x8c: {  	s17 =	sshll.u32 s0, $0xA;
	s2 =	sadd.s32 s3, s2  }
0x8d: {  	s2 =	sadd.s32 s2, s17  }
0x8e: {  	[smem:$0x3FC6] =	sst s2  }
0x8f: {  	_ = 	snop  }
0x90: {  	s2 =	sld [smem:$0x3FD0];
	(tm) =	ssettm $0x1  }
0x91: {  	s18 =	sld [smem:$0x3FFB];
	_ =	sdelay $0x3  }
0x92: {  	_ =	strace s18  }
0x93: {  	s3 =	sld [smem:$0x3FFC];
	_ =	sdelay $0x3  }
0x94: {  	_ =	strace s3  }
0x95: {  	s3 =	sld [smem:$0x3FFD];
	_ =	sdelay $0x3  }
0x96: {  	_ =	strace s3  }
0x97: {  	_ =	strace $0x8FFFFFFF  }
0x98: {  	s19 =	sld [smem:$0x3FDB];
	_ =	sdelay $0x1  }
0x99: {  	s4 =	simm.s32 $_scs_section_size  }
0x9a: {  	s5 =	simm.s32 $_size__tile_overlayer_lowered;
	s6 =	simm.s32 $_tile_overlayer_lowered  }
0x9b: {  	s22 =	simm.s32 $0x1BFF;
	s21 =	sshll.u32 s6, $0x1;
	s3 =	sadd.s32 s4, s19  }
0x9c: {  	s7 =	simm.s32 $0x0;
	s20 =	sshll.u32 s5, $0x1;
	s5 =	sadd.s32 s21, s3  }
0x9d: {  	[timem:s7], [sflag:s22] =	dma.local [hbm:s5], s20  }
0x9e: {  	_ =	swait.ge [sflag:s22], s20  }
0x9f: {  	s4 =	ssub.s32 $0x0, s20;
	[sflag:s22] =	ssyncset.done $0x0  }
0xa0: {  	[sflag:s22] =	ssyncadd.s32 s4;
	_ =	sdelay $0x1  }
0xa1: {  	s23 =	simm.s32 $0x1B8B  }
0xa2: {  	_ =	swait.ge [sflag:s23], $0x1  }
0xa3: {  	[sflag:s23] =	ssyncset.done $0x0  }
0xa4: {  	s25 =	simm.s32 $0x1B8E;
	s24 =	sld [smem:$0x3FFE];
	[sflag:s23] =	ssyncadd.s32 $0xFFFFFFFF  }
0xa5: {  	s26 =	simm.s32 $execute0_lowered;
	[smem:$0x3FD2] =	sst s25  }
0xa6: {  	s5 =	sshll.u32 s26, $0x1;
	_ =	strace $0x80000046;
	[dreg:$0x1] =	wrdreg $0xFFFFFFFF  }
0xa7: {  	s28 =	simm.s32 $_size_execute0_lowered;
	s3 =	sadd.s32 s3, s5;
	[dreg:$0x0] =	wrdreg $0x0  }
0xa8: {  	s5 =	sshll.u32 s28, $0x1;
	[dreg:$0x2] =	wrdreg s3  }
0xa9: {  	[dreg:$0x3] =	wrdreg s5  }
0xaa: {  	[dreg:$0x4] =	wrdreg $0xC0  }
0xab: {  	_ =	task [dreg:s7], $0x5FFFF  }
0xac: {  	[dreg:$0x1] =	wrdreg $0xFFFFFFFF  }
0xad: {  	[dreg:$0x0] =	wrdreg $0x60  }
0xae: {  	[dreg:$0x2] =	wrdreg s24  }
0xaf: {  	[dreg:$0x3] =	wrdreg s2  }
0xb0: {  	[dreg:$0x4] =	wrdreg $0x9  }
0xb1: {  	_ =	task.clear_ibuf [dreg:s7], $0x5FFFF;
	_ =	strace $0x90000046  }
0xb2: {  	s29 =	simm.s32 $0x9;
	_ =	strace $0x80000048  }
0xb3: {  	_ =	swait.ge [sflag:s29], $0x1  }
0xb4: {  	[sflag:s29] =	ssyncadd.s32 $0xFFFFFFFF  }
0xb5: {  	_ =	strace $0x90000048  }
0xb6: {  	_ =	sfence  }
0xb7: {  	s30 =	sld [smem:$0x0];
	_ =	sdelay $0x2  }
0xb8: {  	s31 =	sshll.u32 s1, $0xD;
	s1 =	sshrl.u32 s1, $0x2  }
0xb9: {  	s3 =	sand.u32 $0x4000, s31;
	s1 =	sadd.s32 s1, s30  }
0xba: {  	s0 =	sor.u32 s3, s0;
	s1 =	sshll.u32 s1, $0x11  }
0xbb: {  	s0 =	sor.u32 s1, s0  }
0xbc: {  	s0 =	sadd.s32 $0x8F2B, s0  }
0xbd: {  	[sflag:s0] =	ssyncadd.remote.s32 $0x1  }
0xbe: {  	_ =	sfence.sel $0xFFFF  }
0xbf: {  	[dreg:$0x0] =	wrdreg $0xFFFFFFFF;
	(pc) =	sbr.abs _section_cstart, $3  }
0xc0: {  	[dreg:$0x1] =	wrdreg $0xFFFFFFFF  }
0xc1: {  	_ =	task.clear_ibuf [dreg:s7], $0x2FFFF;
	_ =	strace $0x9FFFFFFF  }
0xc2: {  	(tm) =	ssettm $0x7FFFFFFF  }
0xc3: {  	_ =	shalt  }
tec
execute0_lowered:
.L_overlay_start_1:
0x0: {  	(tag) =	ssettag $0x1  }
0x1: {  	s1 =	srdreg.scid  }
0x2: {  	s0 =	stileid.u32;
	s5 =	rddreg [dreg:$0x0]  }
0x3: {  	s2 =	rddreg [dreg:$0x1];
	s13 =	simm.s32 $0x2000;
	s14 =	simm.s32 $0x4000  }
0x4: {  	s15 =	simm.s32 $0x6000;
	s16 =	simm.s32 $0x6480;
	s17 =	simm.s32 $0x6900  }
0x5: {  	s18 =	simm.s32 $0x2;
	s20 =	simm.s32 $0x8D80;
	s21 =	simm.s32 $0x9000  }
0x6: {  	s22 =	simm.s32 $0x3;
	s23 =	simm.s32 $0x1;
	s24 =	simm.s32 $0x0  }
0x7: {  	s4 =	sand.u32 $0x1, s1;
	s31 =	sshrl.u32 s0, $0x3;
	s12 =	sand.u32 $0x7, s0  }
0x8: {  	s19 =	sand.u32 $0x8, s0;
	s3 =	sshll.u32 s4, $0x1;
	s4 =	ssub.s32 $0x2, s4  }
0x9: {  	p0 =	sne.s32 s12, $0x0;
	s12 =	simm.s32 $0x4;
	s10 =	sor.u32 s31, s3  }
0xa: {  	s19 =	sshll.u32 s19, $0x10;
	s3 =	simm.s32 $0x0;
	s6 =	smul.u32 $0x6000, s10  }
0xb: {  	s8 =	sshrl.u32 s4, $0x1;
	[smem:$0x7FF] =	sst s3;
	s7 =	smul.u32 $0xC00, s10  }
.Ltmp0:
0xc: {  	s11 =	ssub.s32 s4, s8;
	s10 =	sshll.u32 s10, $0x10;
	(pc) =	sbr.rel .LBB2_1-.Ltmp0, $4  }
0xd: {  	_ =	strace $0x80000047;
	s6 =	sshrl.u32 s6, $0x3;
	s7 =	sshrl.u32 s7, $0x3  }
0xe: {  	s11 =	smax.u32 s11, $0x1;
	s6 =	sadd.s32 s6, s5;
	s9 =	sadd.s32 s7, s5  }
0xf: {  	s4 =	sadd.s32 $0xA00, s6;
	s5 =	sadd.s32 $0xE00, s6;
	s6 =	sadd.s32 $0x1200, s6  }
0x10: {  	v0 =	vimm.s32 $0x2001;
	v1 =	vlaneseq.u32;
	v2 =	vimm.s32 $0x1;
	s7 =	sadd.s32 $0x400, s9;
	s8 =	sadd.s32 $0x480, s9;
	s9 =	sadd.s32 $0x500, s9  }
.LBB2_8:
0x11: {  	s24 =	sadd.s32 $0x1, s24  }
0x12: {  	p1 =	sne.s32 s24, s11  }
.Ltmp1:
0x13: {  	_ = 	snop;
	(pc) =	sbr.rel @!p1 .LBB2_9-.Ltmp1, $1  }
0x14: {  	_ =	sdelay $0x3  }
.LBB2_1:
0x15: {  	[tilespmem:s3], [sflag:$0x4] =	stream.linear.gather [hbm4b:s4+s3], $0x2000, $0x38;
	[tilespmem:$0x9200] =	vst v63  }
0x16: {  	_ =	swait.ge [sflag:s12], $0x2000  }
0x17: {  	[sflag:s12] =	ssyncset.done $0x0  }
0x18: {  	[sflag:s12] =	ssyncadd.s32 $0xFFFFE000  }
0x19: {  	[tilespmem:s13], [sflag:$0x4] =	stream.linear.gather [hbm4b:s5+s3], $0x2000, $0x38;
	[tilespmem:$0x9200] =	vst v63  }
0x1a: {  	_ =	swait.ge [sflag:s12], $0x2000  }
0x1b: {  	[sflag:s12] =	ssyncset.done $0x0  }
0x1c: {  	[sflag:s12] =	ssyncadd.s32 $0xFFFFE000  }
0x1d: {  	[tilespmem:s14], [sflag:$0x4] =	stream.linear.gather [hbm4b:s6+s3], $0x2000, $0x38;
	[tilespmem:$0x9200] =	vst v63  }
0x1e: {  	_ =	swait.ge [sflag:s12], $0x2000  }
0x1f: {  	[sflag:s12] =	ssyncset.done $0x0  }
0x20: {  	[sflag:s12] =	ssyncadd.s32 $0xFFFFE000  }
0x21: {  	[tilespmem:s15], [sflag:$0x4] =	stream.linear.gather [hbm4b:s7+s3], $0x400, $0x38;
	[tilespmem:$0x9200] =	vst v63  }
0x22: {  	_ =	swait.ge [sflag:s12], $0x400  }
0x23: {  	[sflag:s12] =	ssyncset.done $0x0  }
0x24: {  	[sflag:s12] =	ssyncadd.s32 $0xFFFFFC00  }
0x25: {  	[tilespmem:s16], [sflag:$0x4] =	stream.linear.gather [hbm4b:s8+s3], $0x400, $0x38;
	[tilespmem:$0x9200] =	vst v63  }
0x26: {  	_ =	swait.ge [sflag:s12], $0x400  }
0x27: {  	[sflag:s12] =	ssyncset.done $0x0  }
0x28: {  	[sflag:s12] =	ssyncadd.s32 $0xFFFFFC00  }
0x29: {  	[tilespmem:s17], [sflag:$0x4] =	stream.linear.gather [hbm4b:s9+s3], $0x400, $0x38;
	[tilespmem:$0x9200] =	vst v63  }
0x2a: {  	_ =	swait.ge [sflag:s12], $0x400  }
0x2b: {  	[sflag:s12] =	ssyncset.done $0x0  }
0x2c: {  	s25 =	simm.s32 @!p0 $0x0;
	[sflag:s12] =	ssyncadd.s32 $0xFFFFFC00  }
0x2d: {  	[smem:$0x0] =	sst @!p0 s25  }
0x2e: {  	s25 =	simm.s32 $0x0;
	[bflag:$0x0] =	sbarrier.arrive $0xFFFF  }
0x2f: {  	v3 =	vld [tilespmem:s25+$0x0]  }
0x30: {  	v4 =	vld [tilespmem:s25+$0x2000]  }
0x31: {  	v5 =	vld [tilespmem:s25+$0x4000];
	_ =	sdelay $0x2  }
0x32: {  	s26 =	simm.s32 $0x10  }
0x33: {  	v6 =	vmul.f32 v3, v3;
	v4 =	vmul.f32 v4, v4;
	v3 =	vld [tilespmem:s26+$0x0]  }
0x34: {  	v7 =	vmul.f32 v5, v5;
	v5 =	vld [tilespmem:s26+$0x2000]  }
0x35: {  	v6 =	vadd.f32 v4, v6  }
0x36: {  	v4 =	vld [tilespmem:s26+$0x4000]  }
0x37: {  	s28 =	simm.s32 $0x80;
	v6 =	vadd.f32 v7, v6  }
.LBB2_2:
0x38: {  	s29 =	sshra.s32 s28, $0x2;
	p1 =	sne.s32 s28, $0x7FC0  }
.Ltmp2:
0x39: {  	s28 =	sadd.s32 $0x40, s28;
	v7 =	vmul.f32 v3, v3;
	v3 =	vld [tilespmem:s29+$0x0];
	v8 =	vmul.f32 v5, v5;
	[tilespmem:s25+$0x6D80] =	vst v6;
	(pc) =	sbr.rel @p1 .LBB2_2-.Ltmp2, $4  }
0x3a: {  	s25 =	smov.u32 s26;
	s26 =	smov.u32 s29;
	v5 =	vld [tilespmem:s29+$0x2000]  }
0x3b: {  	v6 =	vadd.f32 v8, v7;
	v7 =	vmul.f32 v4, v4  }
0x3c: {  	v4 =	vld [tilespmem:s26+$0x4000]  }
0x3d: {  	v6 =	vadd.f32 v7, v6  }
0x3e: {  	_ = 	snop  }
0x3f: {  	v3 =	vmul.f32 v3, v3;
	v5 =	vmul.f32 v5, v5;
	_ =	sdelay $0x1  }
0x40: {  	v3 =	vadd.f32 v5, v3;
	v4 =	vmul.f32 v4, v4;
	_ =	sdelay $0x1  }
0x41: {  	v3 =	vadd.f32 v4, v3  }
0x42: {  	[tilespmem:s25+$0x6D80] =	vst v6  }
0x43: {  	[tilespmem:s26+$0x6D80] =	vst v3;
	[sflag:s18] =	ssyncset.done $0x0  }
0x44: {  	[smem:s19], [sflag:$0x2] =	smem.add.s32 $0x1  }
0x45: {  	_ =	swait.done [sflag:s18]  }
0x46: {  	s25 =	ssyncread [sflag:$0x2];
	_ =	sdelay $0x2  }
0x47: {  	p2 =	sgt.s32 s25, $0x7F  }
.Ltmp3:
0x48: {  	_ = 	snop;
	(pc) =	sbr.rel @p2 .LBB2_8-.Ltmp3, $3  }
0x49: {  	_ =	sdelay $0x1  }
0x4a: {  	[sflag:s18] =	ssyncset.s32 $0x0  }
0x4b: {  	p1 =	por $0x0, $0x0;
	[sflag:s18] =	ssyncset.done $0x0  }
.LBB2_4:
0x4c: {  	s26 =	sshll.u32 s25, $0x3  }
0x4d: {  	v22 =	vld [tilespmem:s26+$0x6000]  }
0x4e: {  	v26 =	vld [tilespmem:s26+$0x6001]  }
0x4f: {  	v27 =	vld [tilespmem:s26+$0x6002]  }
0x50: {  	v28 =	vld [tilespmem:s26+$0x6003]  }
0x51: {  	v29 =	vld [tilespmem:s26+$0x6004]  }
0x52: {  	v30 =	vld [tilespmem:s26+$0x6005]  }
0x53: {  	v31 =	vld [tilespmem:s26+$0x6006]  }
0x54: {  	v32 =	vld [tilespmem:s26+$0x6007]  }
0x55: {  	v25 =	vld [tilespmem:s26+$0x6480]  }
0x56: {  	v33 =	vld [tilespmem:s26+$0x6481]  }
0x57: {  	v34 =	vld [tilespmem:s26+$0x6482]  }
0x58: {  	v35 =	vld [tilespmem:s26+$0x6483]  }
0x59: {  	v36 =	vld [tilespmem:s26+$0x6484];
	v3 =	vadd.f32 v22, v22  }
0x5a: {  	v40 =	vld [tilespmem:s26+$0x6900];
	v4 =	vadd.f32 v26, v26;
	v5 =	vadd.f32 v27, v27  }
0x5b: {  	v37 =	vld [tilespmem:s26+$0x6485];
	v6 =	vadd.f32 v28, v28;
	v7 =	vadd.f32 v29, v29  }
0x5c: {  	v41 =	vld [tilespmem:s26+$0x6901];
	v8 =	vadd.f32 v30, v30;
	v9 =	vadd.f32 v31, v31  }
0x5d: {  	v42 =	vld [tilespmem:s26+$0x6902];
	v10 =	vadd.f32 v32, v32;
	v11 =	vadd.f32 v25, v25;
	v49 =	vmul.f32 v22, v22  }
0x5e: {  	v43 =	vld [tilespmem:s26+$0x6903];
	v12 =	vadd.f32 v33, v33;
	v60 =	vmul.f32 v25, v25;
	v26 =	vmul.f32 v26, v26  }
0x5f: {  	v38 =	vld [tilespmem:s26+$0x6486];
	v19 =	vadd.f32 v40, v40;
	v40 =	vmul.f32 v40, v40;
	v33 =	vmul.f32 v33, v33  }
0x60: {  	v39 =	vld [tilespmem:s26+$0x6487];
	v13 =	vadd.f32 v34, v34;
	v27 =	vmul.f32 v27, v27;
	v28 =	vmul.f32 v28, v28  }
0x61: {  	v44 =	vld [tilespmem:s26+$0x6904];
	v20 =	vadd.f32 v41, v41;
	v41 =	vmul.f32 v41, v41;
	v34 =	vmul.f32 v34, v34  }
0x62: {  	v14 =	vadd.f32 v35, v35;
	v35 =	vmul.f32 v35, v35;
	v29 =	vmul.f32 v29, v29  }
0x63: {  	v15 =	vadd.f32 v36, v36;
	v51 =	vmul.f32 v42, v42;
	v52 =	vmul.f32 v43, v43  }
0x64: {  	v16 =	vadd.f32 v37, v37;
	v36 =	vmul.f32 v36, v36;
	v30 =	vmul.f32 v30, v30  }
0x65: {  	v45 =	vld [tilespmem:s26+$0x6905];
	v17 =	vadd.f32 v38, v38;
	v31 =	vmul.f32 v31, v31;
	v55 =	vmul.f32 v37, v37  }
0x66: {  	v46 =	vld [tilespmem:s26+$0x6906];
	v18 =	vadd.f32 v39, v39;
	v32 =	vmul.f32 v32, v32;
	v56 =	vmul.f32 v44, v44  }
0x67: {  	v47 =	vld [tilespmem:s26+$0x6907];
	v21 =	vadd.f32 v42, v42;
	v57 =	vmul.f32 v38, v38;
	v58 =	vmul.f32 v39, v39  }
0x68: {  	v23 =	vadd.f32 v43, v43;
	v3 =	vbroadcast v3, $0x0;
	v4 =	vbroadcast v4, $0x0  }
0x69: {  	v24 =	vadd.f32 v44, v44;
	v5 =	vbroadcast v5, $0x0;
	v6 =	vbroadcast v6, $0x0  }
0x6a: {  	v48 =	vadd.f32 v45, v45;
	v7 =	vbroadcast v7, $0x0;
	v8 =	vbroadcast v8, $0x0  }
0x6b: {  	v50 =	vadd.f32 v46, v46;
	v9 =	vbroadcast v9, $0x0;
	v10 =	vbroadcast v10, $0x0  }
0x6c: {  	v61 =	vadd.f32 v47, v47;
	v11 =	vbroadcast v11, $0x0;
	v12 =	vbroadcast v12, $0x0  }
0x6d: {  	v39 =	vimm.s32 $0xFFFFFFFF;
	v13 =	vbroadcast v13, $0x0;
	v14 =	vbroadcast v14, $0x0  }
0x6e: {  	v42 =	vimm.s32 $0xEF;
	v15 =	vbroadcast v15, $0x0;
	v16 =	vbroadcast v16, $0x0  }
0x6f: {  	v38 =	vimm.s32 $0x13F;
	v17 =	vbroadcast v17, $0x0;
	v18 =	vbroadcast v18, $0x0  }
0x70: {  	v19 =	vbroadcast v19, $0x0;
	v59 =	vsub.f32 $3.999999910e-02, v49;
	v62 =	vsub.f32 $3.999999910e-02, v26  }
0x71: {  	v20 =	vbroadcast v20, $0x0;
	v63 =	vsub.f32 $3.999999910e-02, v27;
	v28 =	vsub.f32 $3.999999910e-02, v28  }
0x72: {  	v22 =	vbroadcast v23, $0x0;
	v29 =	vsub.f32 $3.999999910e-02, v29;
	v30 =	vsub.f32 $3.999999910e-02, v30  }
0x73: {  	v23 =	vbroadcast v24, $0x0;
	v31 =	vsub.f32 $3.999999910e-02, v31;
	v32 =	vsub.f32 $3.999999910e-02, v32  }
0x74: {  	v24 =	vbroadcast v48, $0x0;
	v48 =	vsub.f32 v59, v60;
	v33 =	vsub.f32 v62, v33  }
0x75: {  	v21 =	vbroadcast v21, $0x0;
	v34 =	vsub.f32 v63, v34;
	v35 =	vsub.f32 v28, v35  }
0x76: {  	v25 =	vbroadcast v50, $0x0;
	v29 =	vsub.f32 v29, v36;
	v30 =	vsub.f32 v30, v55  }
0x77: {  	v26 =	vbroadcast v61, $0x0;
	v31 =	vsub.f32 v31, v57;
	v32 =	vsub.f32 v32, v58  }
0x78: {  	[tilespmem:$0x8D80] =	vst v0;
	v59 =	vmul.f32 v45, v45;
	v40 =	vsub.f32 v48, v40;
	v33 =	vsub.f32 v33, v41  }
0x79: {  	[tilespmem:$0x8DD0] =	vst v0;
	v60 =	vmul.f32 v46, v46;
	v53 =	vsub.f32 v34, v51;
	v54 =	vsub.f32 v35, v52  }
0x7a: {  	[tilespmem:$0x8E20] =	vst v0;
	v61 =	vmul.f32 v47, v47;
	v36 =	vsub.f32 v29, v56;
	v62 =	vsub.f32 v30, v59  }
0x7b: {  	[tilespmem:$0x8E70] =	vst v0;
	v37 =	vsub.f32 v31, v60;
	v27 =	vbroadcast v40, $0x0;
	v28 =	vbroadcast v33, $0x0  }
0x7c: {  	[tilespmem:$0x8EC0] =	vst v0;
	v63 =	vsub.f32 v32, v61;
	v29 =	vbroadcast v53, $0x0;
	v30 =	vbroadcast v54, $0x0  }
0x7d: {  	[tilespmem:$0x8F10] =	vst v0;
	v41 =	vimm.s32 $0x9F;
	v31 =	vbroadcast v36, $0x0;
	v32 =	vbroadcast v62, $0x0  }
0x7e: {  	s28 =	simm.s32 $0x6E00;
	s29 =	simm.s32 $0x4080;
	[tilespmem:$0x8F60] =	vst v0;
	v35 =	vimm.s32 $0x22F;
	v33 =	vbroadcast v37, $0x0;
	v34 =	vbroadcast v63, $0x0  }
0x7f: {  	s30 =	simm.s32 $0x2080;
	s31 =	simm.s32 $0x80;
	s26 =	simm.s32 $0x0;
	[tilespmem:$0x8FB0] =	vst v0;
	v40 =	vimm.s32 $0x4F;
	v37 =	vimm.s32 $0x18F;
	v36 =	vimm.s32 $0x1DF  }
.LBB2_5:
0x80: {  	v43 =	vld [tilespmem:s31+$0xFFFFFF80]  }
0x81: {  	v44 =	vld [tilespmem:s30+$0xFFFFFF80];
	_ =	sdelay $0x1  }
0x82: {  	v47 =	vld [tilespmem:s29+$0xFFFFFF80];
	_ =	sdelay $0x1  }
0x83: {  	v46 =	vmul.f32 v43, v3  }
0x84: {  	v45 =	vld [tilespmem:s28+$0xFFFFFF80];
	v48 =	vmul.f32 v44, v11;
	v49 =	vmul.f32 v43, v4  }
0x85: {  	v62 =	vmul.f32 v43, v5;
	v50 =	vmul.f32 v44, v12  }
0x86: {  	v51 =	vmul.f32 v43, v6;
	v52 =	vmul.f32 v47, v19  }
0x87: {  	v53 =	vmul.f32 v44, v13;
	v57 =	vmul.f32 v44, v14  }
0x88: {  	v54 =	vmul.f32 v47, v20;
	v58 =	vmul.f32 v47, v21  }
0x89: {  	v59 =	vmul.f32 v47, v22;
	v61 =	vmul.f32 v43, v7;
	v46 =	vsub.f32 v45, v46  }
0x8a: {  	v55 =	vmul.f32 v44, v16;
	v49 =	vsub.f32 v45, v49;
	v63 =	vsub.f32 v45, v51  }
0x8b: {  	v56 =	vmul.f32 v43, v9;
	v46 =	vsub.f32 v46, v48;
	v48 =	vsub.f32 v45, v62  }
0x8c: {  	v49 =	vsub.f32 v49, v50;
	v50 =	vsub.f32 v63, v57;
	v62 =	vmul.f32 v43, v8  }
0x8d: {  	v63 =	vsub.f32 v45, v61;
	v57 =	vmul.f32 v47, v23;
	v48 =	vsub.f32 v48, v53  }
0x8e: {  	v43 =	vmul.f32 v43, v10;
	v46 =	vsub.f32 v46, v52;
	v49 =	vsub.f32 v49, v54  }
0x8f: {  	v60 =	vsub.f32 v50, v59;
	v54 =	vmul.f32 v44, v15;
	v48 =	vsub.f32 v48, v58  }
0x90: {  	v59 =	vmul.f32 v44, v17;
	v43 =	vsub.f32 v45, v43;
	v44 =	vmul.f32 v44, v18  }
0x91: {  	vm7 =	vlt.f32 v46, v27;
	vm2 =	vlt.f32 v48, v29;
	v48 =	vsub.f32 v45, v62  }
0x92: {  	vm6 =	vlt.f32 v49, v28;
	v46 =	vsub.f32 v63, v54;
	v58 =	vsub.f32 v45, v56  }
0x93: {  	vm4 =	vlt.f32 v60, v30;
	v60 =	vmul.f32 v47, v24;
	(xrf0) =	vadd.scan.msk.s32 vm7, v2;
	v48 =	vsub.f32 v48, v55  }
0x94: {  	v63 =	vmul.f32 v47, v25;
	(xrf0) =	vadd.scan.msk.s32 vm6, v2;
	v61 =	vsub.f32 v46, v57;
	v62 =	vsub.f32 v58, v59  }
0x95: {  	v50 =	vmul.f32 v47, v26;
	v43 =	vsub.f32 v43, v44;
	(xrf0) =	vadd.scan.msk.s32 vm2, v2;
	v48 =	vsub.f32 v48, v60  }
0x96: {  	(xrf0) =	vadd.scan.msk.s32 vm4, v2;
	vm1 =	vlt.f32 v61, v31;
	v51 =	vsub.f32 v62, v63  }
0x97: {  	v43 =	vsub.f32 v43, v50;
	(xrf0) =	vadd.scan.msk.s32 vm1, v2;
	vm0 =	vlt.f32 v48, v32  }
0x98: {  	vm5 =	vlt.f32 v51, v33;
	(xrf0) =	vadd.scan.msk.s32 vm0, v2  }
0x99: {  	vm3 =	vlt.f32 v43, v34;
	v52, _, _ =	vpop (xrf0);
	(xrf0) =	vadd.scan.msk.s32 vm5, v2  }
0x9a: {  	v53 =	vadd.s32 v39, v52;
	v54, _, _ =	vpop (xrf0);
	(xrf0) =	vadd.scan.msk.s32 vm3, v2  }
0x9b: {  	v44 =	vadd.s32 v40, v54;
	v55, _, _ =	vpop (xrf0)  }
0x9c: {  	v45 =	vadd.s32 v41, v55;
	v56, _, _ =	vpop (xrf0)  }
0x9d: {  	v46 =	vadd.s32 v42, v56;
	v57, _, _ =	vpop (xrf0)  }
0x9e: {  	v58 =	vor.u32 s26, v1;
	v47 =	vadd.s32 v38, v57;
	v59, _, _ =	vpop (xrf0)  }
0x9f: {  	[tilespmem:v53+s20+$0x0] =	vst.idx.msk vm7, v58;
	v60 =	vadd.s32 v37, v59;
	v61, _, _ =	vpop (xrf0)  }
0xa0: {  	[tilespmem:v44+s20+$0x0] =	vst.idx.msk vm6, v58;
	v62 =	vadd.s32 v36, v61;
	v63, _, _ =	vpop (xrf0)  }
0xa1: {  	[tilespmem:v45+s20+$0x0] =	vst.idx.msk vm2, v58;
	v51 =	vadd.s32 v35, v63  }
0xa2: {  	[tilespmem:v46+s20+$0x0] =	vst.idx.msk vm4, v58  }
0xa3: {  	[tilespmem:v47+s20+$0x0] =	vst.idx.msk vm1, v58  }
0xa4: {  	[tilespmem:v60+s20+$0x0] =	vst.idx.msk vm0, v58  }
0xa5: {  	[tilespmem:v62+s20+$0x0] =	vst.idx.msk vm5, v58  }
0xa6: {  	v54 =	vmpcnt.ones.xlane vm6;
	[tilespmem:v51+s20+$0x0] =	vst.idx.msk vm3, v58  }
0xa7: {  	v43 =	vld [tilespmem:s31+$0xFFFFFF90]  }
0xa8: {  	v52 =	vmpcnt.ones.xlane vm7;
	v55 =	vadd.s32 v40, v54;
	v45 =	vld [tilespmem:s30+$0xFFFFFF90]  }
0xa9: {  	vm12 =	vlt.s32 v55, $0x8F;
	v57 =	vmpcnt.ones.xlane vm2;
	v47 =	vld [tilespmem:s29+$0xFFFFFF90]  }
0xaa: {  	v53 =	vadd.s32 v39, v52;
	v40 =	vnsel vm12, $0x8F, v55;
	v46 =	vld [tilespmem:s28+$0xFFFFFF90]  }
0xab: {  	vm11 =	vlt.s32 v53, $0x3F;
	v41 =	vadd.s32 v41, v57;
	v58 =	vmpcnt.ones.xlane vm4  }
0xac: {  	v39 =	vnsel vm11, $0x3F, v53;
	vm13 =	vlt.s32 v41, $0xDF;
	v56 =	vmul.f32 v43, v3  }
0xad: {  	v42 =	vadd.s32 v42, v58;
	v59 =	vmul.f32 v45, v11;
	v60 =	vmul.f32 v43, v4  }
0xae: {  	vm10 =	vlt.s32 v42, $0x12F;
	v61 =	vmul.f32 v47, v19;
	v62 =	vmul.f32 v43, v5  }
0xaf: {  	v63 =	vmul.f32 v45, v12;
	v58 =	vmul.f32 v45, v13;
	v44 =	vsub.f32 v46, v56  }
0xb0: {  	v48 =	vsub.f32 v46, v60;
	v56 =	vmul.f32 v43, v6;
	v57 =	vsub.f32 v46, v62  }
0xb1: {  	v60 =	vmul.f32 v45, v14;
	v62 =	vmul.f32 v47, v21;
	v44 =	vsub.f32 v44, v59  }
0xb2: {  	v48 =	vsub.f32 v48, v63;
	v59 =	vsub.f32 v46, v56;
	v63 =	vmul.f32 v47, v22  }
0xb3: {  	v49 =	vsub.f32 v57, v58;
	v56 =	vmul.f32 v43, v7;
	v57 =	vmul.f32 v43, v8  }
0xb4: {  	v44 =	vsub.f32 v44, v61;
	v61 =	vmul.f32 v47, v20;
	v51 =	vsub.f32 v59, v60  }
0xb5: {  	v49 =	vsub.f32 v49, v62;
	v59 =	vmul.f32 v45, v15;
	v60 =	vmul.f32 v45, v16  }
0xb6: {  	v58 =	vsub.f32 v46, v56;
	v62 =	vmul.f32 v47, v23;
	v56 =	vmul.f32 v45, v17  }
0xb7: {  	v45 =	vmul.f32 v45, v18;
	v48 =	vsub.f32 v48, v61;
	vm9 =	vlt.f32 v44, v27  }
0xb8: {  	v55 =	vsub.f32 v51, v63;
	vm6 =	vlt.f32 v49, v29;
	v61 =	vmul.f32 v43, v9  }
0xb9: {  	v43 =	vmul.f32 v43, v10;
	vm8 =	vlt.f32 v48, v28;
	v48 =	vsub.f32 v46, v57  }
0xba: {  	v44 =	vsub.f32 v58, v59;
	v59 =	vmul.f32 v47, v25;
	v63 =	vsub.f32 v46, v61  }
0xbb: {  	(xrf0) =	vadd.scan.msk.s32 vm9, v2;
	v57 =	vmul.f32 v47, v24;
	v43 =	vsub.f32 v46, v43;
	v48 =	vsub.f32 v48, v60  }
0xbc: {  	vm7 =	vlt.f32 v55, v30;
	v44 =	vsub.f32 v44, v62;
	(xrf0) =	vadd.scan.msk.s32 vm8, v2;
	v58 =	vsub.f32 v63, v56  }
0xbd: {  	(xrf0) =	vadd.scan.msk.s32 vm6, v2;
	v43 =	vsub.f32 v43, v45;
	v60 =	vmul.f32 v47, v26;
	v48 =	vsub.f32 v48, v57  }
0xbe: {  	v51 =	vmpcnt.ones.xlane vm5;
	vm4 =	vlt.f32 v44, v31;
	(xrf0) =	vadd.scan.msk.s32 vm7, v2;
	v62 =	vsub.f32 v58, v59  }
0xbf: {  	v61 =	vmpcnt.ones.xlane vm1;
	(xrf0) =	vadd.scan.msk.s32 vm4, v2;
	v43 =	vsub.f32 v43, v60;
	vm1 =	vlt.f32 v48, v32  }
0xc0: {  	v41 =	vnsel vm13, $0xDF, v41;
	v42 =	vnsel vm10, $0x12F, v42;
	vm2 =	vlt.f32 v62, v33;
	(xrf0) =	vadd.scan.msk.s32 vm1, v2  }
0xc1: {  	v54 =	vadd.s32 v36, v51;
	v49, _, _ =	vpop (xrf0);
	v48 =	vmpcnt.ones.xlane vm0;
	vm0 =	vlt.f32 v43, v34;
	(xrf0) =	vadd.scan.msk.s32 vm2, v2  }
0xc2: {  	v55 =	vmpcnt.ones.xlane vm3;
	v63 =	vadd.s32 v38, v61;
	v44 =	vadd.s32 v39, v49;
	v52, _, _ =	vpop (xrf0);
	(xrf0) =	vadd.scan.msk.s32 vm0, v2  }
0xc3: {  	vm10 =	vlt.s32 v54, $0x21F;
	vm14 =	vlt.s32 v63, $0x17F;
	v45 =	vadd.s32 v40, v52;
	v53, _, _ =	vpop (xrf0)  }
0xc4: {  	v38 =	vnsel vm14, $0x17F, v63;
	v50 =	vadd.s32 v37, v48;
	v46 =	vadd.s32 v41, v53;
	v56, _, _ =	vpop (xrf0)  }
0xc5: {  	s1 =	sadd.s32 $0x10, s26;
	v58 =	vadd.s32 v35, v55;
	vm15 =	vlt.s32 v50, $0x1CF;
	v47 =	vadd.s32 v42, v56;
	v57, _, _ =	vpop (xrf0)  }
0xc6: {  	v59 =	vor.u32 s1, v1;
	v37 =	vnsel vm15, $0x1CF, v50;
	v48 =	vadd.s32 v38, v57;
	v60, _, _ =	vpop (xrf0)  }
0xc7: {  	v36 =	vnsel vm10, $0x21F, v54;
	vm11 =	vlt.s32 v58, $0x26F;
	[tilespmem:v44+s20+$0x0] =	vst.idx.msk vm9, v59;
	v61 =	vadd.s32 v37, v60;
	v62, _, _ =	vpop (xrf0)  }
0xc8: {  	v35 =	vnsel vm11, $0x26F, v58;
	[tilespmem:v45+s20+$0x0] =	vst.idx.msk vm8, v59;
	v63 =	vadd.s32 v36, v62;
	v52, _, _ =	vpop (xrf0)  }
0xc9: {  	[tilespmem:v46+s20+$0x0] =	vst.idx.msk vm6, v59;
	v53 =	vadd.s32 v35, v52  }
0xca: {  	[tilespmem:v47+s20+$0x0] =	vst.idx.msk vm7, v59  }
0xcb: {  	[tilespmem:v48+s20+$0x0] =	vst.idx.msk vm4, v59  }
0xcc: {  	[tilespmem:v61+s20+$0x0] =	vst.idx.msk vm1, v59  }
0xcd: {  	[tilespmem:v63+s20+$0x0] =	vst.idx.msk vm2, v59  }
0xce: {  	[tilespmem:v53+s20+$0x0] =	vst.idx.msk vm0, v59  }
0xcf: {  	v43 =	vld [tilespmem:s31+$0xFFFFFFA0]  }
0xd0: {  	v54 =	vmpcnt.ones.xlane vm9;
	v55 =	vmpcnt.ones.xlane vm8;
	v45 =	vld [tilespmem:s30+$0xFFFFFFA0]  }
0xd1: {  	v47 =	vld [tilespmem:s29+$0xFFFFFFA0]  }
0xd2: {  	v39 =	vadd.s32 v39, v54;
	v40 =	vadd.s32 v40, v55  }
0xd3: {  	v58 =	vmpcnt.ones.xlane vm7;
	vm12 =	vlt.s32 v39, $0x3F;
	vm13 =	vlt.s32 v40, $0x8F  }
0xd4: {  	v39 =	vnsel vm12, $0x3F, v39;
	v40 =	vnsel vm13, $0x8F, v40;
	v57 =	vmpcnt.ones.xlane vm6;
	v46 =	vld [tilespmem:s28+$0xFFFFFFA0]  }
0xd5: {  	v42 =	vadd.s32 v42, v58;
	v56 =	vmul.f32 v43, v3;
	v59 =	vmul.f32 v45, v11  }
0xd6: {  	vm15 =	vlt.s32 v42, $0x12F;
	v60 =	vmul.f32 v43, v4;
	v61 =	vmul.f32 v47, v19  }
0xd7: {  	v42 =	vnsel vm15, $0x12F, v42;
	v62 =	vmul.f32 v43, v5;
	v63 =	vmul.f32 v45, v12  }
0xd8: {  	v41 =	vadd.s32 v41, v57;
	v58 =	vmul.f32 v45, v13;
	v54 =	vmul.f32 v43, v7  }
0xd9: {  	v55 =	vmul.f32 v43, v8;
	v44 =	vsub.f32 v46, v56;
	v48 =	vsub.f32 v46, v60  }
0xda: {  	v56 =	vmul.f32 v43, v6;
	v57 =	vsub.f32 v46, v62;
	v60 =	vmul.f32 v45, v14  }
0xdb: {  	v62 =	vmul.f32 v47, v21;
	v44 =	vsub.f32 v44, v59;
	v48 =	vsub.f32 v48, v63  }
0xdc: {  	v59 =	vsub.f32 v46, v56;
	v49 =	vsub.f32 v57, v58;
	v63 =	vmul.f32 v47, v22  }
0xdd: {  	v56 =	vsub.f32 v46, v54;
	v57 =	vmul.f32 v45, v15;
	v58 =	vmul.f32 v45, v16  }
0xde: {  	v54 =	vmul.f32 v47, v25;
	v44 =	vsub.f32 v44, v61;
	v61 =	vmul.f32 v47, v20  }
0xdf: {  	v51 =	vsub.f32 v59, v60;
	v49 =	vsub.f32 v49, v62;
	v59 =	vmul.f32 v43, v9  }
0xe0: {  	v60 =	vmul.f32 v47, v23;
	v43 =	vmul.f32 v43, v10;
	v48 =	vsub.f32 v48, v61  }
0xe1: {  	v62 =	vmul.f32 v45, v17;
	v45 =	vmul.f32 v45, v18;
	vm9 =	vlt.f32 v44, v27  }
0xe2: {  	v53 =	vsub.f32 v51, v63;
	vm8 =	vlt.f32 v48, v28;
	v48 =	vsub.f32 v46, v55  }
0xe3: {  	vm6 =	vlt.f32 v49, v29;
	v44 =	vsub.f32 v56, v57;
	v61 =	vsub.f32 v46, v59  }
0xe4: {  	v63 =	vmul.f32 v47, v24;
	v43 =	vsub.f32 v46, v43;
	(xrf0) =	vadd.scan.msk.s32 vm9, v2;
	v48 =	vsub.f32 v48, v58  }
0xe5: {  	vm7 =	vlt.f32 v53, v30;
	v44 =	vsub.f32 v44, v60;
	v53 =	vsub.f32 v61, v62;
	(xrf0) =	vadd.scan.msk.s32 vm8, v2  }
0xe6: {  	v43 =	vsub.f32 v43, v45;
	v55 =	vmul.f32 v47, v26;
	(xrf0) =	vadd.scan.msk.s32 vm6, v2;
	v48 =	vsub.f32 v48, v63  }
0xe7: {  	v56 =	vmpcnt.ones.xlane vm4;
	vm5 =	vlt.f32 v44, v31;
	v57 =	vsub.f32 v53, v54;
	(xrf0) =	vadd.scan.msk.s32 vm7, v2  }
0xe8: {  	vm14 =	vlt.s32 v41, $0xDF;
	v43 =	vsub.f32 v43, v55;
	(xrf0) =	vadd.scan.msk.s32 vm5, v2;
	vm4 =	vlt.f32 v48, v32  }
0xe9: {  	v38 =	vadd.s32 v38, v56;
	v60 =	vmpcnt.ones.xlane vm2;
	vm3 =	vlt.f32 v57, v33;
	(xrf0) =	vadd.scan.msk.s32 vm4, v2  }
0xea: {  	vm12 =	vlt.s32 v38, $0x17F;
	v58 =	vmpcnt.ones.xlane vm1;
	vm1 =	vlt.f32 v43, v34;
	v59, _, _ =	vpop (xrf0);
	(xrf0) =	vadd.scan.msk.s32 vm3, v2  }
0xeb: {  	s1 =	sadd.s32 $0x20, s26;
	v41 =	vnsel vm14, $0xDF, v41;
	v38 =	vnsel vm12, $0x17F, v38;
	v44 =	vadd.s32 v39, v59;
	v61, _, _ =	vpop (xrf0);
	(xrf0) =	vadd.scan.msk.s32 vm1, v2  }
0xec: {  	v36 =	vadd.s32 v36, v60;
	v54 =	vor.u32 s1, v1;
	v45 =	vadd.s32 v40, v61;
	v62, _, _ =	vpop (xrf0)  }
0xed: {  	v37 =	vadd.s32 v37, v58;
	v63 =	vmpcnt.ones.xlane vm0;
	v46 =	vadd.s32 v41, v62;
	v52, _, _ =	vpop (xrf0)  }
0xee: {  	vm14 =	vlt.s32 v36, $0x21F;
	vm13 =	vlt.s32 v37, $0x1CF;
	v47 =	vadd.s32 v42, v52;
	v53, _, _ =	vpop (xrf0)  }
0xef: {  	v37 =	vnsel vm13, $0x1CF, v37;
	v35 =	vadd.s32 v35, v63;
	v48 =	vadd.s32 v38, v53;
	v55, _, _ =	vpop (xrf0)  }
0xf0: {  	v36 =	vnsel vm14, $0x21F, v36;
	vm15 =	vlt.s32 v35, $0x26F;
	[tilespmem:v44+s20+$0x0] =	vst.idx.msk vm9, v54;
	v56 =	vadd.s32 v37, v55;
	v57, _, _ =	vpop (xrf0)  }
0xf1: {  	v35 =	vnsel vm15, $0x26F, v35;
	[tilespmem:v45+s20+$0x0] =	vst.idx.msk vm8, v54;
	v58 =	vadd.s32 v36, v57;
	v59, _, _ =	vpop (xrf0)  }
0xf2: {  	[tilespmem:v46+s20+$0x0] =	vst.idx.msk vm6, v54;
	v60 =	vadd.s32 v35, v59  }
0xf3: {  	[tilespmem:v47+s20+$0x0] =	vst.idx.msk vm7, v54  }
0xf4: {  	[tilespmem:v48+s20+$0x0] =	vst.idx.msk vm5, v54  }
0xf5: {  	[tilespmem:v56+s20+$0x0] =	vst.idx.msk vm4, v54  }
0xf6: {  	[tilespmem:v58+s20+$0x0] =	vst.idx.msk vm3, v54  }
0xf7: {  	[tilespmem:v60+s20+$0x0] =	vst.idx.msk vm1, v54  }
0xf8: {  	v61 =	vmpcnt.ones.xlane vm9;
	v43 =	vld [tilespmem:s31+$0xFFFFFFB0]  }
0xf9: {  	v62 =	vmpcnt.ones.xlane vm8;
	v45 =	vld [tilespmem:s30+$0xFFFFFFB0]  }
0xfa: {  	v39 =	vadd.s32 v39, v61;
	v52 =	vmpcnt.ones.xlane vm6;
	v47 =	vld [tilespmem:s29+$0xFFFFFFB0]  }
0xfb: {  	vm9 =	vlt.s32 v39, $0x3F;
	v40 =	vadd.s32 v40, v62;
	v53 =	vmpcnt.ones.xlane vm7;
	v46 =	vld [tilespmem:s28+$0xFFFFFFB0]  }
0xfc: {  	v39 =	vnsel vm9, $0x3F, v39;
	vm10 =	vlt.s32 v40, $0x8F;
	v41 =	vadd.s32 v41, v52  }
0xfd: {  	v42 =	vadd.s32 v42, v53;
	v53 =	vmpcnt.ones.xlane vm3;
	v63 =	vmul.f32 v43, v3  }
0xfe: {  	v40 =	vnsel vm10, $0x8F, v40;
	v54 =	vmul.f32 v45, v11;
	v55 =	vmul.f32 v43, v4  }
0xff: {  	vm11 =	vlt.s32 v41, $0xDF;
	v56 =	vmul.f32 v47, v19;
	v57 =	vmul.f32 v43, v5  }
0x100: {  	v58 =	vmul.f32 v45, v12;
	v59 =	vmul.f32 v43, v6;
	v44 =	vsub.f32 v46, v63  }
0x101: {  	v61 =	vmul.f32 v45, v13;
	v48 =	vsub.f32 v46, v55;
	v60 =	vsub.f32 v46, v57  }
0x102: {  	v62 =	vsub.f32 v46, v59;
	v63 =	vmul.f32 v45, v14;
	v57 =	vmul.f32 v47, v21  }
0x103: {  	v55 =	vmul.f32 v43, v9;
	v44 =	vsub.f32 v44, v54;
	v48 =	vsub.f32 v48, v58  }
0x104: {  	v49 =	vsub.f32 v60, v61;
	v58 =	vmul.f32 v47, v22;
	v60 =	vmul.f32 v43, v7  }
0x105: {  	v51 =	vsub.f32 v62, v63;
	v61 =	vmul.f32 v43, v8;
	v63 =	vmul.f32 v45, v15  }
0x106: {  	v44 =	vsub.f32 v44, v56;
	v56 =	vmul.f32 v47, v20;
	v49 =	vsub.f32 v49, v57  }
0x107: {  	v43 =	vmul.f32 v43, v10;
	v59 =	vsub.f32 v51, v58;
	v62 =	vsub.f32 v46, v60  }
0x108: {  	v54 =	vmul.f32 v45, v16;
	v57 =	vsub.f32 v46, v55;
	v48 =	vsub.f32 v48, v56  }
0x109: {  	v58 =	vmul.f32 v45, v17;
	v43 =	vsub.f32 v46, v43;
	v45 =	vmul.f32 v45, v18  }
0x10a: {  	vm10 =	vlt.f32 v44, v27;
	vm9 =	vlt.f32 v48, v28;
	v48 =	vsub.f32 v46, v61  }
0x10b: {  	vm7 =	vlt.f32 v49, v29;
	v44 =	vsub.f32 v62, v63;
	v56 =	vmul.f32 v47, v23  }
0x10c: {  	vm8 =	vlt.f32 v59, v30;
	v59 =	vmul.f32 v47, v24;
	(xrf0) =	vadd.scan.msk.s32 vm10, v2;
	v48 =	vsub.f32 v48, v54  }
0x10d: {  	v60 =	vsub.f32 v57, v58;
	v44 =	vsub.f32 v44, v56;
	v61 =	vmul.f32 v47, v25;
	(xrf0) =	vadd.scan.msk.s32 vm9, v2  }
0x10e: {  	v43 =	vsub.f32 v43, v45;
	v62 =	vmul.f32 v47, v26;
	(xrf0) =	vadd.scan.msk.s32 vm7, v2;
	v48 =	vsub.f32 v48, v59  }
0x10f: {  	v41 =	vnsel vm11, $0xDF, v41;
	vm6 =	vlt.f32 v44, v31;
	v50 =	vsub.f32 v60, v61;
	(xrf0) =	vadd.scan.msk.s32 vm8, v2  }
0x110: {  	v63 =	vmpcnt.ones.xlane vm5;
	v43 =	vsub.f32 v43, v62;
	(xrf0) =	vadd.scan.msk.s32 vm6, v2;
	vm5 =	vlt.f32 v48, v32  }
0x111: {  	vm12 =	vlt.s32 v42, $0x12F;
	v51 =	vmpcnt.ones.xlane vm4;
	vm2 =	vlt.f32 v50, v33;
	(xrf0) =	vadd.scan.msk.s32 vm5, v2  }
0x112: {  	v42 =	vnsel vm12, $0x12F, v42;
	v36 =	vadd.s32 v36, v53;
	vm0 =	vlt.f32 v43, v34;
	v52, _, _ =	vpop (xrf0);
	(xrf0) =	vadd.scan.msk.s32 vm2, v2  }
0x113: {  	vm15 =	vlt.s32 v36, $0x21F;
	v37 =	vadd.s32 v37, v51;
	v44 =	vadd.s32 v39, v52;
	v54, _, _ =	vpop (xrf0);
	(xrf0) =	vadd.scan.msk.s32 vm0, v2  }
0x114: {  	vm14 =	vlt.s32 v37, $0x1CF;
	v38 =	vadd.s32 v38, v63;
	v45 =	vadd.s32 v40, v54;
	v55, _, _ =	vpop (xrf0)  }
0x115: {  	v56 =	vmpcnt.ones.xlane vm1;
	vm13 =	vlt.s32 v38, $0x17F;
	v46 =	vadd.s32 v41, v55;
	v57, _, _ =	vpop (xrf0)  }
0x116: {  	s1 =	sadd.s32 $0x30, s26;
	v37 =	vnsel vm14, $0x1CF, v37;
	v38 =	vnsel vm13, $0x17F, v38;
	v47 =	vadd.s32 v42, v57;
	v58, _, _ =	vpop (xrf0)  }
0x117: {  	v35 =	vadd.s32 v35, v56;
	v59 =	vor.u32 s1, v1;
	v48 =	vadd.s32 v38, v58;
	v60, _, _ =	vpop (xrf0)  }
0x118: {  	v36 =	vnsel vm15, $0x21F, v36;
	vm4 =	vlt.s32 v35, $0x26F;
	[tilespmem:v44+s20+$0x0] =	vst.idx.msk vm10, v59;
	v61 =	vadd.s32 v37, v60;
	v62, _, _ =	vpop (xrf0)  }
0x119: {  	v35 =	vnsel vm4, $0x26F, v35;
	[tilespmem:v45+s20+$0x0] =	vst.idx.msk vm9, v59;
	v63 =	vadd.s32 v36, v62;
	v52, _, _ =	vpop (xrf0)  }
0x11a: {  	[tilespmem:v46+s20+$0x0] =	vst.idx.msk vm7, v59;
	v53 =	vadd.s32 v35, v52  }
0x11b: {  	[tilespmem:v47+s20+$0x0] =	vst.idx.msk vm8, v59  }
0x11c: {  	[tilespmem:v48+s20+$0x0] =	vst.idx.msk vm6, v59  }
0x11d: {  	[tilespmem:v61+s20+$0x0] =	vst.idx.msk vm5, v59  }
0x11e: {  	[tilespmem:v63+s20+$0x0] =	vst.idx.msk vm2, v59  }
0x11f: {  	[tilespmem:v53+s20+$0x0] =	vst.idx.msk vm0, v59  }
0x120: {  	v43 =	vld [tilespmem:s31+$0xFFFFFFC0]  }
0x121: {  	v55 =	vmpcnt.ones.xlane vm9;
	v45 =	vld [tilespmem:s30+$0xFFFFFFC0]  }
0x122: {  	v54 =	vmpcnt.ones.xlane vm10;
	v47 =	vld [tilespmem:s29+$0xFFFFFFC0]  }
0x123: {  	v57 =	vmpcnt.ones.xlane vm7;
	v40 =	vadd.s32 v40, v55  }
0x124: {  	v39 =	vadd.s32 v39, v54;
	v58 =	vmpcnt.ones.xlane vm8;
	vm10 =	vlt.s32 v40, $0x8F  }
0x125: {  	v41 =	vadd.s32 v41, v57;
	vm9 =	vlt.s32 v39, $0x3F;
	v40 =	vnsel vm10, $0x8F, v40;
	v46 =	vld [tilespmem:s28+$0xFFFFFFC0]  }
0x126: {  	v42 =	vadd.s32 v42, v58;
	v56 =	vmul.f32 v43, v3;
	v59 =	vmul.f32 v45, v11  }
0x127: {  	vm11 =	vlt.s32 v41, $0xDF;
	v60 =	vmul.f32 v43, v4;
	v61 =	vmul.f32 v47, v19  }
0x128: {  	v39 =	vnsel vm9, $0x3F, v39;
	v62 =	vmul.f32 v43, v5;
	v63 =	vmul.f32 v45, v12  }
0x129: {  	v41 =	vnsel vm11, $0xDF, v41;
	v58 =	vmul.f32 v45, v13;
	v54 =	vmul.f32 v43, v7  }
0x12a: {  	v55 =	vmul.f32 v43, v8;
	v44 =	vsub.f32 v46, v56;
	v48 =	vsub.f32 v46, v60  }
0x12b: {  	v56 =	vmul.f32 v43, v6;
	v57 =	vsub.f32 v46, v62;
	v60 =	vmul.f32 v45, v14  }
0x12c: {  	v62 =	vmul.f32 v47, v21;
	v44 =	vsub.f32 v44, v59;
	v48 =	vsub.f32 v48, v63  }
0x12d: {  	v59 =	vsub.f32 v46, v56;
	v49 =	vsub.f32 v57, v58;
	v63 =	vmul.f32 v47, v22  }
0x12e: {  	v56 =	vsub.f32 v46, v54;
	v57 =	vmul.f32 v45, v15;
	v58 =	vmul.f32 v45, v16  }
0x12f: {  	v54 =	vmul.f32 v47, v25;
	v44 =	vsub.f32 v44, v61;
	v61 =	vmul.f32 v47, v20  }
0x130: {  	v51 =	vsub.f32 v59, v60;
	v49 =	vsub.f32 v49, v62;
	v59 =	vmul.f32 v43, v9  }
0x131: {  	v60 =	vmul.f32 v47, v23;
	v43 =	vmul.f32 v43, v10;
	v48 =	vsub.f32 v48, v61  }
0x132: {  	v62 =	vmul.f32 v45, v17;
	v45 =	vmul.f32 v45, v18;
	vm10 =	vlt.f32 v44, v27  }
0x133: {  	v53 =	vsub.f32 v51, v63;
	vm9 =	vlt.f32 v48, v28;
	v48 =	vsub.f32 v46, v55  }
0x134: {  	vm7 =	vlt.f32 v49, v29;
	v44 =	vsub.f32 v56, v57;
	v61 =	vsub.f32 v46, v59  }
0x135: {  	v63 =	vmul.f32 v47, v24;
	v43 =	vsub.f32 v46, v43;
	(xrf0) =	vadd.scan.msk.s32 vm10, v2;
	v48 =	vsub.f32 v48, v58  }
0x136: {  	vm8 =	vlt.f32 v53, v30;
	v44 =	vsub.f32 v44, v60;
	v53 =	vsub.f32 v61, v62;
	(xrf0) =	vadd.scan.msk.s32 vm9, v2  }
0x137: {  	v43 =	vsub.f32 v43, v45;
	v55 =	vmul.f32 v47, v26;
	(xrf0) =	vadd.scan.msk.s32 vm7, v2;
	v48 =	vsub.f32 v48, v63  }
0x138: {  	v56 =	vmpcnt.ones.xlane vm6;
	vm6 =	vlt.f32 v44, v31;
	v57 =	vsub.f32 v53, v54;
	(xrf0) =	vadd.scan.msk.s32 vm8, v2  }
0x139: {  	vm12 =	vlt.s32 v42, $0x12F;
	v43 =	vsub.f32 v43, v55;
	(xrf0) =	vadd.scan.msk.s32 vm6, v2;
	vm4 =	vlt.f32 v48, v32  }
0x13a: {  	v42 =	vnsel vm12, $0x12F, v42;
	v38 =	vadd.s32 v38, v56;
	vm3 =	vlt.f32 v57, v33;
	(xrf0) =	vadd.scan.msk.s32 vm4, v2  }
0x13b: {  	v60 =	vmpcnt.ones.xlane vm2;
	vm13 =	vlt.s32 v38, $0x17F;
	vm1 =	vlt.f32 v43, v34;
	v59, _, _ =	vpop (xrf0);
	(xrf0) =	vadd.scan.msk.s32 vm3, v2  }
0x13c: {  	s1 =	sadd.s32 $0x40, s26;
	v58 =	vmpcnt.ones.xlane vm5;
	v38 =	vnsel vm13, $0x17F, v38;
	v44 =	vadd.s32 v39, v59;
	v61, _, _ =	vpop (xrf0);
	(xrf0) =	vadd.scan.msk.s32 vm1, v2  }
0x13d: {  	v36 =	vadd.s32 v36, v60;
	v54 =	vor.u32 s1, v1;
	v45 =	vadd.s32 v40, v61;
	v62, _, _ =	vpop (xrf0)  }
0x13e: {  	v37 =	vadd.s32 v37, v58;
	v63 =	vmpcnt.ones.xlane vm0;
	v46 =	vadd.s32 v41, v62;
	v52, _, _ =	vpop (xrf0)  }
0x13f: {  	vm15 =	vlt.s32 v36, $0x21F;
	vm14 =	vlt.s32 v37, $0x1CF;
	v47 =	vadd.s32 v42, v52;
	v53, _, _ =	vpop (xrf0)  }
0x140: {  	v37 =	vnsel vm14, $0x1CF, v37;
	v35 =	vadd.s32 v35, v63;
	v48 =	vadd.s32 v38, v53;
	v55, _, _ =	vpop (xrf0)  }
0x141: {  	v36 =	vnsel vm15, $0x21F, v36;
	vm5 =	vlt.s32 v35, $0x26F;
	[tilespmem:v44+s20+$0x0] =	vst.idx.msk vm10, v54;
	v56 =	vadd.s32 v37, v55;
	v57, _, _ =	vpop (xrf0)  }
0x142: {  	v35 =	vnsel vm5, $0x26F, v35;
	[tilespmem:v45+s20+$0x0] =	vst.idx.msk vm9, v54;
	v58 =	vadd.s32 v36, v57;
	v59, _, _ =	vpop (xrf0)  }
0x143: {  	[tilespmem:v46+s20+$0x0] =	vst.idx.msk vm7, v54;
	v60 =	vadd.s32 v35, v59  }
0x144: {  	[tilespmem:v47+s20+$0x0] =	vst.idx.msk vm8, v54  }
0x145: {  	[tilespmem:v48+s20+$0x0] =	vst.idx.msk vm6, v54  }
0x146: {  	[tilespmem:v56+s20+$0x0] =	vst.idx.msk vm4, v54  }
0x147: {  	[tilespmem:v58+s20+$0x0] =	vst.idx.msk vm3, v54  }
0x148: {  	[tilespmem:v60+s20+$0x0] =	vst.idx.msk vm1, v54  }
0x149: {  	v62 =	vmpcnt.ones.xlane vm9;
	v43 =	vld [tilespmem:s31+$0xFFFFFFD0]  }
0x14a: {  	v61 =	vmpcnt.ones.xlane vm10;
	v45 =	vld [tilespmem:s30+$0xFFFFFFD0]  }
0x14b: {  	v52 =	vmpcnt.ones.xlane vm7;
	v40 =	vadd.s32 v40, v62;
	v47 =	vld [tilespmem:s29+$0xFFFFFFD0]  }
0x14c: {  	v39 =	vadd.s32 v39, v61;
	v53 =	vmpcnt.ones.xlane vm8;
	vm10 =	vlt.s32 v40, $0x8F;
	v46 =	vld [tilespmem:s28+$0xFFFFFFD0]  }
0x14d: {  	v41 =	vadd.s32 v41, v52;
	vm9 =	vlt.s32 v39, $0x3F;
	v40 =	vnsel vm10, $0x8F, v40  }
0x14e: {  	v42 =	vadd.s32 v42, v53;
	v53 =	vmpcnt.ones.xlane vm3;
	v63 =	vmul.f32 v43, v3  }
0x14f: {  	vm11 =	vlt.s32 v41, $0xDF;
	v54 =	vmul.f32 v45, v11;
	v55 =	vmul.f32 v43, v4  }
0x150: {  	v39 =	vnsel vm9, $0x3F, v39;
	v56 =	vmul.f32 v47, v19;
	v57 =	vmul.f32 v43, v5  }
0x151: {  	v58 =	vmul.f32 v45, v12;
	v59 =	vmul.f32 v43, v6;
	v44 =	vsub.f32 v46, v63  }
0x152: {  	v61 =	vmul.f32 v45, v13;
	v48 =	vsub.f32 v46, v55;
	v60 =	vsub.f32 v46, v57  }
0x153: {  	v62 =	vsub.f32 v46, v59;
	v63 =	vmul.f32 v45, v14;
	v57 =	vmul.f32 v47, v21  }
0x154: {  	v55 =	vmul.f32 v43, v9;
	v44 =	vsub.f32 v44, v54;
	v48 =	vsub.f32 v48, v58  }
0x155: {  	v49 =	vsub.f32 v60, v61;
	v58 =	vmul.f32 v47, v22;
	v60 =	vmul.f32 v43, v7  }
0x156: {  	v51 =	vsub.f32 v62, v63;
	v61 =	vmul.f32 v43, v8;
	v63 =	vmul.f32 v45, v15  }
0x157: {  	v44 =	vsub.f32 v44, v56;
	v56 =	vmul.f32 v47, v20;
	v49 =	vsub.f32 v49, v57  }
0x158: {  	v43 =	vmul.f32 v43, v10;
	v59 =	vsub.f32 v51, v58;
	v62 =	vsub.f32 v46, v60  }
0x159: {  	v54 =	vmul.f32 v45, v16;
	v57 =	vsub.f32 v46, v55;
	v48 =	vsub.f32 v48, v56  }
0x15a: {  	v58 =	vmul.f32 v45, v17;
	v43 =	vsub.f32 v46, v43;
	v45 =	vmul.f32 v45, v18  }
0x15b: {  	vm10 =	vlt.f32 v44, v27;
	vm9 =	vlt.f32 v48, v28;
	v48 =	vsub.f32 v46, v61  }
0x15c: {  	vm7 =	vlt.f32 v49, v29;
	v44 =	vsub.f32 v62, v63;
	v56 =	vmul.f32 v47, v23  }
0x15d: {  	vm8 =	vlt.f32 v59, v30;
	v59 =	vmul.f32 v47, v24;
	(xrf0) =	vadd.scan.msk.s32 vm10, v2;
	v48 =	vsub.f32 v48, v54  }
0x15e: {  	v60 =	vsub.f32 v57, v58;
	v44 =	vsub.f32 v44, v56;
	v61 =	vmul.f32 v47, v25;
	(xrf0) =	vadd.scan.msk.s32 vm9, v2  }
0x15f: {  	v43 =	vsub.f32 v43, v45;
	v62 =	vmul.f32 v47, v26;
	(xrf0) =	vadd.scan.msk.s32 vm7, v2;
	v48 =	vsub.f32 v48, v59  }
0x160: {  	v63 =	vmpcnt.ones.xlane vm6;
	vm6 =	vlt.f32 v44, v31;
	v50 =	vsub.f32 v60, v61;
	(xrf0) =	vadd.scan.msk.s32 vm8, v2  }
0x161: {  	v41 =	vnsel vm11, $0xDF, v41;
	v43 =	vsub.f32 v43, v62;
	(xrf0) =	vadd.scan.msk.s32 vm6, v2;
	vm5 =	vlt.f32 v48, v32  }
0x162: {  	vm12 =	vlt.s32 v42, $0x12F;
	v51 =	vmpcnt.ones.xlane vm4;
	vm2 =	vlt.f32 v50, v33;
	(xrf0) =	vadd.scan.msk.s32 vm5, v2  }
0x163: {  	v42 =	vnsel vm12, $0x12F, v42;
	v36 =	vadd.s32 v36, v53;
	vm0 =	vlt.f32 v43, v34;
	v52, _, _ =	vpop (xrf0);
	(xrf0) =	vadd.scan.msk.s32 vm2, v2  }
0x164: {  	vm15 =	vlt.s32 v36, $0x21F;
	v37 =	vadd.s32 v37, v51;
	v44 =	vadd.s32 v39, v52;
	v54, _, _ =	vpop (xrf0);
	(xrf0) =	vadd.scan.msk.s32 vm0, v2  }
0x165: {  	vm14 =	vlt.s32 v37, $0x1CF;
	v38 =	vadd.s32 v38, v63;
	v45 =	vadd.s32 v40, v54;
	v55, _, _ =	vpop (xrf0)  }
0x166: {  	v56 =	vmpcnt.ones.xlane vm1;
	vm13 =	vlt.s32 v38, $0x17F;
	v46 =	vadd.s32 v41, v55;
	v57, _, _ =	vpop (xrf0)  }
0x167: {  	s1 =	sadd.s32 $0x50, s26;
	v37 =	vnsel vm14, $0x1CF, v37;
	v38 =	vnsel vm13, $0x17F, v38;
	v47 =	vadd.s32 v42, v57;
	v58, _, _ =	vpop (xrf0)  }
0x168: {  	v35 =	vadd.s32 v35, v56;
	v59 =	vor.u32 s1, v1;
	v48 =	vadd.s32 v38, v58;
	v60, _, _ =	vpop (xrf0)  }
0x169: {  	v36 =	vnsel vm15, $0x21F, v36;
	vm4 =	vlt.s32 v35, $0x26F;
	[tilespmem:v44+s20+$0x0] =	vst.idx.msk vm10, v59;
	v61 =	vadd.s32 v37, v60;
	v62, _, _ =	vpop (xrf0)  }
0x16a: {  	v35 =	vnsel vm4, $0x26F, v35;
	[tilespmem:v45+s20+$0x0] =	vst.idx.msk vm9, v59;
	v63 =	vadd.s32 v36, v62;
	v52, _, _ =	vpop (xrf0)  }
0x16b: {  	[tilespmem:v46+s20+$0x0] =	vst.idx.msk vm7, v59;
	v53 =	vadd.s32 v35, v52  }
0x16c: {  	[tilespmem:v47+s20+$0x0] =	vst.idx.msk vm8, v59  }
0x16d: {  	[tilespmem:v48+s20+$0x0] =	vst.idx.msk vm6, v59  }
0x16e: {  	[tilespmem:v61+s20+$0x0] =	vst.idx.msk vm5, v59  }
0x16f: {  	[tilespmem:v63+s20+$0x0] =	vst.idx.msk vm2, v59  }
0x170: {  	[tilespmem:v53+s20+$0x0] =	vst.idx.msk vm0, v59  }
0x171: {  	v43 =	vld [tilespmem:s31+$0xFFFFFFE0]  }
0x172: {  	v55 =	vmpcnt.ones.xlane vm9;
	v45 =	vld [tilespmem:s30+$0xFFFFFFE0]  }
0x173: {  	v54 =	vmpcnt.ones.xlane vm10;
	v47 =	vld [tilespmem:s29+$0xFFFFFFE0]  }
0x174: {  	v57 =	vmpcnt.ones.xlane vm7;
	v40 =	vadd.s32 v40, v55  }
0x175: {  	v39 =	vadd.s32 v39, v54;
	v58 =	vmpcnt.ones.xlane vm8;
	vm10 =	vlt.s32 v40, $0x8F  }
0x176: {  	v41 =	vadd.s32 v41, v57;
	vm9 =	vlt.s32 v39, $0x3F;
	v40 =	vnsel vm10, $0x8F, v40;
	v46 =	vld [tilespmem:s28+$0xFFFFFFE0]  }
0x177: {  	v42 =	vadd.s32 v42, v58;
	v56 =	vmul.f32 v43, v3;
	v59 =	vmul.f32 v45, v11  }
0x178: {  	vm11 =	vlt.s32 v41, $0xDF;
	v60 =	vmul.f32 v43, v4;
	v61 =	vmul.f32 v47, v19  }
0x179: {  	v39 =	vnsel vm9, $0x3F, v39;
	v62 =	vmul.f32 v43, v5;
	v63 =	vmul.f32 v45, v12  }
0x17a: {  	v41 =	vnsel vm11, $0xDF, v41;
	v58 =	vmul.f32 v45, v13;
	v54 =	vmul.f32 v43, v7  }
0x17b: {  	v55 =	vmul.f32 v43, v8;
	v44 =	vsub.f32 v46, v56;
	v48 =	vsub.f32 v46, v60  }
0x17c: {  	v56 =	vmul.f32 v43, v6;
	v57 =	vsub.f32 v46, v62;
	v60 =	vmul.f32 v45, v14  }
0x17d: {  	v62 =	vmul.f32 v47, v21;
	v44 =	vsub.f32 v44, v59;
	v48 =	vsub.f32 v48, v63  }
0x17e: {  	v59 =	vsub.f32 v46, v56;
	v49 =	vsub.f32 v57, v58;
	v63 =	vmul.f32 v47, v22  }
0x17f: {  	v56 =	vsub.f32 v46, v54;
	v57 =	vmul.f32 v45, v15;
	v58 =	vmul.f32 v45, v16  }
0x180: {  	v54 =	vmul.f32 v47, v25;
	v44 =	vsub.f32 v44, v61;
	v61 =	vmul.f32 v47, v20  }
0x181: {  	v51 =	vsub.f32 v59, v60;
	v49 =	vsub.f32 v49, v62;
	v59 =	vmul.f32 v43, v9  }
0x182: {  	v60 =	vmul.f32 v47, v23;
	v43 =	vmul.f32 v43, v10;
	v48 =	vsub.f32 v48, v61  }
0x183: {  	v62 =	vmul.f32 v45, v17;
	v45 =	vmul.f32 v45, v18;
	vm10 =	vlt.f32 v44, v27  }
0x184: {  	v53 =	vsub.f32 v51, v63;
	vm9 =	vlt.f32 v48, v28;
	v48 =	vsub.f32 v46, v55  }
0x185: {  	vm7 =	vlt.f32 v49, v29;
	v44 =	vsub.f32 v56, v57;
	v61 =	vsub.f32 v46, v59  }
0x186: {  	v63 =	vmul.f32 v47, v24;
	v43 =	vsub.f32 v46, v43;
	(xrf0) =	vadd.scan.msk.s32 vm10, v2;
	v48 =	vsub.f32 v48, v58  }
0x187: {  	vm8 =	vlt.f32 v53, v30;
	v44 =	vsub.f32 v44, v60;
	v53 =	vsub.f32 v61, v62;
	(xrf0) =	vadd.scan.msk.s32 vm9, v2  }
0x188: {  	v43 =	vsub.f32 v43, v45;
	v55 =	vmul.f32 v47, v26;
	(xrf0) =	vadd.scan.msk.s32 vm7, v2;
	v48 =	vsub.f32 v48, v63  }
0x189: {  	v56 =	vmpcnt.ones.xlane vm6;
	vm6 =	vlt.f32 v44, v31;
	v57 =	vsub.f32 v53, v54;
	(xrf0) =	vadd.scan.msk.s32 vm8, v2  }
0x18a: {  	vm12 =	vlt.s32 v42, $0x12F;
	v43 =	vsub.f32 v43, v55;
	(xrf0) =	vadd.scan.msk.s32 vm6, v2;
	vm4 =	vlt.f32 v48, v32  }
0x18b: {  	v42 =	vnsel vm12, $0x12F, v42;
	v38 =	vadd.s32 v38, v56;
	vm3 =	vlt.f32 v57, v33;
	(xrf0) =	vadd.scan.msk.s32 vm4, v2  }
0x18c: {  	v60 =	vmpcnt.ones.xlane vm2;
	vm13 =	vlt.s32 v38, $0x17F;
	vm1 =	vlt.f32 v43, v34;
	v59, _, _ =	vpop (xrf0);
	(xrf0) =	vadd.scan.msk.s32 vm3, v2  }
0x18d: {  	s1 =	sadd.s32 $0x60, s26;
	v58 =	vmpcnt.ones.xlane vm5;
	v38 =	vnsel vm13, $0x17F, v38;
	v44 =	vadd.s32 v39, v59;
	v61, _, _ =	vpop (xrf0);
	(xrf0) =	vadd.scan.msk.s32 vm1, v2  }
0x18e: {  	v36 =	vadd.s32 v36, v60;
	v54 =	vor.u32 s1, v1;
	v45 =	vadd.s32 v40, v61;
	v62, _, _ =	vpop (xrf0)  }
0x18f: {  	v37 =	vadd.s32 v37, v58;
	v63 =	vmpcnt.ones.xlane vm0;
	v46 =	vadd.s32 v41, v62;
	v52, _, _ =	vpop (xrf0)  }
0x190: {  	vm15 =	vlt.s32 v36, $0x21F;
	vm14 =	vlt.s32 v37, $0x1CF;
	v47 =	vadd.s32 v42, v52;
	v53, _, _ =	vpop (xrf0)  }
0x191: {  	v37 =	vnsel vm14, $0x1CF, v37;
	v35 =	vadd.s32 v35, v63;
	v48 =	vadd.s32 v38, v53;
	v55, _, _ =	vpop (xrf0)  }
0x192: {  	v36 =	vnsel vm15, $0x21F, v36;
	vm5 =	vlt.s32 v35, $0x26F;
	[tilespmem:v44+s20+$0x0] =	vst.idx.msk vm10, v54;
	v56 =	vadd.s32 v37, v55;
	v57, _, _ =	vpop (xrf0)  }
0x193: {  	v35 =	vnsel vm5, $0x26F, v35;
	[tilespmem:v45+s20+$0x0] =	vst.idx.msk vm9, v54;
	v58 =	vadd.s32 v36, v57;
	v59, _, _ =	vpop (xrf0)  }
0x194: {  	[tilespmem:v46+s20+$0x0] =	vst.idx.msk vm7, v54;
	v60 =	vadd.s32 v35, v59  }
0x195: {  	[tilespmem:v47+s20+$0x0] =	vst.idx.msk vm8, v54  }
0x196: {  	[tilespmem:v48+s20+$0x0] =	vst.idx.msk vm6, v54  }
0x197: {  	[tilespmem:v56+s20+$0x0] =	vst.idx.msk vm4, v54  }
0x198: {  	[tilespmem:v58+s20+$0x0] =	vst.idx.msk vm3, v54  }
0x199: {  	[tilespmem:v60+s20+$0x0] =	vst.idx.msk vm1, v54  }
0x19a: {  	v62 =	vmpcnt.ones.xlane vm9;
	v43 =	vld [tilespmem:s31+$0xFFFFFFF0]  }
0x19b: {  	v61 =	vmpcnt.ones.xlane vm10;
	v45 =	vld [tilespmem:s30+$0xFFFFFFF0]  }
0x19c: {  	v52 =	vmpcnt.ones.xlane vm7;
	v40 =	vadd.s32 v40, v62;
	v47 =	vld [tilespmem:s29+$0xFFFFFFF0]  }
0x19d: {  	v39 =	vadd.s32 v39, v61;
	v53 =	vmpcnt.ones.xlane vm8;
	vm10 =	vlt.s32 v40, $0x8F;
	v46 =	vld [tilespmem:s28+$0xFFFFFFF0]  }
0x19e: {  	v41 =	vadd.s32 v41, v52;
	vm9 =	vlt.s32 v39, $0x3F;
	v40 =	vnsel vm10, $0x8F, v40  }
0x19f: {  	v42 =	vadd.s32 v42, v53;
	v53 =	vmpcnt.ones.xlane vm3;
	v63 =	vmul.f32 v43, v3  }
0x1a0: {  	vm11 =	vlt.s32 v41, $0xDF;
	v54 =	vmul.f32 v45, v11;
	v55 =	vmul.f32 v43, v4  }
0x1a1: {  	v39 =	vnsel vm9, $0x3F, v39;
	v56 =	vmul.f32 v47, v19;
	v57 =	vmul.f32 v43, v5  }
0x1a2: {  	v58 =	vmul.f32 v45, v12;
	v59 =	vmul.f32 v43, v6;
	v44 =	vsub.f32 v46, v63  }
0x1a3: {  	v61 =	vmul.f32 v45, v13;
	v48 =	vsub.f32 v46, v55;
	v60 =	vsub.f32 v46, v57  }
0x1a4: {  	v62 =	vsub.f32 v46, v59;
	v63 =	vmul.f32 v45, v14;
	v57 =	vmul.f32 v47, v21  }
0x1a5: {  	v55 =	vmul.f32 v43, v9;
	v44 =	vsub.f32 v44, v54;
	v48 =	vsub.f32 v48, v58  }
0x1a6: {  	v49 =	vsub.f32 v60, v61;
	v58 =	vmul.f32 v47, v22;
	v60 =	vmul.f32 v43, v7  }
0x1a7: {  	v51 =	vsub.f32 v62, v63;
	v61 =	vmul.f32 v43, v8;
	v63 =	vmul.f32 v45, v15  }
0x1a8: {  	v44 =	vsub.f32 v44, v56;
	v56 =	vmul.f32 v47, v20;
	v49 =	vsub.f32 v49, v57  }
0x1a9: {  	v43 =	vmul.f32 v43, v10;
	v59 =	vsub.f32 v51, v58;
	v62 =	vsub.f32 v46, v60  }
0x1aa: {  	v54 =	vmul.f32 v45, v16;
	v57 =	vsub.f32 v46, v55;
	v48 =	vsub.f32 v48, v56  }
0x1ab: {  	v58 =	vmul.f32 v45, v17;
	v43 =	vsub.f32 v46, v43;
	v45 =	vmul.f32 v45, v18  }
0x1ac: {  	vm10 =	vlt.f32 v44, v27;
	vm9 =	vlt.f32 v48, v28;
	v48 =	vsub.f32 v46, v61  }
0x1ad: {  	vm7 =	vlt.f32 v49, v29;
	v44 =	vsub.f32 v62, v63;
	v56 =	vmul.f32 v47, v23  }
0x1ae: {  	vm8 =	vlt.f32 v59, v30;
	v59 =	vmul.f32 v47, v24;
	(xrf0) =	vadd.scan.msk.s32 vm10, v2;
	v48 =	vsub.f32 v48, v54  }
0x1af: {  	v60 =	vsub.f32 v57, v58;
	v44 =	vsub.f32 v44, v56;
	v61 =	vmul.f32 v47, v25;
	(xrf0) =	vadd.scan.msk.s32 vm9, v2  }
0x1b0: {  	v43 =	vsub.f32 v43, v45;
	v62 =	vmul.f32 v47, v26;
	(xrf0) =	vadd.scan.msk.s32 vm7, v2;
	v48 =	vsub.f32 v48, v59  }
0x1b1: {  	v63 =	vmpcnt.ones.xlane vm6;
	vm6 =	vlt.f32 v44, v31;
	v50 =	vsub.f32 v60, v61;
	(xrf0) =	vadd.scan.msk.s32 vm8, v2  }
0x1b2: {  	v41 =	vnsel vm11, $0xDF, v41;
	v43 =	vsub.f32 v43, v62;
	(xrf0) =	vadd.scan.msk.s32 vm6, v2;
	vm5 =	vlt.f32 v48, v32  }
0x1b3: {  	vm12 =	vlt.s32 v42, $0x12F;
	v51 =	vmpcnt.ones.xlane vm4;
	vm2 =	vlt.f32 v50, v33;
	(xrf0) =	vadd.scan.msk.s32 vm5, v2  }
0x1b4: {  	v42 =	vnsel vm12, $0x12F, v42;
	v36 =	vadd.s32 v36, v53;
	vm0 =	vlt.f32 v43, v34;
	v52, _, _ =	vpop (xrf0);
	(xrf0) =	vadd.scan.msk.s32 vm2, v2  }
0x1b5: {  	vm15 =	vlt.s32 v36, $0x21F;
	v37 =	vadd.s32 v37, v51;
	v44 =	vadd.s32 v39, v52;
	v54, _, _ =	vpop (xrf0);
	(xrf0) =	vadd.scan.msk.s32 vm0, v2  }
0x1b6: {  	vm14 =	vlt.s32 v37, $0x1CF;
	v38 =	vadd.s32 v38, v63;
	v45 =	vadd.s32 v40, v54;
	v55, _, _ =	vpop (xrf0)  }
0x1b7: {  	v56 =	vmpcnt.ones.xlane vm1;
	vm13 =	vlt.s32 v38, $0x17F;
	v46 =	vadd.s32 v41, v55;
	v57, _, _ =	vpop (xrf0)  }
0x1b8: {  	s1 =	sadd.s32 $0x70, s26;
	v37 =	vnsel vm14, $0x1CF, v37;
	v38 =	vnsel vm13, $0x17F, v38;
	v47 =	vadd.s32 v42, v57;
	v58, _, _ =	vpop (xrf0)  }
0x1b9: {  	v35 =	vadd.s32 v35, v56;
	v59 =	vor.u32 s1, v1;
	v48 =	vadd.s32 v38, v58;
	v60, _, _ =	vpop (xrf0)  }
0x1ba: {  	v36 =	vnsel vm15, $0x21F, v36;
	vm4 =	vlt.s32 v35, $0x26F;
	[tilespmem:v44+s20+$0x0] =	vst.idx.msk vm10, v59;
	v61 =	vadd.s32 v37, v60;
	v62, _, _ =	vpop (xrf0)  }
0x1bb: {  	v35 =	vnsel vm4, $0x26F, v35;
	[tilespmem:v45+s20+$0x0] =	vst.idx.msk vm9, v59;
	v63 =	vadd.s32 v36, v62;
	v52, _, _ =	vpop (xrf0)  }
0x1bc: {  	[tilespmem:v46+s20+$0x0] =	vst.idx.msk vm7, v59;
	v53 =	vadd.s32 v35, v52  }
0x1bd: {  	[tilespmem:v47+s20+$0x0] =	vst.idx.msk vm8, v59  }
0x1be: {  	[tilespmem:v48+s20+$0x0] =	vst.idx.msk vm6, v59  }
0x1bf: {  	[tilespmem:v61+s20+$0x0] =	vst.idx.msk vm5, v59  }
0x1c0: {  	[tilespmem:v63+s20+$0x0] =	vst.idx.msk vm2, v59  }
0x1c1: {  	[tilespmem:v53+s20+$0x0] =	vst.idx.msk vm0, v59  }
0x1c2: {  	v43 =	vld [tilespmem:s31+$0x0]  }
0x1c3: {  	v55 =	vmpcnt.ones.xlane vm9;
	v45 =	vld [tilespmem:s30+$0x0]  }
0x1c4: {  	v54 =	vmpcnt.ones.xlane vm10;
	v47 =	vld [tilespmem:s29+$0x0]  }
0x1c5: {  	v57 =	vmpcnt.ones.xlane vm7;
	v40 =	vadd.s32 v40, v55  }
0x1c6: {  	v39 =	vadd.s32 v39, v54;
	v58 =	vmpcnt.ones.xlane vm8;
	vm10 =	vlt.s32 v40, $0x8F  }
0x1c7: {  	v41 =	vadd.s32 v41, v57;
	vm9 =	vlt.s32 v39, $0x3F;
	v40 =	vnsel vm10, $0x8F, v40;
	v46 =	vld [tilespmem:s28+$0x0]  }
0x1c8: {  	v42 =	vadd.s32 v42, v58;
	v56 =	vmul.f32 v43, v3;
	v59 =	vmul.f32 v45, v11  }
0x1c9: {  	vm11 =	vlt.s32 v41, $0xDF;
	v60 =	vmul.f32 v43, v4;
	v61 =	vmul.f32 v47, v19  }
0x1ca: {  	v39 =	vnsel vm9, $0x3F, v39;
	v62 =	vmul.f32 v43, v5;
	v63 =	vmul.f32 v45, v12  }
0x1cb: {  	v41 =	vnsel vm11, $0xDF, v41;
	v58 =	vmul.f32 v45, v13;
	v54 =	vmul.f32 v43, v7  }
0x1cc: {  	v55 =	vmul.f32 v43, v8;
	v44 =	vsub.f32 v46, v56;
	v48 =	vsub.f32 v46, v60  }
0x1cd: {  	v56 =	vmul.f32 v43, v6;
	v57 =	vsub.f32 v46, v62;
	v60 =	vmul.f32 v45, v14  }
0x1ce: {  	v62 =	vmul.f32 v47, v21;
	v44 =	vsub.f32 v44, v59;
	v48 =	vsub.f32 v48, v63  }
0x1cf: {  	v59 =	vsub.f32 v46, v56;
	v49 =	vsub.f32 v57, v58;
	v63 =	vmul.f32 v47, v22  }
0x1d0: {  	v56 =	vsub.f32 v46, v54;
	v57 =	vmul.f32 v45, v15;
	v58 =	vmul.f32 v45, v16  }
0x1d1: {  	v54 =	vmul.f32 v47, v25;
	v44 =	vsub.f32 v44, v61;
	v61 =	vmul.f32 v47, v20  }
0x1d2: {  	v51 =	vsub.f32 v59, v60;
	v49 =	vsub.f32 v49, v62;
	v59 =	vmul.f32 v43, v9  }
0x1d3: {  	v60 =	vmul.f32 v47, v23;
	v43 =	vmul.f32 v43, v10;
	v48 =	vsub.f32 v48, v61  }
0x1d4: {  	v62 =	vmul.f32 v45, v17;
	v45 =	vmul.f32 v45, v18;
	vm10 =	vlt.f32 v44, v27  }
0x1d5: {  	v53 =	vsub.f32 v51, v63;
	vm9 =	vlt.f32 v48, v28;
	v48 =	vsub.f32 v46, v55  }
0x1d6: {  	vm7 =	vlt.f32 v49, v29;
	v44 =	vsub.f32 v56, v57;
	v61 =	vsub.f32 v46, v59  }
0x1d7: {  	v63 =	vmul.f32 v47, v24;
	v43 =	vsub.f32 v46, v43;
	(xrf0) =	vadd.scan.msk.s32 vm10, v2;
	v48 =	vsub.f32 v48, v58  }
0x1d8: {  	vm8 =	vlt.f32 v53, v30;
	v44 =	vsub.f32 v44, v60;
	v53 =	vsub.f32 v61, v62;
	(xrf0) =	vadd.scan.msk.s32 vm9, v2  }
0x1d9: {  	v43 =	vsub.f32 v43, v45;
	v55 =	vmul.f32 v47, v26;
	(xrf0) =	vadd.scan.msk.s32 vm7, v2;
	v48 =	vsub.f32 v48, v63  }
0x1da: {  	v56 =	vmpcnt.ones.xlane vm6;
	vm6 =	vlt.f32 v44, v31;
	v57 =	vsub.f32 v53, v54;
	(xrf0) =	vadd.scan.msk.s32 vm8, v2  }
0x1db: {  	vm12 =	vlt.s32 v42, $0x12F;
	v43 =	vsub.f32 v43, v55;
	(xrf0) =	vadd.scan.msk.s32 vm6, v2;
	vm4 =	vlt.f32 v48, v32  }
0x1dc: {  	v42 =	vnsel vm12, $0x12F, v42;
	v38 =	vadd.s32 v38, v56;
	vm3 =	vlt.f32 v57, v33;
	(xrf0) =	vadd.scan.msk.s32 vm4, v2  }
0x1dd: {  	v60 =	vmpcnt.ones.xlane vm2;
	vm13 =	vlt.s32 v38, $0x17F;
	vm1 =	vlt.f32 v43, v34;
	v59, _, _ =	vpop (xrf0);
	(xrf0) =	vadd.scan.msk.s32 vm3, v2  }
0x1de: {  	s1 =	sadd.s32 $0x80, s26;
	v58 =	vmpcnt.ones.xlane vm5;
	v38 =	vnsel vm13, $0x17F, v38;
	v44 =	vadd.s32 v39, v59;
	v61, _, _ =	vpop (xrf0);
	(xrf0) =	vadd.scan.msk.s32 vm1, v2  }
0x1df: {  	v36 =	vadd.s32 v36, v60;
	v54 =	vor.u32 s1, v1;
	v45 =	vadd.s32 v40, v61;
	v62, _, _ =	vpop (xrf0)  }
0x1e0: {  	v37 =	vadd.s32 v37, v58;
	v63 =	vmpcnt.ones.xlane vm0;
	v46 =	vadd.s32 v41, v62;
	v52, _, _ =	vpop (xrf0)  }
0x1e1: {  	vm15 =	vlt.s32 v36, $0x21F;
	vm14 =	vlt.s32 v37, $0x1CF;
	v47 =	vadd.s32 v42, v52;
	v53, _, _ =	vpop (xrf0)  }
0x1e2: {  	v37 =	vnsel vm14, $0x1CF, v37;
	v35 =	vadd.s32 v35, v63;
	v48 =	vadd.s32 v38, v53;
	v55, _, _ =	vpop (xrf0)  }
0x1e3: {  	v36 =	vnsel vm15, $0x21F, v36;
	vm5 =	vlt.s32 v35, $0x26F;
	[tilespmem:v44+s20+$0x0] =	vst.idx.msk vm10, v54;
	v56 =	vadd.s32 v37, v55;
	v57, _, _ =	vpop (xrf0)  }
0x1e4: {  	v35 =	vnsel vm5, $0x26F, v35;
	[tilespmem:v45+s20+$0x0] =	vst.idx.msk vm9, v54;
	v58 =	vadd.s32 v36, v57;
	v59, _, _ =	vpop (xrf0)  }
0x1e5: {  	[tilespmem:v46+s20+$0x0] =	vst.idx.msk vm7, v54;
	v60 =	vadd.s32 v35, v59  }
0x1e6: {  	[tilespmem:v47+s20+$0x0] =	vst.idx.msk vm8, v54  }
0x1e7: {  	[tilespmem:v48+s20+$0x0] =	vst.idx.msk vm6, v54  }
0x1e8: {  	[tilespmem:v56+s20+$0x0] =	vst.idx.msk vm4, v54  }
0x1e9: {  	[tilespmem:v58+s20+$0x0] =	vst.idx.msk vm3, v54  }
0x1ea: {  	[tilespmem:v60+s20+$0x0] =	vst.idx.msk vm1, v54  }
0x1eb: {  	v62 =	vmpcnt.ones.xlane vm9;
	v43 =	vld [tilespmem:s31+$0x10]  }
0x1ec: {  	v61 =	vmpcnt.ones.xlane vm10;
	v45 =	vld [tilespmem:s30+$0x10]  }
0x1ed: {  	v52 =	vmpcnt.ones.xlane vm7;
	v40 =	vadd.s32 v40, v62;
	v47 =	vld [tilespmem:s29+$0x10]  }
0x1ee: {  	v39 =	vadd.s32 v39, v61;
	v53 =	vmpcnt.ones.xlane vm8;
	vm10 =	vlt.s32 v40, $0x8F;
	v46 =	vld [tilespmem:s28+$0x10]  }
0x1ef: {  	v41 =	vadd.s32 v41, v52;
	vm9 =	vlt.s32 v39, $0x3F;
	v40 =	vnsel vm10, $0x8F, v40  }
0x1f0: {  	v42 =	vadd.s32 v42, v53;
	v53 =	vmpcnt.ones.xlane vm3;
	v63 =	vmul.f32 v43, v3  }
0x1f1: {  	vm11 =	vlt.s32 v41, $0xDF;
	v54 =	vmul.f32 v45, v11;
	v55 =	vmul.f32 v43, v4  }
0x1f2: {  	v39 =	vnsel vm9, $0x3F, v39;
	v56 =	vmul.f32 v47, v19;
	v57 =	vmul.f32 v43, v5  }
0x1f3: {  	v58 =	vmul.f32 v45, v12;
	v59 =	vmul.f32 v43, v6;
	v44 =	vsub.f32 v46, v63  }
0x1f4: {  	v61 =	vmul.f32 v45, v13;
	v48 =	vsub.f32 v46, v55;
	v60 =	vsub.f32 v46, v57  }
0x1f5: {  	v62 =	vsub.f32 v46, v59;
	v63 =	vmul.f32 v45, v14;
	v57 =	vmul.f32 v47, v21  }
0x1f6: {  	v55 =	vmul.f32 v43, v9;
	v44 =	vsub.f32 v44, v54;
	v48 =	vsub.f32 v48, v58  }
0x1f7: {  	v49 =	vsub.f32 v60, v61;
	v58 =	vmul.f32 v47, v22;
	v60 =	vmul.f32 v43, v7  }
0x1f8: {  	v51 =	vsub.f32 v62, v63;
	v61 =	vmul.f32 v43, v8;
	v63 =	vmul.f32 v45, v15  }
0x1f9: {  	v44 =	vsub.f32 v44, v56;
	v56 =	vmul.f32 v47, v20;
	v49 =	vsub.f32 v49, v57  }
0x1fa: {  	v43 =	vmul.f32 v43, v10;
	v59 =	vsub.f32 v51, v58;
	v62 =	vsub.f32 v46, v60  }
0x1fb: {  	v54 =	vmul.f32 v45, v16;
	v57 =	vsub.f32 v46, v55;
	v48 =	vsub.f32 v48, v56  }
0x1fc: {  	v58 =	vmul.f32 v45, v17;
	v43 =	vsub.f32 v46, v43;
	v45 =	vmul.f32 v45, v18  }
0x1fd: {  	vm10 =	vlt.f32 v44, v27;
	vm9 =	vlt.f32 v48, v28;
	v48 =	vsub.f32 v46, v61  }
0x1fe: {  	vm7 =	vlt.f32 v49, v29;
	v44 =	vsub.f32 v62, v63;
	v56 =	vmul.f32 v47, v23  }
0x1ff: {  	vm8 =	vlt.f32 v59, v30;
	v59 =	vmul.f32 v47, v24;
	(xrf0) =	vadd.scan.msk.s32 vm10, v2;
	v48 =	vsub.f32 v48, v54  }
0x200: {  	v60 =	vsub.f32 v57, v58;
	v44 =	vsub.f32 v44, v56;
	v61 =	vmul.f32 v47, v25;
	(xrf0) =	vadd.scan.msk.s32 vm9, v2  }
0x201: {  	v43 =	vsub.f32 v43, v45;
	v62 =	vmul.f32 v47, v26;
	(xrf0) =	vadd.scan.msk.s32 vm7, v2;
	v48 =	vsub.f32 v48, v59  }
0x202: {  	v63 =	vmpcnt.ones.xlane vm6;
	vm6 =	vlt.f32 v44, v31;
	v50 =	vsub.f32 v60, v61;
	(xrf0) =	vadd.scan.msk.s32 vm8, v2  }
0x203: {  	v41 =	vnsel vm11, $0xDF, v41;
	v43 =	vsub.f32 v43, v62;
	(xrf0) =	vadd.scan.msk.s32 vm6, v2;
	vm5 =	vlt.f32 v48, v32  }
0x204: {  	vm12 =	vlt.s32 v42, $0x12F;
	v51 =	vmpcnt.ones.xlane vm4;
	vm2 =	vlt.f32 v50, v33;
	(xrf0) =	vadd.scan.msk.s32 vm5, v2  }
0x205: {  	v42 =	vnsel vm12, $0x12F, v42;
	v36 =	vadd.s32 v36, v53;
	vm0 =	vlt.f32 v43, v34;
	v52, _, _ =	vpop (xrf0);
	(xrf0) =	vadd.scan.msk.s32 vm2, v2  }
0x206: {  	vm15 =	vlt.s32 v36, $0x21F;
	v37 =	vadd.s32 v37, v51;
	v44 =	vadd.s32 v39, v52;
	v54, _, _ =	vpop (xrf0);
	(xrf0) =	vadd.scan.msk.s32 vm0, v2  }
0x207: {  	vm14 =	vlt.s32 v37, $0x1CF;
	v38 =	vadd.s32 v38, v63;
	v45 =	vadd.s32 v40, v54;
	v55, _, _ =	vpop (xrf0)  }
0x208: {  	v56 =	vmpcnt.ones.xlane vm1;
	vm13 =	vlt.s32 v38, $0x17F;
	v46 =	vadd.s32 v41, v55;
	v57, _, _ =	vpop (xrf0)  }
0x209: {  	s1 =	sadd.s32 $0x90, s26;
	v37 =	vnsel vm14, $0x1CF, v37;
	v38 =	vnsel vm13, $0x17F, v38;
	v47 =	vadd.s32 v42, v57;
	v58, _, _ =	vpop (xrf0)  }
0x20a: {  	v35 =	vadd.s32 v35, v56;
	v59 =	vor.u32 s1, v1;
	v48 =	vadd.s32 v38, v58;
	v60, _, _ =	vpop (xrf0)  }
0x20b: {  	v36 =	vnsel vm15, $0x21F, v36;
	vm4 =	vlt.s32 v35, $0x26F;
	[tilespmem:v44+s20+$0x0] =	vst.idx.msk vm10, v59;
	v61 =	vadd.s32 v37, v60;
	v62, _, _ =	vpop (xrf0)  }
0x20c: {  	v35 =	vnsel vm4, $0x26F, v35;
	[tilespmem:v45+s20+$0x0] =	vst.idx.msk vm9, v59;
	v63 =	vadd.s32 v36, v62;
	v52, _, _ =	vpop (xrf0)  }
0x20d: {  	[tilespmem:v46+s20+$0x0] =	vst.idx.msk vm7, v59;
	v53 =	vadd.s32 v35, v52  }
0x20e: {  	[tilespmem:v47+s20+$0x0] =	vst.idx.msk vm8, v59  }
0x20f: {  	[tilespmem:v48+s20+$0x0] =	vst.idx.msk vm6, v59  }
0x210: {  	[tilespmem:v61+s20+$0x0] =	vst.idx.msk vm5, v59  }
0x211: {  	[tilespmem:v63+s20+$0x0] =	vst.idx.msk vm2, v59  }
0x212: {  	[tilespmem:v53+s20+$0x0] =	vst.idx.msk vm0, v59  }
0x213: {  	v43 =	vld [tilespmem:s31+$0x20]  }
0x214: {  	v55 =	vmpcnt.ones.xlane vm9;
	v45 =	vld [tilespmem:s30+$0x20]  }
0x215: {  	v54 =	vmpcnt.ones.xlane vm10;
	v47 =	vld [tilespmem:s29+$0x20]  }
0x216: {  	v57 =	vmpcnt.ones.xlane vm7;
	v40 =	vadd.s32 v40, v55  }
0x217: {  	v39 =	vadd.s32 v39, v54;
	v58 =	vmpcnt.ones.xlane vm8;
	vm10 =	vlt.s32 v40, $0x8F  }
0x218: {  	v41 =	vadd.s32 v41, v57;
	vm9 =	vlt.s32 v39, $0x3F;
	v40 =	vnsel vm10, $0x8F, v40;
	v46 =	vld [tilespmem:s28+$0x20]  }
0x219: {  	v42 =	vadd.s32 v42, v58;
	v56 =	vmul.f32 v43, v3;
	v59 =	vmul.f32 v45, v11  }
0x21a: {  	vm11 =	vlt.s32 v41, $0xDF;
	v60 =	vmul.f32 v43, v4;
	v61 =	vmul.f32 v47, v19  }
0x21b: {  	v39 =	vnsel vm9, $0x3F, v39;
	v62 =	vmul.f32 v43, v5;
	v63 =	vmul.f32 v45, v12  }
0x21c: {  	v41 =	vnsel vm11, $0xDF, v41;
	v58 =	vmul.f32 v45, v13;
	v54 =	vmul.f32 v43, v7  }
0x21d: {  	v55 =	vmul.f32 v43, v8;
	v44 =	vsub.f32 v46, v56;
	v48 =	vsub.f32 v46, v60  }
0x21e: {  	v56 =	vmul.f32 v43, v6;
	v57 =	vsub.f32 v46, v62;
	v60 =	vmul.f32 v45, v14  }
0x21f: {  	v62 =	vmul.f32 v47, v21;
	v44 =	vsub.f32 v44, v59;
	v48 =	vsub.f32 v48, v63  }
0x220: {  	v59 =	vsub.f32 v46, v56;
	v49 =	vsub.f32 v57, v58;
	v63 =	vmul.f32 v47, v22  }
0x221: {  	v56 =	vsub.f32 v46, v54;
	v57 =	vmul.f32 v45, v15;
	v58 =	vmul.f32 v45, v16  }
0x222: {  	v54 =	vmul.f32 v47, v25;
	v44 =	vsub.f32 v44, v61;
	v61 =	vmul.f32 v47, v20  }
0x223: {  	v51 =	vsub.f32 v59, v60;
	v49 =	vsub.f32 v49, v62;
	v59 =	vmul.f32 v43, v9  }
0x224: {  	v60 =	vmul.f32 v47, v23;
	v43 =	vmul.f32 v43, v10;
	v48 =	vsub.f32 v48, v61  }
0x225: {  	v62 =	vmul.f32 v45, v17;
	v45 =	vmul.f32 v45, v18;
	vm10 =	vlt.f32 v44, v27  }
0x226: {  	v53 =	vsub.f32 v51, v63;
	vm9 =	vlt.f32 v48, v28;
	v48 =	vsub.f32 v46, v55  }
0x227: {  	vm7 =	vlt.f32 v49, v29;
	v44 =	vsub.f32 v56, v57;
	v61 =	vsub.f32 v46, v59  }
0x228: {  	v63 =	vmul.f32 v47, v24;
	v43 =	vsub.f32 v46, v43;
	(xrf0) =	vadd.scan.msk.s32 vm10, v2;
	v48 =	vsub.f32 v48, v58  }
0x229: {  	vm8 =	vlt.f32 v53, v30;
	v44 =	vsub.f32 v44, v60;
	v53 =	vsub.f32 v61, v62;
	(xrf0) =	vadd.scan.msk.s32 vm9, v2  }
0x22a: {  	v43 =	vsub.f32 v43, v45;
	v55 =	vmul.f32 v47, v26;
	(xrf0) =	vadd.scan.msk.s32 vm7, v2;
	v48 =	vsub.f32 v48, v63  }
0x22b: {  	v56 =	vmpcnt.ones.xlane vm6;
	vm6 =	vlt.f32 v44, v31;
	v57 =	vsub.f32 v53, v54;
	(xrf0) =	vadd.scan.msk.s32 vm8, v2  }
0x22c: {  	vm12 =	vlt.s32 v42, $0x12F;
	v43 =	vsub.f32 v43, v55;
	(xrf0) =	vadd.scan.msk.s32 vm6, v2;
	vm4 =	vlt.f32 v48, v32  }
0x22d: {  	v42 =	vnsel vm12, $0x12F, v42;
	v38 =	vadd.s32 v38, v56;
	vm3 =	vlt.f32 v57, v33;
	(xrf0) =	vadd.scan.msk.s32 vm4, v2  }
0x22e: {  	v60 =	vmpcnt.ones.xlane vm2;
	vm13 =	vlt.s32 v38, $0x17F;
	vm1 =	vlt.f32 v43, v34;
	v59, _, _ =	vpop (xrf0);
	(xrf0) =	vadd.scan.msk.s32 vm3, v2  }
0x22f: {  	s1 =	sadd.s32 $0xA0, s26;
	v58 =	vmpcnt.ones.xlane vm5;
	v38 =	vnsel vm13, $0x17F, v38;
	v44 =	vadd.s32 v39, v59;
	v61, _, _ =	vpop (xrf0);
	(xrf0) =	vadd.scan.msk.s32 vm1, v2  }
0x230: {  	v36 =	vadd.s32 v36, v60;
	v54 =	vor.u32 s1, v1;
	v45 =	vadd.s32 v40, v61;
	v62, _, _ =	vpop (xrf0)  }
0x231: {  	v37 =	vadd.s32 v37, v58;
	v63 =	vmpcnt.ones.xlane vm0;
	v46 =	vadd.s32 v41, v62;
	v52, _, _ =	vpop (xrf0)  }
0x232: {  	vm15 =	vlt.s32 v36, $0x21F;
	vm14 =	vlt.s32 v37, $0x1CF;
	v47 =	vadd.s32 v42, v52;
	v53, _, _ =	vpop (xrf0)  }
0x233: {  	v37 =	vnsel vm14, $0x1CF, v37;
	v35 =	vadd.s32 v35, v63;
	v48 =	vadd.s32 v38, v53;
	v55, _, _ =	vpop (xrf0)  }
0x234: {  	v36 =	vnsel vm15, $0x21F, v36;
	vm5 =	vlt.s32 v35, $0x26F;
	[tilespmem:v44+s20+$0x0] =	vst.idx.msk vm10, v54;
	v56 =	vadd.s32 v37, v55;
	v57, _, _ =	vpop (xrf0)  }
0x235: {  	v35 =	vnsel vm5, $0x26F, v35;
	[tilespmem:v45+s20+$0x0] =	vst.idx.msk vm9, v54;
	v58 =	vadd.s32 v36, v57;
	v59, _, _ =	vpop (xrf0)  }
0x236: {  	[tilespmem:v46+s20+$0x0] =	vst.idx.msk vm7, v54;
	v60 =	vadd.s32 v35, v59  }
0x237: {  	[tilespmem:v47+s20+$0x0] =	vst.idx.msk vm8, v54  }
0x238: {  	[tilespmem:v48+s20+$0x0] =	vst.idx.msk vm6, v54  }
0x239: {  	[tilespmem:v56+s20+$0x0] =	vst.idx.msk vm4, v54  }
0x23a: {  	[tilespmem:v58+s20+$0x0] =	vst.idx.msk vm3, v54  }
0x23b: {  	[tilespmem:v60+s20+$0x0] =	vst.idx.msk vm1, v54  }
0x23c: {  	v62 =	vmpcnt.ones.xlane vm9;
	v43 =	vld [tilespmem:s31+$0x30]  }
0x23d: {  	v61 =	vmpcnt.ones.xlane vm10;
	v45 =	vld [tilespmem:s30+$0x30]  }
0x23e: {  	v52 =	vmpcnt.ones.xlane vm7;
	v40 =	vadd.s32 v40, v62;
	v47 =	vld [tilespmem:s29+$0x30]  }
0x23f: {  	v39 =	vadd.s32 v39, v61;
	v53 =	vmpcnt.ones.xlane vm8;
	vm10 =	vlt.s32 v40, $0x8F;
	v46 =	vld [tilespmem:s28+$0x30]  }
0x240: {  	v41 =	vadd.s32 v41, v52;
	vm9 =	vlt.s32 v39, $0x3F;
	v40 =	vnsel vm10, $0x8F, v40  }
0x241: {  	v42 =	vadd.s32 v42, v53;
	v53 =	vmpcnt.ones.xlane vm3;
	v63 =	vmul.f32 v43, v3  }
0x242: {  	vm11 =	vlt.s32 v41, $0xDF;
	v54 =	vmul.f32 v45, v11;
	v55 =	vmul.f32 v43, v4  }
0x243: {  	v39 =	vnsel vm9, $0x3F, v39;
	v56 =	vmul.f32 v47, v19;
	v57 =	vmul.f32 v43, v5  }
0x244: {  	v58 =	vmul.f32 v45, v12;
	v59 =	vmul.f32 v43, v6;
	v44 =	vsub.f32 v46, v63  }
0x245: {  	v61 =	vmul.f32 v45, v13;
	v48 =	vsub.f32 v46, v55;
	v60 =	vsub.f32 v46, v57  }
0x246: {  	v62 =	vsub.f32 v46, v59;
	v63 =	vmul.f32 v45, v14;
	v57 =	vmul.f32 v47, v21  }
0x247: {  	v55 =	vmul.f32 v43, v9;
	v44 =	vsub.f32 v44, v54;
	v48 =	vsub.f32 v48, v58  }
0x248: {  	v49 =	vsub.f32 v60, v61;
	v58 =	vmul.f32 v47, v22;
	v60 =	vmul.f32 v43, v7  }
0x249: {  	v51 =	vsub.f32 v62, v63;
	v61 =	vmul.f32 v43, v8;
	v63 =	vmul.f32 v45, v15  }
0x24a: {  	v44 =	vsub.f32 v44, v56;
	v56 =	vmul.f32 v47, v20;
	v49 =	vsub.f32 v49, v57  }
0x24b: {  	v43 =	vmul.f32 v43, v10;
	v59 =	vsub.f32 v51, v58;
	v62 =	vsub.f32 v46, v60  }
0x24c: {  	v54 =	vmul.f32 v45, v16;
	v57 =	vsub.f32 v46, v55;
	v48 =	vsub.f32 v48, v56  }
0x24d: {  	v58 =	vmul.f32 v45, v17;
	v43 =	vsub.f32 v46, v43;
	v45 =	vmul.f32 v45, v18  }
0x24e: {  	vm10 =	vlt.f32 v44, v27;
	vm9 =	vlt.f32 v48, v28;
	v48 =	vsub.f32 v46, v61  }
0x24f: {  	vm7 =	vlt.f32 v49, v29;
	v44 =	vsub.f32 v62, v63;
	v56 =	vmul.f32 v47, v23  }
0x250: {  	vm8 =	vlt.f32 v59, v30;
	v59 =	vmul.f32 v47, v24;
	(xrf0) =	vadd.scan.msk.s32 vm10, v2;
	v48 =	vsub.f32 v48, v54  }
0x251: {  	v60 =	vsub.f32 v57, v58;
	v44 =	vsub.f32 v44, v56;
	v61 =	vmul.f32 v47, v25;
	(xrf0) =	vadd.scan.msk.s32 vm9, v2  }
0x252: {  	v43 =	vsub.f32 v43, v45;
	v62 =	vmul.f32 v47, v26;
	(xrf0) =	vadd.scan.msk.s32 vm7, v2;
	v48 =	vsub.f32 v48, v59  }
0x253: {  	v63 =	vmpcnt.ones.xlane vm6;
	vm6 =	vlt.f32 v44, v31;
	v50 =	vsub.f32 v60, v61;
	(xrf0) =	vadd.scan.msk.s32 vm8, v2  }
0x254: {  	v41 =	vnsel vm11, $0xDF, v41;
	v43 =	vsub.f32 v43, v62;
	(xrf0) =	vadd.scan.msk.s32 vm6, v2;
	vm5 =	vlt.f32 v48, v32  }
0x255: {  	vm12 =	vlt.s32 v42, $0x12F;
	v51 =	vmpcnt.ones.xlane vm4;
	vm2 =	vlt.f32 v50, v33;
	(xrf0) =	vadd.scan.msk.s32 vm5, v2  }
0x256: {  	v42 =	vnsel vm12, $0x12F, v42;
	v36 =	vadd.s32 v36, v53;
	vm0 =	vlt.f32 v43, v34;
	v52, _, _ =	vpop (xrf0);
	(xrf0) =	vadd.scan.msk.s32 vm2, v2  }
0x257: {  	vm15 =	vlt.s32 v36, $0x21F;
	v37 =	vadd.s32 v37, v51;
	v44 =	vadd.s32 v39, v52;
	v54, _, _ =	vpop (xrf0);
	(xrf0) =	vadd.scan.msk.s32 vm0, v2  }
0x258: {  	vm14 =	vlt.s32 v37, $0x1CF;
	v38 =	vadd.s32 v38, v63;
	v45 =	vadd.s32 v40, v54;
	v55, _, _ =	vpop (xrf0)  }
0x259: {  	v56 =	vmpcnt.ones.xlane vm1;
	vm13 =	vlt.s32 v38, $0x17F;
	v46 =	vadd.s32 v41, v55;
	v57, _, _ =	vpop (xrf0)  }
0x25a: {  	s1 =	sadd.s32 $0xB0, s26;
	v37 =	vnsel vm14, $0x1CF, v37;
	v38 =	vnsel vm13, $0x17F, v38;
	v47 =	vadd.s32 v42, v57;
	v58, _, _ =	vpop (xrf0)  }
0x25b: {  	v35 =	vadd.s32 v35, v56;
	v59 =	vor.u32 s1, v1;
	v48 =	vadd.s32 v38, v58;
	v60, _, _ =	vpop (xrf0)  }
0x25c: {  	v36 =	vnsel vm15, $0x21F, v36;
	vm4 =	vlt.s32 v35, $0x26F;
	[tilespmem:v44+s20+$0x0] =	vst.idx.msk vm10, v59;
	v61 =	vadd.s32 v37, v60;
	v62, _, _ =	vpop (xrf0)  }
0x25d: {  	v35 =	vnsel vm4, $0x26F, v35;
	[tilespmem:v45+s20+$0x0] =	vst.idx.msk vm9, v59;
	v63 =	vadd.s32 v36, v62;
	v52, _, _ =	vpop (xrf0)  }
0x25e: {  	[tilespmem:v46+s20+$0x0] =	vst.idx.msk vm7, v59;
	v53 =	vadd.s32 v35, v52  }
0x25f: {  	[tilespmem:v47+s20+$0x0] =	vst.idx.msk vm8, v59  }
0x260: {  	[tilespmem:v48+s20+$0x0] =	vst.idx.msk vm6, v59  }
0x261: {  	[tilespmem:v61+s20+$0x0] =	vst.idx.msk vm5, v59  }
0x262: {  	[tilespmem:v63+s20+$0x0] =	vst.idx.msk vm2, v59  }
0x263: {  	[tilespmem:v53+s20+$0x0] =	vst.idx.msk vm0, v59  }
0x264: {  	v43 =	vld [tilespmem:s31+$0x40]  }
0x265: {  	v55 =	vmpcnt.ones.xlane vm9;
	v45 =	vld [tilespmem:s30+$0x40]  }
0x266: {  	v54 =	vmpcnt.ones.xlane vm10;
	v47 =	vld [tilespmem:s29+$0x40]  }
0x267: {  	v57 =	vmpcnt.ones.xlane vm7;
	v40 =	vadd.s32 v40, v55  }
0x268: {  	v39 =	vadd.s32 v39, v54;
	v58 =	vmpcnt.ones.xlane vm8;
	vm10 =	vlt.s32 v40, $0x8F  }
0x269: {  	v41 =	vadd.s32 v41, v57;
	vm9 =	vlt.s32 v39, $0x3F;
	v40 =	vnsel vm10, $0x8F, v40;
	v46 =	vld [tilespmem:s28+$0x40]  }
0x26a: {  	v42 =	vadd.s32 v42, v58;
	v56 =	vmul.f32 v43, v3;
	v59 =	vmul.f32 v45, v11  }
0x26b: {  	vm11 =	vlt.s32 v41, $0xDF;
	v60 =	vmul.f32 v43, v4;
	v61 =	vmul.f32 v47, v19  }
0x26c: {  	v39 =	vnsel vm9, $0x3F, v39;
	v62 =	vmul.f32 v43, v5;
	v63 =	vmul.f32 v45, v12  }
0x26d: {  	v41 =	vnsel vm11, $0xDF, v41;
	v58 =	vmul.f32 v45, v13;
	v54 =	vmul.f32 v43, v7  }
0x26e: {  	v55 =	vmul.f32 v43, v8;
	v44 =	vsub.f32 v46, v56;
	v48 =	vsub.f32 v46, v60  }
0x26f: {  	v56 =	vmul.f32 v43, v6;
	v57 =	vsub.f32 v46, v62;
	v60 =	vmul.f32 v45, v14  }
0x270: {  	v62 =	vmul.f32 v47, v21;
	v44 =	vsub.f32 v44, v59;
	v48 =	vsub.f32 v48, v63  }
0x271: {  	v59 =	vsub.f32 v46, v56;
	v49 =	vsub.f32 v57, v58;
	v63 =	vmul.f32 v47, v22  }
0x272: {  	v56 =	vsub.f32 v46, v54;
	v57 =	vmul.f32 v45, v15;
	v58 =	vmul.f32 v45, v16  }
0x273: {  	v54 =	vmul.f32 v47, v25;
	v44 =	vsub.f32 v44, v61;
	v61 =	vmul.f32 v47, v20  }
0x274: {  	v51 =	vsub.f32 v59, v60;
	v49 =	vsub.f32 v49, v62;
	v59 =	vmul.f32 v43, v9  }
0x275: {  	v60 =	vmul.f32 v47, v23;
	v43 =	vmul.f32 v43, v10;
	v48 =	vsub.f32 v48, v61  }
0x276: {  	v62 =	vmul.f32 v45, v17;
	v45 =	vmul.f32 v45, v18;
	vm10 =	vlt.f32 v44, v27  }
0x277: {  	v53 =	vsub.f32 v51, v63;
	vm9 =	vlt.f32 v48, v28;
	v48 =	vsub.f32 v46, v55  }
0x278: {  	vm7 =	vlt.f32 v49, v29;
	v44 =	vsub.f32 v56, v57;
	v61 =	vsub.f32 v46, v59  }
0x279: {  	v63 =	vmul.f32 v47, v24;
	v43 =	vsub.f32 v46, v43;
	(xrf0) =	vadd.scan.msk.s32 vm10, v2;
	v48 =	vsub.f32 v48, v58  }
0x27a: {  	vm8 =	vlt.f32 v53, v30;
	v44 =	vsub.f32 v44, v60;
	v53 =	vsub.f32 v61, v62;
	(xrf0) =	vadd.scan.msk.s32 vm9, v2  }
0x27b: {  	v43 =	vsub.f32 v43, v45;
	v55 =	vmul.f32 v47, v26;
	(xrf0) =	vadd.scan.msk.s32 vm7, v2;
	v48 =	vsub.f32 v48, v63  }
0x27c: {  	v56 =	vmpcnt.ones.xlane vm6;
	vm6 =	vlt.f32 v44, v31;
	v57 =	vsub.f32 v53, v54;
	(xrf0) =	vadd.scan.msk.s32 vm8, v2  }
0x27d: {  	vm12 =	vlt.s32 v42, $0x12F;
	v43 =	vsub.f32 v43, v55;
	(xrf0) =	vadd.scan.msk.s32 vm6, v2;
	vm4 =	vlt.f32 v48, v32  }
0x27e: {  	v42 =	vnsel vm12, $0x12F, v42;
	v38 =	vadd.s32 v38, v56;
	vm3 =	vlt.f32 v57, v33;
	(xrf0) =	vadd.scan.msk.s32 vm4, v2  }
0x27f: {  	v60 =	vmpcnt.ones.xlane vm2;
	vm13 =	vlt.s32 v38, $0x17F;
	vm1 =	vlt.f32 v43, v34;
	v59, _, _ =	vpop (xrf0);
	(xrf0) =	vadd.scan.msk.s32 vm3, v2  }
0x280: {  	s1 =	sadd.s32 $0xC0, s26;
	v58 =	vmpcnt.ones.xlane vm5;
	v38 =	vnsel vm13, $0x17F, v38;
	v44 =	vadd.s32 v39, v59;
	v61, _, _ =	vpop (xrf0);
	(xrf0) =	vadd.scan.msk.s32 vm1, v2  }
0x281: {  	v36 =	vadd.s32 v36, v60;
	v54 =	vor.u32 s1, v1;
	v45 =	vadd.s32 v40, v61;
	v62, _, _ =	vpop (xrf0)  }
0x282: {  	v37 =	vadd.s32 v37, v58;
	v63 =	vmpcnt.ones.xlane vm0;
	v46 =	vadd.s32 v41, v62;
	v52, _, _ =	vpop (xrf0)  }
0x283: {  	vm15 =	vlt.s32 v36, $0x21F;
	vm14 =	vlt.s32 v37, $0x1CF;
	v47 =	vadd.s32 v42, v52;
	v53, _, _ =	vpop (xrf0)  }
0x284: {  	v37 =	vnsel vm14, $0x1CF, v37;
	v35 =	vadd.s32 v35, v63;
	v48 =	vadd.s32 v38, v53;
	v55, _, _ =	vpop (xrf0)  }
0x285: {  	v36 =	vnsel vm15, $0x21F, v36;
	vm5 =	vlt.s32 v35, $0x26F;
	[tilespmem:v44+s20+$0x0] =	vst.idx.msk vm10, v54;
	v56 =	vadd.s32 v37, v55;
	v57, _, _ =	vpop (xrf0)  }
0x286: {  	v35 =	vnsel vm5, $0x26F, v35;
	[tilespmem:v45+s20+$0x0] =	vst.idx.msk vm9, v54;
	v58 =	vadd.s32 v36, v57;
	v59, _, _ =	vpop (xrf0)  }
0x287: {  	[tilespmem:v46+s20+$0x0] =	vst.idx.msk vm7, v54;
	v60 =	vadd.s32 v35, v59  }
0x288: {  	[tilespmem:v47+s20+$0x0] =	vst.idx.msk vm8, v54  }
0x289: {  	[tilespmem:v48+s20+$0x0] =	vst.idx.msk vm6, v54  }
0x28a: {  	[tilespmem:v56+s20+$0x0] =	vst.idx.msk vm4, v54  }
0x28b: {  	[tilespmem:v58+s20+$0x0] =	vst.idx.msk vm3, v54  }
0x28c: {  	[tilespmem:v60+s20+$0x0] =	vst.idx.msk vm1, v54  }
0x28d: {  	v62 =	vmpcnt.ones.xlane vm9;
	v43 =	vld [tilespmem:s31+$0x50]  }
0x28e: {  	v61 =	vmpcnt.ones.xlane vm10;
	v45 =	vld [tilespmem:s30+$0x50]  }
0x28f: {  	v52 =	vmpcnt.ones.xlane vm7;
	v40 =	vadd.s32 v40, v62;
	v47 =	vld [tilespmem:s29+$0x50]  }
0x290: {  	v39 =	vadd.s32 v39, v61;
	v53 =	vmpcnt.ones.xlane vm8;
	vm10 =	vlt.s32 v40, $0x8F;
	v46 =	vld [tilespmem:s28+$0x50]  }
0x291: {  	v41 =	vadd.s32 v41, v52;
	vm9 =	vlt.s32 v39, $0x3F;
	v40 =	vnsel vm10, $0x8F, v40  }
0x292: {  	v42 =	vadd.s32 v42, v53;
	v53 =	vmpcnt.ones.xlane vm3;
	v63 =	vmul.f32 v43, v3  }
0x293: {  	vm11 =	vlt.s32 v41, $0xDF;
	v54 =	vmul.f32 v45, v11;
	v55 =	vmul.f32 v43, v4  }
0x294: {  	v39 =	vnsel vm9, $0x3F, v39;
	v56 =	vmul.f32 v47, v19;
	v57 =	vmul.f32 v43, v5  }
0x295: {  	v58 =	vmul.f32 v45, v12;
	v59 =	vmul.f32 v43, v6;
	v44 =	vsub.f32 v46, v63  }
0x296: {  	v61 =	vmul.f32 v45, v13;
	v48 =	vsub.f32 v46, v55;
	v60 =	vsub.f32 v46, v57  }
0x297: {  	v62 =	vsub.f32 v46, v59;
	v63 =	vmul.f32 v45, v14;
	v57 =	vmul.f32 v47, v21  }
0x298: {  	v55 =	vmul.f32 v43, v9;
	v44 =	vsub.f32 v44, v54;
	v48 =	vsub.f32 v48, v58  }
0x299: {  	v49 =	vsub.f32 v60, v61;
	v58 =	vmul.f32 v47, v22;
	v60 =	vmul.f32 v43, v7  }
0x29a: {  	v51 =	vsub.f32 v62, v63;
	v61 =	vmul.f32 v43, v8;
	v63 =	vmul.f32 v45, v15  }
0x29b: {  	v44 =	vsub.f32 v44, v56;
	v56 =	vmul.f32 v47, v20;
	v49 =	vsub.f32 v49, v57  }
0x29c: {  	v43 =	vmul.f32 v43, v10;
	v59 =	vsub.f32 v51, v58;
	v62 =	vsub.f32 v46, v60  }
0x29d: {  	v54 =	vmul.f32 v45, v16;
	v57 =	vsub.f32 v46, v55;
	v48 =	vsub.f32 v48, v56  }
0x29e: {  	v58 =	vmul.f32 v45, v17;
	v43 =	vsub.f32 v46, v43;
	v45 =	vmul.f32 v45, v18  }
0x29f: {  	vm10 =	vlt.f32 v44, v27;
	vm9 =	vlt.f32 v48, v28;
	v48 =	vsub.f32 v46, v61  }
0x2a0: {  	vm7 =	vlt.f32 v49, v29;
	v44 =	vsub.f32 v62, v63;
	v56 =	vmul.f32 v47, v23  }
0x2a1: {  	vm8 =	vlt.f32 v59, v30;
	v59 =	vmul.f32 v47, v24;
	(xrf0) =	vadd.scan.msk.s32 vm10, v2;
	v48 =	vsub.f32 v48, v54  }
0x2a2: {  	v60 =	vsub.f32 v57, v58;
	v44 =	vsub.f32 v44, v56;
	v61 =	vmul.f32 v47, v25;
	(xrf0) =	vadd.scan.msk.s32 vm9, v2  }
0x2a3: {  	v43 =	vsub.f32 v43, v45;
	v62 =	vmul.f32 v47, v26;
	(xrf0) =	vadd.scan.msk.s32 vm7, v2;
	v48 =	vsub.f32 v48, v59  }
0x2a4: {  	v41 =	vnsel vm11, $0xDF, v41;
	vm5 =	vlt.f32 v44, v31;
	v50 =	vsub.f32 v60, v61;
	(xrf0) =	vadd.scan.msk.s32 vm8, v2  }
0x2a5: {  	vm12 =	vlt.s32 v42, $0x12F;
	v43 =	vsub.f32 v43, v62;
	(xrf0) =	vadd.scan.msk.s32 vm5, v2;
	vm0 =	vlt.f32 v48, v32  }
0x2a6: {  	v42 =	vnsel vm12, $0x12F, v42;
	v51 =	vmpcnt.ones.xlane vm4;
	vm2 =	vlt.f32 v50, v33;
	(xrf0) =	vadd.scan.msk.s32 vm0, v2  }
0x2a7: {  	v36 =	vadd.s32 v36, v53;
	v63 =	vmpcnt.ones.xlane vm6;
	vm4 =	vlt.f32 v43, v34;
	v52, _, _ =	vpop (xrf0);
	(xrf0) =	vadd.scan.msk.s32 vm2, v2  }
0x2a8: {  	vm15 =	vlt.s32 v36, $0x21F;
	v37 =	vadd.s32 v37, v51;
	v44 =	vadd.s32 v39, v52;
	v54, _, _ =	vpop (xrf0);
	(xrf0) =	vadd.scan.msk.s32 vm4, v2  }
0x2a9: {  	vm14 =	vlt.s32 v37, $0x1CF;
	v38 =	vadd.s32 v38, v63;
	v45 =	vadd.s32 v40, v54;
	v55, _, _ =	vpop (xrf0)  }
0x2aa: {  	v56 =	vmpcnt.ones.xlane vm1;
	vm13 =	vlt.s32 v38, $0x17F;
	v46 =	vadd.s32 v41, v55;
	v57, _, _ =	vpop (xrf0)  }
0x2ab: {  	s1 =	sadd.s32 $0xD0, s26;
	v37 =	vnsel vm14, $0x1CF, v37;
	v38 =	vnsel vm13, $0x17F, v38;
	v47 =	vadd.s32 v42, v57;
	v58, _, _ =	vpop (xrf0)  }
0x2ac: {  	v35 =	vadd.s32 v35, v56;
	v59 =	vor.u32 s1, v1;
	v48 =	vadd.s32 v38, v58;
	v60, _, _ =	vpop (xrf0)  }
0x2ad: {  	v36 =	vnsel vm15, $0x21F, v36;
	vm6 =	vlt.s32 v35, $0x26F;
	[tilespmem:v44+s20+$0x0] =	vst.idx.msk vm10, v59;
	v61 =	vadd.s32 v37, v60;
	v62, _, _ =	vpop (xrf0)  }
0x2ae: {  	v35 =	vnsel vm6, $0x26F, v35;
	[tilespmem:v45+s20+$0x0] =	vst.idx.msk vm9, v59;
	v63 =	vadd.s32 v36, v62;
	v52, _, _ =	vpop (xrf0)  }
0x2af: {  	[tilespmem:v46+s20+$0x0] =	vst.idx.msk vm7, v59;
	v53 =	vadd.s32 v35, v52  }
0x2b0: {  	[tilespmem:v47+s20+$0x0] =	vst.idx.msk vm8, v59  }
0x2b1: {  	[tilespmem:v48+s20+$0x0] =	vst.idx.msk vm5, v59  }
0x2b2: {  	[tilespmem:v61+s20+$0x0] =	vst.idx.msk vm0, v59  }
0x2b3: {  	[tilespmem:v63+s20+$0x0] =	vst.idx.msk vm2, v59  }
0x2b4: {  	[tilespmem:v53+s20+$0x0] =	vst.idx.msk vm4, v59  }
0x2b5: {  	v55 =	vmpcnt.ones.xlane vm9;
	v43 =	vld [tilespmem:s31+$0x60]  }
0x2b6: {  	v54 =	vmpcnt.ones.xlane vm10;
	v45 =	vld [tilespmem:s30+$0x60]  }
0x2b7: {  	v57 =	vmpcnt.ones.xlane vm7;
	v40 =	vadd.s32 v40, v55;
	v47 =	vld [tilespmem:s29+$0x60]  }
0x2b8: {  	v39 =	vadd.s32 v39, v54;
	v58 =	vmpcnt.ones.xlane vm8;
	vm10 =	vlt.s32 v40, $0x8F;
	v46 =	vld [tilespmem:s28+$0x60]  }
0x2b9: {  	v41 =	vadd.s32 v41, v57;
	vm9 =	vlt.s32 v39, $0x3F;
	v40 =	vnsel vm10, $0x8F, v40  }
0x2ba: {  	v42 =	vadd.s32 v42, v58;
	vm11 =	vlt.s32 v41, $0xDF;
	v56 =	vmul.f32 v43, v3  }
0x2bb: {  	v39 =	vnsel vm9, $0x3F, v39;
	v59 =	vmul.f32 v45, v11;
	v60 =	vmul.f32 v43, v4  }
0x2bc: {  	v41 =	vnsel vm11, $0xDF, v41;
	v61 =	vmul.f32 v47, v19;
	v62 =	vmul.f32 v43, v5  }
0x2bd: {  	v63 =	vmul.f32 v45, v12;
	v58 =	vmul.f32 v45, v13;
	v44 =	vsub.f32 v46, v56  }
0x2be: {  	v48 =	vsub.f32 v46, v60;
	v56 =	vmul.f32 v43, v6;
	v57 =	vsub.f32 v46, v62  }
0x2bf: {  	v60 =	vmul.f32 v45, v14;
	v62 =	vmul.f32 v47, v21;
	v44 =	vsub.f32 v44, v59  }
0x2c0: {  	v48 =	vsub.f32 v48, v63;
	v59 =	vsub.f32 v46, v56;
	v63 =	vmul.f32 v47, v22  }
0x2c1: {  	v49 =	vsub.f32 v57, v58;
	v57 =	vmul.f32 v43, v7;
	v58 =	vmul.f32 v43, v8  }
0x2c2: {  	v44 =	vsub.f32 v44, v61;
	v61 =	vmul.f32 v47, v20;
	v51 =	vsub.f32 v59, v60  }
0x2c3: {  	v49 =	vsub.f32 v49, v62;
	v60 =	vmul.f32 v45, v15;
	v62 =	vmul.f32 v43, v9  }
0x2c4: {  	v59 =	vsub.f32 v46, v57;
	v43 =	vmul.f32 v43, v10;
	v57 =	vmul.f32 v45, v17  }
0x2c5: {  	v48 =	vsub.f32 v48, v61;
	vm6 =	vlt.f32 v44, v27;
	v56 =	vsub.f32 v51, v63  }
0x2c6: {  	vm3 =	vlt.f32 v49, v29;
	v61 =	vmul.f32 v45, v16;
	v44 =	vsub.f32 v59, v60  }
0x2c7: {  	v63 =	vmul.f32 v47, v23;
	vm7 =	vlt.f32 v48, v28;
	v48 =	vsub.f32 v46, v58  }
0x2c8: {  	v43 =	vsub.f32 v46, v43;
	vm12 =	vlt.f32 v56, v30;
	v56 =	vsub.f32 v46, v62  }
0x2c9: {  	v45 =	vmul.f32 v45, v18;
	(xrf0) =	vadd.scan.msk.s32 vm6, v2;
	v58 =	vmul.f32 v47, v24;
	v48 =	vsub.f32 v48, v61  }
0x2ca: {  	v60 =	vmul.f32 v47, v25;
	v44 =	vsub.f32 v44, v63;
	(xrf0) =	vadd.scan.msk.s32 vm7, v2;
	v59 =	vsub.f32 v56, v57  }
0x2cb: {  	v43 =	vsub.f32 v43, v45;
	(xrf0) =	vadd.scan.msk.s32 vm3, v2;
	v61 =	vmul.f32 v47, v26;
	v48 =	vsub.f32 v48, v58  }
0x2cc: {  	vm13 =	vlt.s32 v42, $0x12F;
	vm8 =	vlt.f32 v44, v31;
	(xrf0) =	vadd.scan.msk.s32 vm12, v2;
	v63 =	vsub.f32 v59, v60  }
0x2cd: {  	v53 =	vmpcnt.ones.xlane vm4;
	(xrf0) =	vadd.scan.msk.s32 vm8, v2;
	v43 =	vsub.f32 v43, v61;
	vm9 =	vlt.f32 v48, v32  }
0x2ce: {  	v49 =	vmpcnt.ones.xlane vm0;
	v62 =	vmpcnt.ones.xlane vm5;
	vm5 =	vlt.f32 v63, v33;
	(xrf0) =	vadd.scan.msk.s32 vm9, v2  }
0x2cf: {  	v42 =	vnsel vm13, $0x12F, v42;
	v51 =	vmpcnt.ones.xlane vm2;
	v50, _, _ =	vpop (xrf0);
	vm0 =	vlt.f32 v43, v34;
	(xrf0) =	vadd.scan.msk.s32 vm5, v2  }
0x2d0: {  	v35 =	vadd.s32 v35, v53;
	v37 =	vadd.s32 v37, v49;
	v45 =	vadd.s32 v39, v50;
	v52, _, _ =	vpop (xrf0);
	(xrf0) =	vadd.scan.msk.s32 vm0, v2  }
0x2d1: {  	v36 =	vadd.s32 v36, v51;
	v38 =	vadd.s32 v38, v62;
	v46 =	vadd.s32 v40, v52;
	v54, _, _ =	vpop (xrf0)  }
0x2d2: {  	vm15 =	vlt.s32 v37, $0x1CF;
	vm14 =	vlt.s32 v38, $0x17F;
	v55 =	vadd.s32 v41, v54;
	v56, _, _ =	vpop (xrf0)  }
0x2d3: {  	s1 =	sadd.s32 $0xE0, s26;
	vm4 =	vlt.s32 v36, $0x21F;
	v38 =	vnsel vm14, $0x17F, v38;
	v47 =	vadd.s32 v42, v56;
	v57, _, _ =	vpop (xrf0)  }
0x2d4: {  	v37 =	vnsel vm15, $0x1CF, v37;
	v58 =	vor.u32 s1, v1;
	v48 =	vadd.s32 v38, v57;
	v59, _, _ =	vpop (xrf0)  }
0x2d5: {  	vm10 =	vlt.s32 v35, $0x26F;
	v36 =	vnsel vm4, $0x21F, v36;
	[tilespmem:v45+s20+$0x0] =	vst.idx.msk vm6, v58;
	v60 =	vadd.s32 v37, v59;
	v61, _, _ =	vpop (xrf0)  }
0x2d6: {  	v35 =	vnsel vm10, $0x26F, v35;
	[tilespmem:v46+s20+$0x0] =	vst.idx.msk vm7, v58;
	v62 =	vadd.s32 v36, v61;
	v63, _, _ =	vpop (xrf0)  }
0x2d7: {  	[tilespmem:v55+s20+$0x0] =	vst.idx.msk vm3, v58;
	v49 =	vadd.s32 v35, v63  }
0x2d8: {  	[tilespmem:v47+s20+$0x0] =	vst.idx.msk vm12, v58  }
0x2d9: {  	[tilespmem:v48+s20+$0x0] =	vst.idx.msk vm8, v58  }
0x2da: {  	v51 =	vmpcnt.ones.xlane vm7;
	v50 =	vmpcnt.ones.xlane vm6;
	[tilespmem:v60+s20+$0x0] =	vst.idx.msk vm9, v58  }
0x2db: {  	v52 =	vmpcnt.ones.xlane vm3;
	v56 =	vmpcnt.ones.xlane vm8;
	[tilespmem:v62+s20+$0x0] =	vst.idx.msk vm5, v58  }
0x2dc: {  	v53 =	vmpcnt.ones.xlane vm12;
	v39 =	vadd.s32 v39, v50;
	v40 =	vadd.s32 v40, v51;
	[tilespmem:v49+s20+$0x0] =	vst.idx.msk vm0, v58  }
0x2dd: {  	vm11 =	vlt.s32 v39, $0x3F;
	v54 =	vadd.s32 v41, v52;
	v38 =	vadd.s32 v38, v56;
	v46 =	vld [tilespmem:s31+$0x70]  }
0x2de: {  	v44 =	vnsel vm11, $0x3F, v39;
	vm13 =	vlt.s32 v54, $0xDF;
	vm15 =	vlt.s32 v38, $0x17F;
	v47 =	vld [tilespmem:s30+$0x70]  }
0x2df: {  	v56 =	vmpcnt.ones.xlane vm0;
	v55 =	vadd.s32 v42, v53;
	v51 =	vnsel vm15, $0x17F, v38;
	v49 =	vld [tilespmem:s28+$0x70]  }
0x2e0: {  	vm12 =	vlt.s32 v40, $0x8F;
	vm14 =	vlt.s32 v55, $0x12F;
	v61 =	vmpcnt.ones.xlane vm5  }
0x2e1: {  	v43 =	vnsel vm12, $0x8F, v40;
	v48 =	vnsel vm13, $0xDF, v54;
	v50 =	vnsel vm14, $0x12F, v55;
	v42 =	vld [tilespmem:s29+$0x70]  }
0x2e2: {  	v35 =	vadd.s32 v35, v56;
	v36 =	vadd.s32 v36, v61;
	v57 =	vmul.f32 v46, v3  }
0x2e3: {  	vm6 =	vlt.s32 v35, $0x26F;
	vm5 =	vlt.s32 v36, $0x21F;
	v63 =	vmul.f32 v46, v4  }
0x2e4: {  	v58 =	vmpcnt.ones.xlane vm9;
	v60 =	vmul.f32 v47, v11;
	v59 =	vsub.f32 v49, v57  }
0x2e5: {  	v52 =	vnsel vm5, $0x21F, v36;
	v55 =	vmul.f32 v47, v12;
	v54 =	vsub.f32 v49, v63  }
0x2e6: {  	v37 =	vadd.s32 v37, v58;
	v62 =	vmul.f32 v42, v19;
	v40 =	vsub.f32 v59, v60  }
0x2e7: {  	v58 =	vmul.f32 v42, v20;
	v57 =	vsub.f32 v54, v55;
	v60 =	vmul.f32 v46, v5  }
0x2e8: {  	vm4 =	vlt.s32 v37, $0x1CF;
	v56 =	vmul.f32 v42, v21;
	v53 =	vsub.f32 v40, v62  }
0x2e9: {  	v63 =	vmul.f32 v47, v13;
	v61 =	vsub.f32 v57, v58;
	v62 =	vsub.f32 v49, v60  }
0x2ea: {  	v45 =	vnsel vm4, $0x1CF, v37;
	v54 =	vmul.f32 v42, v25;
	v57 =	vmul.f32 v46, v6  }
0x2eb: {  	vm0 =	vlt.f32 v53, v27;
	vm1 =	vlt.f32 v61, v28;
	v55 =	vsub.f32 v62, v63  }
0x2ec: {  	v60 =	vsub.f32 v49, v57;
	v61 =	vmul.f32 v47, v14;
	v62 =	vmul.f32 v47, v15  }
0x2ed: {  	v53 =	vnsel vm6, $0x26F, v35;
	v57 =	vmul.f32 v42, v22;
	v59 =	vmpcnt.ones.xlane vm0  }
0x2ee: {  	v58 =	vmpcnt.ones.xlane vm1;
	v35 =	vsub.f32 v55, v56;
	v63 =	vsub.f32 v60, v61  }
0x2ef: {  	v60 =	vmul.f32 v46, v8;
	v37 =	vadd.s32 v44, v59;
	v59 =	vmul.f32 v46, v7  }
0x2f0: {  	v56 =	vmul.f32 v42, v26;
	vm2 =	vlt.f32 v35, v29;
	v35 =	vsub.f32 v63, v57  }
0x2f1: {  	vm7 =	vlt.s32 v37, $0x3F;
	v63 =	vsub.f32 v49, v60;
	v40 =	vsub.f32 v49, v59  }
0x2f2: {  	v39 =	vnsel vm7, $0x3F, v37;
	v37 =	vadd.s32 v43, v58;
	v58 =	vmpcnt.ones.xlane vm2  }
0x2f3: {  	v59 =	vmul.f32 v42, v23;
	vm8 =	vlt.s32 v37, $0x8F;
	v41 =	vsub.f32 v40, v62  }
0x2f4: {  	vm3 =	vlt.f32 v35, v30;
	v40 =	vnsel vm8, $0x8F, v37;
	v61 =	vadd.s32 v48, v58  }
0x2f5: {  	v57 =	vmpcnt.ones.xlane vm3;
	v62 =	vsub.f32 v41, v59;
	v41 =	vmul.f32 v47, v16  }
0x2f6: {  	v58 =	vmul.f32 v42, v24;
	vm9 =	vlt.s32 v61, $0xDF;
	v59 =	vmul.f32 v46, v9  }
0x2f7: {  	v46 =	vmul.f32 v46, v10;
	vm4 =	vlt.f32 v62, v31;
	v35 =	vsub.f32 v63, v41  }
0x2f8: {  	v41 =	vnsel vm9, $0xDF, v61;
	v61 =	vsub.f32 v49, v59;
	v62 =	vmul.f32 v47, v17  }
0x2f9: {  	v60 =	vadd.s32 v50, v57;
	v46 =	vsub.f32 v49, v46;
	v47 =	vmul.f32 v47, v18  }
0x2fa: {  	vm10 =	vlt.s32 v60, $0x12F;
	v63 =	vmpcnt.ones.xlane vm4;
	v36 =	vsub.f32 v61, v62  }
0x2fb: {  	v42 =	vnsel vm10, $0x12F, v60;
	v35 =	vsub.f32 v35, v58;
	v55 =	vsub.f32 v46, v47  }
0x2fc: {  	v60 =	vadd.s32 v39, v40;
	v57 =	vadd.s32 v51, v63;
	v36 =	vsub.f32 v36, v54  }
0x2fd: {  	vm5 =	vlt.f32 v35, v32;
	vm11 =	vlt.s32 v57, $0x17F;
	v35 =	vsub.f32 v55, v56  }
0x2fe: {  	v58 =	vmpcnt.ones.xlane vm5;
	v38 =	vnsel vm11, $0x17F, v57;
	vm7 =	vlt.f32 v36, v33  }
0x2ff: {  	vm12 =	vlt.f32 v35, v34;
	v35 =	vadd.s32 v41, v60;
	v36 =	vmpcnt.ones.xlane vm7  }
0x300: {  	v59 =	vadd.s32 v45, v58;
	v61 =	vmpcnt.ones.xlane vm12;
	v35 =	vadd.s32 v42, v35  }
0x301: {  	vm13 =	vlt.s32 v59, $0x1CF;
	v35 =	vadd.s32 v38, v35;
	v36 =	vadd.s32 v52, v36  }
0x302: {  	v37 =	vnsel vm13, $0x1CF, v59;
	v46 =	vadd.s32 v53, v61;
	vm14 =	vlt.s32 v36, $0x21F  }
0x303: {  	vm15 =	vlt.s32 v46, $0x26F;
	v62 =	vadd.s32 v37, v35;
	v36 =	vnsel vm14, $0x21F, v36  }
0x304: {  	v35 =	vnsel vm15, $0x26F, v46;
	v63 =	vadd.s32 v36, v62  }
0x305: {  	v46 =	vadd.s32 v35, v63  }
0x306: {  	(v2sf) =	vpush v46, $0x0;
	_ =	sdelay $0x2  }
0x307: {  	(xrf0) =	vadd.scan.msk.s32 vm0, v2  }
0x308: {  	(xrf0) =	vadd.scan.msk.s32 vm1, v2  }
0x309: {  	(xrf0) =	vadd.scan.msk.s32 vm2, v2  }
0x30a: {  	(xrf0) =	vadd.scan.msk.s32 vm3, v2  }
0x30b: {  	(xrf0) =	vadd.scan.msk.s32 vm4, v2  }
0x30c: {  	(xrf0) =	vadd.scan.msk.s32 vm5, v2  }
0x30d: {  	v49, _, _ =	vpop (xrf0);
	(xrf0) =	vadd.scan.msk.s32 vm7, v2  }
0x30e: {  	v44 =	vadd.s32 v44, v49;
	v54, _, _ =	vpop (xrf0);
	(xrf0) =	vadd.scan.msk.s32 vm12, v2  }
0x30f: {  	v43 =	vadd.s32 v43, v54;
	v55, _, _ =	vpop (xrf0)  }
0x310: {  	v56, _, _ =	vpop (xrf0);
	v47 =	vadd.s32 v48, v55  }
0x311: {  	s1 =	sadd.s32 $0xF0, s26;
	v57, _, _ =	vpop (xrf0);
	v46 =	vadd.s32 v50, v56  }
0x312: {  	v59 =	vor.u32 s1, v1;
	v48 =	vadd.s32 v51, v57;
	v58, _, _ =	vpop (xrf0)  }
0x313: {  	p2 =	sgt.u32 s26, $0x1EFF;
	[tilespmem:v44+s20+$0x0] =	vst.idx.msk vm0, v59;
	v61 =	vadd.s32 v45, v58;
	v60, _, _ =	vpop (xrf0);
	s1 =	spop (v2sf)  }
0x314: {  	[tilespmem:v43+s20+$0x0] =	vst.idx.msk vm1, v59;
	v62 =	vadd.s32 v52, v60;
	v63, _, _ =	vpop (xrf0);
	p3 =	slt.s32 @!p2 s1, $0xAB8  }
0x315: {  	[tilespmem:v47+s20+$0x0] =	vst.idx.msk vm2, v59;
	v45 =	vadd.s32 v53, v63;
	p2 =	por p2, !p3  }
.Ltmp4:
0x316: {  	[tilespmem:v46+s20+$0x0] =	vst.idx.msk vm3, v59;
	(pc) =	sbr.rel @!p2 .LBB2_5-.Ltmp4, $4  }
0x317: {  	[tilespmem:v48+s20+$0x0] =	vst.idx.msk vm4, v59  }
0x318: {  	[tilespmem:v61+s20+$0x0] =	vst.idx.msk vm5, v59  }
0x319: {  	s26 =	sadd.s32 $0x100, s26;
	s28 =	sadd.s32 $0x100, s28;
	[tilespmem:v62+s20+$0x0] =	vst.idx.msk vm7, v59  }
0x31a: {  	s29 =	sadd.s32 $0x100, s29;
	s30 =	sadd.s32 $0x100, s30;
	s31 =	sadd.s32 $0x100, s31;
	[tilespmem:v45+s20+$0x0] =	vst.idx.msk vm12, v59  }
0x31b: {  	s1 =	simm.s32 @p1 $0x1  }
0x31c: {  	_ =	swait.ge @p1 [sflag:s1], $0x200  }
0x31d: {  	(v2sf) =	vpush v39, $0x0;
	_ =	sdelay $0x2  }
0x31e: {  	(v2sf) =	vpush v40, $0x0;
	_ =	sdelay $0x2  }
0x31f: {  	(v2sf) =	vpush v41, $0x0;
	_ =	sdelay $0x3  }
0x320: {  	[sflag:s1] =	ssyncset.done @p1 $0x0  }
0x321: {  	[sflag:s1] =	ssyncadd.s32 @p1 $0xFFFFFE00  }
0x322: {  	v5 =	vld [tilespmem:$0x8D80];
	(v2sf) =	vpush v42, $0x0  }
0x323: {  	v8 =	vld [tilespmem:$0x8DD0];
	_ =	sdelay $0x1  }
0x324: {  	v6 =	vld [tilespmem:$0x8D90];
	s28 =	spop (v2sf)  }
0x325: {  	v7 =	vld [tilespmem:$0x8DA0];
	(v2sf) =	vpush v38, $0x0;
	s1 =	sadd.s32 $0x1, s28  }
0x326: {  	v3 =	vor.u32 $0x10, v1;
	v14 =	vld [tilespmem:$0x8E20];
	v9 =	vbroadcast v5, $0x0;
	v10 =	vmov s1  }
0x327: {  	v4 =	vor.u32 $0x20, v1;
	v12 =	vld [tilespmem:$0x8DE0];
	v55 =	vbroadcast v8, $0x0;
	s29 =	spop (v2sf);
	vm0 =	vgt.s32 v10, v1  }
0x328: {  	v13 =	vld [tilespmem:$0x8DF0];
	(v2sf) =	vpush v37, $0x0;
	s1 =	sadd.s32 $0xFFFFFFB1, s29;
	vm1 =	vgt.s32 v10, v3;
	v5 =	vsel vm0, v5, v9  }
0x329: {  	v58 =	vld [tilespmem:$0x8E30];
	vm10 =	vgt.s32 v10, v4;
	v56 =	vmov s1;
	v6 =	vsel vm1, v6, v9;
	[tilespmem:$0x9000] =	vst v5  }
0x32a: {  	v60 =	vld [tilespmem:$0x8E40];
	s30 =	spop (v2sf);
	v7 =	vsel vm10, v7, v9;
	vm12 =	vgt.s32 v56, v1;
	[tilespmem:$0x9010] =	vst v6  }
0x32b: {  	v63 =	vld [tilespmem:$0x8E70];
	v18 =	vbroadcast v14, $0x0;
	s1 =	sadd.s32 $0xFFFFFF61, s30;
	vm13 =	vgt.s32 v56, v3;
	[tilespmem:$0x9020] =	vst v7;
	v59 =	vsel vm12, v8, v55  }
0x32c: {  	v11 =	vld [tilespmem:$0x8DB0];
	vm14 =	vgt.s32 v56, v4;
	v19 =	vmov s1;
	v61 =	vsel vm13, v12, v55;
	[tilespmem:$0x9040] =	vst v59  }
0x32d: {  	v15 =	vld [tilespmem:$0x8E00];
	(v2sf) =	vpush v36, $0x0;
	v62 =	vsel vm14, v13, v55;
	vm4 =	vgt.s32 v19, v1;
	[tilespmem:$0x9050] =	vst v61  }
0x32e: {  	v20 =	vld [tilespmem:$0x8E50];
	vm5 =	vgt.s32 v19, v3;
	[tilespmem:$0x9060] =	vst v62;
	v22 =	vsel vm4, v14, v18  }
0x32f: {  	v21 =	vld [tilespmem:$0x8E80];
	v5 =	vor.u32 $0x30, v1;
	vm6 =	vgt.s32 v19, v4;
	v24 =	vsel vm5, v58, v18;
	[tilespmem:$0x9080] =	vst v22  }
0x330: {  	v25 =	vld [tilespmem:$0x8EC0];
	v26 =	vbroadcast v63, $0x0;
	s31 =	spop (v2sf);
	vm11 =	vgt.s32 v10, v5;
	v8 =	vsel vm6, v60, v18;
	[tilespmem:$0x9090] =	vst v24  }
0x331: {  	v23 =	vld [tilespmem:$0x8E90];
	(v2sf) =	vpush v35, $0x0;
	s1 =	sadd.s32 $0xFFFFFF11, s31;
	vm15 =	vgt.s32 v56, v5;
	v57 =	vsel vm11, v11, v9;
	[tilespmem:$0x90A0] =	vst v8  }
0x332: {  	v28 =	vld [tilespmem:$0x8EA0];
	v27 =	vmov s1;
	vm7 =	vgt.s32 v19, v5;
	v6 =	vsel vm15, v15, v55;
	[tilespmem:$0x9030] =	vst v57  }
0x333: {  	v29 =	vld [tilespmem:$0x8ED0];
	vm8 =	vgt.s32 v27, v1;
	v7 =	vsel vm7, v20, v18;
	[tilespmem:$0x9070] =	vst v6  }
0x334: {  	v34 =	vld [tilespmem:$0x8F10];
	vm9 =	vgt.s32 v27, v3;
	v30 =	vsel vm8, v63, v26;
	[tilespmem:$0x90B0] =	vst v7;
	s26 =	spop (v2sf)  }
0x335: {  	v31 =	vld [tilespmem:$0x8EE0];
	v35 =	vbroadcast v25, $0x0;
	vm10 =	vgt.s32 v27, v4;
	v32 =	vsel vm9, v21, v26;
	[tilespmem:$0x90C0] =	vst v30;
	s1 =	sadd.s32 $0xFFFFFEC1, s26  }
0x336: {  	v37 =	vld [tilespmem:$0x8EF0];
	v33 =	vsel vm10, v23, v26;
	vm11 =	vgt.s32 v27, v5;
	[tilespmem:$0x90D0] =	vst v32;
	v36 =	vmov s1  }
0x337: {  	v43 =	vld [tilespmem:$0x8F60];
	[tilespmem:$0x90E0] =	vst v33;
	v6 =	vsel vm11, v28, v26;
	vm12 =	vgt.s32 v36, v1  }
0x338: {  	v38 =	vld [tilespmem:$0x8F20];
	[tilespmem:$0x90F0] =	vst v6;
	s28 =	spop (v2sf);
	vm13 =	vgt.s32 v36, v3;
	v39 =	vsel vm12, v25, v35  }
0x339: {  	v40 =	vld [tilespmem:$0x8F30];
	v44 =	vbroadcast v34, $0x0;
	s1 =	sadd.s32 $0xFFFFFE71, s28;
	vm14 =	vgt.s32 v36, v4;
	v41 =	vsel vm13, v29, v35;
	[tilespmem:$0x9100] =	vst v39  }
0x33a: {  	v46 =	vld [tilespmem:$0x8F40];
	vm15 =	vgt.s32 v36, v5;
	v45 =	vmov s1;
	v42 =	vsel vm14, v31, v35;
	[tilespmem:$0x9110] =	vst v41  }
0x33b: {  	v47 =	vld [tilespmem:$0x8F70];
	v7 =	vsel vm15, v37, v35;
	vm4 =	vgt.s32 v45, v1;
	[tilespmem:$0x9120] =	vst v42  }
0x33c: {  	v51 =	vld [tilespmem:$0x8FB0];
	s29 =	spop (v2sf);
	vm5 =	vgt.s32 v45, v3;
	[tilespmem:$0x9130] =	vst v7;
	v48 =	vsel vm4, v34, v44  }
0x33d: {  	v49 =	vld [tilespmem:$0x8F80];
	v52 =	vbroadcast v43, $0x0;
	s1 =	sadd.s32 $0xFFFFFE21, s29;
	vm6 =	vgt.s32 v45, v4;
	v50 =	vsel vm5, v38, v44;
	[tilespmem:$0x9140] =	vst v48  }
0x33e: {  	v54 =	vld [tilespmem:$0x8F90];
	vm7 =	vgt.s32 v45, v5;
	v53 =	vmov s1;
	v9 =	vsel vm6, v40, v44;
	[tilespmem:$0x9150] =	vst v50  }
0x33f: {  	v6 =	vsel vm7, v46, v44;
	vm8 =	vgt.s32 v53, v1;
	[tilespmem:$0x9160] =	vst v9  }
0x340: {  	v56 =	vld [tilespmem:$0x8FC0];
	s30 =	spop (v2sf);
	vm9 =	vgt.s32 v53, v3;
	[tilespmem:$0x9170] =	vst v6;
	v55 =	vsel vm8, v43, v52  }
0x341: {  	v58 =	vld [tilespmem:$0x8FD0];
	v59 =	vbroadcast v51, $0x0;
	s1 =	sadd.s32 $0xFFFFFDD1, s30;
	vm10 =	vgt.s32 v53, v4;
	v8 =	vsel vm9, v47, v52;
	[tilespmem:$0x9180] =	vst v55  }
0x342: {  	v61 =	vld [tilespmem:$0x8FE0];
	vm11 =	vgt.s32 v53, v5;
	v60 =	vmov s1;
	v57 =	vsel vm10, v49, v52;
	[tilespmem:$0x9190] =	vst v8  }
0x343: {  	v62 =	vsel vm11, v54, v52;
	vm12 =	vgt.s32 v60, v1;
	[tilespmem:$0x91A0] =	vst v57  }
0x344: {  	vm13 =	vgt.s32 v60, v3;
	[tilespmem:$0x91B0] =	vst v62;
	v63 =	vsel vm12, v51, v59  }
0x345: {  	s31 =	sshll.u32 s25, $0x9;
	vm14 =	vgt.s32 v60, v4;
	v3 =	vsel vm13, v56, v59;
	[tilespmem:$0x91C0] =	vst v63  }
0x346: {  	s1 =	sadd.s32 s10, s31;
	vm15 =	vgt.s32 v60, v5;
	[tilespmem:$0x91D0] =	vst v3;
	v3 =	vsel vm14, v58, v59  }
0x347: {  	s1 =	sshrl.u32 s1, $0x3;
	[tilespmem:$0x91E0] =	vst v3;
	v3 =	vsel vm15, v61, v59  }
0x348: {  	s1 =	sadd.s32 s2, s1;
	[tilespmem:$0x91F0] =	vst v3  }
0x349: {  	[hbm4b:s1+s3] =	stream.linear.scatter [tilespmem:s21], [sflag:$0x1], $0x200, $0x38;
	[tilespmem:$0x9200] =	vst v63  }
0x34a: {  	[sflag:s22] =	ssyncset.done $0x0  }
0x34b: {  	[smem:s19], [sflag:$0x3] =	smem.add.s32 $0x1  }
0x34c: {  	_ =	swait.done [sflag:s22]  }
0x34d: {  	s25 =	ssyncread [sflag:$0x3];
	_ =	sdelay $0x2  }
0x34e: {  	p2 =	slt.s32 s25, $0x80  }
.Ltmp5:
0x34f: {  	_ = 	snop;
	(pc) =	sbr.rel @p2 .LBB2_4-.Ltmp5, $3  }
0x350: {  	_ =	sdelay $0x1  }
0x351: {  	[sflag:s22] =	ssyncset.s32 $0x0  }
0x352: {  	p1 =	por $0x1, $0x1;
	[sflag:s22] =	ssyncset.done $0x0  }
.Ltmp6:
0x353: {  	(pc) =	sbr.rel .LBB2_8-.Ltmp6, $4  }
0x354: {  	_ = 	snop  }
0x355: {  	_ =	swait.ge [sflag:s23], $0x200  }
0x356: {  	[sflag:s23] =	ssyncset.done $0x0  }
0x357: {  	[sflag:s23] =	ssyncadd.s32 $0xFFFFFE00  }
.LBB2_9:
0x358: {  	_ =	sfence.sel $0x180000  }
0x359: {  	[bflag:$0x0] =	sbarrier.arrive $0xFFFF  }
0x35a: {  	_ =	strace $0x90000047  }
0x35b: {  	[bflag:$0x2] =	sbarrier.arrive $0xFFFF  }
0x35c: {  	p0 =	sne.s32 s0, $0x0;
	s0 =	rddreg [dreg:$0x2]  }
0x35d: {  	s0 =	sadd.s32 @!p0 $0x100000, s0  }
0x35e: {  	[sflag:s0] =	ssyncadd.tile.s32 @!p0 $0x1;
	_ =	shalt  }
.Lfunc_end2:
_tile_overlayer_lowered:
.L_overlay_start_2:
0x35f: {  	(tag) =	ssettag $0x2  }
0x360: {  	s0 =	rddreg [dreg:$0x0];
	s2 =	stileid.u32  }
0x361: {  	s1 =	rddreg [dreg:$0x1];
	p0 =	sne.s32 s2, $0x0  }
0x362: {  	s3 =	rddreg [dreg:$0x2];
	[bflag:$0x3] =	sbarrier.arrive $0xFFFF;
	s2 =	simm.s32 @!p0 $0x1C02  }
0x363: {  	[timem:s3], [sflag:s2] =	dma.local @!p0 [hbm:s0], s1  }
0x364: {  	s0 =	simm.s32 @!p0 $0x2  }
0x365: {  	_ =	swait.ge @!p0 [sflag:s0], s1  }
0x366: {  	s1 =	ssub.s32 @!p0 $0x0, s1;
	[sflag:s0] =	ssyncset.done @!p0 $0x0  }
0x367: {  	[sflag:s0] =	ssyncadd.s32 @!p0 s1  }
0x368: {  	[bflag:$0x3] =	sbarrier.arrive $0xFFFF  }
0x369: {  	_ =	shalt  }

</sc_bundles>
